<compile_context>
chip_gen: v7x
topology: tpu7x:2x2x1
jax: 0.10.2.dev20260603
libtpu: 0.0.44.dev20260713+nightly
codegen_flags: <defaults>
</compile_context>

<pallas_src>
import functools

import jax
import jax.numpy as jnp
from jax import lax
from jax.experimental import pallas as pl
from jax.experimental.pallas import tpu as pltpu
from jax.experimental.pallas import tpu_sc as plsc

N = 10000
E = 320000
D_IN = 128
D_H = 64

NC = 2
NS = 16
NW = NC * NS
CHUNK = 128
CHUNKS_PER_W = 80
E_PAD = NW * CHUNKS_PER_W * CHUNK
CA = 84
CB = 76
CMAX = max(CA, CB)
NBUF = 2
LOOK = 1
assert CA % NBUF == 0 and CB % NBUF == 0
TOTAL_CHUNKS = NS * (CA + CB)
N_PAD = 10240
ROWS_PER_TILE = N_PAD // NS
DEG_W = 16


def _sc_mesh():
    return plsc.VectorSubcoreMesh(core_axis_name="c", subcore_axis_name="s")


def _deg_body(dst_hbm, ones_hbm, zeros_hbm, out_hbm, dst_v, ones_v, acc):
    c = lax.axis_index("c")
    s = lax.axis_index("s")
    wid = s * NC + c
    rows = pl.ds(s * ROWS_PER_TILE, ROWS_PER_TILE)
    pltpu.sync_copy(zeros_hbm.at[rows], acc.at[rows])
    pltpu.sync_copy(dst_hbm.at[wid], dst_v)
    pltpu.sync_copy(ones_hbm, ones_v)
    plsc.subcore_barrier()

    def step(j, carry):
        pltpu.sync_copy(ones_v, acc.at[dst_v.at[j]], add=True)
        return carry

    lax.fori_loop(0, CHUNKS_PER_W, step, 0)
    plsc.subcore_barrier()
    pltpu.sync_copy(acc.at[rows], out_hbm.at[c, rows])


_SC_PARAMS = pltpu.CompilerParams(use_tc_tiling_on_sc=False)

_deg_kernel = pl.kernel(
    _deg_body,
    out_type=jax.ShapeDtypeStruct((NC, N_PAD, DEG_W), jnp.float32),
    mesh=_sc_mesh(),
    compiler_params=_SC_PARAMS,
    scratch_types=[
        pltpu.VMEM((CHUNKS_PER_W, CHUNK), jnp.int32),
        pltpu.VMEM((CHUNK, DEG_W), jnp.float32),
        pltpu.VMEM_SHARED((N_PAD, DEG_W), jnp.float32),
    ],
)


def _agg_body(g_hbm, src_hbm, dst_hbm, zeros_hbm, out_hbm,
              src_v, dst_v, *rest):
    bufs = rest[:NBUF]
    g_sp, acc = rest[NBUF], rest[NBUF + 1]
    gsems = rest[NBUF + 2:2 * NBUF + 2]
    ssems = rest[2 * NBUF + 2:3 * NBUF + 2]
    psem = rest[3 * NBUF + 2]
    c = lax.axis_index("c")
    s = lax.axis_index("s")
    rows = pl.ds(s * ROWS_PER_TILE, ROWS_PER_TILE)
    pltpu.async_copy(g_hbm.at[rows], g_sp.at[rows], psem)
    pltpu.async_copy(zeros_hbm.at[rows], acc.at[rows], psem)

    def run(start, count):
        pltpu.async_copy(src_hbm.at[pl.ds(start, count)],
                         src_v.at[pl.ds(0, count)], psem)
        pltpu.async_copy(dst_hbm.at[pl.ds(start, count)],
                         dst_v.at[pl.ds(0, count)], psem)
        pltpu.make_async_copy(g_hbm.at[rows], g_sp.at[rows], psem).wait()
        pltpu.make_async_copy(zeros_hbm.at[rows], acc.at[rows], psem).wait()
        pltpu.make_async_copy(src_hbm.at[pl.ds(start, count)],
                              src_v.at[pl.ds(0, count)], psem).wait()
        pltpu.make_async_copy(dst_hbm.at[pl.ds(start, count)],
                              dst_v.at[pl.ds(0, count)], psem).wait()
        plsc.subcore_barrier()

        def gather(j, b):
            pltpu.async_copy(g_sp.at[src_v.at[j]], bufs[b], gsems[b])

        def wait_gather(j, b):
            pltpu.make_async_copy(g_sp.at[src_v.at[j]], bufs[b],
                                  gsems[b]).wait()

        def scatter(j, b):
            pltpu.async_copy(bufs[b], acc.at[dst_v.at[j]], ssems[b], add=True)

        def wait_scatter(j, b):
            pltpu.make_async_copy(bufs[b], acc.at[dst_v.at[j]],
                                  ssems[b]).wait()

        for j in range(LOOK):
            gather(j, j % NBUF)

        def step(t, carry):
            base = NBUF * t
            for b in range(NBUF):
                j = base + b
                wait_gather(j, b)
                scatter(j, b)
                jj = j + LOOK
                bb = (b + LOOK) % NBUF

                @pl.when(jj < count)
                def _(jj=jj, bb=bb):
                    @pl.when(jj >= NBUF)
                    def _():
                        wait_scatter(jj - NBUF, bb)
                    gather(jj, bb)
            return carry

        lax.fori_loop(0, count // NBUF, step, 0)
        for b in range(NBUF):
            wait_scatter(count - NBUF + b, b)

    @pl.when(c == 0)
    def _():
        run(s * CA, CA)

    @pl.when(c == 1)
    def _():
        run(NS * CA + s * CB, CB)

    plsc.subcore_barrier()
    pltpu.sync_copy(acc.at[rows], out_hbm.at[c, rows])


@functools.cache
def _agg_kernel(d):
    return pl.kernel(
        _agg_body,
        out_type=jax.ShapeDtypeStruct((NC, N_PAD, d), jnp.float32),
        mesh=_sc_mesh(),
        compiler_params=_SC_PARAMS,
        scratch_types=(
            [pltpu.VMEM((CMAX, CHUNK), jnp.int32)] * 2
            + [pltpu.VMEM((CHUNK, d), jnp.float32)] * NBUF
            + [pltpu.VMEM_SHARED((N_PAD, d), jnp.float32)] * 2
            + [pltpu.SemaphoreType.DMA] * (2 * NBUF + 1)
        ),
    )


ROW_BLK = 1024
GRID = N_PAD // ROW_BLK


def _stage_a_body(deg_ref, x_ref, w_ref, g_ref, dinv_ref):
    degsum = deg_ref[0, :, 0:1] + deg_ref[1, :, 0:1] + 1.0
    dinv = lax.rsqrt(degsum)
    g_ref[...] = jnp.dot(x_ref[...], w_ref[...],
                         preferred_element_type=jnp.float32) * dinv
    dinv_ref[...] = jnp.broadcast_to(dinv, (ROW_BLK, 128))


def _stage_a(deg, x, w1):
    return pl.pallas_call(
        _stage_a_body,
        grid=(GRID,),
        in_specs=[
            pl.BlockSpec((NC, ROW_BLK, DEG_W), lambda i: (0, i, 0)),
            pl.BlockSpec((ROW_BLK, D_IN), lambda i: (i, 0)),
            pl.BlockSpec((D_IN, D_H), lambda i: (0, 0)),
        ],
        out_specs=[
            pl.BlockSpec((ROW_BLK, D_H), lambda i: (i, 0)),
            pl.BlockSpec((ROW_BLK, 128), lambda i: (i, 0)),
        ],
        out_shape=[
            jax.ShapeDtypeStruct((N_PAD, D_H), jnp.float32),
            jax.ShapeDtypeStruct((N_PAD, 128), jnp.float32),
        ],
    )(deg, x, w1)


def _stage_mid_body(acc_ref, g_ref, dinv_ref, w_ref, b_ref, out_ref):
    dinv = dinv_ref[:, 0:1]
    h = acc_ref[0] + acc_ref[1] + g_ref[...]
    h = jnp.maximum(h * dinv + b_ref[...], 0.0)
    out_ref[...] = jnp.dot(h, w_ref[...],
                           preferred_element_type=jnp.float32) * dinv


def _stage_mid(acc, g, dinv, w, b, d_in, d_out):
    return pl.pallas_call(
        _stage_mid_body,
        grid=(GRID,),
        in_specs=[
            pl.BlockSpec((NC, ROW_BLK, d_in), lambda i: (0, i, 0)),
            pl.BlockSpec((ROW_BLK, d_in), lambda i: (i, 0)),
            pl.BlockSpec((ROW_BLK, 128), lambda i: (i, 0)),
            pl.BlockSpec((d_in, d_out), lambda i: (0, 0)),
            pl.BlockSpec((1, d_in), lambda i: (0, 0)),
        ],
        out_specs=pl.BlockSpec((ROW_BLK, d_out), lambda i: (i, 0)),
        out_shape=jax.ShapeDtypeStruct((N_PAD, d_out), jnp.float32),
    )(acc, g, dinv, w, b)


def _stage_final_body(acc_a_ref, acc_b_ref, g_ref, dinv_ref, b_ref, out_ref):
    dinv = dinv_ref[:, 0:1]
    ha = acc_a_ref[0] + acc_a_ref[1] + g_ref[:, :D_H]
    hb = acc_b_ref[0] + acc_b_ref[1] + g_ref[:, D_H:]
    out_ref[...] = jnp.concatenate([ha, hb], axis=1) * dinv + b_ref[...]


def _stage_final(acc_a, acc_b, g, dinv, b):
    return pl.pallas_call(
        _stage_final_body,
        grid=(GRID,),
        in_specs=[
            pl.BlockSpec((NC, ROW_BLK, D_H), lambda i: (0, i, 0)),
            pl.BlockSpec((NC, ROW_BLK, D_H), lambda i: (0, i, 0)),
            pl.BlockSpec((ROW_BLK, D_IN), lambda i: (i, 0)),
            pl.BlockSpec((ROW_BLK, 128), lambda i: (i, 0)),
            pl.BlockSpec((1, D_IN), lambda i: (0, 0)),
        ],
        out_specs=pl.BlockSpec((ROW_BLK, D_IN), lambda i: (i, 0)),
        out_shape=jax.ShapeDtypeStruct((N_PAD, D_IN), jnp.float32),
    )(acc_a, acc_b, g, dinv, b)


def kernel(x, edge_index, is_test, W1, b1, W2, b2, W3, b3):
    src = edge_index[0].astype(jnp.int32)
    dst = edge_index[1].astype(jnp.int32)
    pad = jnp.full((E_PAD - E,), N, jnp.int32)
    src2 = jnp.concatenate([src, pad]).reshape(TOTAL_CHUNKS, CHUNK)
    dst2 = jnp.concatenate([dst, pad]).reshape(TOTAL_CHUNKS, CHUNK)
    dst3 = dst2.reshape(NW, CHUNKS_PER_W, CHUNK)

    x_pad = jnp.zeros((N_PAD, D_IN), jnp.float32).at[:N].set(x)
    ones16 = jnp.ones((CHUNK, DEG_W), jnp.float32)
    zeros16 = jnp.zeros((N_PAD, DEG_W), jnp.float32)
    zeros_h = jnp.zeros((N_PAD, D_H), jnp.float32)

    agg = _agg_kernel(D_H)
    deg = _deg_kernel(dst3, ones16, zeros16)
    g1, dinv = _stage_a(deg, x_pad, W1)
    acc1 = agg(g1, src2, dst2, zeros_h)
    g2 = _stage_mid(acc1, g1, dinv, W2, b1.reshape(1, D_H), D_H, D_H)
    acc2 = agg(g2, src2, dst2, zeros_h)
    g3 = _stage_mid(acc2, g2, dinv, W3, b2.reshape(1, D_H), D_H, D_IN)
    acc3a = agg(g3[:, :D_H], src2, dst2, zeros_h)
    acc3b = agg(g3[:, D_H:], src2, dst2, zeros_h)
    out = _stage_final(acc3a, acc3b, g3, dinv, b3.reshape(1, D_IN))
    return out[:N]

# --- scband reference (transcript-rebuilt; emitter-appended) ---
"""Pipeline reference for scband-gae-6150393168454 (READ-ONLY COPY).

The authoritative reference and input builder live on the scoring server;
editing this copy changes nothing except your own understanding.
"""

import jax, jax.numpy as jnp
import numpy as np

N = 10000
E = 320000
D_IN = 128
D_H = 64


def setup_inputs(seed: int = 0) -> dict:
    key = jax.random.key(seed)
    ks = jax.random.split(key, 8)
    x = jax.random.normal(ks[0], (N, D_IN), dtype=jnp.float32)
    edge_index = jax.random.randint(ks[1], (2, E), 0, N)
    W1 = jax.random.normal(ks[2], (D_IN, D_H), dtype=jnp.float32) * (1.0 / np.sqrt(D_IN))
    b1 = jnp.zeros((D_H,), dtype=jnp.float32)
    W2 = jax.random.normal(ks[3], (D_H, D_H), dtype=jnp.float32) * (1.0 / np.sqrt(D_H))
    b2 = jnp.zeros((D_H,), dtype=jnp.float32)
    W3 = jax.random.normal(ks[4], (D_H, D_IN), dtype=jnp.float32) * (1.0 / np.sqrt(D_H))
    b3 = jnp.zeros((D_IN,), dtype=jnp.float32)
    return {"x": x, "edge_index": edge_index, "is_test": 0,
            "W1": W1, "b1": b1, "W2": W2, "b2": b2, "W3": W3, "b3": b3}


def _gcn_conv(x, src, dst, W, b):
    # GCNConv: linear transform, symmetric-normalized scatter-add aggregation
    h = x @ W
    deg = jnp.zeros((N,), jnp.float32).at[dst].add(1.0)
    dinv = jnp.where(deg > 0, deg ** -0.5, 0.0)
    norm = dinv[src] * dinv[dst]
    msgs = h[src] * norm[:, None]
    out = jnp.zeros((N, h.shape[1]), jnp.float32).at[dst].add(msgs)
    return out + b


def reference(x, edge_index, is_test, W1, b1, W2, b2, W3, b3):
    # add self-loops (GCNConv default)
    loops = jnp.arange(N, dtype=edge_index.dtype)
    src = jnp.concatenate([edge_index[0], loops])
    dst = jnp.concatenate([edge_index[1], loops])
    h = jax.nn.relu(_gcn_conv(x, src, dst, W1, b1))
    h = _gcn_conv(h, src, dst, W2, b2)
    # is_test=0 -> training path (no noise injection)
    h = jax.nn.relu(h)
    out = _gcn_conv(h, src, dst, W3, b3)
    return out

if __name__ == "__main__":
    import jax
    _d = setup_inputs()
    print(jax.jit(kernel)(*tuple(_d.values())))

</pallas_src>

<mosaic_0001>
#map = affine_map<(d0, d1) -> (0, 0, 0)>
#map1 = affine_map<(d0, d1) -> (0, 0)>
module attributes {stable_mosaic.version = 14 : i64} {
  func.func @_deg_body(%arg0: i32, %arg1: i32, %arg2: memref<32x80x128xi32, #tpu.memory_space<hbm>>, %arg3: memref<128x16xf32, #tpu.memory_space<hbm>>, %arg4: memref<10240x16xf32, #tpu.memory_space<hbm>>, %arg5: memref<2x10240x16xf32, #tpu.memory_space<hbm>>, %arg6: memref<80x128xi32, #tpu.memory_space<vmem>>, %arg7: memref<128x16xf32, #tpu.memory_space<vmem>>, %arg8: memref<10240x16xf32, #tpu.memory_space<vmem_shared>>) attributes {dimension_semantics = [#tpu.dimension_semantics<core_parallel>, #tpu.dimension_semantics<subcore_parallel>], iteration_bounds = array<i64: 2, 16>, scalar_prefetch = 0 : i64, scratch_operands = 3 : i64, tpu.core_type = #tpu.core_type<sc_vector_subcore>, window_params = [{transform_indices = #map}, {transform_indices = #map1}, {transform_indices = #map1}, {transform_indices = #map}]} {
    %mul3A = arith.constant 2 : i32
    %mul3A_0 = arith.muli %arg1, %mul3A : i32
    %add3A = arith.addi %mul3A_0, %arg0 : i32
    %mul3A_1 = arith.constant 640 : i32
    %mul3A_2 = arith.muli %arg1, %mul3A_1 : i32
    "tpu.region"() ({
      %run_scoped3A = tpu.sem_alloc : memref<!tpu.dma_semaphore, #tpu.memory_space<semaphore_mem>>
      %dma_start3A = arith.constant 0 : i32
      %dma_start3A_9 = tpu.memref_slice %arg8[%mul3A_2, %dma_start3A] : memref<10240x16xf32, #tpu.memory_space<vmem_shared>> -> memref<640x16xf32, #tpu.memory_space<vmem_shared>>
      %dma_start3A_10 = arith.constant 0 : i32
      %dma_start3A_11 = tpu.memref_slice %arg4[%mul3A_2, %dma_start3A_10] : memref<10240x16xf32, #tpu.memory_space<hbm>> -> memref<640x16xf32, #tpu.memory_space<hbm>>
      tpu.enqueue_dma source(%dma_start3A_11 : memref<640x16xf32, #tpu.memory_space<hbm>>) target(%dma_start3A_9 : memref<640x16xf32, #tpu.memory_space<vmem_shared>>) target_semaphore(%run_scoped3A : memref<!tpu.dma_semaphore, #tpu.memory_space<semaphore_mem>>)
      %dma_wait3A = arith.constant 0 : i32
      %dma_wait3A_12 = tpu.memref_slice %arg8[%mul3A_2, %dma_wait3A] : memref<10240x16xf32, #tpu.memory_space<vmem_shared>> -> memref<640x16xf32, #tpu.memory_space<vmem_shared>>
      %dma_wait3A_13 = arith.constant 0 : i32
      %dma_wait3A_14 = tpu.memref_slice %arg4[%mul3A_2, %dma_wait3A_13] : memref<10240x16xf32, #tpu.memory_space<hbm>> -> memref<640x16xf32, #tpu.memory_space<hbm>>
      tpu.wait_dma2 semaphore(%run_scoped3A : memref<!tpu.dma_semaphore, #tpu.memory_space<semaphore_mem>>) src(%dma_wait3A_14 : memref<640x16xf32, #tpu.memory_space<hbm>>) dst(%dma_wait3A_12 : memref<640x16xf32, #tpu.memory_space<vmem_shared>>)
      tpu.yield
    }) : () -> ()
    "tpu.region"() ({
      %run_scoped3A = tpu.sem_alloc : memref<!tpu.dma_semaphore, #tpu.memory_space<semaphore_mem>>
      %dma_start3A = arith.constant 0 : i32
      %dma_start3A_9 = arith.constant 0 : i32
      %dma_start3A_10 = tpu.memref_slice %arg2[%add3A, %dma_start3A, %dma_start3A_9] : memref<32x80x128xi32, #tpu.memory_space<hbm>> -> memref<1x80x128xi32, #tpu.memory_space<hbm>>
      %dma_start3A_11 = tpu.memref_squeeze %dma_start3A_10 : memref<1x80x128xi32, #tpu.memory_space<hbm>> -> memref<80x128xi32, #tpu.memory_space<hbm>>
      %dma_start3A_12 = arith.constant 0 : i32
      %dma_start3A_13 = arith.constant 0 : i32
      %dma_start3A_14 = tpu.memref_slice %arg2[%add3A, %dma_start3A_12, %dma_start3A_13] : memref<32x80x128xi32, #tpu.memory_space<hbm>> -> memref<1x80x128xi32, #tpu.memory_space<hbm>>
      %dma_start3A_15 = tpu.memref_squeeze %dma_start3A_14 : memref<1x80x128xi32, #tpu.memory_space<hbm>> -> memref<80x128xi32, #tpu.memory_space<hbm>>
      tpu.enqueue_dma source(%dma_start3A_15 : memref<80x128xi32, #tpu.memory_space<hbm>>) target(%arg6 : memref<80x128xi32, #tpu.memory_space<vmem>>) target_semaphore(%run_scoped3A : memref<!tpu.dma_semaphore, #tpu.memory_space<semaphore_mem>>)
      %dma_wait3A = arith.constant 0 : i32
      %dma_wait3A_16 = arith.constant 0 : i32
      %dma_wait3A_17 = tpu.memref_slice %arg2[%add3A, %dma_wait3A, %dma_wait3A_16] : memref<32x80x128xi32, #tpu.memory_space<hbm>> -> memref<1x80x128xi32, #tpu.memory_space<hbm>>
      %dma_wait3A_18 = tpu.memref_squeeze %dma_wait3A_17 : memref<1x80x128xi32, #tpu.memory_space<hbm>> -> memref<80x128xi32, #tpu.memory_space<hbm>>
      %dma_wait3A_19 = arith.constant 0 : i32
      %dma_wait3A_20 = arith.constant 0 : i32
      %dma_wait3A_21 = tpu.memref_slice %arg2[%add3A, %dma_wait3A_19, %dma_wait3A_20] : memref<32x80x128xi32, #tpu.memory_space<hbm>> -> memref<1x80x128xi32, #tpu.memory_space<hbm>>
      %dma_wait3A_22 = tpu.memref_squeeze %dma_wait3A_21 : memref<1x80x128xi32, #tpu.memory_space<hbm>> -> memref<80x128xi32, #tpu.memory_space<hbm>>
      tpu.wait_dma2 semaphore(%run_scoped3A : memref<!tpu.dma_semaphore, #tpu.memory_space<semaphore_mem>>) src(%dma_wait3A_22 : memref<80x128xi32, #tpu.memory_space<hbm>>) dst(%arg6 : memref<80x128xi32, #tpu.memory_space<vmem>>)
      tpu.yield
    }) : () -> ()
    "tpu.region"() ({
      %run_scoped3A = tpu.sem_alloc : memref<!tpu.dma_semaphore, #tpu.memory_space<semaphore_mem>>
      tpu.enqueue_dma source(%arg3 : memref<128x16xf32, #tpu.memory_space<hbm>>) target(%arg7 : memref<128x16xf32, #tpu.memory_space<vmem>>) target_semaphore(%run_scoped3A : memref<!tpu.dma_semaphore, #tpu.memory_space<semaphore_mem>>)
      tpu.wait_dma2 semaphore(%run_scoped3A : memref<!tpu.dma_semaphore, #tpu.memory_space<semaphore_mem>>) src(%arg3 : memref<128x16xf32, #tpu.memory_space<hbm>>) dst(%arg7 : memref<128x16xf32, #tpu.memory_space<vmem>>)
      tpu.yield
    }) : () -> ()
    %barrier3A = arith.constant 0 : index
    tpu.barrier barrier_id(%barrier3A)
    %scan3A = arith.constant 0 : i32
    %scan3A_3 = arith.constant 0 : i32
    %scan3A_4 = arith.constant 80 : i32
    %scan3A_5 = arith.addi %scan3A_3, %scan3A_4 : i32
    %scan3A_6 = arith.constant 1 : i32
    scf.for %scan3A_9 = %scan3A_3 to %scan3A_5 step %scan3A_6  : i32 {
      "tpu.region"() ({
        %run_scoped3A = tpu.sem_alloc : memref<!tpu.dma_semaphore, #tpu.memory_space<semaphore_mem>>
        %dma_start3A = arith.constant 0 : i32
        %dma_start3A_10 = tpu.memref_slice %arg6[%scan3A_9, %dma_start3A] : memref<80x128xi32, #tpu.memory_space<vmem>> -> memref<1x128xi32, #tpu.memory_space<vmem>>
        %dma_start3A_11 = tpu.memref_squeeze %dma_start3A_10 : memref<1x128xi32, #tpu.memory_space<vmem>> -> memref<128xi32, #tpu.memory_space<vmem>>
        %dma_start3A_12 = arith.constant 0 : i32
        %dma_start3A_13 = arith.constant 0 : i32
        %dma_start3A_14 = tpu.memref_slice %arg8[%dma_start3A_12, %dma_start3A_13] : memref<10240x16xf32, #tpu.memory_space<vmem_shared>> -> memref<10240x16xf32, #tpu.memory_space<vmem_shared>>
        tpu.enqueue_indirect_dma source(%arg7 : memref<128x16xf32, #tpu.memory_space<vmem>>) target(%dma_start3A_14 : memref<10240x16xf32, #tpu.memory_space<vmem_shared>>) offsets(%dma_start3A_11 : memref<128xi32, #tpu.memory_space<vmem>>) semaphore(%run_scoped3A : memref<!tpu.dma_semaphore, #tpu.memory_space<semaphore_mem>>) {add = true}
        %dma_wait3A = arith.constant 0 : i32
        %dma_wait3A_15 = tpu.memref_slice %arg6[%scan3A_9, %dma_wait3A] : memref<80x128xi32, #tpu.memory_space<vmem>> -> memref<1x128xi32, #tpu.memory_space<vmem>>
        %dma_wait3A_16 = tpu.memref_squeeze %dma_wait3A_15 : memref<1x128xi32, #tpu.memory_space<vmem>> -> memref<128xi32, #tpu.memory_space<vmem>>
        %dma_wait3A_17 = arith.constant 0 : i32
        %dma_wait3A_18 = arith.constant 0 : i32
        %dma_wait3A_19 = tpu.memref_slice %arg8[%dma_wait3A_17, %dma_wait3A_18] : memref<10240x16xf32, #tpu.memory_space<vmem_shared>> -> memref<10240x16xf32, #tpu.memory_space<vmem_shared>>
        tpu.wait_indirect_dma semaphore(%run_scoped3A : memref<!tpu.dma_semaphore, #tpu.memory_space<semaphore_mem>>) src(%arg7 : memref<128x16xf32, #tpu.memory_space<vmem>>) dst(%dma_wait3A_19 : memref<10240x16xf32, #tpu.memory_space<vmem_shared>>)
        tpu.yield
      }) : () -> ()
    }
    %scan3A_7 = arith.constant 80 : i32
    %barrier3A_8 = arith.constant 0 : index
    tpu.barrier barrier_id(%barrier3A_8)
    "tpu.region"() ({
      %run_scoped3A = tpu.sem_alloc : memref<!tpu.dma_semaphore, #tpu.memory_space<semaphore_mem>>
      %dma_start3A = arith.constant 0 : i32
      %dma_start3A_9 = tpu.memref_slice %arg5[%arg0, %mul3A_2, %dma_start3A] : memref<2x10240x16xf32, #tpu.memory_space<hbm>> -> memref<1x640x16xf32, #tpu.memory_space<hbm>>
      %dma_start3A_10 = tpu.memref_squeeze %dma_start3A_9 : memref<1x640x16xf32, #tpu.memory_space<hbm>> -> memref<640x16xf32, #tpu.memory_space<hbm>>
      %dma_start3A_11 = arith.constant 0 : i32
      %dma_start3A_12 = tpu.memref_slice %arg8[%mul3A_2, %dma_start3A_11] : memref<10240x16xf32, #tpu.memory_space<vmem_shared>> -> memref<640x16xf32, #tpu.memory_space<vmem_shared>>
      tpu.enqueue_dma source(%dma_start3A_12 : memref<640x16xf32, #tpu.memory_space<vmem_shared>>) target(%dma_start3A_10 : memref<640x16xf32, #tpu.memory_space<hbm>>) target_semaphore(%run_scoped3A : memref<!tpu.dma_semaphore, #tpu.memory_space<semaphore_mem>>)
      %dma_wait3A = arith.constant 0 : i32
      %dma_wait3A_13 = tpu.memref_slice %arg5[%arg0, %mul3A_2, %dma_wait3A] : memref<2x10240x16xf32, #tpu.memory_space<hbm>> -> memref<1x640x16xf32, #tpu.memory_space<hbm>>
      %dma_wait3A_14 = tpu.memref_squeeze %dma_wait3A_13 : memref<1x640x16xf32, #tpu.memory_space<hbm>> -> memref<640x16xf32, #tpu.memory_space<hbm>>
      %dma_wait3A_15 = arith.constant 0 : i32
      %dma_wait3A_16 = tpu.memref_slice %arg8[%mul3A_2, %dma_wait3A_15] : memref<10240x16xf32, #tpu.memory_space<vmem_shared>> -> memref<640x16xf32, #tpu.memory_space<vmem_shared>>
      tpu.wait_dma2 semaphore(%run_scoped3A : memref<!tpu.dma_semaphore, #tpu.memory_space<semaphore_mem>>) src(%dma_wait3A_16 : memref<640x16xf32, #tpu.memory_space<vmem_shared>>) dst(%dma_wait3A_14 : memref<640x16xf32, #tpu.memory_space<hbm>>)
      tpu.yield
    }) : () -> ()
    return
  }
}

#map = affine_map<(d0, d1) -> (0, 0)>
#map1 = affine_map<(d0, d1) -> (0, 0, 0)>
module attributes {stable_mosaic.version = 14 : i64} {
  func.func @_agg_body(%arg0: i32, %arg1: i32, %arg2: memref<10240x64xf32, #tpu.memory_space<hbm>>, %arg3: memref<2560x128xi32, #tpu.memory_space<hbm>>, %arg4: memref<2560x128xi32, #tpu.memory_space<hbm>>, %arg5: memref<10240x64xf32, #tpu.memory_space<hbm>>, %arg6: memref<2x10240x64xf32, #tpu.memory_space<hbm>>, %arg7: memref<84x128xi32, #tpu.memory_space<vmem>>, %arg8: memref<84x128xi32, #tpu.memory_space<vmem>>, %arg9: memref<128x64xf32, #tpu.memory_space<vmem>>, %arg10: memref<128x64xf32, #tpu.memory_space<vmem>>, %arg11: memref<10240x64xf32, #tpu.memory_space<vmem_shared>>, %arg12: memref<10240x64xf32, #tpu.memory_space<vmem_shared>>, %arg13: memref<!tpu.dma_semaphore, #tpu.memory_space<semaphore_mem>>, %arg14: memref<!tpu.dma_semaphore, #tpu.memory_space<semaphore_mem>>, %arg15: memref<!tpu.dma_semaphore, #tpu.memory_space<semaphore_mem>>, %arg16: memref<!tpu.dma_semaphore, #tpu.memory_space<semaphore_mem>>, %arg17: memref<!tpu.dma_semaphore, #tpu.memory_space<semaphore_mem>>) attributes {dimension_semantics = [#tpu.dimension_semantics<core_parallel>, #tpu.dimension_semantics<subcore_parallel>], iteration_bounds = array<i64: 2, 16>, scalar_prefetch = 0 : i64, scratch_operands = 11 : i64, tpu.core_type = #tpu.core_type<sc_vector_subcore>, window_params = [{transform_indices = #map}, {transform_indices = #map}, {transform_indices = #map}, {transform_indices = #map}, {transform_indices = #map1}]} {
    %mul3A = arith.constant 640 : i32
    %mul3A_0 = arith.muli %arg1, %mul3A : i32
    %dma_start3A = arith.constant 0 : i32
    %dma_start3A_1 = tpu.memref_slice %arg11[%mul3A_0, %dma_start3A] : memref<10240x64xf32, #tpu.memory_space<vmem_shared>> -> memref<640x64xf32, #tpu.memory_space<vmem_shared>>
    %dma_start3A_2 = arith.constant 0 : i32
    %dma_start3A_3 = tpu.memref_slice %arg2[%mul3A_0, %dma_start3A_2] : memref<10240x64xf32, #tpu.memory_space<hbm>> -> memref<640x64xf32, #tpu.memory_space<hbm>>
    tpu.enqueue_dma source(%dma_start3A_3 : memref<640x64xf32, #tpu.memory_space<hbm>>) target(%dma_start3A_1 : memref<640x64xf32, #tpu.memory_space<vmem_shared>>) target_semaphore(%arg17 : memref<!tpu.dma_semaphore, #tpu.memory_space<semaphore_mem>>)
    %dma_start3A_4 = arith.constant 0 : i32
    %dma_start3A_5 = tpu.memref_slice %arg12[%mul3A_0, %dma_start3A_4] : memref<10240x64xf32, #tpu.memory_space<vmem_shared>> -> memref<640x64xf32, #tpu.memory_space<vmem_shared>>
    %dma_start3A_6 = arith.constant 0 : i32
    %dma_start3A_7 = tpu.memref_slice %arg5[%mul3A_0, %dma_start3A_6] : memref<10240x64xf32, #tpu.memory_space<hbm>> -> memref<640x64xf32, #tpu.memory_space<hbm>>
    tpu.enqueue_dma source(%dma_start3A_7 : memref<640x64xf32, #tpu.memory_space<hbm>>) target(%dma_start3A_5 : memref<640x64xf32, #tpu.memory_space<vmem_shared>>) target_semaphore(%arg17 : memref<!tpu.dma_semaphore, #tpu.memory_space<semaphore_mem>>)
    %eq3A = arith.constant 0 : i32
    %eq3A_8 = arith.cmpi eq, %arg0, %eq3A : i32
    %convert_element_type3A = arith.extui %eq3A_8 : i1 to i32
    %cond3A = arith.constant 0 : i32
    %cond3A_9 = arith.cmpi ne, %convert_element_type3A, %cond3A : i32
    scf.if %cond3A_9 {
      %mul3A_15 = arith.constant 84 : i32
      %mul3A_16 = arith.muli %arg1, %mul3A_15 : i32
      %dma_start3A_17 = arith.constant 0 : i32
      %dma_start3A_18 = arith.constant 0 : i32
      %dma_start3A_19 = tpu.memref_slice %arg7[%dma_start3A_17, %dma_start3A_18] : memref<84x128xi32, #tpu.memory_space<vmem>> -> memref<84x128xi32, #tpu.memory_space<vmem>>
      %dma_start3A_20 = arith.constant 0 : i32
      %dma_start3A_21 = tpu.memref_slice %arg3[%mul3A_16, %dma_start3A_20] : memref<2560x128xi32, #tpu.memory_space<hbm>> -> memref<84x128xi32, #tpu.memory_space<hbm>>
      %dma_start3A_22 = arith.constant 0 : i32
      %dma_start3A_23 = arith.constant 0 : i32
      %dma_start3A_24 = tpu.memref_slice %arg7[%dma_start3A_22, %dma_start3A_23] : memref<84x128xi32, #tpu.memory_space<vmem>> -> memref<84x128xi32, #tpu.memory_space<vmem>>
      %dma_start3A_25 = arith.constant 0 : i32
      %dma_start3A_26 = tpu.memref_slice %arg3[%mul3A_16, %dma_start3A_25] : memref<2560x128xi32, #tpu.memory_space<hbm>> -> memref<84x128xi32, #tpu.memory_space<hbm>>
      tpu.enqueue_dma source(%dma_start3A_26 : memref<84x128xi32, #tpu.memory_space<hbm>>) target(%dma_start3A_24 : memref<84x128xi32, #tpu.memory_space<vmem>>) target_semaphore(%arg17 : memref<!tpu.dma_semaphore, #tpu.memory_space<semaphore_mem>>)
      %dma_start3A_27 = arith.constant 0 : i32
      %dma_start3A_28 = arith.constant 0 : i32
      %dma_start3A_29 = tpu.memref_slice %arg8[%dma_start3A_27, %dma_start3A_28] : memref<84x128xi32, #tpu.memory_space<vmem>> -> memref<84x128xi32, #tpu.memory_space<vmem>>
      %dma_start3A_30 = arith.constant 0 : i32
      %dma_start3A_31 = tpu.memref_slice %arg4[%mul3A_16, %dma_start3A_30] : memref<2560x128xi32, #tpu.memory_space<hbm>> -> memref<84x128xi32, #tpu.memory_space<hbm>>
      %dma_start3A_32 = arith.constant 0 : i32
      %dma_start3A_33 = arith.constant 0 : i32
      %dma_start3A_34 = tpu.memref_slice %arg8[%dma_start3A_32, %dma_start3A_33] : memref<84x128xi32, #tpu.memory_space<vmem>> -> memref<84x128xi32, #tpu.memory_space<vmem>>
      %dma_start3A_35 = arith.constant 0 : i32
      %dma_start3A_36 = tpu.memref_slice %arg4[%mul3A_16, %dma_start3A_35] : memref<2560x128xi32, #tpu.memory_space<hbm>> -> memref<84x128xi32, #tpu.memory_space<hbm>>
      tpu.enqueue_dma source(%dma_start3A_36 : memref<84x128xi32, #tpu.memory_space<hbm>>) target(%dma_start3A_34 : memref<84x128xi32, #tpu.memory_space<vmem>>) target_semaphore(%arg17 : memref<!tpu.dma_semaphore, #tpu.memory_space<semaphore_mem>>)
      %dma_wait3A = arith.constant 0 : i32
      %dma_wait3A_37 = tpu.memref_slice %arg11[%mul3A_0, %dma_wait3A] : memref<10240x64xf32, #tpu.memory_space<vmem_shared>> -> memref<640x64xf32, #tpu.memory_space<vmem_shared>>
      %dma_wait3A_38 = arith.constant 0 : i32
      %dma_wait3A_39 = tpu.memref_slice %arg2[%mul3A_0, %dma_wait3A_38] : memref<10240x64xf32, #tpu.memory_space<hbm>> -> memref<640x64xf32, #tpu.memory_space<hbm>>
      tpu.wait_dma2 semaphore(%arg17 : memref<!tpu.dma_semaphore, #tpu.memory_space<semaphore_mem>>) src(%dma_wait3A_39 : memref<640x64xf32, #tpu.memory_space<hbm>>) dst(%dma_wait3A_37 : memref<640x64xf32, #tpu.memory_space<vmem_shared>>)
      %dma_wait3A_40 = arith.constant 0 : i32
      %dma_wait3A_41 = tpu.memref_slice %arg12[%mul3A_0, %dma_wait3A_40] : memref<10240x64xf32, #tpu.memory_space<vmem_shared>> -> memref<640x64xf32, #tpu.memory_space<vmem_shared>>
      %dma_wait3A_42 = arith.constant 0 : i32
      %dma_wait3A_43 = tpu.memref_slice %arg5[%mul3A_0, %dma_wait3A_42] : memref<10240x64xf32, #tpu.memory_space<hbm>> -> memref<640x64xf32, #tpu.memory_space<hbm>>
      tpu.wait_dma2 semaphore(%arg17 : memref<!tpu.dma_semaphore, #tpu.memory_space<semaphore_mem>>) src(%dma_wait3A_43 : memref<640x64xf32, #tpu.memory_space<hbm>>) dst(%dma_wait3A_41 : memref<640x64xf32, #tpu.memory_space<vmem_shared>>)
      %dma_wait3A_44 = arith.constant 0 : i32
      %dma_wait3A_45 = arith.constant 0 : i32
      %dma_wait3A_46 = tpu.memref_slice %arg7[%dma_wait3A_44, %dma_wait3A_45] : memref<84x128xi32, #tpu.memory_space<vmem>> -> memref<84x128xi32, #tpu.memory_space<vmem>>
      %dma_wait3A_47 = arith.constant 0 : i32
      %dma_wait3A_48 = tpu.memref_slice %arg3[%mul3A_16, %dma_wait3A_47] : memref<2560x128xi32, #tpu.memory_space<hbm>> -> memref<84x128xi32, #tpu.memory_space<hbm>>
      %dma_wait3A_49 = arith.constant 0 : i32
      %dma_wait3A_50 = arith.constant 0 : i32
      %dma_wait3A_51 = tpu.memref_slice %arg7[%dma_wait3A_49, %dma_wait3A_50] : memref<84x128xi32, #tpu.memory_space<vmem>> -> memref<84x128xi32, #tpu.memory_space<vmem>>
      %dma_wait3A_52 = arith.constant 0 : i32
      %dma_wait3A_53 = tpu.memref_slice %arg3[%mul3A_16, %dma_wait3A_52] : memref<2560x128xi32, #tpu.memory_space<hbm>> -> memref<84x128xi32, #tpu.memory_space<hbm>>
      tpu.wait_dma2 semaphore(%arg17 : memref<!tpu.dma_semaphore, #tpu.memory_space<semaphore_mem>>) src(%dma_wait3A_53 : memref<84x128xi32, #tpu.memory_space<hbm>>) dst(%dma_wait3A_51 : memref<84x128xi32, #tpu.memory_space<vmem>>)
      %dma_wait3A_54 = arith.constant 0 : i32
      %dma_wait3A_55 = arith.constant 0 : i32
      %dma_wait3A_56 = tpu.memref_slice %arg8[%dma_wait3A_54, %dma_wait3A_55] : memref<84x128xi32, #tpu.memory_space<vmem>> -> memref<84x128xi32, #tpu.memory_space<vmem>>
      %dma_wait3A_57 = arith.constant 0 : i32
      %dma_wait3A_58 = tpu.memref_slice %arg4[%mul3A_16, %dma_wait3A_57] : memref<2560x128xi32, #tpu.memory_space<hbm>> -> memref<84x128xi32, #tpu.memory_space<hbm>>
      %dma_wait3A_59 = arith.constant 0 : i32
      %dma_wait3A_60 = arith.constant 0 : i32
      %dma_wait3A_61 = tpu.memref_slice %arg8[%dma_wait3A_59, %dma_wait3A_60] : memref<84x128xi32, #tpu.memory_space<vmem>> -> memref<84x128xi32, #tpu.memory_space<vmem>>
      %dma_wait3A_62 = arith.constant 0 : i32
      %dma_wait3A_63 = tpu.memref_slice %arg4[%mul3A_16, %dma_wait3A_62] : memref<2560x128xi32, #tpu.memory_space<hbm>> -> memref<84x128xi32, #tpu.memory_space<hbm>>
      tpu.wait_dma2 semaphore(%arg17 : memref<!tpu.dma_semaphore, #tpu.memory_space<semaphore_mem>>) src(%dma_wait3A_63 : memref<84x128xi32, #tpu.memory_space<hbm>>) dst(%dma_wait3A_61 : memref<84x128xi32, #tpu.memory_space<vmem>>)
      %barrier3A_64 = arith.constant 0 : index
      tpu.barrier barrier_id(%barrier3A_64)
      %dma_start3A_65 = arith.constant 0 : i32
      %dma_start3A_66 = arith.constant 0 : i32
      %dma_start3A_67 = tpu.memref_slice %arg7[%dma_start3A_65, %dma_start3A_66] : memref<84x128xi32, #tpu.memory_space<vmem>> -> memref<1x128xi32, #tpu.memory_space<vmem>>
      %dma_start3A_68 = tpu.memref_squeeze %dma_start3A_67 : memref<1x128xi32, #tpu.memory_space<vmem>> -> memref<128xi32, #tpu.memory_space<vmem>>
      %dma_start3A_69 = arith.constant 0 : i32
      %dma_start3A_70 = arith.constant 0 : i32
      %dma_start3A_71 = tpu.memref_slice %arg11[%dma_start3A_69, %dma_start3A_70] : memref<10240x64xf32, #tpu.memory_space<vmem_shared>> -> memref<10240x64xf32, #tpu.memory_space<vmem_shared>>
      tpu.enqueue_indirect_dma source(%dma_start3A_71 : memref<10240x64xf32, #tpu.memory_space<vmem_shared>>) target(%arg9 : memref<128x64xf32, #tpu.memory_space<vmem>>) offsets(%dma_start3A_68 : memref<128xi32, #tpu.memory_space<vmem>>) semaphore(%arg13 : memref<!tpu.dma_semaphore, #tpu.memory_space<semaphore_mem>>)
      %scan3A = arith.constant 0 : i32
      %scan3A_72 = arith.constant 0 : i32
      %scan3A_73 = arith.constant 42 : i32
      %scan3A_74 = arith.addi %scan3A_72, %scan3A_73 : i32
      %scan3A_75 = arith.constant 1 : i32
      scf.for %scan3A_91 = %scan3A_72 to %scan3A_74 step %scan3A_75  : i32 {
        %mul3A_92 = arith.constant 2 : i32
        %mul3A_93 = arith.muli %mul3A_92, %scan3A_91 : i32
        %add3A = arith.constant 0 : i32
        %add3A_94 = arith.addi %mul3A_93, %add3A : i32
        %dma_wait3A_95 = arith.constant 0 : i32
        %dma_wait3A_96 = tpu.memref_slice %arg7[%add3A_94, %dma_wait3A_95] : memref<84x128xi32, #tpu.memory_space<vmem>> -> memref<1x128xi32, #tpu.memory_space<vmem>>
        %dma_wait3A_97 = tpu.memref_squeeze %dma_wait3A_96 : memref<1x128xi32, #tpu.memory_space<vmem>> -> memref<128xi32, #tpu.memory_space<vmem>>
        %dma_wait3A_98 = arith.constant 0 : i32
        %dma_wait3A_99 = arith.constant 0 : i32
        %dma_wait3A_100 = tpu.memref_slice %arg11[%dma_wait3A_98, %dma_wait3A_99] : memref<10240x64xf32, #tpu.memory_space<vmem_shared>> -> memref<10240x64xf32, #tpu.memory_space<vmem_shared>>
        tpu.wait_indirect_dma semaphore(%arg13 : memref<!tpu.dma_semaphore, #tpu.memory_space<semaphore_mem>>) src(%dma_wait3A_100 : memref<10240x64xf32, #tpu.memory_space<vmem_shared>>) dst(%arg9 : memref<128x64xf32, #tpu.memory_space<vmem>>)
        %dma_start3A_101 = arith.constant 0 : i32
        %dma_start3A_102 = tpu.memref_slice %arg8[%add3A_94, %dma_start3A_101] : memref<84x128xi32, #tpu.memory_space<vmem>> -> memref<1x128xi32, #tpu.memory_space<vmem>>
        %dma_start3A_103 = tpu.memref_squeeze %dma_start3A_102 : memref<1x128xi32, #tpu.memory_space<vmem>> -> memref<128xi32, #tpu.memory_space<vmem>>
        %dma_start3A_104 = arith.constant 0 : i32
        %dma_start3A_105 = arith.constant 0 : i32
        %dma_start3A_106 = tpu.memref_slice %arg12[%dma_start3A_104, %dma_start3A_105] : memref<10240x64xf32, #tpu.memory_space<vmem_shared>> -> memref<10240x64xf32, #tpu.memory_space<vmem_shared>>
        tpu.enqueue_indirect_dma source(%arg9 : memref<128x64xf32, #tpu.memory_space<vmem>>) target(%dma_start3A_106 : memref<10240x64xf32, #tpu.memory_space<vmem_shared>>) offsets(%dma_start3A_103 : memref<128xi32, #tpu.memory_space<vmem>>) semaphore(%arg15 : memref<!tpu.dma_semaphore, #tpu.memory_space<semaphore_mem>>) {add = true}
        %add3A_107 = arith.constant 1 : i32
        %add3A_108 = arith.addi %add3A_94, %add3A_107 : i32
        %lt3A = arith.constant 84 : i32
        %lt3A_109 = arith.cmpi slt, %add3A_108, %lt3A : i32
        %convert_element_type3A_110 = arith.extui %lt3A_109 : i1 to i32
        %cond3A_111 = arith.constant 0 : i32
        %cond3A_112 = arith.cmpi ne, %convert_element_type3A_110, %cond3A_111 : i32
        scf.if %cond3A_112 {
          %ge3A = arith.constant 2 : i32
          %ge3A_134 = arith.cmpi sge, %add3A_108, %ge3A : i32
          %convert_element_type3A_135 = arith.extui %ge3A_134 : i1 to i32
          %cond3A_136 = arith.constant 0 : i32
          %cond3A_137 = arith.cmpi ne, %convert_element_type3A_135, %cond3A_136 : i32
          scf.if %cond3A_137 {
            %sub3A = arith.constant 2 : i32
            %sub3A_144 = arith.subi %add3A_108, %sub3A : i32
            %dma_wait3A_145 = arith.constant 0 : i32
            %dma_wait3A_146 = tpu.memref_slice %arg8[%sub3A_144, %dma_wait3A_145] : memref<84x128xi32, #tpu.memory_space<vmem>> -> memref<1x128xi32, #tpu.memory_space<vmem>>
            %dma_wait3A_147 = tpu.memref_squeeze %dma_wait3A_146 : memref<1x128xi32, #tpu.memory_space<vmem>> -> memref<128xi32, #tpu.memory_space<vmem>>
            %dma_wait3A_148 = arith.constant 0 : i32
            %dma_wait3A_149 = arith.constant 0 : i32
            %dma_wait3A_150 = tpu.memref_slice %arg12[%dma_wait3A_148, %dma_wait3A_149] : memref<10240x64xf32, #tpu.memory_space<vmem_shared>> -> memref<10240x64xf32, #tpu.memory_space<vmem_shared>>
            tpu.wait_indirect_dma semaphore(%arg16 : memref<!tpu.dma_semaphore, #tpu.memory_space<semaphore_mem>>) src(%arg10 : memref<128x64xf32, #tpu.memory_space<vmem>>) dst(%dma_wait3A_150 : memref<10240x64xf32, #tpu.memory_space<vmem_shared>>)
          } else {
          }
          %dma_start3A_138 = arith.constant 0 : i32
          %dma_start3A_139 = tpu.memref_slice %arg7[%add3A_108, %dma_start3A_138] : memref<84x128xi32, #tpu.memory_space<vmem>> -> memref<1x128xi32, #tpu.memory_space<vmem>>
          %dma_start3A_140 = tpu.memref_squeeze %dma_start3A_139 : memref<1x128xi32, #tpu.memory_space<vmem>> -> memref<128xi32, #tpu.memory_space<vmem>>
          %dma_start3A_141 = arith.constant 0 : i32
          %dma_start3A_142 = arith.constant 0 : i32
          %dma_start3A_143 = tpu.memref_slice %arg11[%dma_start3A_141, %dma_start3A_142] : memref<10240x64xf32, #tpu.memory_space<vmem_shared>> -> memref<10240x64xf32, #tpu.memory_space<vmem_shared>>
          tpu.enqueue_indirect_dma source(%dma_start3A_143 : memref<10240x64xf32, #tpu.memory_space<vmem_shared>>) target(%arg10 : memref<128x64xf32, #tpu.memory_space<vmem>>) offsets(%dma_start3A_140 : memref<128xi32, #tpu.memory_space<vmem>>) semaphore(%arg14 : memref<!tpu.dma_semaphore, #tpu.memory_space<semaphore_mem>>)
        } else {
        }
        %add3A_113 = arith.constant 1 : i32
        %add3A_114 = arith.addi %mul3A_93, %add3A_113 : i32
        %dma_wait3A_115 = arith.constant 0 : i32
        %dma_wait3A_116 = tpu.memref_slice %arg7[%add3A_114, %dma_wait3A_115] : memref<84x128xi32, #tpu.memory_space<vmem>> -> memref<1x128xi32, #tpu.memory_space<vmem>>
        %dma_wait3A_117 = tpu.memref_squeeze %dma_wait3A_116 : memref<1x128xi32, #tpu.memory_space<vmem>> -> memref<128xi32, #tpu.memory_space<vmem>>
        %dma_wait3A_118 = arith.constant 0 : i32
        %dma_wait3A_119 = arith.constant 0 : i32
        %dma_wait3A_120 = tpu.memref_slice %arg11[%dma_wait3A_118, %dma_wait3A_119] : memref<10240x64xf32, #tpu.memory_space<vmem_shared>> -> memref<10240x64xf32, #tpu.memory_space<vmem_shared>>
        tpu.wait_indirect_dma semaphore(%arg14 : memref<!tpu.dma_semaphore, #tpu.memory_space<semaphore_mem>>) src(%dma_wait3A_120 : memref<10240x64xf32, #tpu.memory_space<vmem_shared>>) dst(%arg10 : memref<128x64xf32, #tpu.memory_space<vmem>>)
        %dma_start3A_121 = arith.constant 0 : i32
        %dma_start3A_122 = tpu.memref_slice %arg8[%add3A_114, %dma_start3A_121] : memref<84x128xi32, #tpu.memory_space<vmem>> -> memref<1x128xi32, #tpu.memory_space<vmem>>
        %dma_start3A_123 = tpu.memref_squeeze %dma_start3A_122 : memref<1x128xi32, #tpu.memory_space<vmem>> -> memref<128xi32, #tpu.memory_space<vmem>>
        %dma_start3A_124 = arith.constant 0 : i32
        %dma_start3A_125 = arith.constant 0 : i32
        %dma_start3A_126 = tpu.memref_slice %arg12[%dma_start3A_124, %dma_start3A_125] : memref<10240x64xf32, #tpu.memory_space<vmem_shared>> -> memref<10240x64xf32, #tpu.memory_space<vmem_shared>>
        tpu.enqueue_indirect_dma source(%arg10 : memref<128x64xf32, #tpu.memory_space<vmem>>) target(%dma_start3A_126 : memref<10240x64xf32, #tpu.memory_space<vmem_shared>>) offsets(%dma_start3A_123 : memref<128xi32, #tpu.memory_space<vmem>>) semaphore(%arg16 : memref<!tpu.dma_semaphore, #tpu.memory_space<semaphore_mem>>) {add = true}
        %add3A_127 = arith.constant 1 : i32
        %add3A_128 = arith.addi %add3A_114, %add3A_127 : i32
        %lt3A_129 = arith.constant 84 : i32
        %lt3A_130 = arith.cmpi slt, %add3A_128, %lt3A_129 : i32
        %convert_element_type3A_131 = arith.extui %lt3A_130 : i1 to i32
        %cond3A_132 = arith.constant 0 : i32
        %cond3A_133 = arith.cmpi ne, %convert_element_type3A_131, %cond3A_132 : i32
        scf.if %cond3A_133 {
          %ge3A = arith.constant 2 : i32
          %ge3A_134 = arith.cmpi sge, %add3A_128, %ge3A : i32
          %convert_element_type3A_135 = arith.extui %ge3A_134 : i1 to i32
          %cond3A_136 = arith.constant 0 : i32
          %cond3A_137 = arith.cmpi ne, %convert_element_type3A_135, %cond3A_136 : i32
          scf.if %cond3A_137 {
            %sub3A = arith.constant 2 : i32
            %sub3A_144 = arith.subi %add3A_128, %sub3A : i32
            %dma_wait3A_145 = arith.constant 0 : i32
            %dma_wait3A_146 = tpu.memref_slice %arg8[%sub3A_144, %dma_wait3A_145] : memref<84x128xi32, #tpu.memory_space<vmem>> -> memref<1x128xi32, #tpu.memory_space<vmem>>
            %dma_wait3A_147 = tpu.memref_squeeze %dma_wait3A_146 : memref<1x128xi32, #tpu.memory_space<vmem>> -> memref<128xi32, #tpu.memory_space<vmem>>
            %dma_wait3A_148 = arith.constant 0 : i32
            %dma_wait3A_149 = arith.constant 0 : i32
            %dma_wait3A_150 = tpu.memref_slice %arg12[%dma_wait3A_148, %dma_wait3A_149] : memref<10240x64xf32, #tpu.memory_space<vmem_shared>> -> memref<10240x64xf32, #tpu.memory_space<vmem_shared>>
            tpu.wait_indirect_dma semaphore(%arg15 : memref<!tpu.dma_semaphore, #tpu.memory_space<semaphore_mem>>) src(%arg9 : memref<128x64xf32, #tpu.memory_space<vmem>>) dst(%dma_wait3A_150 : memref<10240x64xf32, #tpu.memory_space<vmem_shared>>)
          } else {
          }
          %dma_start3A_138 = arith.constant 0 : i32
          %dma_start3A_139 = tpu.memref_slice %arg7[%add3A_128, %dma_start3A_138] : memref<84x128xi32, #tpu.memory_space<vmem>> -> memref<1x128xi32, #tpu.memory_space<vmem>>
          %dma_start3A_140 = tpu.memref_squeeze %dma_start3A_139 : memref<1x128xi32, #tpu.memory_space<vmem>> -> memref<128xi32, #tpu.memory_space<vmem>>
          %dma_start3A_141 = arith.constant 0 : i32
          %dma_start3A_142 = arith.constant 0 : i32
          %dma_start3A_143 = tpu.memref_slice %arg11[%dma_start3A_141, %dma_start3A_142] : memref<10240x64xf32, #tpu.memory_space<vmem_shared>> -> memref<10240x64xf32, #tpu.memory_space<vmem_shared>>
          tpu.enqueue_indirect_dma source(%dma_start3A_143 : memref<10240x64xf32, #tpu.memory_space<vmem_shared>>) target(%arg9 : memref<128x64xf32, #tpu.memory_space<vmem>>) offsets(%dma_start3A_140 : memref<128xi32, #tpu.memory_space<vmem>>) semaphore(%arg13 : memref<!tpu.dma_semaphore, #tpu.memory_space<semaphore_mem>>)
        } else {
        }
      }
      %scan3A_76 = arith.constant 42 : i32
      %dma_wait3A_77 = arith.constant 82 : i32
      %dma_wait3A_78 = arith.constant 0 : i32
      %dma_wait3A_79 = tpu.memref_slice %arg8[%dma_wait3A_77, %dma_wait3A_78] : memref<84x128xi32, #tpu.memory_space<vmem>> -> memref<1x128xi32, #tpu.memory_space<vmem>>
      %dma_wait3A_80 = tpu.memref_squeeze %dma_wait3A_79 : memref<1x128xi32, #tpu.memory_space<vmem>> -> memref<128xi32, #tpu.memory_space<vmem>>
      %dma_wait3A_81 = arith.constant 0 : i32
      %dma_wait3A_82 = arith.constant 0 : i32
      %dma_wait3A_83 = tpu.memref_slice %arg12[%dma_wait3A_81, %dma_wait3A_82] : memref<10240x64xf32, #tpu.memory_space<vmem_shared>> -> memref<10240x64xf32, #tpu.memory_space<vmem_shared>>
      tpu.wait_indirect_dma semaphore(%arg15 : memref<!tpu.dma_semaphore, #tpu.memory_space<semaphore_mem>>) src(%arg9 : memref<128x64xf32, #tpu.memory_space<vmem>>) dst(%dma_wait3A_83 : memref<10240x64xf32, #tpu.memory_space<vmem_shared>>)
      %dma_wait3A_84 = arith.constant 83 : i32
      %dma_wait3A_85 = arith.constant 0 : i32
      %dma_wait3A_86 = tpu.memref_slice %arg8[%dma_wait3A_84, %dma_wait3A_85] : memref<84x128xi32, #tpu.memory_space<vmem>> -> memref<1x128xi32, #tpu.memory_space<vmem>>
      %dma_wait3A_87 = tpu.memref_squeeze %dma_wait3A_86 : memref<1x128xi32, #tpu.memory_space<vmem>> -> memref<128xi32, #tpu.memory_space<vmem>>
      %dma_wait3A_88 = arith.constant 0 : i32
      %dma_wait3A_89 = arith.constant 0 : i32
      %dma_wait3A_90 = tpu.memref_slice %arg12[%dma_wait3A_88, %dma_wait3A_89] : memref<10240x64xf32, #tpu.memory_space<vmem_shared>> -> memref<10240x64xf32, #tpu.memory_space<vmem_shared>>
      tpu.wait_indirect_dma semaphore(%arg16 : memref<!tpu.dma_semaphore, #tpu.memory_space<semaphore_mem>>) src(%arg10 : memref<128x64xf32, #tpu.memory_space<vmem>>) dst(%dma_wait3A_90 : memref<10240x64xf32, #tpu.memory_space<vmem_shared>>)
    } else {
    }
    %eq3A_10 = arith.constant 1 : i32
    %eq3A_11 = arith.cmpi eq, %arg0, %eq3A_10 : i32
    %convert_element_type3A_12 = arith.extui %eq3A_11 : i1 to i32
    %cond3A_13 = arith.constant 0 : i32
    %cond3A_14 = arith.cmpi ne, %convert_element_type3A_12, %cond3A_13 : i32
    scf.if %cond3A_14 {
      %mul3A_15 = arith.constant 76 : i32
      %mul3A_16 = arith.muli %arg1, %mul3A_15 : i32
      %add3A = arith.constant 1344 : i32
      %add3A_17 = arith.addi %add3A, %mul3A_16 : i32
      %dma_start3A_18 = arith.constant 0 : i32
      %dma_start3A_19 = arith.constant 0 : i32
      %dma_start3A_20 = tpu.memref_slice %arg7[%dma_start3A_18, %dma_start3A_19] : memref<84x128xi32, #tpu.memory_space<vmem>> -> memref<76x128xi32, #tpu.memory_space<vmem>>
      %dma_start3A_21 = arith.constant 0 : i32
      %dma_start3A_22 = tpu.memref_slice %arg3[%add3A_17, %dma_start3A_21] : memref<2560x128xi32, #tpu.memory_space<hbm>> -> memref<76x128xi32, #tpu.memory_space<hbm>>
      %dma_start3A_23 = arith.constant 0 : i32
      %dma_start3A_24 = arith.constant 0 : i32
      %dma_start3A_25 = tpu.memref_slice %arg7[%dma_start3A_23, %dma_start3A_24] : memref<84x128xi32, #tpu.memory_space<vmem>> -> memref<76x128xi32, #tpu.memory_space<vmem>>
      %dma_start3A_26 = arith.constant 0 : i32
      %dma_start3A_27 = tpu.memref_slice %arg3[%add3A_17, %dma_start3A_26] : memref<2560x128xi32, #tpu.memory_space<hbm>> -> memref<76x128xi32, #tpu.memory_space<hbm>>
      tpu.enqueue_dma source(%dma_start3A_27 : memref<76x128xi32, #tpu.memory_space<hbm>>) target(%dma_start3A_25 : memref<76x128xi32, #tpu.memory_space<vmem>>) target_semaphore(%arg17 : memref<!tpu.dma_semaphore, #tpu.memory_space<semaphore_mem>>)
      %dma_start3A_28 = arith.constant 0 : i32
      %dma_start3A_29 = arith.constant 0 : i32
      %dma_start3A_30 = tpu.memref_slice %arg8[%dma_start3A_28, %dma_start3A_29] : memref<84x128xi32, #tpu.memory_space<vmem>> -> memref<76x128xi32, #tpu.memory_space<vmem>>
      %dma_start3A_31 = arith.constant 0 : i32
      %dma_start3A_32 = tpu.memref_slice %arg4[%add3A_17, %dma_start3A_31] : memref<2560x128xi32, #tpu.memory_space<hbm>> -> memref<76x128xi32, #tpu.memory_space<hbm>>
      %dma_start3A_33 = arith.constant 0 : i32
      %dma_start3A_34 = arith.constant 0 : i32
      %dma_start3A_35 = tpu.memref_slice %arg8[%dma_start3A_33, %dma_start3A_34] : memref<84x128xi32, #tpu.memory_space<vmem>> -> memref<76x128xi32, #tpu.memory_space<vmem>>
      %dma_start3A_36 = arith.constant 0 : i32
      %dma_start3A_37 = tpu.memref_slice %arg4[%add3A_17, %dma_start3A_36] : memref<2560x128xi32, #tpu.memory_space<hbm>> -> memref<76x128xi32, #tpu.memory_space<hbm>>
      tpu.enqueue_dma source(%dma_start3A_37 : memref<76x128xi32, #tpu.memory_space<hbm>>) target(%dma_start3A_35 : memref<76x128xi32, #tpu.memory_space<vmem>>) target_semaphore(%arg17 : memref<!tpu.dma_semaphore, #tpu.memory_space<semaphore_mem>>)
      %dma_wait3A = arith.constant 0 : i32
      %dma_wait3A_38 = tpu.memref_slice %arg11[%mul3A_0, %dma_wait3A] : memref<10240x64xf32, #tpu.memory_space<vmem_shared>> -> memref<640x64xf32, #tpu.memory_space<vmem_shared>>
      %dma_wait3A_39 = arith.constant 0 : i32
      %dma_wait3A_40 = tpu.memref_slice %arg2[%mul3A_0, %dma_wait3A_39] : memref<10240x64xf32, #tpu.memory_space<hbm>> -> memref<640x64xf32, #tpu.memory_space<hbm>>
      tpu.wait_dma2 semaphore(%arg17 : memref<!tpu.dma_semaphore, #tpu.memory_space<semaphore_mem>>) src(%dma_wait3A_40 : memref<640x64xf32, #tpu.memory_space<hbm>>) dst(%dma_wait3A_38 : memref<640x64xf32, #tpu.memory_space<vmem_shared>>)
      %dma_wait3A_41 = arith.constant 0 : i32
      %dma_wait3A_42 = tpu.memref_slice %arg12[%mul3A_0, %dma_wait3A_41] : memref<10240x64xf32, #tpu.memory_space<vmem_shared>> -> memref<640x64xf32, #tpu.memory_space<vmem_shared>>
      %dma_wait3A_43 = arith.constant 0 : i32
      %dma_wait3A_44 = tpu.memref_slice %arg5[%mul3A_0, %dma_wait3A_43] : memref<10240x64xf32, #tpu.memory_space<hbm>> -> memref<640x64xf32, #tpu.memory_space<hbm>>
      tpu.wait_dma2 semaphore(%arg17 : memref<!tpu.dma_semaphore, #tpu.memory_space<semaphore_mem>>) src(%dma_wait3A_44 : memref<640x64xf32, #tpu.memory_space<hbm>>) dst(%dma_wait3A_42 : memref<640x64xf32, #tpu.memory_space<vmem_shared>>)
      %dma_wait3A_45 = arith.constant 0 : i32
      %dma_wait3A_46 = arith.constant 0 : i32
      %dma_wait3A_47 = tpu.memref_slice %arg7[%dma_wait3A_45, %dma_wait3A_46] : memref<84x128xi32, #tpu.memory_space<vmem>> -> memref<76x128xi32, #tpu.memory_space<vmem>>
      %dma_wait3A_48 = arith.constant 0 : i32
      %dma_wait3A_49 = tpu.memref_slice %arg3[%add3A_17, %dma_wait3A_48] : memref<2560x128xi32, #tpu.memory_space<hbm>> -> memref<76x128xi32, #tpu.memory_space<hbm>>
      %dma_wait3A_50 = arith.constant 0 : i32
      %dma_wait3A_51 = arith.constant 0 : i32
      %dma_wait3A_52 = tpu.memref_slice %arg7[%dma_wait3A_50, %dma_wait3A_51] : memref<84x128xi32, #tpu.memory_space<vmem>> -> memref<76x128xi32, #tpu.memory_space<vmem>>
      %dma_wait3A_53 = arith.constant 0 : i32
      %dma_wait3A_54 = tpu.memref_slice %arg3[%add3A_17, %dma_wait3A_53] : memref<2560x128xi32, #tpu.memory_space<hbm>> -> memref<76x128xi32, #tpu.memory_space<hbm>>
      tpu.wait_dma2 semaphore(%arg17 : memref<!tpu.dma_semaphore, #tpu.memory_space<semaphore_mem>>) src(%dma_wait3A_54 : memref<76x128xi32, #tpu.memory_space<hbm>>) dst(%dma_wait3A_52 : memref<76x128xi32, #tpu.memory_space<vmem>>)
      %dma_wait3A_55 = arith.constant 0 : i32
      %dma_wait3A_56 = arith.constant 0 : i32
      %dma_wait3A_57 = tpu.memref_slice %arg8[%dma_wait3A_55, %dma_wait3A_56] : memref<84x128xi32, #tpu.memory_space<vmem>> -> memref<76x128xi32, #tpu.memory_space<vmem>>
      %dma_wait3A_58 = arith.constant 0 : i32
      %dma_wait3A_59 = tpu.memref_slice %arg4[%add3A_17, %dma_wait3A_58] : memref<2560x128xi32, #tpu.memory_space<hbm>> -> memref<76x128xi32, #tpu.memory_space<hbm>>
      %dma_wait3A_60 = arith.constant 0 : i32
      %dma_wait3A_61 = arith.constant 0 : i32
      %dma_wait3A_62 = tpu.memref_slice %arg8[%dma_wait3A_60, %dma_wait3A_61] : memref<84x128xi32, #tpu.memory_space<vmem>> -> memref<76x128xi32, #tpu.memory_space<vmem>>
      %dma_wait3A_63 = arith.constant 0 : i32
      %dma_wait3A_64 = tpu.memref_slice %arg4[%add3A_17, %dma_wait3A_63] : memref<2560x128xi32, #tpu.memory_space<hbm>> -> memref<76x128xi32, #tpu.memory_space<hbm>>
      tpu.wait_dma2 semaphore(%arg17 : memref<!tpu.dma_semaphore, #tpu.memory_space<semaphore_mem>>) src(%dma_wait3A_64 : memref<76x128xi32, #tpu.memory_space<hbm>>) dst(%dma_wait3A_62 : memref<76x128xi32, #tpu.memory_space<vmem>>)
      %barrier3A_65 = arith.constant 0 : index
      tpu.barrier barrier_id(%barrier3A_65)
      %dma_start3A_66 = arith.constant 0 : i32
      %dma_start3A_67 = arith.constant 0 : i32
      %dma_start3A_68 = tpu.memref_slice %arg7[%dma_start3A_66, %dma_start3A_67] : memref<84x128xi32, #tpu.memory_space<vmem>> -> memref<1x128xi32, #tpu.memory_space<vmem>>
      %dma_start3A_69 = tpu.memref_squeeze %dma_start3A_68 : memref<1x128xi32, #tpu.memory_space<vmem>> -> memref<128xi32, #tpu.memory_space<vmem>>
      %dma_start3A_70 = arith.constant 0 : i32
      %dma_start3A_71 = arith.constant 0 : i32
      %dma_start3A_72 = tpu.memref_slice %arg11[%dma_start3A_70, %dma_start3A_71] : memref<10240x64xf32, #tpu.memory_space<vmem_shared>> -> memref<10240x64xf32, #tpu.memory_space<vmem_shared>>
      tpu.enqueue_indirect_dma source(%dma_start3A_72 : memref<10240x64xf32, #tpu.memory_space<vmem_shared>>) target(%arg9 : memref<128x64xf32, #tpu.memory_space<vmem>>) offsets(%dma_start3A_69 : memref<128xi32, #tpu.memory_space<vmem>>) semaphore(%arg13 : memref<!tpu.dma_semaphore, #tpu.memory_space<semaphore_mem>>)
      %scan3A = arith.constant 0 : i32
      %scan3A_73 = arith.constant 0 : i32
      %scan3A_74 = arith.constant 38 : i32
      %scan3A_75 = arith.addi %scan3A_73, %scan3A_74 : i32
      %scan3A_76 = arith.constant 1 : i32
      scf.for %scan3A_92 = %scan3A_73 to %scan3A_75 step %scan3A_76  : i32 {
        %mul3A_93 = arith.constant 2 : i32
        %mul3A_94 = arith.muli %mul3A_93, %scan3A_92 : i32
        %add3A_95 = arith.constant 0 : i32
        %add3A_96 = arith.addi %mul3A_94, %add3A_95 : i32
        %dma_wait3A_97 = arith.constant 0 : i32
        %dma_wait3A_98 = tpu.memref_slice %arg7[%add3A_96, %dma_wait3A_97] : memref<84x128xi32, #tpu.memory_space<vmem>> -> memref<1x128xi32, #tpu.memory_space<vmem>>
        %dma_wait3A_99 = tpu.memref_squeeze %dma_wait3A_98 : memref<1x128xi32, #tpu.memory_space<vmem>> -> memref<128xi32, #tpu.memory_space<vmem>>
        %dma_wait3A_100 = arith.constant 0 : i32
        %dma_wait3A_101 = arith.constant 0 : i32
        %dma_wait3A_102 = tpu.memref_slice %arg11[%dma_wait3A_100, %dma_wait3A_101] : memref<10240x64xf32, #tpu.memory_space<vmem_shared>> -> memref<10240x64xf32, #tpu.memory_space<vmem_shared>>
        tpu.wait_indirect_dma semaphore(%arg13 : memref<!tpu.dma_semaphore, #tpu.memory_space<semaphore_mem>>) src(%dma_wait3A_102 : memref<10240x64xf32, #tpu.memory_space<vmem_shared>>) dst(%arg9 : memref<128x64xf32, #tpu.memory_space<vmem>>)
        %dma_start3A_103 = arith.constant 0 : i32
        %dma_start3A_104 = tpu.memref_slice %arg8[%add3A_96, %dma_start3A_103] : memref<84x128xi32, #tpu.memory_space<vmem>> -> memref<1x128xi32, #tpu.memory_space<vmem>>
        %dma_start3A_105 = tpu.memref_squeeze %dma_start3A_104 : memref<1x128xi32, #tpu.memory_space<vmem>> -> memref<128xi32, #tpu.memory_space<vmem>>
        %dma_start3A_106 = arith.constant 0 : i32
        %dma_start3A_107 = arith.constant 0 : i32
        %dma_start3A_108 = tpu.memref_slice %arg12[%dma_start3A_106, %dma_start3A_107] : memref<10240x64xf32, #tpu.memory_space<vmem_shared>> -> memref<10240x64xf32, #tpu.memory_space<vmem_shared>>
        tpu.enqueue_indirect_dma source(%arg9 : memref<128x64xf32, #tpu.memory_space<vmem>>) target(%dma_start3A_108 : memref<10240x64xf32, #tpu.memory_space<vmem_shared>>) offsets(%dma_start3A_105 : memref<128xi32, #tpu.memory_space<vmem>>) semaphore(%arg15 : memref<!tpu.dma_semaphore, #tpu.memory_space<semaphore_mem>>) {add = true}
        %add3A_109 = arith.constant 1 : i32
        %add3A_110 = arith.addi %add3A_96, %add3A_109 : i32
        %lt3A = arith.constant 76 : i32
        %lt3A_111 = arith.cmpi slt, %add3A_110, %lt3A : i32
        %convert_element_type3A_112 = arith.extui %lt3A_111 : i1 to i32
        %cond3A_113 = arith.constant 0 : i32
        %cond3A_114 = arith.cmpi ne, %convert_element_type3A_112, %cond3A_113 : i32
        scf.if %cond3A_114 {
          %ge3A = arith.constant 2 : i32
          %ge3A_136 = arith.cmpi sge, %add3A_110, %ge3A : i32
          %convert_element_type3A_137 = arith.extui %ge3A_136 : i1 to i32
          %cond3A_138 = arith.constant 0 : i32
          %cond3A_139 = arith.cmpi ne, %convert_element_type3A_137, %cond3A_138 : i32
          scf.if %cond3A_139 {
            %sub3A = arith.constant 2 : i32
            %sub3A_146 = arith.subi %add3A_110, %sub3A : i32
            %dma_wait3A_147 = arith.constant 0 : i32
            %dma_wait3A_148 = tpu.memref_slice %arg8[%sub3A_146, %dma_wait3A_147] : memref<84x128xi32, #tpu.memory_space<vmem>> -> memref<1x128xi32, #tpu.memory_space<vmem>>
            %dma_wait3A_149 = tpu.memref_squeeze %dma_wait3A_148 : memref<1x128xi32, #tpu.memory_space<vmem>> -> memref<128xi32, #tpu.memory_space<vmem>>
            %dma_wait3A_150 = arith.constant 0 : i32
            %dma_wait3A_151 = arith.constant 0 : i32
            %dma_wait3A_152 = tpu.memref_slice %arg12[%dma_wait3A_150, %dma_wait3A_151] : memref<10240x64xf32, #tpu.memory_space<vmem_shared>> -> memref<10240x64xf32, #tpu.memory_space<vmem_shared>>
            tpu.wait_indirect_dma semaphore(%arg16 : memref<!tpu.dma_semaphore, #tpu.memory_space<semaphore_mem>>) src(%arg10 : memref<128x64xf32, #tpu.memory_space<vmem>>) dst(%dma_wait3A_152 : memref<10240x64xf32, #tpu.memory_space<vmem_shared>>)
          } else {
          }
          %dma_start3A_140 = arith.constant 0 : i32
          %dma_start3A_141 = tpu.memref_slice %arg7[%add3A_110, %dma_start3A_140] : memref<84x128xi32, #tpu.memory_space<vmem>> -> memref<1x128xi32, #tpu.memory_space<vmem>>
          %dma_start3A_142 = tpu.memref_squeeze %dma_start3A_141 : memref<1x128xi32, #tpu.memory_space<vmem>> -> memref<128xi32, #tpu.memory_space<vmem>>
          %dma_start3A_143 = arith.constant 0 : i32
          %dma_start3A_144 = arith.constant 0 : i32
          %dma_start3A_145 = tpu.memref_slice %arg11[%dma_start3A_143, %dma_start3A_144] : memref<10240x64xf32, #tpu.memory_space<vmem_shared>> -> memref<10240x64xf32, #tpu.memory_space<vmem_shared>>
          tpu.enqueue_indirect_dma source(%dma_start3A_145 : memref<10240x64xf32, #tpu.memory_space<vmem_shared>>) target(%arg10 : memref<128x64xf32, #tpu.memory_space<vmem>>) offsets(%dma_start3A_142 : memref<128xi32, #tpu.memory_space<vmem>>) semaphore(%arg14 : memref<!tpu.dma_semaphore, #tpu.memory_space<semaphore_mem>>)
        } else {
        }
        %add3A_115 = arith.constant 1 : i32
        %add3A_116 = arith.addi %mul3A_94, %add3A_115 : i32
        %dma_wait3A_117 = arith.constant 0 : i32
        %dma_wait3A_118 = tpu.memref_slice %arg7[%add3A_116, %dma_wait3A_117] : memref<84x128xi32, #tpu.memory_space<vmem>> -> memref<1x128xi32, #tpu.memory_space<vmem>>
        %dma_wait3A_119 = tpu.memref_squeeze %dma_wait3A_118 : memref<1x128xi32, #tpu.memory_space<vmem>> -> memref<128xi32, #tpu.memory_space<vmem>>
        %dma_wait3A_120 = arith.constant 0 : i32
        %dma_wait3A_121 = arith.constant 0 : i32
        %dma_wait3A_122 = tpu.memref_slice %arg11[%dma_wait3A_120, %dma_wait3A_121] : memref<10240x64xf32, #tpu.memory_space<vmem_shared>> -> memref<10240x64xf32, #tpu.memory_space<vmem_shared>>
        tpu.wait_indirect_dma semaphore(%arg14 : memref<!tpu.dma_semaphore, #tpu.memory_space<semaphore_mem>>) src(%dma_wait3A_122 : memref<10240x64xf32, #tpu.memory_space<vmem_shared>>) dst(%arg10 : memref<128x64xf32, #tpu.memory_space<vmem>>)
        %dma_start3A_123 = arith.constant 0 : i32
        %dma_start3A_124 = tpu.memref_slice %arg8[%add3A_116, %dma_start3A_123] : memref<84x128xi32, #tpu.memory_space<vmem>> -> memref<1x128xi32, #tpu.memory_space<vmem>>
        %dma_start3A_125 = tpu.memref_squeeze %dma_start3A_124 : memref<1x128xi32, #tpu.memory_space<vmem>> -> memref<128xi32, #tpu.memory_space<vmem>>
        %dma_start3A_126 = arith.constant 0 : i32
        %dma_start3A_127 = arith.constant 0 : i32
        %dma_start3A_128 = tpu.memref_slice %arg12[%dma_start3A_126, %dma_start3A_127] : memref<10240x64xf32, #tpu.memory_space<vmem_shared>> -> memref<10240x64xf32, #tpu.memory_space<vmem_shared>>
        tpu.enqueue_indirect_dma source(%arg10 : memref<128x64xf32, #tpu.memory_space<vmem>>) target(%dma_start3A_128 : memref<10240x64xf32, #tpu.memory_space<vmem_shared>>) offsets(%dma_start3A_125 : memref<128xi32, #tpu.memory_space<vmem>>) semaphore(%arg16 : memref<!tpu.dma_semaphore, #tpu.memory_space<semaphore_mem>>) {add = true}
        %add3A_129 = arith.constant 1 : i32
        %add3A_130 = arith.addi %add3A_116, %add3A_129 : i32
        %lt3A_131 = arith.constant 76 : i32
        %lt3A_132 = arith.cmpi slt, %add3A_130, %lt3A_131 : i32
        %convert_element_type3A_133 = arith.extui %lt3A_132 : i1 to i32
        %cond3A_134 = arith.constant 0 : i32
        %cond3A_135 = arith.cmpi ne, %convert_element_type3A_133, %cond3A_134 : i32
        scf.if %cond3A_135 {
          %ge3A = arith.constant 2 : i32
          %ge3A_136 = arith.cmpi sge, %add3A_130, %ge3A : i32
          %convert_element_type3A_137 = arith.extui %ge3A_136 : i1 to i32
          %cond3A_138 = arith.constant 0 : i32
          %cond3A_139 = arith.cmpi ne, %convert_element_type3A_137, %cond3A_138 : i32
          scf.if %cond3A_139 {
            %sub3A = arith.constant 2 : i32
            %sub3A_146 = arith.subi %add3A_130, %sub3A : i32
            %dma_wait3A_147 = arith.constant 0 : i32
            %dma_wait3A_148 = tpu.memref_slice %arg8[%sub3A_146, %dma_wait3A_147] : memref<84x128xi32, #tpu.memory_space<vmem>> -> memref<1x128xi32, #tpu.memory_space<vmem>>
            %dma_wait3A_149 = tpu.memref_squeeze %dma_wait3A_148 : memref<1x128xi32, #tpu.memory_space<vmem>> -> memref<128xi32, #tpu.memory_space<vmem>>
            %dma_wait3A_150 = arith.constant 0 : i32
            %dma_wait3A_151 = arith.constant 0 : i32
            %dma_wait3A_152 = tpu.memref_slice %arg12[%dma_wait3A_150, %dma_wait3A_151] : memref<10240x64xf32, #tpu.memory_space<vmem_shared>> -> memref<10240x64xf32, #tpu.memory_space<vmem_shared>>
            tpu.wait_indirect_dma semaphore(%arg15 : memref<!tpu.dma_semaphore, #tpu.memory_space<semaphore_mem>>) src(%arg9 : memref<128x64xf32, #tpu.memory_space<vmem>>) dst(%dma_wait3A_152 : memref<10240x64xf32, #tpu.memory_space<vmem_shared>>)
          } else {
          }
          %dma_start3A_140 = arith.constant 0 : i32
          %dma_start3A_141 = tpu.memref_slice %arg7[%add3A_130, %dma_start3A_140] : memref<84x128xi32, #tpu.memory_space<vmem>> -> memref<1x128xi32, #tpu.memory_space<vmem>>
          %dma_start3A_142 = tpu.memref_squeeze %dma_start3A_141 : memref<1x128xi32, #tpu.memory_space<vmem>> -> memref<128xi32, #tpu.memory_space<vmem>>
          %dma_start3A_143 = arith.constant 0 : i32
          %dma_start3A_144 = arith.constant 0 : i32
          %dma_start3A_145 = tpu.memref_slice %arg11[%dma_start3A_143, %dma_start3A_144] : memref<10240x64xf32, #tpu.memory_space<vmem_shared>> -> memref<10240x64xf32, #tpu.memory_space<vmem_shared>>
          tpu.enqueue_indirect_dma source(%dma_start3A_145 : memref<10240x64xf32, #tpu.memory_space<vmem_shared>>) target(%arg9 : memref<128x64xf32, #tpu.memory_space<vmem>>) offsets(%dma_start3A_142 : memref<128xi32, #tpu.memory_space<vmem>>) semaphore(%arg13 : memref<!tpu.dma_semaphore, #tpu.memory_space<semaphore_mem>>)
        } else {
        }
      }
      %scan3A_77 = arith.constant 38 : i32
      %dma_wait3A_78 = arith.constant 74 : i32
      %dma_wait3A_79 = arith.constant 0 : i32
      %dma_wait3A_80 = tpu.memref_slice %arg8[%dma_wait3A_78, %dma_wait3A_79] : memref<84x128xi32, #tpu.memory_space<vmem>> -> memref<1x128xi32, #tpu.memory_space<vmem>>
      %dma_wait3A_81 = tpu.memref_squeeze %dma_wait3A_80 : memref<1x128xi32, #tpu.memory_space<vmem>> -> memref<128xi32, #tpu.memory_space<vmem>>
      %dma_wait3A_82 = arith.constant 0 : i32
      %dma_wait3A_83 = arith.constant 0 : i32
      %dma_wait3A_84 = tpu.memref_slice %arg12[%dma_wait3A_82, %dma_wait3A_83] : memref<10240x64xf32, #tpu.memory_space<vmem_shared>> -> memref<10240x64xf32, #tpu.memory_space<vmem_shared>>
      tpu.wait_indirect_dma semaphore(%arg15 : memref<!tpu.dma_semaphore, #tpu.memory_space<semaphore_mem>>) src(%arg9 : memref<128x64xf32, #tpu.memory_space<vmem>>) dst(%dma_wait3A_84 : memref<10240x64xf32, #tpu.memory_space<vmem_shared>>)
      %dma_wait3A_85 = arith.constant 75 : i32
      %dma_wait3A_86 = arith.constant 0 : i32
      %dma_wait3A_87 = tpu.memref_slice %arg8[%dma_wait3A_85, %dma_wait3A_86] : memref<84x128xi32, #tpu.memory_space<vmem>> -> memref<1x128xi32, #tpu.memory_space<vmem>>
      %dma_wait3A_88 = tpu.memref_squeeze %dma_wait3A_87 : memref<1x128xi32, #tpu.memory_space<vmem>> -> memref<128xi32, #tpu.memory_space<vmem>>
      %dma_wait3A_89 = arith.constant 0 : i32
      %dma_wait3A_90 = arith.constant 0 : i32
      %dma_wait3A_91 = tpu.memref_slice %arg12[%dma_wait3A_89, %dma_wait3A_90] : memref<10240x64xf32, #tpu.memory_space<vmem_shared>> -> memref<10240x64xf32, #tpu.memory_space<vmem_shared>>
      tpu.wait_indirect_dma semaphore(%arg16 : memref<!tpu.dma_semaphore, #tpu.memory_space<semaphore_mem>>) src(%arg10 : memref<128x64xf32, #tpu.memory_space<vmem>>) dst(%dma_wait3A_91 : memref<10240x64xf32, #tpu.memory_space<vmem_shared>>)
    } else {
    }
    %barrier3A = arith.constant 0 : index
    tpu.barrier barrier_id(%barrier3A)
    "tpu.region"() ({
      %run_scoped3A = tpu.sem_alloc : memref<!tpu.dma_semaphore, #tpu.memory_space<semaphore_mem>>
      %dma_start3A_15 = arith.constant 0 : i32
      %dma_start3A_16 = tpu.memref_slice %arg6[%arg0, %mul3A_0, %dma_start3A_15] : memref<2x10240x64xf32, #tpu.memory_space<hbm>> -> memref<1x640x64xf32, #tpu.memory_space<hbm>>
      %dma_start3A_17 = tpu.memref_squeeze %dma_start3A_16 : memref<1x640x64xf32, #tpu.memory_space<hbm>> -> memref<640x64xf32, #tpu.memory_space<hbm>>
      %dma_start3A_18 = arith.constant 0 : i32
      %dma_start3A_19 = tpu.memref_slice %arg12[%mul3A_0, %dma_start3A_18] : memref<10240x64xf32, #tpu.memory_space<vmem_shared>> -> memref<640x64xf32, #tpu.memory_space<vmem_shared>>
      tpu.enqueue_dma source(%dma_start3A_19 : memref<640x64xf32, #tpu.memory_space<vmem_shared>>) target(%dma_start3A_17 : memref<640x64xf32, #tpu.memory_space<hbm>>) target_semaphore(%run_scoped3A : memref<!tpu.dma_semaphore, #tpu.memory_space<semaphore_mem>>)
      %dma_wait3A = arith.constant 0 : i32
      %dma_wait3A_20 = tpu.memref_slice %arg6[%arg0, %mul3A_0, %dma_wait3A] : memref<2x10240x64xf32, #tpu.memory_space<hbm>> -> memref<1x640x64xf32, #tpu.memory_space<hbm>>
      %dma_wait3A_21 = tpu.memref_squeeze %dma_wait3A_20 : memref<1x640x64xf32, #tpu.memory_space<hbm>> -> memref<640x64xf32, #tpu.memory_space<hbm>>
      %dma_wait3A_22 = arith.constant 0 : i32
      %dma_wait3A_23 = tpu.memref_slice %arg12[%mul3A_0, %dma_wait3A_22] : memref<10240x64xf32, #tpu.memory_space<vmem_shared>> -> memref<640x64xf32, #tpu.memory_space<vmem_shared>>
      tpu.wait_dma2 semaphore(%run_scoped3A : memref<!tpu.dma_semaphore, #tpu.memory_space<semaphore_mem>>) src(%dma_wait3A_23 : memref<640x64xf32, #tpu.memory_space<vmem_shared>>) dst(%dma_wait3A_21 : memref<640x64xf32, #tpu.memory_space<hbm>>)
      tpu.yield
    }) : () -> ()
    return
  }
}

#map = affine_map<(d0, d1) -> (0, 0)>
#map1 = affine_map<(d0, d1) -> (0, 0, 0)>
module attributes {stable_mosaic.version = 14 : i64} {
  func.func @_agg_body(%arg0: i32, %arg1: i32, %arg2: memref<10240x64xf32, #tpu.memory_space<hbm>>, %arg3: memref<2560x128xi32, #tpu.memory_space<hbm>>, %arg4: memref<2560x128xi32, #tpu.memory_space<hbm>>, %arg5: memref<10240x64xf32, #tpu.memory_space<hbm>>, %arg6: memref<2x10240x64xf32, #tpu.memory_space<hbm>>, %arg7: memref<84x128xi32, #tpu.memory_space<vmem>>, %arg8: memref<84x128xi32, #tpu.memory_space<vmem>>, %arg9: memref<128x64xf32, #tpu.memory_space<vmem>>, %arg10: memref<128x64xf32, #tpu.memory_space<vmem>>, %arg11: memref<10240x64xf32, #tpu.memory_space<vmem_shared>>, %arg12: memref<10240x64xf32, #tpu.memory_space<vmem_shared>>, %arg13: memref<!tpu.dma_semaphore, #tpu.memory_space<semaphore_mem>>, %arg14: memref<!tpu.dma_semaphore, #tpu.memory_space<semaphore_mem>>, %arg15: memref<!tpu.dma_semaphore, #tpu.memory_space<semaphore_mem>>, %arg16: memref<!tpu.dma_semaphore, #tpu.memory_space<semaphore_mem>>, %arg17: memref<!tpu.dma_semaphore, #tpu.memory_space<semaphore_mem>>) attributes {dimension_semantics = [#tpu.dimension_semantics<core_parallel>, #tpu.dimension_semantics<subcore_parallel>], iteration_bounds = array<i64: 2, 16>, scalar_prefetch = 0 : i64, scratch_operands = 11 : i64, tpu.core_type = #tpu.core_type<sc_vector_subcore>, window_params = [{transform_indices = #map}, {transform_indices = #map}, {transform_indices = #map}, {transform_indices = #map}, {transform_indices = #map1}]} {
    %mul3A = arith.constant 640 : i32
    %mul3A_0 = arith.muli %arg1, %mul3A : i32
    %dma_start3A = arith.constant 0 : i32
    %dma_start3A_1 = tpu.memref_slice %arg11[%mul3A_0, %dma_start3A] : memref<10240x64xf32, #tpu.memory_space<vmem_shared>> -> memref<640x64xf32, #tpu.memory_space<vmem_shared>>
    %dma_start3A_2 = arith.constant 0 : i32
    %dma_start3A_3 = tpu.memref_slice %arg2[%mul3A_0, %dma_start3A_2] : memref<10240x64xf32, #tpu.memory_space<hbm>> -> memref<640x64xf32, #tpu.memory_space<hbm>>
    tpu.enqueue_dma source(%dma_start3A_3 : memref<640x64xf32, #tpu.memory_space<hbm>>) target(%dma_start3A_1 : memref<640x64xf32, #tpu.memory_space<vmem_shared>>) target_semaphore(%arg17 : memref<!tpu.dma_semaphore, #tpu.memory_space<semaphore_mem>>)
    %dma_start3A_4 = arith.constant 0 : i32
    %dma_start3A_5 = tpu.memref_slice %arg12[%mul3A_0, %dma_start3A_4] : memref<10240x64xf32, #tpu.memory_space<vmem_shared>> -> memref<640x64xf32, #tpu.memory_space<vmem_shared>>
    %dma_start3A_6 = arith.constant 0 : i32
    %dma_start3A_7 = tpu.memref_slice %arg5[%mul3A_0, %dma_start3A_6] : memref<10240x64xf32, #tpu.memory_space<hbm>> -> memref<640x64xf32, #tpu.memory_space<hbm>>
    tpu.enqueue_dma source(%dma_start3A_7 : memref<640x64xf32, #tpu.memory_space<hbm>>) target(%dma_start3A_5 : memref<640x64xf32, #tpu.memory_space<vmem_shared>>) target_semaphore(%arg17 : memref<!tpu.dma_semaphore, #tpu.memory_space<semaphore_mem>>)
    %eq3A = arith.constant 0 : i32
    %eq3A_8 = arith.cmpi eq, %arg0, %eq3A : i32
    %convert_element_type3A = arith.extui %eq3A_8 : i1 to i32
    %cond3A = arith.constant 0 : i32
    %cond3A_9 = arith.cmpi ne, %convert_element_type3A, %cond3A : i32
    scf.if %cond3A_9 {
      %mul3A_15 = arith.constant 84 : i32
      %mul3A_16 = arith.muli %arg1, %mul3A_15 : i32
      %dma_start3A_17 = arith.constant 0 : i32
      %dma_start3A_18 = arith.constant 0 : i32
      %dma_start3A_19 = tpu.memref_slice %arg7[%dma_start3A_17, %dma_start3A_18] : memref<84x128xi32, #tpu.memory_space<vmem>> -> memref<84x128xi32, #tpu.memory_space<vmem>>
      %dma_start3A_20 = arith.constant 0 : i32
      %dma_start3A_21 = tpu.memref_slice %arg3[%mul3A_16, %dma_start3A_20] : memref<2560x128xi32, #tpu.memory_space<hbm>> -> memref<84x128xi32, #tpu.memory_space<hbm>>
      %dma_start3A_22 = arith.constant 0 : i32
      %dma_start3A_23 = arith.constant 0 : i32
      %dma_start3A_24 = tpu.memref_slice %arg7[%dma_start3A_22, %dma_start3A_23] : memref<84x128xi32, #tpu.memory_space<vmem>> -> memref<84x128xi32, #tpu.memory_space<vmem>>
      %dma_start3A_25 = arith.constant 0 : i32
      %dma_start3A_26 = tpu.memref_slice %arg3[%mul3A_16, %dma_start3A_25] : memref<2560x128xi32, #tpu.memory_space<hbm>> -> memref<84x128xi32, #tpu.memory_space<hbm>>
      tpu.enqueue_dma source(%dma_start3A_26 : memref<84x128xi32, #tpu.memory_space<hbm>>) target(%dma_start3A_24 : memref<84x128xi32, #tpu.memory_space<vmem>>) target_semaphore(%arg17 : memref<!tpu.dma_semaphore, #tpu.memory_space<semaphore_mem>>)
      %dma_start3A_27 = arith.constant 0 : i32
      %dma_start3A_28 = arith.constant 0 : i32
      %dma_start3A_29 = tpu.memref_slice %arg8[%dma_start3A_27, %dma_start3A_28] : memref<84x128xi32, #tpu.memory_space<vmem>> -> memref<84x128xi32, #tpu.memory_space<vmem>>
      %dma_start3A_30 = arith.constant 0 : i32
      %dma_start3A_31 = tpu.memref_slice %arg4[%mul3A_16, %dma_start3A_30] : memref<2560x128xi32, #tpu.memory_space<hbm>> -> memref<84x128xi32, #tpu.memory_space<hbm>>
      %dma_start3A_32 = arith.constant 0 : i32
      %dma_start3A_33 = arith.constant 0 : i32
      %dma_start3A_34 = tpu.memref_slice %arg8[%dma_start3A_32, %dma_start3A_33] : memref<84x128xi32, #tpu.memory_space<vmem>> -> memref<84x128xi32, #tpu.memory_space<vmem>>
      %dma_start3A_35 = arith.constant 0 : i32
      %dma_start3A_36 = tpu.memref_slice %arg4[%mul3A_16, %dma_start3A_35] : memref<2560x128xi32, #tpu.memory_space<hbm>> -> memref<84x128xi32, #tpu.memory_space<hbm>>
      tpu.enqueue_dma source(%dma_start3A_36 : memref<84x128xi32, #tpu.memory_space<hbm>>) target(%dma_start3A_34 : memref<84x128xi32, #tpu.memory_space<vmem>>) target_semaphore(%arg17 : memref<!tpu.dma_semaphore, #tpu.memory_space<semaphore_mem>>)
      %dma_wait3A = arith.constant 0 : i32
      %dma_wait3A_37 = tpu.memref_slice %arg11[%mul3A_0, %dma_wait3A] : memref<10240x64xf32, #tpu.memory_space<vmem_shared>> -> memref<640x64xf32, #tpu.memory_space<vmem_shared>>
      %dma_wait3A_38 = arith.constant 0 : i32
      %dma_wait3A_39 = tpu.memref_slice %arg2[%mul3A_0, %dma_wait3A_38] : memref<10240x64xf32, #tpu.memory_space<hbm>> -> memref<640x64xf32, #tpu.memory_space<hbm>>
      tpu.wait_dma2 semaphore(%arg17 : memref<!tpu.dma_semaphore, #tpu.memory_space<semaphore_mem>>) src(%dma_wait3A_39 : memref<640x64xf32, #tpu.memory_space<hbm>>) dst(%dma_wait3A_37 : memref<640x64xf32, #tpu.memory_space<vmem_shared>>)
      %dma_wait3A_40 = arith.constant 0 : i32
      %dma_wait3A_41 = tpu.memref_slice %arg12[%mul3A_0, %dma_wait3A_40] : memref<10240x64xf32, #tpu.memory_space<vmem_shared>> -> memref<640x64xf32, #tpu.memory_space<vmem_shared>>
      %dma_wait3A_42 = arith.constant 0 : i32
      %dma_wait3A_43 = tpu.memref_slice %arg5[%mul3A_0, %dma_wait3A_42] : memref<10240x64xf32, #tpu.memory_space<hbm>> -> memref<640x64xf32, #tpu.memory_space<hbm>>
      tpu.wait_dma2 semaphore(%arg17 : memref<!tpu.dma_semaphore, #tpu.memory_space<semaphore_mem>>) src(%dma_wait3A_43 : memref<640x64xf32, #tpu.memory_space<hbm>>) dst(%dma_wait3A_41 : memref<640x64xf32, #tpu.memory_space<vmem_shared>>)
      %dma_wait3A_44 = arith.constant 0 : i32
      %dma_wait3A_45 = arith.constant 0 : i32
      %dma_wait3A_46 = tpu.memref_slice %arg7[%dma_wait3A_44, %dma_wait3A_45] : memref<84x128xi32, #tpu.memory_space<vmem>> -> memref<84x128xi32, #tpu.memory_space<vmem>>
      %dma_wait3A_47 = arith.constant 0 : i32
      %dma_wait3A_48 = tpu.memref_slice %arg3[%mul3A_16, %dma_wait3A_47] : memref<2560x128xi32, #tpu.memory_space<hbm>> -> memref<84x128xi32, #tpu.memory_space<hbm>>
      %dma_wait3A_49 = arith.constant 0 : i32
      %dma_wait3A_50 = arith.constant 0 : i32
      %dma_wait3A_51 = tpu.memref_slice %arg7[%dma_wait3A_49, %dma_wait3A_50] : memref<84x128xi32, #tpu.memory_space<vmem>> -> memref<84x128xi32, #tpu.memory_space<vmem>>
      %dma_wait3A_52 = arith.constant 0 : i32
      %dma_wait3A_53 = tpu.memref_slice %arg3[%mul3A_16, %dma_wait3A_52] : memref<2560x128xi32, #tpu.memory_space<hbm>> -> memref<84x128xi32, #tpu.memory_space<hbm>>
      tpu.wait_dma2 semaphore(%arg17 : memref<!tpu.dma_semaphore, #tpu.memory_space<semaphore_mem>>) src(%dma_wait3A_53 : memref<84x128xi32, #tpu.memory_space<hbm>>) dst(%dma_wait3A_51 : memref<84x128xi32, #tpu.memory_space<vmem>>)
      %dma_wait3A_54 = arith.constant 0 : i32
      %dma_wait3A_55 = arith.constant 0 : i32
      %dma_wait3A_56 = tpu.memref_slice %arg8[%dma_wait3A_54, %dma_wait3A_55] : memref<84x128xi32, #tpu.memory_space<vmem>> -> memref<84x128xi32, #tpu.memory_space<vmem>>
      %dma_wait3A_57 = arith.constant 0 : i32
      %dma_wait3A_58 = tpu.memref_slice %arg4[%mul3A_16, %dma_wait3A_57] : memref<2560x128xi32, #tpu.memory_space<hbm>> -> memref<84x128xi32, #tpu.memory_space<hbm>>
      %dma_wait3A_59 = arith.constant 0 : i32
      %dma_wait3A_60 = arith.constant 0 : i32
      %dma_wait3A_61 = tpu.memref_slice %arg8[%dma_wait3A_59, %dma_wait3A_60] : memref<84x128xi32, #tpu.memory_space<vmem>> -> memref<84x128xi32, #tpu.memory_space<vmem>>
      %dma_wait3A_62 = arith.constant 0 : i32
      %dma_wait3A_63 = tpu.memref_slice %arg4[%mul3A_16, %dma_wait3A_62] : memref<2560x128xi32, #tpu.memory_space<hbm>> -> memref<84x128xi32, #tpu.memory_space<hbm>>
      tpu.wait_dma2 semaphore(%arg17 : memref<!tpu.dma_semaphore, #tpu.memory_space<semaphore_mem>>) src(%dma_wait3A_63 : memref<84x128xi32, #tpu.memory_space<hbm>>) dst(%dma_wait3A_61 : memref<84x128xi32, #tpu.memory_space<vmem>>)
      %barrier3A_64 = arith.constant 0 : index
      tpu.barrier barrier_id(%barrier3A_64)
      %dma_start3A_65 = arith.constant 0 : i32
      %dma_start3A_66 = arith.constant 0 : i32
      %dma_start3A_67 = tpu.memref_slice %arg7[%dma_start3A_65, %dma_start3A_66] : memref<84x128xi32, #tpu.memory_space<vmem>> -> memref<1x128xi32, #tpu.memory_space<vmem>>
      %dma_start3A_68 = tpu.memref_squeeze %dma_start3A_67 : memref<1x128xi32, #tpu.memory_space<vmem>> -> memref<128xi32, #tpu.memory_space<vmem>>
      %dma_start3A_69 = arith.constant 0 : i32
      %dma_start3A_70 = arith.constant 0 : i32
      %dma_start3A_71 = tpu.memref_slice %arg11[%dma_start3A_69, %dma_start3A_70] : memref<10240x64xf32, #tpu.memory_space<vmem_shared>> -> memref<10240x64xf32, #tpu.memory_space<vmem_shared>>
      tpu.enqueue_indirect_dma source(%dma_start3A_71 : memref<10240x64xf32, #tpu.memory_space<vmem_shared>>) target(%arg9 : memref<128x64xf32, #tpu.memory_space<vmem>>) offsets(%dma_start3A_68 : memref<128xi32, #tpu.memory_space<vmem>>) semaphore(%arg13 : memref<!tpu.dma_semaphore, #tpu.memory_space<semaphore_mem>>)
      %scan3A = arith.constant 0 : i32
      %scan3A_72 = arith.constant 0 : i32
      %scan3A_73 = arith.constant 42 : i32
      %scan3A_74 = arith.addi %scan3A_72, %scan3A_73 : i32
      %scan3A_75 = arith.constant 1 : i32
      scf.for %scan3A_91 = %scan3A_72 to %scan3A_74 step %scan3A_75  : i32 {
        %mul3A_92 = arith.constant 2 : i32
        %mul3A_93 = arith.muli %mul3A_92, %scan3A_91 : i32
        %add3A = arith.constant 0 : i32
        %add3A_94 = arith.addi %mul3A_93, %add3A : i32
        %dma_wait3A_95 = arith.constant 0 : i32
        %dma_wait3A_96 = tpu.memref_slice %arg7[%add3A_94, %dma_wait3A_95] : memref<84x128xi32, #tpu.memory_space<vmem>> -> memref<1x128xi32, #tpu.memory_space<vmem>>
        %dma_wait3A_97 = tpu.memref_squeeze %dma_wait3A_96 : memref<1x128xi32, #tpu.memory_space<vmem>> -> memref<128xi32, #tpu.memory_space<vmem>>
        %dma_wait3A_98 = arith.constant 0 : i32
        %dma_wait3A_99 = arith.constant 0 : i32
        %dma_wait3A_100 = tpu.memref_slice %arg11[%dma_wait3A_98, %dma_wait3A_99] : memref<10240x64xf32, #tpu.memory_space<vmem_shared>> -> memref<10240x64xf32, #tpu.memory_space<vmem_shared>>
        tpu.wait_indirect_dma semaphore(%arg13 : memref<!tpu.dma_semaphore, #tpu.memory_space<semaphore_mem>>) src(%dma_wait3A_100 : memref<10240x64xf32, #tpu.memory_space<vmem_shared>>) dst(%arg9 : memref<128x64xf32, #tpu.memory_space<vmem>>)
        %dma_start3A_101 = arith.constant 0 : i32
        %dma_start3A_102 = tpu.memref_slice %arg8[%add3A_94, %dma_start3A_101] : memref<84x128xi32, #tpu.memory_space<vmem>> -> memref<1x128xi32, #tpu.memory_space<vmem>>
        %dma_start3A_103 = tpu.memref_squeeze %dma_start3A_102 : memref<1x128xi32, #tpu.memory_space<vmem>> -> memref<128xi32, #tpu.memory_space<vmem>>
        %dma_start3A_104 = arith.constant 0 : i32
        %dma_start3A_105 = arith.constant 0 : i32
        %dma_start3A_106 = tpu.memref_slice %arg12[%dma_start3A_104, %dma_start3A_105] : memref<10240x64xf32, #tpu.memory_space<vmem_shared>> -> memref<10240x64xf32, #tpu.memory_space<vmem_shared>>
        tpu.enqueue_indirect_dma source(%arg9 : memref<128x64xf32, #tpu.memory_space<vmem>>) target(%dma_start3A_106 : memref<10240x64xf32, #tpu.memory_space<vmem_shared>>) offsets(%dma_start3A_103 : memref<128xi32, #tpu.memory_space<vmem>>) semaphore(%arg15 : memref<!tpu.dma_semaphore, #tpu.memory_space<semaphore_mem>>) {add = true}
        %add3A_107 = arith.constant 1 : i32
        %add3A_108 = arith.addi %add3A_94, %add3A_107 : i32
        %lt3A = arith.constant 84 : i32
        %lt3A_109 = arith.cmpi slt, %add3A_108, %lt3A : i32
        %convert_element_type3A_110 = arith.extui %lt3A_109 : i1 to i32
        %cond3A_111 = arith.constant 0 : i32
        %cond3A_112 = arith.cmpi ne, %convert_element_type3A_110, %cond3A_111 : i32
        scf.if %cond3A_112 {
          %ge3A = arith.constant 2 : i32
          %ge3A_134 = arith.cmpi sge, %add3A_108, %ge3A : i32
          %convert_element_type3A_135 = arith.extui %ge3A_134 : i1 to i32
          %cond3A_136 = arith.constant 0 : i32
          %cond3A_137 = arith.cmpi ne, %convert_element_type3A_135, %cond3A_136 : i32
          scf.if %cond3A_137 {
            %sub3A = arith.constant 2 : i32
            %sub3A_144 = arith.subi %add3A_108, %sub3A : i32
            %dma_wait3A_145 = arith.constant 0 : i32
            %dma_wait3A_146 = tpu.memref_slice %arg8[%sub3A_144, %dma_wait3A_145] : memref<84x128xi32, #tpu.memory_space<vmem>> -> memref<1x128xi32, #tpu.memory_space<vmem>>
            %dma_wait3A_147 = tpu.memref_squeeze %dma_wait3A_146 : memref<1x128xi32, #tpu.memory_space<vmem>> -> memref<128xi32, #tpu.memory_space<vmem>>
            %dma_wait3A_148 = arith.constant 0 : i32
            %dma_wait3A_149 = arith.constant 0 : i32
            %dma_wait3A_150 = tpu.memref_slice %arg12[%dma_wait3A_148, %dma_wait3A_149] : memref<10240x64xf32, #tpu.memory_space<vmem_shared>> -> memref<10240x64xf32, #tpu.memory_space<vmem_shared>>
            tpu.wait_indirect_dma semaphore(%arg16 : memref<!tpu.dma_semaphore, #tpu.memory_space<semaphore_mem>>) src(%arg10 : memref<128x64xf32, #tpu.memory_space<vmem>>) dst(%dma_wait3A_150 : memref<10240x64xf32, #tpu.memory_space<vmem_shared>>)
          } else {
          }
          %dma_start3A_138 = arith.constant 0 : i32
          %dma_start3A_139 = tpu.memref_slice %arg7[%add3A_108, %dma_start3A_138] : memref<84x128xi32, #tpu.memory_space<vmem>> -> memref<1x128xi32, #tpu.memory_space<vmem>>
          %dma_start3A_140 = tpu.memref_squeeze %dma_start3A_139 : memref<1x128xi32, #tpu.memory_space<vmem>> -> memref<128xi32, #tpu.memory_space<vmem>>
          %dma_start3A_141 = arith.constant 0 : i32
          %dma_start3A_142 = arith.constant 0 : i32
          %dma_start3A_143 = tpu.memref_slice %arg11[%dma_start3A_141, %dma_start3A_142] : memref<10240x64xf32, #tpu.memory_space<vmem_shared>> -> memref<10240x64xf32, #tpu.memory_space<vmem_shared>>
          tpu.enqueue_indirect_dma source(%dma_start3A_143 : memref<10240x64xf32, #tpu.memory_space<vmem_shared>>) target(%arg10 : memref<128x64xf32, #tpu.memory_space<vmem>>) offsets(%dma_start3A_140 : memref<128xi32, #tpu.memory_space<vmem>>) semaphore(%arg14 : memref<!tpu.dma_semaphore, #tpu.memory_space<semaphore_mem>>)
        } else {
        }
        %add3A_113 = arith.constant 1 : i32
        %add3A_114 = arith.addi %mul3A_93, %add3A_113 : i32
        %dma_wait3A_115 = arith.constant 0 : i32
        %dma_wait3A_116 = tpu.memref_slice %arg7[%add3A_114, %dma_wait3A_115] : memref<84x128xi32, #tpu.memory_space<vmem>> -> memref<1x128xi32, #tpu.memory_space<vmem>>
        %dma_wait3A_117 = tpu.memref_squeeze %dma_wait3A_116 : memref<1x128xi32, #tpu.memory_space<vmem>> -> memref<128xi32, #tpu.memory_space<vmem>>
        %dma_wait3A_118 = arith.constant 0 : i32
        %dma_wait3A_119 = arith.constant 0 : i32
        %dma_wait3A_120 = tpu.memref_slice %arg11[%dma_wait3A_118, %dma_wait3A_119] : memref<10240x64xf32, #tpu.memory_space<vmem_shared>> -> memref<10240x64xf32, #tpu.memory_space<vmem_shared>>
        tpu.wait_indirect_dma semaphore(%arg14 : memref<!tpu.dma_semaphore, #tpu.memory_space<semaphore_mem>>) src(%dma_wait3A_120 : memref<10240x64xf32, #tpu.memory_space<vmem_shared>>) dst(%arg10 : memref<128x64xf32, #tpu.memory_space<vmem>>)
        %dma_start3A_121 = arith.constant 0 : i32
        %dma_start3A_122 = tpu.memref_slice %arg8[%add3A_114, %dma_start3A_121] : memref<84x128xi32, #tpu.memory_space<vmem>> -> memref<1x128xi32, #tpu.memory_space<vmem>>
        %dma_start3A_123 = tpu.memref_squeeze %dma_start3A_122 : memref<1x128xi32, #tpu.memory_space<vmem>> -> memref<128xi32, #tpu.memory_space<vmem>>
        %dma_start3A_124 = arith.constant 0 : i32
        %dma_start3A_125 = arith.constant 0 : i32
        %dma_start3A_126 = tpu.memref_slice %arg12[%dma_start3A_124, %dma_start3A_125] : memref<10240x64xf32, #tpu.memory_space<vmem_shared>> -> memref<10240x64xf32, #tpu.memory_space<vmem_shared>>
        tpu.enqueue_indirect_dma source(%arg10 : memref<128x64xf32, #tpu.memory_space<vmem>>) target(%dma_start3A_126 : memref<10240x64xf32, #tpu.memory_space<vmem_shared>>) offsets(%dma_start3A_123 : memref<128xi32, #tpu.memory_space<vmem>>) semaphore(%arg16 : memref<!tpu.dma_semaphore, #tpu.memory_space<semaphore_mem>>) {add = true}
        %add3A_127 = arith.constant 1 : i32
        %add3A_128 = arith.addi %add3A_114, %add3A_127 : i32
        %lt3A_129 = arith.constant 84 : i32
        %lt3A_130 = arith.cmpi slt, %add3A_128, %lt3A_129 : i32
        %convert_element_type3A_131 = arith.extui %lt3A_130 : i1 to i32
        %cond3A_132 = arith.constant 0 : i32
        %cond3A_133 = arith.cmpi ne, %convert_element_type3A_131, %cond3A_132 : i32
        scf.if %cond3A_133 {
          %ge3A = arith.constant 2 : i32
          %ge3A_134 = arith.cmpi sge, %add3A_128, %ge3A : i32
          %convert_element_type3A_135 = arith.extui %ge3A_134 : i1 to i32
          %cond3A_136 = arith.constant 0 : i32
          %cond3A_137 = arith.cmpi ne, %convert_element_type3A_135, %cond3A_136 : i32
          scf.if %cond3A_137 {
            %sub3A = arith.constant 2 : i32
            %sub3A_144 = arith.subi %add3A_128, %sub3A : i32
            %dma_wait3A_145 = arith.constant 0 : i32
            %dma_wait3A_146 = tpu.memref_slice %arg8[%sub3A_144, %dma_wait3A_145] : memref<84x128xi32, #tpu.memory_space<vmem>> -> memref<1x128xi32, #tpu.memory_space<vmem>>
            %dma_wait3A_147 = tpu.memref_squeeze %dma_wait3A_146 : memref<1x128xi32, #tpu.memory_space<vmem>> -> memref<128xi32, #tpu.memory_space<vmem>>
            %dma_wait3A_148 = arith.constant 0 : i32
            %dma_wait3A_149 = arith.constant 0 : i32
            %dma_wait3A_150 = tpu.memref_slice %arg12[%dma_wait3A_148, %dma_wait3A_149] : memref<10240x64xf32, #tpu.memory_space<vmem_shared>> -> memref<10240x64xf32, #tpu.memory_space<vmem_shared>>
            tpu.wait_indirect_dma semaphore(%arg15 : memref<!tpu.dma_semaphore, #tpu.memory_space<semaphore_mem>>) src(%arg9 : memref<128x64xf32, #tpu.memory_space<vmem>>) dst(%dma_wait3A_150 : memref<10240x64xf32, #tpu.memory_space<vmem_shared>>)
          } else {
          }
          %dma_start3A_138 = arith.constant 0 : i32
          %dma_start3A_139 = tpu.memref_slice %arg7[%add3A_128, %dma_start3A_138] : memref<84x128xi32, #tpu.memory_space<vmem>> -> memref<1x128xi32, #tpu.memory_space<vmem>>
          %dma_start3A_140 = tpu.memref_squeeze %dma_start3A_139 : memref<1x128xi32, #tpu.memory_space<vmem>> -> memref<128xi32, #tpu.memory_space<vmem>>
          %dma_start3A_141 = arith.constant 0 : i32
          %dma_start3A_142 = arith.constant 0 : i32
          %dma_start3A_143 = tpu.memref_slice %arg11[%dma_start3A_141, %dma_start3A_142] : memref<10240x64xf32, #tpu.memory_space<vmem_shared>> -> memref<10240x64xf32, #tpu.memory_space<vmem_shared>>
          tpu.enqueue_indirect_dma source(%dma_start3A_143 : memref<10240x64xf32, #tpu.memory_space<vmem_shared>>) target(%arg9 : memref<128x64xf32, #tpu.memory_space<vmem>>) offsets(%dma_start3A_140 : memref<128xi32, #tpu.memory_space<vmem>>) semaphore(%arg13 : memref<!tpu.dma_semaphore, #tpu.memory_space<semaphore_mem>>)
        } else {
        }
      }
      %scan3A_76 = arith.constant 42 : i32
      %dma_wait3A_77 = arith.constant 82 : i32
      %dma_wait3A_78 = arith.constant 0 : i32
      %dma_wait3A_79 = tpu.memref_slice %arg8[%dma_wait3A_77, %dma_wait3A_78] : memref<84x128xi32, #tpu.memory_space<vmem>> -> memref<1x128xi32, #tpu.memory_space<vmem>>
      %dma_wait3A_80 = tpu.memref_squeeze %dma_wait3A_79 : memref<1x128xi32, #tpu.memory_space<vmem>> -> memref<128xi32, #tpu.memory_space<vmem>>
      %dma_wait3A_81 = arith.constant 0 : i32
      %dma_wait3A_82 = arith.constant 0 : i32
      %dma_wait3A_83 = tpu.memref_slice %arg12[%dma_wait3A_81, %dma_wait3A_82] : memref<10240x64xf32, #tpu.memory_space<vmem_shared>> -> memref<10240x64xf32, #tpu.memory_space<vmem_shared>>
      tpu.wait_indirect_dma semaphore(%arg15 : memref<!tpu.dma_semaphore, #tpu.memory_space<semaphore_mem>>) src(%arg9 : memref<128x64xf32, #tpu.memory_space<vmem>>) dst(%dma_wait3A_83 : memref<10240x64xf32, #tpu.memory_space<vmem_shared>>)
      %dma_wait3A_84 = arith.constant 83 : i32
      %dma_wait3A_85 = arith.constant 0 : i32
      %dma_wait3A_86 = tpu.memref_slice %arg8[%dma_wait3A_84, %dma_wait3A_85] : memref<84x128xi32, #tpu.memory_space<vmem>> -> memref<1x128xi32, #tpu.memory_space<vmem>>
      %dma_wait3A_87 = tpu.memref_squeeze %dma_wait3A_86 : memref<1x128xi32, #tpu.memory_space<vmem>> -> memref<128xi32, #tpu.memory_space<vmem>>
      %dma_wait3A_88 = arith.constant 0 : i32
      %dma_wait3A_89 = arith.constant 0 : i32
      %dma_wait3A_90 = tpu.memref_slice %arg12[%dma_wait3A_88, %dma_wait3A_89] : memref<10240x64xf32, #tpu.memory_space<vmem_shared>> -> memref<10240x64xf32, #tpu.memory_space<vmem_shared>>
      tpu.wait_indirect_dma semaphore(%arg16 : memref<!tpu.dma_semaphore, #tpu.memory_space<semaphore_mem>>) src(%arg10 : memref<128x64xf32, #tpu.memory_space<vmem>>) dst(%dma_wait3A_90 : memref<10240x64xf32, #tpu.memory_space<vmem_shared>>)
    } else {
    }
    %eq3A_10 = arith.constant 1 : i32
    %eq3A_11 = arith.cmpi eq, %arg0, %eq3A_10 : i32
    %convert_element_type3A_12 = arith.extui %eq3A_11 : i1 to i32
    %cond3A_13 = arith.constant 0 : i32
    %cond3A_14 = arith.cmpi ne, %convert_element_type3A_12, %cond3A_13 : i32
    scf.if %cond3A_14 {
      %mul3A_15 = arith.constant 76 : i32
      %mul3A_16 = arith.muli %arg1, %mul3A_15 : i32
      %add3A = arith.constant 1344 : i32
      %add3A_17 = arith.addi %add3A, %mul3A_16 : i32
      %dma_start3A_18 = arith.constant 0 : i32
      %dma_start3A_19 = arith.constant 0 : i32
      %dma_start3A_20 = tpu.memref_slice %arg7[%dma_start3A_18, %dma_start3A_19] : memref<84x128xi32, #tpu.memory_space<vmem>> -> memref<76x128xi32, #tpu.memory_space<vmem>>
      %dma_start3A_21 = arith.constant 0 : i32
      %dma_start3A_22 = tpu.memref_slice %arg3[%add3A_17, %dma_start3A_21] : memref<2560x128xi32, #tpu.memory_space<hbm>> -> memref<76x128xi32, #tpu.memory_space<hbm>>
      %dma_start3A_23 = arith.constant 0 : i32
      %dma_start3A_24 = arith.constant 0 : i32
      %dma_start3A_25 = tpu.memref_slice %arg7[%dma_start3A_23, %dma_start3A_24] : memref<84x128xi32, #tpu.memory_space<vmem>> -> memref<76x128xi32, #tpu.memory_space<vmem>>
      %dma_start3A_26 = arith.constant 0 : i32
      %dma_start3A_27 = tpu.memref_slice %arg3[%add3A_17, %dma_start3A_26] : memref<2560x128xi32, #tpu.memory_space<hbm>> -> memref<76x128xi32, #tpu.memory_space<hbm>>
      tpu.enqueue_dma source(%dma_start3A_27 : memref<76x128xi32, #tpu.memory_space<hbm>>) target(%dma_start3A_25 : memref<76x128xi32, #tpu.memory_space<vmem>>) target_semaphore(%arg17 : memref<!tpu.dma_semaphore, #tpu.memory_space<semaphore_mem>>)
      %dma_start3A_28 = arith.constant 0 : i32
      %dma_start3A_29 = arith.constant 0 : i32
      %dma_start3A_30 = tpu.memref_slice %arg8[%dma_start3A_28, %dma_start3A_29] : memref<84x128xi32, #tpu.memory_space<vmem>> -> memref<76x128xi32, #tpu.memory_space<vmem>>
      %dma_start3A_31 = arith.constant 0 : i32
      %dma_start3A_32 = tpu.memref_slice %arg4[%add3A_17, %dma_start3A_31] : memref<2560x128xi32, #tpu.memory_space<hbm>> -> memref<76x128xi32, #tpu.memory_space<hbm>>
      %dma_start3A_33 = arith.constant 0 : i32
      %dma_start3A_34 = arith.constant 0 : i32
      %dma_start3A_35 = tpu.memref_slice %arg8[%dma_start3A_33, %dma_start3A_34] : memref<84x128xi32, #tpu.memory_space<vmem>> -> memref<76x128xi32, #tpu.memory_space<vmem>>
      %dma_start3A_36 = arith.constant 0 : i32
      %dma_start3A_37 = tpu.memref_slice %arg4[%add3A_17, %dma_start3A_36] : memref<2560x128xi32, #tpu.memory_space<hbm>> -> memref<76x128xi32, #tpu.memory_space<hbm>>
      tpu.enqueue_dma source(%dma_start3A_37 : memref<76x128xi32, #tpu.memory_space<hbm>>) target(%dma_start3A_35 : memref<76x128xi32, #tpu.memory_space<vmem>>) target_semaphore(%arg17 : memref<!tpu.dma_semaphore, #tpu.memory_space<semaphore_mem>>)
      %dma_wait3A = arith.constant 0 : i32
      %dma_wait3A_38 = tpu.memref_slice %arg11[%mul3A_0, %dma_wait3A] : memref<10240x64xf32, #tpu.memory_space<vmem_shared>> -> memref<640x64xf32, #tpu.memory_space<vmem_shared>>
      %dma_wait3A_39 = arith.constant 0 : i32
      %dma_wait3A_40 = tpu.memref_slice %arg2[%mul3A_0, %dma_wait3A_39] : memref<10240x64xf32, #tpu.memory_space<hbm>> -> memref<640x64xf32, #tpu.memory_space<hbm>>
      tpu.wait_dma2 semaphore(%arg17 : memref<!tpu.dma_semaphore, #tpu.memory_space<semaphore_mem>>) src(%dma_wait3A_40 : memref<640x64xf32, #tpu.memory_space<hbm>>) dst(%dma_wait3A_38 : memref<640x64xf32, #tpu.memory_space<vmem_shared>>)
      %dma_wait3A_41 = arith.constant 0 : i32
      %dma_wait3A_42 = tpu.memref_slice %arg12[%mul3A_0, %dma_wait3A_41] : memref<10240x64xf32, #tpu.memory_space<vmem_shared>> -> memref<640x64xf32, #tpu.memory_space<vmem_shared>>
      %dma_wait3A_43 = arith.constant 0 : i32
      %dma_wait3A_44 = tpu.memref_slice %arg5[%mul3A_0, %dma_wait3A_43] : memref<10240x64xf32, #tpu.memory_space<hbm>> -> memref<640x64xf32, #tpu.memory_space<hbm>>
      tpu.wait_dma2 semaphore(%arg17 : memref<!tpu.dma_semaphore, #tpu.memory_space<semaphore_mem>>) src(%dma_wait3A_44 : memref<640x64xf32, #tpu.memory_space<hbm>>) dst(%dma_wait3A_42 : memref<640x64xf32, #tpu.memory_space<vmem_shared>>)
      %dma_wait3A_45 = arith.constant 0 : i32
      %dma_wait3A_46 = arith.constant 0 : i32
      %dma_wait3A_47 = tpu.memref_slice %arg7[%dma_wait3A_45, %dma_wait3A_46] : memref<84x128xi32, #tpu.memory_space<vmem>> -> memref<76x128xi32, #tpu.memory_space<vmem>>
      %dma_wait3A_48 = arith.constant 0 : i32
      %dma_wait3A_49 = tpu.memref_slice %arg3[%add3A_17, %dma_wait3A_48] : memref<2560x128xi32, #tpu.memory_space<hbm>> -> memref<76x128xi32, #tpu.memory_space<hbm>>
      %dma_wait3A_50 = arith.constant 0 : i32
      %dma_wait3A_51 = arith.constant 0 : i32
      %dma_wait3A_52 = tpu.memref_slice %arg7[%dma_wait3A_50, %dma_wait3A_51] : memref<84x128xi32, #tpu.memory_space<vmem>> -> memref<76x128xi32, #tpu.memory_space<vmem>>
      %dma_wait3A_53 = arith.constant 0 : i32
      %dma_wait3A_54 = tpu.memref_slice %arg3[%add3A_17, %dma_wait3A_53] : memref<2560x128xi32, #tpu.memory_space<hbm>> -> memref<76x128xi32, #tpu.memory_space<hbm>>
      tpu.wait_dma2 semaphore(%arg17 : memref<!tpu.dma_semaphore, #tpu.memory_space<semaphore_mem>>) src(%dma_wait3A_54 : memref<76x128xi32, #tpu.memory_space<hbm>>) dst(%dma_wait3A_52 : memref<76x128xi32, #tpu.memory_space<vmem>>)
      %dma_wait3A_55 = arith.constant 0 : i32
      %dma_wait3A_56 = arith.constant 0 : i32
      %dma_wait3A_57 = tpu.memref_slice %arg8[%dma_wait3A_55, %dma_wait3A_56] : memref<84x128xi32, #tpu.memory_space<vmem>> -> memref<76x128xi32, #tpu.memory_space<vmem>>
      %dma_wait3A_58 = arith.constant 0 : i32
      %dma_wait3A_59 = tpu.memref_slice %arg4[%add3A_17, %dma_wait3A_58] : memref<2560x128xi32, #tpu.memory_space<hbm>> -> memref<76x128xi32, #tpu.memory_space<hbm>>
      %dma_wait3A_60 = arith.constant 0 : i32
      %dma_wait3A_61 = arith.constant 0 : i32
      %dma_wait3A_62 = tpu.memref_slice %arg8[%dma_wait3A_60, %dma_wait3A_61] : memref<84x128xi32, #tpu.memory_space<vmem>> -> memref<76x128xi32, #tpu.memory_space<vmem>>
      %dma_wait3A_63 = arith.constant 0 : i32
      %dma_wait3A_64 = tpu.memref_slice %arg4[%add3A_17, %dma_wait3A_63] : memref<2560x128xi32, #tpu.memory_space<hbm>> -> memref<76x128xi32, #tpu.memory_space<hbm>>
      tpu.wait_dma2 semaphore(%arg17 : memref<!tpu.dma_semaphore, #tpu.memory_space<semaphore_mem>>) src(%dma_wait3A_64 : memref<76x128xi32, #tpu.memory_space<hbm>>) dst(%dma_wait3A_62 : memref<76x128xi32, #tpu.memory_space<vmem>>)
      %barrier3A_65 = arith.constant 0 : index
      tpu.barrier barrier_id(%barrier3A_65)
      %dma_start3A_66 = arith.constant 0 : i32
      %dma_start3A_67 = arith.constant 0 : i32
      %dma_start3A_68 = tpu.memref_slice %arg7[%dma_start3A_66, %dma_start3A_67] : memref<84x128xi32, #tpu.memory_space<vmem>> -> memref<1x128xi32, #tpu.memory_space<vmem>>
      %dma_start3A_69 = tpu.memref_squeeze %dma_start3A_68 : memref<1x128xi32, #tpu.memory_space<vmem>> -> memref<128xi32, #tpu.memory_space<vmem>>
      %dma_start3A_70 = arith.constant 0 : i32
      %dma_start3A_71 = arith.constant 0 : i32
      %dma_start3A_72 = tpu.memref_slice %arg11[%dma_start3A_70, %dma_start3A_71] : memref<10240x64xf32, #tpu.memory_space<vmem_shared>> -> memref<10240x64xf32, #tpu.memory_space<vmem_shared>>
      tpu.enqueue_indirect_dma source(%dma_start3A_72 : memref<10240x64xf32, #tpu.memory_space<vmem_shared>>) target(%arg9 : memref<128x64xf32, #tpu.memory_space<vmem>>) offsets(%dma_start3A_69 : memref<128xi32, #tpu.memory_space<vmem>>) semaphore(%arg13 : memref<!tpu.dma_semaphore, #tpu.memory_space<semaphore_mem>>)
      %scan3A = arith.constant 0 : i32
      %scan3A_73 = arith.constant 0 : i32
      %scan3A_74 = arith.constant 38 : i32
      %scan3A_75 = arith.addi %scan3A_73, %scan3A_74 : i32
      %scan3A_76 = arith.constant 1 : i32
      scf.for %scan3A_92 = %scan3A_73 to %scan3A_75 step %scan3A_76  : i32 {
        %mul3A_93 = arith.constant 2 : i32
        %mul3A_94 = arith.muli %mul3A_93, %scan3A_92 : i32
        %add3A_95 = arith.constant 0 : i32
        %add3A_96 = arith.addi %mul3A_94, %add3A_95 : i32
        %dma_wait3A_97 = arith.constant 0 : i32
        %dma_wait3A_98 = tpu.memref_slice %arg7[%add3A_96, %dma_wait3A_97] : memref<84x128xi32, #tpu.memory_space<vmem>> -> memref<1x128xi32, #tpu.memory_space<vmem>>
        %dma_wait3A_99 = tpu.memref_squeeze %dma_wait3A_98 : memref<1x128xi32, #tpu.memory_space<vmem>> -> memref<128xi32, #tpu.memory_space<vmem>>
        %dma_wait3A_100 = arith.constant 0 : i32
        %dma_wait3A_101 = arith.constant 0 : i32
        %dma_wait3A_102 = tpu.memref_slice %arg11[%dma_wait3A_100, %dma_wait3A_101] : memref<10240x64xf32, #tpu.memory_space<vmem_shared>> -> memref<10240x64xf32, #tpu.memory_space<vmem_shared>>
        tpu.wait_indirect_dma semaphore(%arg13 : memref<!tpu.dma_semaphore, #tpu.memory_space<semaphore_mem>>) src(%dma_wait3A_102 : memref<10240x64xf32, #tpu.memory_space<vmem_shared>>) dst(%arg9 : memref<128x64xf32, #tpu.memory_space<vmem>>)
        %dma_start3A_103 = arith.constant 0 : i32
        %dma_start3A_104 = tpu.memref_slice %arg8[%add3A_96, %dma_start3A_103] : memref<84x128xi32, #tpu.memory_space<vmem>> -> memref<1x128xi32, #tpu.memory_space<vmem>>
        %dma_start3A_105 = tpu.memref_squeeze %dma_start3A_104 : memref<1x128xi32, #tpu.memory_space<vmem>> -> memref<128xi32, #tpu.memory_space<vmem>>
        %dma_start3A_106 = arith.constant 0 : i32
        %dma_start3A_107 = arith.constant 0 : i32
        %dma_start3A_108 = tpu.memref_slice %arg12[%dma_start3A_106, %dma_start3A_107] : memref<10240x64xf32, #tpu.memory_space<vmem_shared>> -> memref<10240x64xf32, #tpu.memory_space<vmem_shared>>
        tpu.enqueue_indirect_dma source(%arg9 : memref<128x64xf32, #tpu.memory_space<vmem>>) target(%dma_start3A_108 : memref<10240x64xf32, #tpu.memory_space<vmem_shared>>) offsets(%dma_start3A_105 : memref<128xi32, #tpu.memory_space<vmem>>) semaphore(%arg15 : memref<!tpu.dma_semaphore, #tpu.memory_space<semaphore_mem>>) {add = true}
        %add3A_109 = arith.constant 1 : i32
        %add3A_110 = arith.addi %add3A_96, %add3A_109 : i32
        %lt3A = arith.constant 76 : i32
        %lt3A_111 = arith.cmpi slt, %add3A_110, %lt3A : i32
        %convert_element_type3A_112 = arith.extui %lt3A_111 : i1 to i32
        %cond3A_113 = arith.constant 0 : i32
        %cond3A_114 = arith.cmpi ne, %convert_element_type3A_112, %cond3A_113 : i32
        scf.if %cond3A_114 {
          %ge3A = arith.constant 2 : i32
          %ge3A_136 = arith.cmpi sge, %add3A_110, %ge3A : i32
          %convert_element_type3A_137 = arith.extui %ge3A_136 : i1 to i32
          %cond3A_138 = arith.constant 0 : i32
          %cond3A_139 = arith.cmpi ne, %convert_element_type3A_137, %cond3A_138 : i32
          scf.if %cond3A_139 {
            %sub3A = arith.constant 2 : i32
            %sub3A_146 = arith.subi %add3A_110, %sub3A : i32
            %dma_wait3A_147 = arith.constant 0 : i32
            %dma_wait3A_148 = tpu.memref_slice %arg8[%sub3A_146, %dma_wait3A_147] : memref<84x128xi32, #tpu.memory_space<vmem>> -> memref<1x128xi32, #tpu.memory_space<vmem>>
            %dma_wait3A_149 = tpu.memref_squeeze %dma_wait3A_148 : memref<1x128xi32, #tpu.memory_space<vmem>> -> memref<128xi32, #tpu.memory_space<vmem>>
            %dma_wait3A_150 = arith.constant 0 : i32
            %dma_wait3A_151 = arith.constant 0 : i32
            %dma_wait3A_152 = tpu.memref_slice %arg12[%dma_wait3A_150, %dma_wait3A_151] : memref<10240x64xf32, #tpu.memory_space<vmem_shared>> -> memref<10240x64xf32, #tpu.memory_space<vmem_shared>>
            tpu.wait_indirect_dma semaphore(%arg16 : memref<!tpu.dma_semaphore, #tpu.memory_space<semaphore_mem>>) src(%arg10 : memref<128x64xf32, #tpu.memory_space<vmem>>) dst(%dma_wait3A_152 : memref<10240x64xf32, #tpu.memory_space<vmem_shared>>)
          } else {
          }
          %dma_start3A_140 = arith.constant 0 : i32
          %dma_start3A_141 = tpu.memref_slice %arg7[%add3A_110, %dma_start3A_140] : memref<84x128xi32, #tpu.memory_space<vmem>> -> memref<1x128xi32, #tpu.memory_space<vmem>>
          %dma_start3A_142 = tpu.memref_squeeze %dma_start3A_141 : memref<1x128xi32, #tpu.memory_space<vmem>> -> memref<128xi32, #tpu.memory_space<vmem>>
          %dma_start3A_143 = arith.constant 0 : i32
          %dma_start3A_144 = arith.constant 0 : i32
          %dma_start3A_145 = tpu.memref_slice %arg11[%dma_start3A_143, %dma_start3A_144] : memref<10240x64xf32, #tpu.memory_space<vmem_shared>> -> memref<10240x64xf32, #tpu.memory_space<vmem_shared>>
          tpu.enqueue_indirect_dma source(%dma_start3A_145 : memref<10240x64xf32, #tpu.memory_space<vmem_shared>>) target(%arg10 : memref<128x64xf32, #tpu.memory_space<vmem>>) offsets(%dma_start3A_142 : memref<128xi32, #tpu.memory_space<vmem>>) semaphore(%arg14 : memref<!tpu.dma_semaphore, #tpu.memory_space<semaphore_mem>>)
        } else {
        }
        %add3A_115 = arith.constant 1 : i32
        %add3A_116 = arith.addi %mul3A_94, %add3A_115 : i32
        %dma_wait3A_117 = arith.constant 0 : i32
        %dma_wait3A_118 = tpu.memref_slice %arg7[%add3A_116, %dma_wait3A_117] : memref<84x128xi32, #tpu.memory_space<vmem>> -> memref<1x128xi32, #tpu.memory_space<vmem>>
        %dma_wait3A_119 = tpu.memref_squeeze %dma_wait3A_118 : memref<1x128xi32, #tpu.memory_space<vmem>> -> memref<128xi32, #tpu.memory_space<vmem>>
        %dma_wait3A_120 = arith.constant 0 : i32
        %dma_wait3A_121 = arith.constant 0 : i32
        %dma_wait3A_122 = tpu.memref_slice %arg11[%dma_wait3A_120, %dma_wait3A_121] : memref<10240x64xf32, #tpu.memory_space<vmem_shared>> -> memref<10240x64xf32, #tpu.memory_space<vmem_shared>>
        tpu.wait_indirect_dma semaphore(%arg14 : memref<!tpu.dma_semaphore, #tpu.memory_space<semaphore_mem>>) src(%dma_wait3A_122 : memref<10240x64xf32, #tpu.memory_space<vmem_shared>>) dst(%arg10 : memref<128x64xf32, #tpu.memory_space<vmem>>)
        %dma_start3A_123 = arith.constant 0 : i32
        %dma_start3A_124 = tpu.memref_slice %arg8[%add3A_116, %dma_start3A_123] : memref<84x128xi32, #tpu.memory_space<vmem>> -> memref<1x128xi32, #tpu.memory_space<vmem>>
        %dma_start3A_125 = tpu.memref_squeeze %dma_start3A_124 : memref<1x128xi32, #tpu.memory_space<vmem>> -> memref<128xi32, #tpu.memory_space<vmem>>
        %dma_start3A_126 = arith.constant 0 : i32
        %dma_start3A_127 = arith.constant 0 : i32
        %dma_start3A_128 = tpu.memref_slice %arg12[%dma_start3A_126, %dma_start3A_127] : memref<10240x64xf32, #tpu.memory_space<vmem_shared>> -> memref<10240x64xf32, #tpu.memory_space<vmem_shared>>
        tpu.enqueue_indirect_dma source(%arg10 : memref<128x64xf32, #tpu.memory_space<vmem>>) target(%dma_start3A_128 : memref<10240x64xf32, #tpu.memory_space<vmem_shared>>) offsets(%dma_start3A_125 : memref<128xi32, #tpu.memory_space<vmem>>) semaphore(%arg16 : memref<!tpu.dma_semaphore, #tpu.memory_space<semaphore_mem>>) {add = true}
        %add3A_129 = arith.constant 1 : i32
        %add3A_130 = arith.addi %add3A_116, %add3A_129 : i32
        %lt3A_131 = arith.constant 76 : i32
        %lt3A_132 = arith.cmpi slt, %add3A_130, %lt3A_131 : i32
        %convert_element_type3A_133 = arith.extui %lt3A_132 : i1 to i32
        %cond3A_134 = arith.constant 0 : i32
        %cond3A_135 = arith.cmpi ne, %convert_element_type3A_133, %cond3A_134 : i32
        scf.if %cond3A_135 {
          %ge3A = arith.constant 2 : i32
          %ge3A_136 = arith.cmpi sge, %add3A_130, %ge3A : i32
          %convert_element_type3A_137 = arith.extui %ge3A_136 : i1 to i32
          %cond3A_138 = arith.constant 0 : i32
          %cond3A_139 = arith.cmpi ne, %convert_element_type3A_137, %cond3A_138 : i32
          scf.if %cond3A_139 {
            %sub3A = arith.constant 2 : i32
            %sub3A_146 = arith.subi %add3A_130, %sub3A : i32
            %dma_wait3A_147 = arith.constant 0 : i32
            %dma_wait3A_148 = tpu.memref_slice %arg8[%sub3A_146, %dma_wait3A_147] : memref<84x128xi32, #tpu.memory_space<vmem>> -> memref<1x128xi32, #tpu.memory_space<vmem>>
            %dma_wait3A_149 = tpu.memref_squeeze %dma_wait3A_148 : memref<1x128xi32, #tpu.memory_space<vmem>> -> memref<128xi32, #tpu.memory_space<vmem>>
            %dma_wait3A_150 = arith.constant 0 : i32
            %dma_wait3A_151 = arith.constant 0 : i32
            %dma_wait3A_152 = tpu.memref_slice %arg12[%dma_wait3A_150, %dma_wait3A_151] : memref<10240x64xf32, #tpu.memory_space<vmem_shared>> -> memref<10240x64xf32, #tpu.memory_space<vmem_shared>>
            tpu.wait_indirect_dma semaphore(%arg15 : memref<!tpu.dma_semaphore, #tpu.memory_space<semaphore_mem>>) src(%arg9 : memref<128x64xf32, #tpu.memory_space<vmem>>) dst(%dma_wait3A_152 : memref<10240x64xf32, #tpu.memory_space<vmem_shared>>)
          } else {
          }
          %dma_start3A_140 = arith.constant 0 : i32
          %dma_start3A_141 = tpu.memref_slice %arg7[%add3A_130, %dma_start3A_140] : memref<84x128xi32, #tpu.memory_space<vmem>> -> memref<1x128xi32, #tpu.memory_space<vmem>>
          %dma_start3A_142 = tpu.memref_squeeze %dma_start3A_141 : memref<1x128xi32, #tpu.memory_space<vmem>> -> memref<128xi32, #tpu.memory_space<vmem>>
          %dma_start3A_143 = arith.constant 0 : i32
          %dma_start3A_144 = arith.constant 0 : i32
          %dma_start3A_145 = tpu.memref_slice %arg11[%dma_start3A_143, %dma_start3A_144] : memref<10240x64xf32, #tpu.memory_space<vmem_shared>> -> memref<10240x64xf32, #tpu.memory_space<vmem_shared>>
          tpu.enqueue_indirect_dma source(%dma_start3A_145 : memref<10240x64xf32, #tpu.memory_space<vmem_shared>>) target(%arg9 : memref<128x64xf32, #tpu.memory_space<vmem>>) offsets(%dma_start3A_142 : memref<128xi32, #tpu.memory_space<vmem>>) semaphore(%arg13 : memref<!tpu.dma_semaphore, #tpu.memory_space<semaphore_mem>>)
        } else {
        }
      }
      %scan3A_77 = arith.constant 38 : i32
      %dma_wait3A_78 = arith.constant 74 : i32
      %dma_wait3A_79 = arith.constant 0 : i32
      %dma_wait3A_80 = tpu.memref_slice %arg8[%dma_wait3A_78, %dma_wait3A_79] : memref<84x128xi32, #tpu.memory_space<vmem>> -> memref<1x128xi32, #tpu.memory_space<vmem>>
      %dma_wait3A_81 = tpu.memref_squeeze %dma_wait3A_80 : memref<1x128xi32, #tpu.memory_space<vmem>> -> memref<128xi32, #tpu.memory_space<vmem>>
      %dma_wait3A_82 = arith.constant 0 : i32
      %dma_wait3A_83 = arith.constant 0 : i32
      %dma_wait3A_84 = tpu.memref_slice %arg12[%dma_wait3A_82, %dma_wait3A_83] : memref<10240x64xf32, #tpu.memory_space<vmem_shared>> -> memref<10240x64xf32, #tpu.memory_space<vmem_shared>>
      tpu.wait_indirect_dma semaphore(%arg15 : memref<!tpu.dma_semaphore, #tpu.memory_space<semaphore_mem>>) src(%arg9 : memref<128x64xf32, #tpu.memory_space<vmem>>) dst(%dma_wait3A_84 : memref<10240x64xf32, #tpu.memory_space<vmem_shared>>)
      %dma_wait3A_85 = arith.constant 75 : i32
      %dma_wait3A_86 = arith.constant 0 : i32
      %dma_wait3A_87 = tpu.memref_slice %arg8[%dma_wait3A_85, %dma_wait3A_86] : memref<84x128xi32, #tpu.memory_space<vmem>> -> memref<1x128xi32, #tpu.memory_space<vmem>>
      %dma_wait3A_88 = tpu.memref_squeeze %dma_wait3A_87 : memref<1x128xi32, #tpu.memory_space<vmem>> -> memref<128xi32, #tpu.memory_space<vmem>>
      %dma_wait3A_89 = arith.constant 0 : i32
      %dma_wait3A_90 = arith.constant 0 : i32
      %dma_wait3A_91 = tpu.memref_slice %arg12[%dma_wait3A_89, %dma_wait3A_90] : memref<10240x64xf32, #tpu.memory_space<vmem_shared>> -> memref<10240x64xf32, #tpu.memory_space<vmem_shared>>
      tpu.wait_indirect_dma semaphore(%arg16 : memref<!tpu.dma_semaphore, #tpu.memory_space<semaphore_mem>>) src(%arg10 : memref<128x64xf32, #tpu.memory_space<vmem>>) dst(%dma_wait3A_91 : memref<10240x64xf32, #tpu.memory_space<vmem_shared>>)
    } else {
    }
    %barrier3A = arith.constant 0 : index
    tpu.barrier barrier_id(%barrier3A)
    "tpu.region"() ({
      %run_scoped3A = tpu.sem_alloc : memref<!tpu.dma_semaphore, #tpu.memory_space<semaphore_mem>>
      %dma_start3A_15 = arith.constant 0 : i32
      %dma_start3A_16 = tpu.memref_slice %arg6[%arg0, %mul3A_0, %dma_start3A_15] : memref<2x10240x64xf32, #tpu.memory_space<hbm>> -> memref<1x640x64xf32, #tpu.memory_space<hbm>>
      %dma_start3A_17 = tpu.memref_squeeze %dma_start3A_16 : memref<1x640x64xf32, #tpu.memory_space<hbm>> -> memref<640x64xf32, #tpu.memory_space<hbm>>
      %dma_start3A_18 = arith.constant 0 : i32
      %dma_start3A_19 = tpu.memref_slice %arg12[%mul3A_0, %dma_start3A_18] : memref<10240x64xf32, #tpu.memory_space<vmem_shared>> -> memref<640x64xf32, #tpu.memory_space<vmem_shared>>
      tpu.enqueue_dma source(%dma_start3A_19 : memref<640x64xf32, #tpu.memory_space<vmem_shared>>) target(%dma_start3A_17 : memref<640x64xf32, #tpu.memory_space<hbm>>) target_semaphore(%run_scoped3A : memref<!tpu.dma_semaphore, #tpu.memory_space<semaphore_mem>>)
      %dma_wait3A = arith.constant 0 : i32
      %dma_wait3A_20 = tpu.memref_slice %arg6[%arg0, %mul3A_0, %dma_wait3A] : memref<2x10240x64xf32, #tpu.memory_space<hbm>> -> memref<1x640x64xf32, #tpu.memory_space<hbm>>
      %dma_wait3A_21 = tpu.memref_squeeze %dma_wait3A_20 : memref<1x640x64xf32, #tpu.memory_space<hbm>> -> memref<640x64xf32, #tpu.memory_space<hbm>>
      %dma_wait3A_22 = arith.constant 0 : i32
      %dma_wait3A_23 = tpu.memref_slice %arg12[%mul3A_0, %dma_wait3A_22] : memref<10240x64xf32, #tpu.memory_space<vmem_shared>> -> memref<640x64xf32, #tpu.memory_space<vmem_shared>>
      tpu.wait_dma2 semaphore(%run_scoped3A : memref<!tpu.dma_semaphore, #tpu.memory_space<semaphore_mem>>) src(%dma_wait3A_23 : memref<640x64xf32, #tpu.memory_space<vmem_shared>>) dst(%dma_wait3A_21 : memref<640x64xf32, #tpu.memory_space<hbm>>)
      tpu.yield
    }) : () -> ()
    return
  }
}

#map = affine_map<(d0, d1) -> (0, 0)>
#map1 = affine_map<(d0, d1) -> (0, 0, 0)>
module attributes {stable_mosaic.version = 14 : i64} {
  func.func @_agg_body(%arg0: i32, %arg1: i32, %arg2: memref<10240x64xf32, #tpu.memory_space<hbm>>, %arg3: memref<2560x128xi32, #tpu.memory_space<hbm>>, %arg4: memref<2560x128xi32, #tpu.memory_space<hbm>>, %arg5: memref<10240x64xf32, #tpu.memory_space<hbm>>, %arg6: memref<2x10240x64xf32, #tpu.memory_space<hbm>>, %arg7: memref<84x128xi32, #tpu.memory_space<vmem>>, %arg8: memref<84x128xi32, #tpu.memory_space<vmem>>, %arg9: memref<128x64xf32, #tpu.memory_space<vmem>>, %arg10: memref<128x64xf32, #tpu.memory_space<vmem>>, %arg11: memref<10240x64xf32, #tpu.memory_space<vmem_shared>>, %arg12: memref<10240x64xf32, #tpu.memory_space<vmem_shared>>, %arg13: memref<!tpu.dma_semaphore, #tpu.memory_space<semaphore_mem>>, %arg14: memref<!tpu.dma_semaphore, #tpu.memory_space<semaphore_mem>>, %arg15: memref<!tpu.dma_semaphore, #tpu.memory_space<semaphore_mem>>, %arg16: memref<!tpu.dma_semaphore, #tpu.memory_space<semaphore_mem>>, %arg17: memref<!tpu.dma_semaphore, #tpu.memory_space<semaphore_mem>>) attributes {dimension_semantics = [#tpu.dimension_semantics<core_parallel>, #tpu.dimension_semantics<subcore_parallel>], iteration_bounds = array<i64: 2, 16>, scalar_prefetch = 0 : i64, scratch_operands = 11 : i64, tpu.core_type = #tpu.core_type<sc_vector_subcore>, window_params = [{transform_indices = #map}, {transform_indices = #map}, {transform_indices = #map}, {transform_indices = #map}, {transform_indices = #map1}]} {
    %mul3A = arith.constant 640 : i32
    %mul3A_0 = arith.muli %arg1, %mul3A : i32
    %dma_start3A = arith.constant 0 : i32
    %dma_start3A_1 = tpu.memref_slice %arg11[%mul3A_0, %dma_start3A] : memref<10240x64xf32, #tpu.memory_space<vmem_shared>> -> memref<640x64xf32, #tpu.memory_space<vmem_shared>>
    %dma_start3A_2 = arith.constant 0 : i32
    %dma_start3A_3 = tpu.memref_slice %arg2[%mul3A_0, %dma_start3A_2] : memref<10240x64xf32, #tpu.memory_space<hbm>> -> memref<640x64xf32, #tpu.memory_space<hbm>>
    tpu.enqueue_dma source(%dma_start3A_3 : memref<640x64xf32, #tpu.memory_space<hbm>>) target(%dma_start3A_1 : memref<640x64xf32, #tpu.memory_space<vmem_shared>>) target_semaphore(%arg17 : memref<!tpu.dma_semaphore, #tpu.memory_space<semaphore_mem>>)
    %dma_start3A_4 = arith.constant 0 : i32
    %dma_start3A_5 = tpu.memref_slice %arg12[%mul3A_0, %dma_start3A_4] : memref<10240x64xf32, #tpu.memory_space<vmem_shared>> -> memref<640x64xf32, #tpu.memory_space<vmem_shared>>
    %dma_start3A_6 = arith.constant 0 : i32
    %dma_start3A_7 = tpu.memref_slice %arg5[%mul3A_0, %dma_start3A_6] : memref<10240x64xf32, #tpu.memory_space<hbm>> -> memref<640x64xf32, #tpu.memory_space<hbm>>
    tpu.enqueue_dma source(%dma_start3A_7 : memref<640x64xf32, #tpu.memory_space<hbm>>) target(%dma_start3A_5 : memref<640x64xf32, #tpu.memory_space<vmem_shared>>) target_semaphore(%arg17 : memref<!tpu.dma_semaphore, #tpu.memory_space<semaphore_mem>>)
    %eq3A = arith.constant 0 : i32
    %eq3A_8 = arith.cmpi eq, %arg0, %eq3A : i32
    %convert_element_type3A = arith.extui %eq3A_8 : i1 to i32
    %cond3A = arith.constant 0 : i32
    %cond3A_9 = arith.cmpi ne, %convert_element_type3A, %cond3A : i32
    scf.if %cond3A_9 {
      %mul3A_15 = arith.constant 84 : i32
      %mul3A_16 = arith.muli %arg1, %mul3A_15 : i32
      %dma_start3A_17 = arith.constant 0 : i32
      %dma_start3A_18 = arith.constant 0 : i32
      %dma_start3A_19 = tpu.memref_slice %arg7[%dma_start3A_17, %dma_start3A_18] : memref<84x128xi32, #tpu.memory_space<vmem>> -> memref<84x128xi32, #tpu.memory_space<vmem>>
      %dma_start3A_20 = arith.constant 0 : i32
      %dma_start3A_21 = tpu.memref_slice %arg3[%mul3A_16, %dma_start3A_20] : memref<2560x128xi32, #tpu.memory_space<hbm>> -> memref<84x128xi32, #tpu.memory_space<hbm>>
      %dma_start3A_22 = arith.constant 0 : i32
      %dma_start3A_23 = arith.constant 0 : i32
      %dma_start3A_24 = tpu.memref_slice %arg7[%dma_start3A_22, %dma_start3A_23] : memref<84x128xi32, #tpu.memory_space<vmem>> -> memref<84x128xi32, #tpu.memory_space<vmem>>
      %dma_start3A_25 = arith.constant 0 : i32
      %dma_start3A_26 = tpu.memref_slice %arg3[%mul3A_16, %dma_start3A_25] : memref<2560x128xi32, #tpu.memory_space<hbm>> -> memref<84x128xi32, #tpu.memory_space<hbm>>
      tpu.enqueue_dma source(%dma_start3A_26 : memref<84x128xi32, #tpu.memory_space<hbm>>) target(%dma_start3A_24 : memref<84x128xi32, #tpu.memory_space<vmem>>) target_semaphore(%arg17 : memref<!tpu.dma_semaphore, #tpu.memory_space<semaphore_mem>>)
      %dma_start3A_27 = arith.constant 0 : i32
      %dma_start3A_28 = arith.constant 0 : i32
      %dma_start3A_29 = tpu.memref_slice %arg8[%dma_start3A_27, %dma_start3A_28] : memref<84x128xi32, #tpu.memory_space<vmem>> -> memref<84x128xi32, #tpu.memory_space<vmem>>
      %dma_start3A_30 = arith.constant 0 : i32
      %dma_start3A_31 = tpu.memref_slice %arg4[%mul3A_16, %dma_start3A_30] : memref<2560x128xi32, #tpu.memory_space<hbm>> -> memref<84x128xi32, #tpu.memory_space<hbm>>
      %dma_start3A_32 = arith.constant 0 : i32
      %dma_start3A_33 = arith.constant 0 : i32
      %dma_start3A_34 = tpu.memref_slice %arg8[%dma_start3A_32, %dma_start3A_33] : memref<84x128xi32, #tpu.memory_space<vmem>> -> memref<84x128xi32, #tpu.memory_space<vmem>>
      %dma_start3A_35 = arith.constant 0 : i32
      %dma_start3A_36 = tpu.memref_slice %arg4[%mul3A_16, %dma_start3A_35] : memref<2560x128xi32, #tpu.memory_space<hbm>> -> memref<84x128xi32, #tpu.memory_space<hbm>>
      tpu.enqueue_dma source(%dma_start3A_36 : memref<84x128xi32, #tpu.memory_space<hbm>>) target(%dma_start3A_34 : memref<84x128xi32, #tpu.memory_space<vmem>>) target_semaphore(%arg17 : memref<!tpu.dma_semaphore, #tpu.memory_space<semaphore_mem>>)
      %dma_wait3A = arith.constant 0 : i32
      %dma_wait3A_37 = tpu.memref_slice %arg11[%mul3A_0, %dma_wait3A] : memref<10240x64xf32, #tpu.memory_space<vmem_shared>> -> memref<640x64xf32, #tpu.memory_space<vmem_shared>>
      %dma_wait3A_38 = arith.constant 0 : i32
      %dma_wait3A_39 = tpu.memref_slice %arg2[%mul3A_0, %dma_wait3A_38] : memref<10240x64xf32, #tpu.memory_space<hbm>> -> memref<640x64xf32, #tpu.memory_space<hbm>>
      tpu.wait_dma2 semaphore(%arg17 : memref<!tpu.dma_semaphore, #tpu.memory_space<semaphore_mem>>) src(%dma_wait3A_39 : memref<640x64xf32, #tpu.memory_space<hbm>>) dst(%dma_wait3A_37 : memref<640x64xf32, #tpu.memory_space<vmem_shared>>)
      %dma_wait3A_40 = arith.constant 0 : i32
      %dma_wait3A_41 = tpu.memref_slice %arg12[%mul3A_0, %dma_wait3A_40] : memref<10240x64xf32, #tpu.memory_space<vmem_shared>> -> memref<640x64xf32, #tpu.memory_space<vmem_shared>>
      %dma_wait3A_42 = arith.constant 0 : i32
      %dma_wait3A_43 = tpu.memref_slice %arg5[%mul3A_0, %dma_wait3A_42] : memref<10240x64xf32, #tpu.memory_space<hbm>> -> memref<640x64xf32, #tpu.memory_space<hbm>>
      tpu.wait_dma2 semaphore(%arg17 : memref<!tpu.dma_semaphore, #tpu.memory_space<semaphore_mem>>) src(%dma_wait3A_43 : memref<640x64xf32, #tpu.memory_space<hbm>>) dst(%dma_wait3A_41 : memref<640x64xf32, #tpu.memory_space<vmem_shared>>)
      %dma_wait3A_44 = arith.constant 0 : i32
      %dma_wait3A_45 = arith.constant 0 : i32
      %dma_wait3A_46 = tpu.memref_slice %arg7[%dma_wait3A_44, %dma_wait3A_45] : memref<84x128xi32, #tpu.memory_space<vmem>> -> memref<84x128xi32, #tpu.memory_space<vmem>>
      %dma_wait3A_47 = arith.constant 0 : i32
      %dma_wait3A_48 = tpu.memref_slice %arg3[%mul3A_16, %dma_wait3A_47] : memref<2560x128xi32, #tpu.memory_space<hbm>> -> memref<84x128xi32, #tpu.memory_space<hbm>>
      %dma_wait3A_49 = arith.constant 0 : i32
      %dma_wait3A_50 = arith.constant 0 : i32
      %dma_wait3A_51 = tpu.memref_slice %arg7[%dma_wait3A_49, %dma_wait3A_50] : memref<84x128xi32, #tpu.memory_space<vmem>> -> memref<84x128xi32, #tpu.memory_space<vmem>>
      %dma_wait3A_52 = arith.constant 0 : i32
      %dma_wait3A_53 = tpu.memref_slice %arg3[%mul3A_16, %dma_wait3A_52] : memref<2560x128xi32, #tpu.memory_space<hbm>> -> memref<84x128xi32, #tpu.memory_space<hbm>>
      tpu.wait_dma2 semaphore(%arg17 : memref<!tpu.dma_semaphore, #tpu.memory_space<semaphore_mem>>) src(%dma_wait3A_53 : memref<84x128xi32, #tpu.memory_space<hbm>>) dst(%dma_wait3A_51 : memref<84x128xi32, #tpu.memory_space<vmem>>)
      %dma_wait3A_54 = arith.constant 0 : i32
      %dma_wait3A_55 = arith.constant 0 : i32
      %dma_wait3A_56 = tpu.memref_slice %arg8[%dma_wait3A_54, %dma_wait3A_55] : memref<84x128xi32, #tpu.memory_space<vmem>> -> memref<84x128xi32, #tpu.memory_space<vmem>>
      %dma_wait3A_57 = arith.constant 0 : i32
      %dma_wait3A_58 = tpu.memref_slice %arg4[%mul3A_16, %dma_wait3A_57] : memref<2560x128xi32, #tpu.memory_space<hbm>> -> memref<84x128xi32, #tpu.memory_space<hbm>>
      %dma_wait3A_59 = arith.constant 0 : i32
      %dma_wait3A_60 = arith.constant 0 : i32
      %dma_wait3A_61 = tpu.memref_slice %arg8[%dma_wait3A_59, %dma_wait3A_60] : memref<84x128xi32, #tpu.memory_space<vmem>> -> memref<84x128xi32, #tpu.memory_space<vmem>>
      %dma_wait3A_62 = arith.constant 0 : i32
      %dma_wait3A_63 = tpu.memref_slice %arg4[%mul3A_16, %dma_wait3A_62] : memref<2560x128xi32, #tpu.memory_space<hbm>> -> memref<84x128xi32, #tpu.memory_space<hbm>>
      tpu.wait_dma2 semaphore(%arg17 : memref<!tpu.dma_semaphore, #tpu.memory_space<semaphore_mem>>) src(%dma_wait3A_63 : memref<84x128xi32, #tpu.memory_space<hbm>>) dst(%dma_wait3A_61 : memref<84x128xi32, #tpu.memory_space<vmem>>)
      %barrier3A_64 = arith.constant 0 : index
      tpu.barrier barrier_id(%barrier3A_64)
      %dma_start3A_65 = arith.constant 0 : i32
      %dma_start3A_66 = arith.constant 0 : i32
      %dma_start3A_67 = tpu.memref_slice %arg7[%dma_start3A_65, %dma_start3A_66] : memref<84x128xi32, #tpu.memory_space<vmem>> -> memref<1x128xi32, #tpu.memory_space<vmem>>
      %dma_start3A_68 = tpu.memref_squeeze %dma_start3A_67 : memref<1x128xi32, #tpu.memory_space<vmem>> -> memref<128xi32, #tpu.memory_space<vmem>>
      %dma_start3A_69 = arith.constant 0 : i32
      %dma_start3A_70 = arith.constant 0 : i32
      %dma_start3A_71 = tpu.memref_slice %arg11[%dma_start3A_69, %dma_start3A_70] : memref<10240x64xf32, #tpu.memory_space<vmem_shared>> -> memref<10240x64xf32, #tpu.memory_space<vmem_shared>>
      tpu.enqueue_indirect_dma source(%dma_start3A_71 : memref<10240x64xf32, #tpu.memory_space<vmem_shared>>) target(%arg9 : memref<128x64xf32, #tpu.memory_space<vmem>>) offsets(%dma_start3A_68 : memref<128xi32, #tpu.memory_space<vmem>>) semaphore(%arg13 : memref<!tpu.dma_semaphore, #tpu.memory_space<semaphore_mem>>)
      %scan3A = arith.constant 0 : i32
      %scan3A_72 = arith.constant 0 : i32
      %scan3A_73 = arith.constant 42 : i32
      %scan3A_74 = arith.addi %scan3A_72, %scan3A_73 : i32
      %scan3A_75 = arith.constant 1 : i32
      scf.for %scan3A_91 = %scan3A_72 to %scan3A_74 step %scan3A_75  : i32 {
        %mul3A_92 = arith.constant 2 : i32
        %mul3A_93 = arith.muli %mul3A_92, %scan3A_91 : i32
        %add3A = arith.constant 0 : i32
        %add3A_94 = arith.addi %mul3A_93, %add3A : i32
        %dma_wait3A_95 = arith.constant 0 : i32
        %dma_wait3A_96 = tpu.memref_slice %arg7[%add3A_94, %dma_wait3A_95] : memref<84x128xi32, #tpu.memory_space<vmem>> -> memref<1x128xi32, #tpu.memory_space<vmem>>
        %dma_wait3A_97 = tpu.memref_squeeze %dma_wait3A_96 : memref<1x128xi32, #tpu.memory_space<vmem>> -> memref<128xi32, #tpu.memory_space<vmem>>
        %dma_wait3A_98 = arith.constant 0 : i32
        %dma_wait3A_99 = arith.constant 0 : i32
        %dma_wait3A_100 = tpu.memref_slice %arg11[%dma_wait3A_98, %dma_wait3A_99] : memref<10240x64xf32, #tpu.memory_space<vmem_shared>> -> memref<10240x64xf32, #tpu.memory_space<vmem_shared>>
        tpu.wait_indirect_dma semaphore(%arg13 : memref<!tpu.dma_semaphore, #tpu.memory_space<semaphore_mem>>) src(%dma_wait3A_100 : memref<10240x64xf32, #tpu.memory_space<vmem_shared>>) dst(%arg9 : memref<128x64xf32, #tpu.memory_space<vmem>>)
        %dma_start3A_101 = arith.constant 0 : i32
        %dma_start3A_102 = tpu.memref_slice %arg8[%add3A_94, %dma_start3A_101] : memref<84x128xi32, #tpu.memory_space<vmem>> -> memref<1x128xi32, #tpu.memory_space<vmem>>
        %dma_start3A_103 = tpu.memref_squeeze %dma_start3A_102 : memref<1x128xi32, #tpu.memory_space<vmem>> -> memref<128xi32, #tpu.memory_space<vmem>>
        %dma_start3A_104 = arith.constant 0 : i32
        %dma_start3A_105 = arith.constant 0 : i32
        %dma_start3A_106 = tpu.memref_slice %arg12[%dma_start3A_104, %dma_start3A_105] : memref<10240x64xf32, #tpu.memory_space<vmem_shared>> -> memref<10240x64xf32, #tpu.memory_space<vmem_shared>>
        tpu.enqueue_indirect_dma source(%arg9 : memref<128x64xf32, #tpu.memory_space<vmem>>) target(%dma_start3A_106 : memref<10240x64xf32, #tpu.memory_space<vmem_shared>>) offsets(%dma_start3A_103 : memref<128xi32, #tpu.memory_space<vmem>>) semaphore(%arg15 : memref<!tpu.dma_semaphore, #tpu.memory_space<semaphore_mem>>) {add = true}
        %add3A_107 = arith.constant 1 : i32
        %add3A_108 = arith.addi %add3A_94, %add3A_107 : i32
        %lt3A = arith.constant 84 : i32
        %lt3A_109 = arith.cmpi slt, %add3A_108, %lt3A : i32
        %convert_element_type3A_110 = arith.extui %lt3A_109 : i1 to i32
        %cond3A_111 = arith.constant 0 : i32
        %cond3A_112 = arith.cmpi ne, %convert_element_type3A_110, %cond3A_111 : i32
        scf.if %cond3A_112 {
          %ge3A = arith.constant 2 : i32
          %ge3A_134 = arith.cmpi sge, %add3A_108, %ge3A : i32
          %convert_element_type3A_135 = arith.extui %ge3A_134 : i1 to i32
          %cond3A_136 = arith.constant 0 : i32
          %cond3A_137 = arith.cmpi ne, %convert_element_type3A_135, %cond3A_136 : i32
          scf.if %cond3A_137 {
            %sub3A = arith.constant 2 : i32
            %sub3A_144 = arith.subi %add3A_108, %sub3A : i32
            %dma_wait3A_145 = arith.constant 0 : i32
            %dma_wait3A_146 = tpu.memref_slice %arg8[%sub3A_144, %dma_wait3A_145] : memref<84x128xi32, #tpu.memory_space<vmem>> -> memref<1x128xi32, #tpu.memory_space<vmem>>
            %dma_wait3A_147 = tpu.memref_squeeze %dma_wait3A_146 : memref<1x128xi32, #tpu.memory_space<vmem>> -> memref<128xi32, #tpu.memory_space<vmem>>
            %dma_wait3A_148 = arith.constant 0 : i32
            %dma_wait3A_149 = arith.constant 0 : i32
            %dma_wait3A_150 = tpu.memref_slice %arg12[%dma_wait3A_148, %dma_wait3A_149] : memref<10240x64xf32, #tpu.memory_space<vmem_shared>> -> memref<10240x64xf32, #tpu.memory_space<vmem_shared>>
            tpu.wait_indirect_dma semaphore(%arg16 : memref<!tpu.dma_semaphore, #tpu.memory_space<semaphore_mem>>) src(%arg10 : memref<128x64xf32, #tpu.memory_space<vmem>>) dst(%dma_wait3A_150 : memref<10240x64xf32, #tpu.memory_space<vmem_shared>>)
          } else {
          }
          %dma_start3A_138 = arith.constant 0 : i32
          %dma_start3A_139 = tpu.memref_slice %arg7[%add3A_108, %dma_start3A_138] : memref<84x128xi32, #tpu.memory_space<vmem>> -> memref<1x128xi32, #tpu.memory_space<vmem>>
          %dma_start3A_140 = tpu.memref_squeeze %dma_start3A_139 : memref<1x128xi32, #tpu.memory_space<vmem>> -> memref<128xi32, #tpu.memory_space<vmem>>
          %dma_start3A_141 = arith.constant 0 : i32
          %dma_start3A_142 = arith.constant 0 : i32
          %dma_start3A_143 = tpu.memref_slice %arg11[%dma_start3A_141, %dma_start3A_142] : memref<10240x64xf32, #tpu.memory_space<vmem_shared>> -> memref<10240x64xf32, #tpu.memory_space<vmem_shared>>
          tpu.enqueue_indirect_dma source(%dma_start3A_143 : memref<10240x64xf32, #tpu.memory_space<vmem_shared>>) target(%arg10 : memref<128x64xf32, #tpu.memory_space<vmem>>) offsets(%dma_start3A_140 : memref<128xi32, #tpu.memory_space<vmem>>) semaphore(%arg14 : memref<!tpu.dma_semaphore, #tpu.memory_space<semaphore_mem>>)
        } else {
        }
        %add3A_113 = arith.constant 1 : i32
        %add3A_114 = arith.addi %mul3A_93, %add3A_113 : i32
        %dma_wait3A_115 = arith.constant 0 : i32
        %dma_wait3A_116 = tpu.memref_slice %arg7[%add3A_114, %dma_wait3A_115] : memref<84x128xi32, #tpu.memory_space<vmem>> -> memref<1x128xi32, #tpu.memory_space<vmem>>
        %dma_wait3A_117 = tpu.memref_squeeze %dma_wait3A_116 : memref<1x128xi32, #tpu.memory_space<vmem>> -> memref<128xi32, #tpu.memory_space<vmem>>
        %dma_wait3A_118 = arith.constant 0 : i32
        %dma_wait3A_119 = arith.constant 0 : i32
        %dma_wait3A_120 = tpu.memref_slice %arg11[%dma_wait3A_118, %dma_wait3A_119] : memref<10240x64xf32, #tpu.memory_space<vmem_shared>> -> memref<10240x64xf32, #tpu.memory_space<vmem_shared>>
        tpu.wait_indirect_dma semaphore(%arg14 : memref<!tpu.dma_semaphore, #tpu.memory_space<semaphore_mem>>) src(%dma_wait3A_120 : memref<10240x64xf32, #tpu.memory_space<vmem_shared>>) dst(%arg10 : memref<128x64xf32, #tpu.memory_space<vmem>>)
        %dma_start3A_121 = arith.constant 0 : i32
        %dma_start3A_122 = tpu.memref_slice %arg8[%add3A_114, %dma_start3A_121] : memref<84x128xi32, #tpu.memory_space<vmem>> -> memref<1x128xi32, #tpu.memory_space<vmem>>
        %dma_start3A_123 = tpu.memref_squeeze %dma_start3A_122 : memref<1x128xi32, #tpu.memory_space<vmem>> -> memref<128xi32, #tpu.memory_space<vmem>>
        %dma_start3A_124 = arith.constant 0 : i32
        %dma_start3A_125 = arith.constant 0 : i32
        %dma_start3A_126 = tpu.memref_slice %arg12[%dma_start3A_124, %dma_start3A_125] : memref<10240x64xf32, #tpu.memory_space<vmem_shared>> -> memref<10240x64xf32, #tpu.memory_space<vmem_shared>>
        tpu.enqueue_indirect_dma source(%arg10 : memref<128x64xf32, #tpu.memory_space<vmem>>) target(%dma_start3A_126 : memref<10240x64xf32, #tpu.memory_space<vmem_shared>>) offsets(%dma_start3A_123 : memref<128xi32, #tpu.memory_space<vmem>>) semaphore(%arg16 : memref<!tpu.dma_semaphore, #tpu.memory_space<semaphore_mem>>) {add = true}
        %add3A_127 = arith.constant 1 : i32
        %add3A_128 = arith.addi %add3A_114, %add3A_127 : i32
        %lt3A_129 = arith.constant 84 : i32
        %lt3A_130 = arith.cmpi slt, %add3A_128, %lt3A_129 : i32
        %convert_element_type3A_131 = arith.extui %lt3A_130 : i1 to i32
        %cond3A_132 = arith.constant 0 : i32
        %cond3A_133 = arith.cmpi ne, %convert_element_type3A_131, %cond3A_132 : i32
        scf.if %cond3A_133 {
          %ge3A = arith.constant 2 : i32
          %ge3A_134 = arith.cmpi sge, %add3A_128, %ge3A : i32
          %convert_element_type3A_135 = arith.extui %ge3A_134 : i1 to i32
          %cond3A_136 = arith.constant 0 : i32
          %cond3A_137 = arith.cmpi ne, %convert_element_type3A_135, %cond3A_136 : i32
          scf.if %cond3A_137 {
            %sub3A = arith.constant 2 : i32
            %sub3A_144 = arith.subi %add3A_128, %sub3A : i32
            %dma_wait3A_145 = arith.constant 0 : i32
            %dma_wait3A_146 = tpu.memref_slice %arg8[%sub3A_144, %dma_wait3A_145] : memref<84x128xi32, #tpu.memory_space<vmem>> -> memref<1x128xi32, #tpu.memory_space<vmem>>
            %dma_wait3A_147 = tpu.memref_squeeze %dma_wait3A_146 : memref<1x128xi32, #tpu.memory_space<vmem>> -> memref<128xi32, #tpu.memory_space<vmem>>
            %dma_wait3A_148 = arith.constant 0 : i32
            %dma_wait3A_149 = arith.constant 0 : i32
            %dma_wait3A_150 = tpu.memref_slice %arg12[%dma_wait3A_148, %dma_wait3A_149] : memref<10240x64xf32, #tpu.memory_space<vmem_shared>> -> memref<10240x64xf32, #tpu.memory_space<vmem_shared>>
            tpu.wait_indirect_dma semaphore(%arg15 : memref<!tpu.dma_semaphore, #tpu.memory_space<semaphore_mem>>) src(%arg9 : memref<128x64xf32, #tpu.memory_space<vmem>>) dst(%dma_wait3A_150 : memref<10240x64xf32, #tpu.memory_space<vmem_shared>>)
          } else {
          }
          %dma_start3A_138 = arith.constant 0 : i32
          %dma_start3A_139 = tpu.memref_slice %arg7[%add3A_128, %dma_start3A_138] : memref<84x128xi32, #tpu.memory_space<vmem>> -> memref<1x128xi32, #tpu.memory_space<vmem>>
          %dma_start3A_140 = tpu.memref_squeeze %dma_start3A_139 : memref<1x128xi32, #tpu.memory_space<vmem>> -> memref<128xi32, #tpu.memory_space<vmem>>
          %dma_start3A_141 = arith.constant 0 : i32
          %dma_start3A_142 = arith.constant 0 : i32
          %dma_start3A_143 = tpu.memref_slice %arg11[%dma_start3A_141, %dma_start3A_142] : memref<10240x64xf32, #tpu.memory_space<vmem_shared>> -> memref<10240x64xf32, #tpu.memory_space<vmem_shared>>
          tpu.enqueue_indirect_dma source(%dma_start3A_143 : memref<10240x64xf32, #tpu.memory_space<vmem_shared>>) target(%arg9 : memref<128x64xf32, #tpu.memory_space<vmem>>) offsets(%dma_start3A_140 : memref<128xi32, #tpu.memory_space<vmem>>) semaphore(%arg13 : memref<!tpu.dma_semaphore, #tpu.memory_space<semaphore_mem>>)
        } else {
        }
      }
      %scan3A_76 = arith.constant 42 : i32
      %dma_wait3A_77 = arith.constant 82 : i32
      %dma_wait3A_78 = arith.constant 0 : i32
      %dma_wait3A_79 = tpu.memref_slice %arg8[%dma_wait3A_77, %dma_wait3A_78] : memref<84x128xi32, #tpu.memory_space<vmem>> -> memref<1x128xi32, #tpu.memory_space<vmem>>
      %dma_wait3A_80 = tpu.memref_squeeze %dma_wait3A_79 : memref<1x128xi32, #tpu.memory_space<vmem>> -> memref<128xi32, #tpu.memory_space<vmem>>
      %dma_wait3A_81 = arith.constant 0 : i32
      %dma_wait3A_82 = arith.constant 0 : i32
      %dma_wait3A_83 = tpu.memref_slice %arg12[%dma_wait3A_81, %dma_wait3A_82] : memref<10240x64xf32, #tpu.memory_space<vmem_shared>> -> memref<10240x64xf32, #tpu.memory_space<vmem_shared>>
      tpu.wait_indirect_dma semaphore(%arg15 : memref<!tpu.dma_semaphore, #tpu.memory_space<semaphore_mem>>) src(%arg9 : memref<128x64xf32, #tpu.memory_space<vmem>>) dst(%dma_wait3A_83 : memref<10240x64xf32, #tpu.memory_space<vmem_shared>>)
      %dma_wait3A_84 = arith.constant 83 : i32
      %dma_wait3A_85 = arith.constant 0 : i32
      %dma_wait3A_86 = tpu.memref_slice %arg8[%dma_wait3A_84, %dma_wait3A_85] : memref<84x128xi32, #tpu.memory_space<vmem>> -> memref<1x128xi32, #tpu.memory_space<vmem>>
      %dma_wait3A_87 = tpu.memref_squeeze %dma_wait3A_86 : memref<1x128xi32, #tpu.memory_space<vmem>> -> memref<128xi32, #tpu.memory_space<vmem>>
      %dma_wait3A_88 = arith.constant 0 : i32
      %dma_wait3A_89 = arith.constant 0 : i32
      %dma_wait3A_90 = tpu.memref_slice %arg12[%dma_wait3A_88, %dma_wait3A_89] : memref<10240x64xf32, #tpu.memory_space<vmem_shared>> -> memref<10240x64xf32, #tpu.memory_space<vmem_shared>>
      tpu.wait_indirect_dma semaphore(%arg16 : memref<!tpu.dma_semaphore, #tpu.memory_space<semaphore_mem>>) src(%arg10 : memref<128x64xf32, #tpu.memory_space<vmem>>) dst(%dma_wait3A_90 : memref<10240x64xf32, #tpu.memory_space<vmem_shared>>)
    } else {
    }
    %eq3A_10 = arith.constant 1 : i32
    %eq3A_11 = arith.cmpi eq, %arg0, %eq3A_10 : i32
    %convert_element_type3A_12 = arith.extui %eq3A_11 : i1 to i32
    %cond3A_13 = arith.constant 0 : i32
    %cond3A_14 = arith.cmpi ne, %convert_element_type3A_12, %cond3A_13 : i32
    scf.if %cond3A_14 {
      %mul3A_15 = arith.constant 76 : i32
      %mul3A_16 = arith.muli %arg1, %mul3A_15 : i32
      %add3A = arith.constant 1344 : i32
      %add3A_17 = arith.addi %add3A, %mul3A_16 : i32
      %dma_start3A_18 = arith.constant 0 : i32
      %dma_start3A_19 = arith.constant 0 : i32
      %dma_start3A_20 = tpu.memref_slice %arg7[%dma_start3A_18, %dma_start3A_19] : memref<84x128xi32, #tpu.memory_space<vmem>> -> memref<76x128xi32, #tpu.memory_space<vmem>>
      %dma_start3A_21 = arith.constant 0 : i32
      %dma_start3A_22 = tpu.memref_slice %arg3[%add3A_17, %dma_start3A_21] : memref<2560x128xi32, #tpu.memory_space<hbm>> -> memref<76x128xi32, #tpu.memory_space<hbm>>
      %dma_start3A_23 = arith.constant 0 : i32
      %dma_start3A_24 = arith.constant 0 : i32
      %dma_start3A_25 = tpu.memref_slice %arg7[%dma_start3A_23, %dma_start3A_24] : memref<84x128xi32, #tpu.memory_space<vmem>> -> memref<76x128xi32, #tpu.memory_space<vmem>>
      %dma_start3A_26 = arith.constant 0 : i32
      %dma_start3A_27 = tpu.memref_slice %arg3[%add3A_17, %dma_start3A_26] : memref<2560x128xi32, #tpu.memory_space<hbm>> -> memref<76x128xi32, #tpu.memory_space<hbm>>
      tpu.enqueue_dma source(%dma_start3A_27 : memref<76x128xi32, #tpu.memory_space<hbm>>) target(%dma_start3A_25 : memref<76x128xi32, #tpu.memory_space<vmem>>) target_semaphore(%arg17 : memref<!tpu.dma_semaphore, #tpu.memory_space<semaphore_mem>>)
      %dma_start3A_28 = arith.constant 0 : i32
      %dma_start3A_29 = arith.constant 0 : i32
      %dma_start3A_30 = tpu.memref_slice %arg8[%dma_start3A_28, %dma_start3A_29] : memref<84x128xi32, #tpu.memory_space<vmem>> -> memref<76x128xi32, #tpu.memory_space<vmem>>
      %dma_start3A_31 = arith.constant 0 : i32
      %dma_start3A_32 = tpu.memref_slice %arg4[%add3A_17, %dma_start3A_31] : memref<2560x128xi32, #tpu.memory_space<hbm>> -> memref<76x128xi32, #tpu.memory_space<hbm>>
      %dma_start3A_33 = arith.constant 0 : i32
      %dma_start3A_34 = arith.constant 0 : i32
      %dma_start3A_35 = tpu.memref_slice %arg8[%dma_start3A_33, %dma_start3A_34] : memref<84x128xi32, #tpu.memory_space<vmem>> -> memref<76x128xi32, #tpu.memory_space<vmem>>
      %dma_start3A_36 = arith.constant 0 : i32
      %dma_start3A_37 = tpu.memref_slice %arg4[%add3A_17, %dma_start3A_36] : memref<2560x128xi32, #tpu.memory_space<hbm>> -> memref<76x128xi32, #tpu.memory_space<hbm>>
      tpu.enqueue_dma source(%dma_start3A_37 : memref<76x128xi32, #tpu.memory_space<hbm>>) target(%dma_start3A_35 : memref<76x128xi32, #tpu.memory_space<vmem>>) target_semaphore(%arg17 : memref<!tpu.dma_semaphore, #tpu.memory_space<semaphore_mem>>)
      %dma_wait3A = arith.constant 0 : i32
      %dma_wait3A_38 = tpu.memref_slice %arg11[%mul3A_0, %dma_wait3A] : memref<10240x64xf32, #tpu.memory_space<vmem_shared>> -> memref<640x64xf32, #tpu.memory_space<vmem_shared>>
      %dma_wait3A_39 = arith.constant 0 : i32
      %dma_wait3A_40 = tpu.memref_slice %arg2[%mul3A_0, %dma_wait3A_39] : memref<10240x64xf32, #tpu.memory_space<hbm>> -> memref<640x64xf32, #tpu.memory_space<hbm>>
      tpu.wait_dma2 semaphore(%arg17 : memref<!tpu.dma_semaphore, #tpu.memory_space<semaphore_mem>>) src(%dma_wait3A_40 : memref<640x64xf32, #tpu.memory_space<hbm>>) dst(%dma_wait3A_38 : memref<640x64xf32, #tpu.memory_space<vmem_shared>>)
      %dma_wait3A_41 = arith.constant 0 : i32
      %dma_wait3A_42 = tpu.memref_slice %arg12[%mul3A_0, %dma_wait3A_41] : memref<10240x64xf32, #tpu.memory_space<vmem_shared>> -> memref<640x64xf32, #tpu.memory_space<vmem_shared>>
      %dma_wait3A_43 = arith.constant 0 : i32
      %dma_wait3A_44 = tpu.memref_slice %arg5[%mul3A_0, %dma_wait3A_43] : memref<10240x64xf32, #tpu.memory_space<hbm>> -> memref<640x64xf32, #tpu.memory_space<hbm>>
      tpu.wait_dma2 semaphore(%arg17 : memref<!tpu.dma_semaphore, #tpu.memory_space<semaphore_mem>>) src(%dma_wait3A_44 : memref<640x64xf32, #tpu.memory_space<hbm>>) dst(%dma_wait3A_42 : memref<640x64xf32, #tpu.memory_space<vmem_shared>>)
      %dma_wait3A_45 = arith.constant 0 : i32
      %dma_wait3A_46 = arith.constant 0 : i32
      %dma_wait3A_47 = tpu.memref_slice %arg7[%dma_wait3A_45, %dma_wait3A_46] : memref<84x128xi32, #tpu.memory_space<vmem>> -> memref<76x128xi32, #tpu.memory_space<vmem>>
      %dma_wait3A_48 = arith.constant 0 : i32
      %dma_wait3A_49 = tpu.memref_slice %arg3[%add3A_17, %dma_wait3A_48] : memref<2560x128xi32, #tpu.memory_space<hbm>> -> memref<76x128xi32, #tpu.memory_space<hbm>>
      %dma_wait3A_50 = arith.constant 0 : i32
      %dma_wait3A_51 = arith.constant 0 : i32
      %dma_wait3A_52 = tpu.memref_slice %arg7[%dma_wait3A_50, %dma_wait3A_51] : memref<84x128xi32, #tpu.memory_space<vmem>> -> memref<76x128xi32, #tpu.memory_space<vmem>>
      %dma_wait3A_53 = arith.constant 0 : i32
      %dma_wait3A_54 = tpu.memref_slice %arg3[%add3A_17, %dma_wait3A_53] : memref<2560x128xi32, #tpu.memory_space<hbm>> -> memref<76x128xi32, #tpu.memory_space<hbm>>
      tpu.wait_dma2 semaphore(%arg17 : memref<!tpu.dma_semaphore, #tpu.memory_space<semaphore_mem>>) src(%dma_wait3A_54 : memref<76x128xi32, #tpu.memory_space<hbm>>) dst(%dma_wait3A_52 : memref<76x128xi32, #tpu.memory_space<vmem>>)
      %dma_wait3A_55 = arith.constant 0 : i32
      %dma_wait3A_56 = arith.constant 0 : i32
      %dma_wait3A_57 = tpu.memref_slice %arg8[%dma_wait3A_55, %dma_wait3A_56] : memref<84x128xi32, #tpu.memory_space<vmem>> -> memref<76x128xi32, #tpu.memory_space<vmem>>
      %dma_wait3A_58 = arith.constant 0 : i32
      %dma_wait3A_59 = tpu.memref_slice %arg4[%add3A_17, %dma_wait3A_58] : memref<2560x128xi32, #tpu.memory_space<hbm>> -> memref<76x128xi32, #tpu.memory_space<hbm>>
      %dma_wait3A_60 = arith.constant 0 : i32
      %dma_wait3A_61 = arith.constant 0 : i32
      %dma_wait3A_62 = tpu.memref_slice %arg8[%dma_wait3A_60, %dma_wait3A_61] : memref<84x128xi32, #tpu.memory_space<vmem>> -> memref<76x128xi32, #tpu.memory_space<vmem>>
      %dma_wait3A_63 = arith.constant 0 : i32
      %dma_wait3A_64 = tpu.memref_slice %arg4[%add3A_17, %dma_wait3A_63] : memref<2560x128xi32, #tpu.memory_space<hbm>> -> memref<76x128xi32, #tpu.memory_space<hbm>>
      tpu.wait_dma2 semaphore(%arg17 : memref<!tpu.dma_semaphore, #tpu.memory_space<semaphore_mem>>) src(%dma_wait3A_64 : memref<76x128xi32, #tpu.memory_space<hbm>>) dst(%dma_wait3A_62 : memref<76x128xi32, #tpu.memory_space<vmem>>)
      %barrier3A_65 = arith.constant 0 : index
      tpu.barrier barrier_id(%barrier3A_65)
      %dma_start3A_66 = arith.constant 0 : i32
      %dma_start3A_67 = arith.constant 0 : i32
      %dma_start3A_68 = tpu.memref_slice %arg7[%dma_start3A_66, %dma_start3A_67] : memref<84x128xi32, #tpu.memory_space<vmem>> -> memref<1x128xi32, #tpu.memory_space<vmem>>
      %dma_start3A_69 = tpu.memref_squeeze %dma_start3A_68 : memref<1x128xi32, #tpu.memory_space<vmem>> -> memref<128xi32, #tpu.memory_space<vmem>>
      %dma_start3A_70 = arith.constant 0 : i32
      %dma_start3A_71 = arith.constant 0 : i32
      %dma_start3A_72 = tpu.memref_slice %arg11[%dma_start3A_70, %dma_start3A_71] : memref<10240x64xf32, #tpu.memory_space<vmem_shared>> -> memref<10240x64xf32, #tpu.memory_space<vmem_shared>>
      tpu.enqueue_indirect_dma source(%dma_start3A_72 : memref<10240x64xf32, #tpu.memory_space<vmem_shared>>) target(%arg9 : memref<128x64xf32, #tpu.memory_space<vmem>>) offsets(%dma_start3A_69 : memref<128xi32, #tpu.memory_space<vmem>>) semaphore(%arg13 : memref<!tpu.dma_semaphore, #tpu.memory_space<semaphore_mem>>)
      %scan3A = arith.constant 0 : i32
      %scan3A_73 = arith.constant 0 : i32
      %scan3A_74 = arith.constant 38 : i32
      %scan3A_75 = arith.addi %scan3A_73, %scan3A_74 : i32
      %scan3A_76 = arith.constant 1 : i32
      scf.for %scan3A_92 = %scan3A_73 to %scan3A_75 step %scan3A_76  : i32 {
        %mul3A_93 = arith.constant 2 : i32
        %mul3A_94 = arith.muli %mul3A_93, %scan3A_92 : i32
        %add3A_95 = arith.constant 0 : i32
        %add3A_96 = arith.addi %mul3A_94, %add3A_95 : i32
        %dma_wait3A_97 = arith.constant 0 : i32
        %dma_wait3A_98 = tpu.memref_slice %arg7[%add3A_96, %dma_wait3A_97] : memref<84x128xi32, #tpu.memory_space<vmem>> -> memref<1x128xi32, #tpu.memory_space<vmem>>
        %dma_wait3A_99 = tpu.memref_squeeze %dma_wait3A_98 : memref<1x128xi32, #tpu.memory_space<vmem>> -> memref<128xi32, #tpu.memory_space<vmem>>
        %dma_wait3A_100 = arith.constant 0 : i32
        %dma_wait3A_101 = arith.constant 0 : i32
        %dma_wait3A_102 = tpu.memref_slice %arg11[%dma_wait3A_100, %dma_wait3A_101] : memref<10240x64xf32, #tpu.memory_space<vmem_shared>> -> memref<10240x64xf32, #tpu.memory_space<vmem_shared>>
        tpu.wait_indirect_dma semaphore(%arg13 : memref<!tpu.dma_semaphore, #tpu.memory_space<semaphore_mem>>) src(%dma_wait3A_102 : memref<10240x64xf32, #tpu.memory_space<vmem_shared>>) dst(%arg9 : memref<128x64xf32, #tpu.memory_space<vmem>>)
        %dma_start3A_103 = arith.constant 0 : i32
        %dma_start3A_104 = tpu.memref_slice %arg8[%add3A_96, %dma_start3A_103] : memref<84x128xi32, #tpu.memory_space<vmem>> -> memref<1x128xi32, #tpu.memory_space<vmem>>
        %dma_start3A_105 = tpu.memref_squeeze %dma_start3A_104 : memref<1x128xi32, #tpu.memory_space<vmem>> -> memref<128xi32, #tpu.memory_space<vmem>>
        %dma_start3A_106 = arith.constant 0 : i32
        %dma_start3A_107 = arith.constant 0 : i32
        %dma_start3A_108 = tpu.memref_slice %arg12[%dma_start3A_106, %dma_start3A_107] : memref<10240x64xf32, #tpu.memory_space<vmem_shared>> -> memref<10240x64xf32, #tpu.memory_space<vmem_shared>>
        tpu.enqueue_indirect_dma source(%arg9 : memref<128x64xf32, #tpu.memory_space<vmem>>) target(%dma_start3A_108 : memref<10240x64xf32, #tpu.memory_space<vmem_shared>>) offsets(%dma_start3A_105 : memref<128xi32, #tpu.memory_space<vmem>>) semaphore(%arg15 : memref<!tpu.dma_semaphore, #tpu.memory_space<semaphore_mem>>) {add = true}
        %add3A_109 = arith.constant 1 : i32
        %add3A_110 = arith.addi %add3A_96, %add3A_109 : i32
        %lt3A = arith.constant 76 : i32
        %lt3A_111 = arith.cmpi slt, %add3A_110, %lt3A : i32
        %convert_element_type3A_112 = arith.extui %lt3A_111 : i1 to i32
        %cond3A_113 = arith.constant 0 : i32
        %cond3A_114 = arith.cmpi ne, %convert_element_type3A_112, %cond3A_113 : i32
        scf.if %cond3A_114 {
          %ge3A = arith.constant 2 : i32
          %ge3A_136 = arith.cmpi sge, %add3A_110, %ge3A : i32
          %convert_element_type3A_137 = arith.extui %ge3A_136 : i1 to i32
          %cond3A_138 = arith.constant 0 : i32
          %cond3A_139 = arith.cmpi ne, %convert_element_type3A_137, %cond3A_138 : i32
          scf.if %cond3A_139 {
            %sub3A = arith.constant 2 : i32
            %sub3A_146 = arith.subi %add3A_110, %sub3A : i32
            %dma_wait3A_147 = arith.constant 0 : i32
            %dma_wait3A_148 = tpu.memref_slice %arg8[%sub3A_146, %dma_wait3A_147] : memref<84x128xi32, #tpu.memory_space<vmem>> -> memref<1x128xi32, #tpu.memory_space<vmem>>
            %dma_wait3A_149 = tpu.memref_squeeze %dma_wait3A_148 : memref<1x128xi32, #tpu.memory_space<vmem>> -> memref<128xi32, #tpu.memory_space<vmem>>
            %dma_wait3A_150 = arith.constant 0 : i32
            %dma_wait3A_151 = arith.constant 0 : i32
            %dma_wait3A_152 = tpu.memref_slice %arg12[%dma_wait3A_150, %dma_wait3A_151] : memref<10240x64xf32, #tpu.memory_space<vmem_shared>> -> memref<10240x64xf32, #tpu.memory_space<vmem_shared>>
            tpu.wait_indirect_dma semaphore(%arg16 : memref<!tpu.dma_semaphore, #tpu.memory_space<semaphore_mem>>) src(%arg10 : memref<128x64xf32, #tpu.memory_space<vmem>>) dst(%dma_wait3A_152 : memref<10240x64xf32, #tpu.memory_space<vmem_shared>>)
          } else {
          }
          %dma_start3A_140 = arith.constant 0 : i32
          %dma_start3A_141 = tpu.memref_slice %arg7[%add3A_110, %dma_start3A_140] : memref<84x128xi32, #tpu.memory_space<vmem>> -> memref<1x128xi32, #tpu.memory_space<vmem>>
          %dma_start3A_142 = tpu.memref_squeeze %dma_start3A_141 : memref<1x128xi32, #tpu.memory_space<vmem>> -> memref<128xi32, #tpu.memory_space<vmem>>
          %dma_start3A_143 = arith.constant 0 : i32
          %dma_start3A_144 = arith.constant 0 : i32
          %dma_start3A_145 = tpu.memref_slice %arg11[%dma_start3A_143, %dma_start3A_144] : memref<10240x64xf32, #tpu.memory_space<vmem_shared>> -> memref<10240x64xf32, #tpu.memory_space<vmem_shared>>
          tpu.enqueue_indirect_dma source(%dma_start3A_145 : memref<10240x64xf32, #tpu.memory_space<vmem_shared>>) target(%arg10 : memref<128x64xf32, #tpu.memory_space<vmem>>) offsets(%dma_start3A_142 : memref<128xi32, #tpu.memory_space<vmem>>) semaphore(%arg14 : memref<!tpu.dma_semaphore, #tpu.memory_space<semaphore_mem>>)
        } else {
        }
        %add3A_115 = arith.constant 1 : i32
        %add3A_116 = arith.addi %mul3A_94, %add3A_115 : i32
        %dma_wait3A_117 = arith.constant 0 : i32
        %dma_wait3A_118 = tpu.memref_slice %arg7[%add3A_116, %dma_wait3A_117] : memref<84x128xi32, #tpu.memory_space<vmem>> -> memref<1x128xi32, #tpu.memory_space<vmem>>
        %dma_wait3A_119 = tpu.memref_squeeze %dma_wait3A_118 : memref<1x128xi32, #tpu.memory_space<vmem>> -> memref<128xi32, #tpu.memory_space<vmem>>
        %dma_wait3A_120 = arith.constant 0 : i32
        %dma_wait3A_121 = arith.constant 0 : i32
        %dma_wait3A_122 = tpu.memref_slice %arg11[%dma_wait3A_120, %dma_wait3A_121] : memref<10240x64xf32, #tpu.memory_space<vmem_shared>> -> memref<10240x64xf32, #tpu.memory_space<vmem_shared>>
        tpu.wait_indirect_dma semaphore(%arg14 : memref<!tpu.dma_semaphore, #tpu.memory_space<semaphore_mem>>) src(%dma_wait3A_122 : memref<10240x64xf32, #tpu.memory_space<vmem_shared>>) dst(%arg10 : memref<128x64xf32, #tpu.memory_space<vmem>>)
        %dma_start3A_123 = arith.constant 0 : i32
        %dma_start3A_124 = tpu.memref_slice %arg8[%add3A_116, %dma_start3A_123] : memref<84x128xi32, #tpu.memory_space<vmem>> -> memref<1x128xi32, #tpu.memory_space<vmem>>
        %dma_start3A_125 = tpu.memref_squeeze %dma_start3A_124 : memref<1x128xi32, #tpu.memory_space<vmem>> -> memref<128xi32, #tpu.memory_space<vmem>>
        %dma_start3A_126 = arith.constant 0 : i32
        %dma_start3A_127 = arith.constant 0 : i32
        %dma_start3A_128 = tpu.memref_slice %arg12[%dma_start3A_126, %dma_start3A_127] : memref<10240x64xf32, #tpu.memory_space<vmem_shared>> -> memref<10240x64xf32, #tpu.memory_space<vmem_shared>>
        tpu.enqueue_indirect_dma source(%arg10 : memref<128x64xf32, #tpu.memory_space<vmem>>) target(%dma_start3A_128 : memref<10240x64xf32, #tpu.memory_space<vmem_shared>>) offsets(%dma_start3A_125 : memref<128xi32, #tpu.memory_space<vmem>>) semaphore(%arg16 : memref<!tpu.dma_semaphore, #tpu.memory_space<semaphore_mem>>) {add = true}
        %add3A_129 = arith.constant 1 : i32
        %add3A_130 = arith.addi %add3A_116, %add3A_129 : i32
        %lt3A_131 = arith.constant 76 : i32
        %lt3A_132 = arith.cmpi slt, %add3A_130, %lt3A_131 : i32
        %convert_element_type3A_133 = arith.extui %lt3A_132 : i1 to i32
        %cond3A_134 = arith.constant 0 : i32
        %cond3A_135 = arith.cmpi ne, %convert_element_type3A_133, %cond3A_134 : i32
        scf.if %cond3A_135 {
          %ge3A = arith.constant 2 : i32
          %ge3A_136 = arith.cmpi sge, %add3A_130, %ge3A : i32
          %convert_element_type3A_137 = arith.extui %ge3A_136 : i1 to i32
          %cond3A_138 = arith.constant 0 : i32
          %cond3A_139 = arith.cmpi ne, %convert_element_type3A_137, %cond3A_138 : i32
          scf.if %cond3A_139 {
            %sub3A = arith.constant 2 : i32
            %sub3A_146 = arith.subi %add3A_130, %sub3A : i32
            %dma_wait3A_147 = arith.constant 0 : i32
            %dma_wait3A_148 = tpu.memref_slice %arg8[%sub3A_146, %dma_wait3A_147] : memref<84x128xi32, #tpu.memory_space<vmem>> -> memref<1x128xi32, #tpu.memory_space<vmem>>
            %dma_wait3A_149 = tpu.memref_squeeze %dma_wait3A_148 : memref<1x128xi32, #tpu.memory_space<vmem>> -> memref<128xi32, #tpu.memory_space<vmem>>
            %dma_wait3A_150 = arith.constant 0 : i32
            %dma_wait3A_151 = arith.constant 0 : i32
            %dma_wait3A_152 = tpu.memref_slice %arg12[%dma_wait3A_150, %dma_wait3A_151] : memref<10240x64xf32, #tpu.memory_space<vmem_shared>> -> memref<10240x64xf32, #tpu.memory_space<vmem_shared>>
            tpu.wait_indirect_dma semaphore(%arg15 : memref<!tpu.dma_semaphore, #tpu.memory_space<semaphore_mem>>) src(%arg9 : memref<128x64xf32, #tpu.memory_space<vmem>>) dst(%dma_wait3A_152 : memref<10240x64xf32, #tpu.memory_space<vmem_shared>>)
          } else {
          }
          %dma_start3A_140 = arith.constant 0 : i32
          %dma_start3A_141 = tpu.memref_slice %arg7[%add3A_130, %dma_start3A_140] : memref<84x128xi32, #tpu.memory_space<vmem>> -> memref<1x128xi32, #tpu.memory_space<vmem>>
          %dma_start3A_142 = tpu.memref_squeeze %dma_start3A_141 : memref<1x128xi32, #tpu.memory_space<vmem>> -> memref<128xi32, #tpu.memory_space<vmem>>
          %dma_start3A_143 = arith.constant 0 : i32
          %dma_start3A_144 = arith.constant 0 : i32
          %dma_start3A_145 = tpu.memref_slice %arg11[%dma_start3A_143, %dma_start3A_144] : memref<10240x64xf32, #tpu.memory_space<vmem_shared>> -> memref<10240x64xf32, #tpu.memory_space<vmem_shared>>
          tpu.enqueue_indirect_dma source(%dma_start3A_145 : memref<10240x64xf32, #tpu.memory_space<vmem_shared>>) target(%arg9 : memref<128x64xf32, #tpu.memory_space<vmem>>) offsets(%dma_start3A_142 : memref<128xi32, #tpu.memory_space<vmem>>) semaphore(%arg13 : memref<!tpu.dma_semaphore, #tpu.memory_space<semaphore_mem>>)
        } else {
        }
      }
      %scan3A_77 = arith.constant 38 : i32
      %dma_wait3A_78 = arith.constant 74 : i32
      %dma_wait3A_79 = arith.constant 0 : i32
      %dma_wait3A_80 = tpu.memref_slice %arg8[%dma_wait3A_78, %dma_wait3A_79] : memref<84x128xi32, #tpu.memory_space<vmem>> -> memref<1x128xi32, #tpu.memory_space<vmem>>
      %dma_wait3A_81 = tpu.memref_squeeze %dma_wait3A_80 : memref<1x128xi32, #tpu.memory_space<vmem>> -> memref<128xi32, #tpu.memory_space<vmem>>
      %dma_wait3A_82 = arith.constant 0 : i32
      %dma_wait3A_83 = arith.constant 0 : i32
      %dma_wait3A_84 = tpu.memref_slice %arg12[%dma_wait3A_82, %dma_wait3A_83] : memref<10240x64xf32, #tpu.memory_space<vmem_shared>> -> memref<10240x64xf32, #tpu.memory_space<vmem_shared>>
      tpu.wait_indirect_dma semaphore(%arg15 : memref<!tpu.dma_semaphore, #tpu.memory_space<semaphore_mem>>) src(%arg9 : memref<128x64xf32, #tpu.memory_space<vmem>>) dst(%dma_wait3A_84 : memref<10240x64xf32, #tpu.memory_space<vmem_shared>>)
      %dma_wait3A_85 = arith.constant 75 : i32
      %dma_wait3A_86 = arith.constant 0 : i32
      %dma_wait3A_87 = tpu.memref_slice %arg8[%dma_wait3A_85, %dma_wait3A_86] : memref<84x128xi32, #tpu.memory_space<vmem>> -> memref<1x128xi32, #tpu.memory_space<vmem>>
      %dma_wait3A_88 = tpu.memref_squeeze %dma_wait3A_87 : memref<1x128xi32, #tpu.memory_space<vmem>> -> memref<128xi32, #tpu.memory_space<vmem>>
      %dma_wait3A_89 = arith.constant 0 : i32
      %dma_wait3A_90 = arith.constant 0 : i32
      %dma_wait3A_91 = tpu.memref_slice %arg12[%dma_wait3A_89, %dma_wait3A_90] : memref<10240x64xf32, #tpu.memory_space<vmem_shared>> -> memref<10240x64xf32, #tpu.memory_space<vmem_shared>>
      tpu.wait_indirect_dma semaphore(%arg16 : memref<!tpu.dma_semaphore, #tpu.memory_space<semaphore_mem>>) src(%arg10 : memref<128x64xf32, #tpu.memory_space<vmem>>) dst(%dma_wait3A_91 : memref<10240x64xf32, #tpu.memory_space<vmem_shared>>)
    } else {
    }
    %barrier3A = arith.constant 0 : index
    tpu.barrier barrier_id(%barrier3A)
    "tpu.region"() ({
      %run_scoped3A = tpu.sem_alloc : memref<!tpu.dma_semaphore, #tpu.memory_space<semaphore_mem>>
      %dma_start3A_15 = arith.constant 0 : i32
      %dma_start3A_16 = tpu.memref_slice %arg6[%arg0, %mul3A_0, %dma_start3A_15] : memref<2x10240x64xf32, #tpu.memory_space<hbm>> -> memref<1x640x64xf32, #tpu.memory_space<hbm>>
      %dma_start3A_17 = tpu.memref_squeeze %dma_start3A_16 : memref<1x640x64xf32, #tpu.memory_space<hbm>> -> memref<640x64xf32, #tpu.memory_space<hbm>>
      %dma_start3A_18 = arith.constant 0 : i32
      %dma_start3A_19 = tpu.memref_slice %arg12[%mul3A_0, %dma_start3A_18] : memref<10240x64xf32, #tpu.memory_space<vmem_shared>> -> memref<640x64xf32, #tpu.memory_space<vmem_shared>>
      tpu.enqueue_dma source(%dma_start3A_19 : memref<640x64xf32, #tpu.memory_space<vmem_shared>>) target(%dma_start3A_17 : memref<640x64xf32, #tpu.memory_space<hbm>>) target_semaphore(%run_scoped3A : memref<!tpu.dma_semaphore, #tpu.memory_space<semaphore_mem>>)
      %dma_wait3A = arith.constant 0 : i32
      %dma_wait3A_20 = tpu.memref_slice %arg6[%arg0, %mul3A_0, %dma_wait3A] : memref<2x10240x64xf32, #tpu.memory_space<hbm>> -> memref<1x640x64xf32, #tpu.memory_space<hbm>>
      %dma_wait3A_21 = tpu.memref_squeeze %dma_wait3A_20 : memref<1x640x64xf32, #tpu.memory_space<hbm>> -> memref<640x64xf32, #tpu.memory_space<hbm>>
      %dma_wait3A_22 = arith.constant 0 : i32
      %dma_wait3A_23 = tpu.memref_slice %arg12[%mul3A_0, %dma_wait3A_22] : memref<10240x64xf32, #tpu.memory_space<vmem_shared>> -> memref<640x64xf32, #tpu.memory_space<vmem_shared>>
      tpu.wait_dma2 semaphore(%run_scoped3A : memref<!tpu.dma_semaphore, #tpu.memory_space<semaphore_mem>>) src(%dma_wait3A_23 : memref<640x64xf32, #tpu.memory_space<vmem_shared>>) dst(%dma_wait3A_21 : memref<640x64xf32, #tpu.memory_space<hbm>>)
      tpu.yield
    }) : () -> ()
    return
  }
}

#map = affine_map<(d0, d1) -> (0, 0)>
#map1 = affine_map<(d0, d1) -> (0, 0, 0)>
module attributes {stable_mosaic.version = 14 : i64} {
  func.func @_agg_body(%arg0: i32, %arg1: i32, %arg2: memref<10240x64xf32, #tpu.memory_space<hbm>>, %arg3: memref<2560x128xi32, #tpu.memory_space<hbm>>, %arg4: memref<2560x128xi32, #tpu.memory_space<hbm>>, %arg5: memref<10240x64xf32, #tpu.memory_space<hbm>>, %arg6: memref<2x10240x64xf32, #tpu.memory_space<hbm>>, %arg7: memref<84x128xi32, #tpu.memory_space<vmem>>, %arg8: memref<84x128xi32, #tpu.memory_space<vmem>>, %arg9: memref<128x64xf32, #tpu.memory_space<vmem>>, %arg10: memref<128x64xf32, #tpu.memory_space<vmem>>, %arg11: memref<10240x64xf32, #tpu.memory_space<vmem_shared>>, %arg12: memref<10240x64xf32, #tpu.memory_space<vmem_shared>>, %arg13: memref<!tpu.dma_semaphore, #tpu.memory_space<semaphore_mem>>, %arg14: memref<!tpu.dma_semaphore, #tpu.memory_space<semaphore_mem>>, %arg15: memref<!tpu.dma_semaphore, #tpu.memory_space<semaphore_mem>>, %arg16: memref<!tpu.dma_semaphore, #tpu.memory_space<semaphore_mem>>, %arg17: memref<!tpu.dma_semaphore, #tpu.memory_space<semaphore_mem>>) attributes {dimension_semantics = [#tpu.dimension_semantics<core_parallel>, #tpu.dimension_semantics<subcore_parallel>], iteration_bounds = array<i64: 2, 16>, scalar_prefetch = 0 : i64, scratch_operands = 11 : i64, tpu.core_type = #tpu.core_type<sc_vector_subcore>, window_params = [{transform_indices = #map}, {transform_indices = #map}, {transform_indices = #map}, {transform_indices = #map}, {transform_indices = #map1}]} {
    %mul3A = arith.constant 640 : i32
    %mul3A_0 = arith.muli %arg1, %mul3A : i32
    %dma_start3A = arith.constant 0 : i32
    %dma_start3A_1 = tpu.memref_slice %arg11[%mul3A_0, %dma_start3A] : memref<10240x64xf32, #tpu.memory_space<vmem_shared>> -> memref<640x64xf32, #tpu.memory_space<vmem_shared>>
    %dma_start3A_2 = arith.constant 0 : i32
    %dma_start3A_3 = tpu.memref_slice %arg2[%mul3A_0, %dma_start3A_2] : memref<10240x64xf32, #tpu.memory_space<hbm>> -> memref<640x64xf32, #tpu.memory_space<hbm>>
    tpu.enqueue_dma source(%dma_start3A_3 : memref<640x64xf32, #tpu.memory_space<hbm>>) target(%dma_start3A_1 : memref<640x64xf32, #tpu.memory_space<vmem_shared>>) target_semaphore(%arg17 : memref<!tpu.dma_semaphore, #tpu.memory_space<semaphore_mem>>)
    %dma_start3A_4 = arith.constant 0 : i32
    %dma_start3A_5 = tpu.memref_slice %arg12[%mul3A_0, %dma_start3A_4] : memref<10240x64xf32, #tpu.memory_space<vmem_shared>> -> memref<640x64xf32, #tpu.memory_space<vmem_shared>>
    %dma_start3A_6 = arith.constant 0 : i32
    %dma_start3A_7 = tpu.memref_slice %arg5[%mul3A_0, %dma_start3A_6] : memref<10240x64xf32, #tpu.memory_space<hbm>> -> memref<640x64xf32, #tpu.memory_space<hbm>>
    tpu.enqueue_dma source(%dma_start3A_7 : memref<640x64xf32, #tpu.memory_space<hbm>>) target(%dma_start3A_5 : memref<640x64xf32, #tpu.memory_space<vmem_shared>>) target_semaphore(%arg17 : memref<!tpu.dma_semaphore, #tpu.memory_space<semaphore_mem>>)
    %eq3A = arith.constant 0 : i32
    %eq3A_8 = arith.cmpi eq, %arg0, %eq3A : i32
    %convert_element_type3A = arith.extui %eq3A_8 : i1 to i32
    %cond3A = arith.constant 0 : i32
    %cond3A_9 = arith.cmpi ne, %convert_element_type3A, %cond3A : i32
    scf.if %cond3A_9 {
      %mul3A_15 = arith.constant 84 : i32
      %mul3A_16 = arith.muli %arg1, %mul3A_15 : i32
      %dma_start3A_17 = arith.constant 0 : i32
      %dma_start3A_18 = arith.constant 0 : i32
      %dma_start3A_19 = tpu.memref_slice %arg7[%dma_start3A_17, %dma_start3A_18] : memref<84x128xi32, #tpu.memory_space<vmem>> -> memref<84x128xi32, #tpu.memory_space<vmem>>
      %dma_start3A_20 = arith.constant 0 : i32
      %dma_start3A_21 = tpu.memref_slice %arg3[%mul3A_16, %dma_start3A_20] : memref<2560x128xi32, #tpu.memory_space<hbm>> -> memref<84x128xi32, #tpu.memory_space<hbm>>
      %dma_start3A_22 = arith.constant 0 : i32
      %dma_start3A_23 = arith.constant 0 : i32
      %dma_start3A_24 = tpu.memref_slice %arg7[%dma_start3A_22, %dma_start3A_23] : memref<84x128xi32, #tpu.memory_space<vmem>> -> memref<84x128xi32, #tpu.memory_space<vmem>>
      %dma_start3A_25 = arith.constant 0 : i32
      %dma_start3A_26 = tpu.memref_slice %arg3[%mul3A_16, %dma_start3A_25] : memref<2560x128xi32, #tpu.memory_space<hbm>> -> memref<84x128xi32, #tpu.memory_space<hbm>>
      tpu.enqueue_dma source(%dma_start3A_26 : memref<84x128xi32, #tpu.memory_space<hbm>>) target(%dma_start3A_24 : memref<84x128xi32, #tpu.memory_space<vmem>>) target_semaphore(%arg17 : memref<!tpu.dma_semaphore, #tpu.memory_space<semaphore_mem>>)
      %dma_start3A_27 = arith.constant 0 : i32
      %dma_start3A_28 = arith.constant 0 : i32
      %dma_start3A_29 = tpu.memref_slice %arg8[%dma_start3A_27, %dma_start3A_28] : memref<84x128xi32, #tpu.memory_space<vmem>> -> memref<84x128xi32, #tpu.memory_space<vmem>>
      %dma_start3A_30 = arith.constant 0 : i32
      %dma_start3A_31 = tpu.memref_slice %arg4[%mul3A_16, %dma_start3A_30] : memref<2560x128xi32, #tpu.memory_space<hbm>> -> memref<84x128xi32, #tpu.memory_space<hbm>>
      %dma_start3A_32 = arith.constant 0 : i32
      %dma_start3A_33 = arith.constant 0 : i32
      %dma_start3A_34 = tpu.memref_slice %arg8[%dma_start3A_32, %dma_start3A_33] : memref<84x128xi32, #tpu.memory_space<vmem>> -> memref<84x128xi32, #tpu.memory_space<vmem>>
      %dma_start3A_35 = arith.constant 0 : i32
      %dma_start3A_36 = tpu.memref_slice %arg4[%mul3A_16, %dma_start3A_35] : memref<2560x128xi32, #tpu.memory_space<hbm>> -> memref<84x128xi32, #tpu.memory_space<hbm>>
      tpu.enqueue_dma source(%dma_start3A_36 : memref<84x128xi32, #tpu.memory_space<hbm>>) target(%dma_start3A_34 : memref<84x128xi32, #tpu.memory_space<vmem>>) target_semaphore(%arg17 : memref<!tpu.dma_semaphore, #tpu.memory_space<semaphore_mem>>)
      %dma_wait3A = arith.constant 0 : i32
      %dma_wait3A_37 = tpu.memref_slice %arg11[%mul3A_0, %dma_wait3A] : memref<10240x64xf32, #tpu.memory_space<vmem_shared>> -> memref<640x64xf32, #tpu.memory_space<vmem_shared>>
      %dma_wait3A_38 = arith.constant 0 : i32
      %dma_wait3A_39 = tpu.memref_slice %arg2[%mul3A_0, %dma_wait3A_38] : memref<10240x64xf32, #tpu.memory_space<hbm>> -> memref<640x64xf32, #tpu.memory_space<hbm>>
      tpu.wait_dma2 semaphore(%arg17 : memref<!tpu.dma_semaphore, #tpu.memory_space<semaphore_mem>>) src(%dma_wait3A_39 : memref<640x64xf32, #tpu.memory_space<hbm>>) dst(%dma_wait3A_37 : memref<640x64xf32, #tpu.memory_space<vmem_shared>>)
      %dma_wait3A_40 = arith.constant 0 : i32
      %dma_wait3A_41 = tpu.memref_slice %arg12[%mul3A_0, %dma_wait3A_40] : memref<10240x64xf32, #tpu.memory_space<vmem_shared>> -> memref<640x64xf32, #tpu.memory_space<vmem_shared>>
      %dma_wait3A_42 = arith.constant 0 : i32
      %dma_wait3A_43 = tpu.memref_slice %arg5[%mul3A_0, %dma_wait3A_42] : memref<10240x64xf32, #tpu.memory_space<hbm>> -> memref<640x64xf32, #tpu.memory_space<hbm>>
      tpu.wait_dma2 semaphore(%arg17 : memref<!tpu.dma_semaphore, #tpu.memory_space<semaphore_mem>>) src(%dma_wait3A_43 : memref<640x64xf32, #tpu.memory_space<hbm>>) dst(%dma_wait3A_41 : memref<640x64xf32, #tpu.memory_space<vmem_shared>>)
      %dma_wait3A_44 = arith.constant 0 : i32
      %dma_wait3A_45 = arith.constant 0 : i32
      %dma_wait3A_46 = tpu.memref_slice %arg7[%dma_wait3A_44, %dma_wait3A_45] : memref<84x128xi32, #tpu.memory_space<vmem>> -> memref<84x128xi32, #tpu.memory_space<vmem>>
      %dma_wait3A_47 = arith.constant 0 : i32
      %dma_wait3A_48 = tpu.memref_slice %arg3[%mul3A_16, %dma_wait3A_47] : memref<2560x128xi32, #tpu.memory_space<hbm>> -> memref<84x128xi32, #tpu.memory_space<hbm>>
      %dma_wait3A_49 = arith.constant 0 : i32
      %dma_wait3A_50 = arith.constant 0 : i32
      %dma_wait3A_51 = tpu.memref_slice %arg7[%dma_wait3A_49, %dma_wait3A_50] : memref<84x128xi32, #tpu.memory_space<vmem>> -> memref<84x128xi32, #tpu.memory_space<vmem>>
      %dma_wait3A_52 = arith.constant 0 : i32
      %dma_wait3A_53 = tpu.memref_slice %arg3[%mul3A_16, %dma_wait3A_52] : memref<2560x128xi32, #tpu.memory_space<hbm>> -> memref<84x128xi32, #tpu.memory_space<hbm>>
      tpu.wait_dma2 semaphore(%arg17 : memref<!tpu.dma_semaphore, #tpu.memory_space<semaphore_mem>>) src(%dma_wait3A_53 : memref<84x128xi32, #tpu.memory_space<hbm>>) dst(%dma_wait3A_51 : memref<84x128xi32, #tpu.memory_space<vmem>>)
      %dma_wait3A_54 = arith.constant 0 : i32
      %dma_wait3A_55 = arith.constant 0 : i32
      %dma_wait3A_56 = tpu.memref_slice %arg8[%dma_wait3A_54, %dma_wait3A_55] : memref<84x128xi32, #tpu.memory_space<vmem>> -> memref<84x128xi32, #tpu.memory_space<vmem>>
      %dma_wait3A_57 = arith.constant 0 : i32
      %dma_wait3A_58 = tpu.memref_slice %arg4[%mul3A_16, %dma_wait3A_57] : memref<2560x128xi32, #tpu.memory_space<hbm>> -> memref<84x128xi32, #tpu.memory_space<hbm>>
      %dma_wait3A_59 = arith.constant 0 : i32
      %dma_wait3A_60 = arith.constant 0 : i32
      %dma_wait3A_61 = tpu.memref_slice %arg8[%dma_wait3A_59, %dma_wait3A_60] : memref<84x128xi32, #tpu.memory_space<vmem>> -> memref<84x128xi32, #tpu.memory_space<vmem>>
      %dma_wait3A_62 = arith.constant 0 : i32
      %dma_wait3A_63 = tpu.memref_slice %arg4[%mul3A_16, %dma_wait3A_62] : memref<2560x128xi32, #tpu.memory_space<hbm>> -> memref<84x128xi32, #tpu.memory_space<hbm>>
      tpu.wait_dma2 semaphore(%arg17 : memref<!tpu.dma_semaphore, #tpu.memory_space<semaphore_mem>>) src(%dma_wait3A_63 : memref<84x128xi32, #tpu.memory_space<hbm>>) dst(%dma_wait3A_61 : memref<84x128xi32, #tpu.memory_space<vmem>>)
      %barrier3A_64 = arith.constant 0 : index
      tpu.barrier barrier_id(%barrier3A_64)
      %dma_start3A_65 = arith.constant 0 : i32
      %dma_start3A_66 = arith.constant 0 : i32
      %dma_start3A_67 = tpu.memref_slice %arg7[%dma_start3A_65, %dma_start3A_66] : memref<84x128xi32, #tpu.memory_space<vmem>> -> memref<1x128xi32, #tpu.memory_space<vmem>>
      %dma_start3A_68 = tpu.memref_squeeze %dma_start3A_67 : memref<1x128xi32, #tpu.memory_space<vmem>> -> memref<128xi32, #tpu.memory_space<vmem>>
      %dma_start3A_69 = arith.constant 0 : i32
      %dma_start3A_70 = arith.constant 0 : i32
      %dma_start3A_71 = tpu.memref_slice %arg11[%dma_start3A_69, %dma_start3A_70] : memref<10240x64xf32, #tpu.memory_space<vmem_shared>> -> memref<10240x64xf32, #tpu.memory_space<vmem_shared>>
      tpu.enqueue_indirect_dma source(%dma_start3A_71 : memref<10240x64xf32, #tpu.memory_space<vmem_shared>>) target(%arg9 : memref<128x64xf32, #tpu.memory_space<vmem>>) offsets(%dma_start3A_68 : memref<128xi32, #tpu.memory_space<vmem>>) semaphore(%arg13 : memref<!tpu.dma_semaphore, #tpu.memory_space<semaphore_mem>>)
      %scan3A = arith.constant 0 : i32
      %scan3A_72 = arith.constant 0 : i32
      %scan3A_73 = arith.constant 42 : i32
      %scan3A_74 = arith.addi %scan3A_72, %scan3A_73 : i32
      %scan3A_75 = arith.constant 1 : i32
      scf.for %scan3A_91 = %scan3A_72 to %scan3A_74 step %scan3A_75  : i32 {
        %mul3A_92 = arith.constant 2 : i32
        %mul3A_93 = arith.muli %mul3A_92, %scan3A_91 : i32
        %add3A = arith.constant 0 : i32
        %add3A_94 = arith.addi %mul3A_93, %add3A : i32
        %dma_wait3A_95 = arith.constant 0 : i32
        %dma_wait3A_96 = tpu.memref_slice %arg7[%add3A_94, %dma_wait3A_95] : memref<84x128xi32, #tpu.memory_space<vmem>> -> memref<1x128xi32, #tpu.memory_space<vmem>>
        %dma_wait3A_97 = tpu.memref_squeeze %dma_wait3A_96 : memref<1x128xi32, #tpu.memory_space<vmem>> -> memref<128xi32, #tpu.memory_space<vmem>>
        %dma_wait3A_98 = arith.constant 0 : i32
        %dma_wait3A_99 = arith.constant 0 : i32
        %dma_wait3A_100 = tpu.memref_slice %arg11[%dma_wait3A_98, %dma_wait3A_99] : memref<10240x64xf32, #tpu.memory_space<vmem_shared>> -> memref<10240x64xf32, #tpu.memory_space<vmem_shared>>
        tpu.wait_indirect_dma semaphore(%arg13 : memref<!tpu.dma_semaphore, #tpu.memory_space<semaphore_mem>>) src(%dma_wait3A_100 : memref<10240x64xf32, #tpu.memory_space<vmem_shared>>) dst(%arg9 : memref<128x64xf32, #tpu.memory_space<vmem>>)
        %dma_start3A_101 = arith.constant 0 : i32
        %dma_start3A_102 = tpu.memref_slice %arg8[%add3A_94, %dma_start3A_101] : memref<84x128xi32, #tpu.memory_space<vmem>> -> memref<1x128xi32, #tpu.memory_space<vmem>>
        %dma_start3A_103 = tpu.memref_squeeze %dma_start3A_102 : memref<1x128xi32, #tpu.memory_space<vmem>> -> memref<128xi32, #tpu.memory_space<vmem>>
        %dma_start3A_104 = arith.constant 0 : i32
        %dma_start3A_105 = arith.constant 0 : i32
        %dma_start3A_106 = tpu.memref_slice %arg12[%dma_start3A_104, %dma_start3A_105] : memref<10240x64xf32, #tpu.memory_space<vmem_shared>> -> memref<10240x64xf32, #tpu.memory_space<vmem_shared>>
        tpu.enqueue_indirect_dma source(%arg9 : memref<128x64xf32, #tpu.memory_space<vmem>>) target(%dma_start3A_106 : memref<10240x64xf32, #tpu.memory_space<vmem_shared>>) offsets(%dma_start3A_103 : memref<128xi32, #tpu.memory_space<vmem>>) semaphore(%arg15 : memref<!tpu.dma_semaphore, #tpu.memory_space<semaphore_mem>>) {add = true}
        %add3A_107 = arith.constant 1 : i32
        %add3A_108 = arith.addi %add3A_94, %add3A_107 : i32
        %lt3A = arith.constant 84 : i32
        %lt3A_109 = arith.cmpi slt, %add3A_108, %lt3A : i32
        %convert_element_type3A_110 = arith.extui %lt3A_109 : i1 to i32
        %cond3A_111 = arith.constant 0 : i32
        %cond3A_112 = arith.cmpi ne, %convert_element_type3A_110, %cond3A_111 : i32
        scf.if %cond3A_112 {
          %ge3A = arith.constant 2 : i32
          %ge3A_134 = arith.cmpi sge, %add3A_108, %ge3A : i32
          %convert_element_type3A_135 = arith.extui %ge3A_134 : i1 to i32
          %cond3A_136 = arith.constant 0 : i32
          %cond3A_137 = arith.cmpi ne, %convert_element_type3A_135, %cond3A_136 : i32
          scf.if %cond3A_137 {
            %sub3A = arith.constant 2 : i32
            %sub3A_144 = arith.subi %add3A_108, %sub3A : i32
            %dma_wait3A_145 = arith.constant 0 : i32
            %dma_wait3A_146 = tpu.memref_slice %arg8[%sub3A_144, %dma_wait3A_145] : memref<84x128xi32, #tpu.memory_space<vmem>> -> memref<1x128xi32, #tpu.memory_space<vmem>>
            %dma_wait3A_147 = tpu.memref_squeeze %dma_wait3A_146 : memref<1x128xi32, #tpu.memory_space<vmem>> -> memref<128xi32, #tpu.memory_space<vmem>>
            %dma_wait3A_148 = arith.constant 0 : i32
            %dma_wait3A_149 = arith.constant 0 : i32
            %dma_wait3A_150 = tpu.memref_slice %arg12[%dma_wait3A_148, %dma_wait3A_149] : memref<10240x64xf32, #tpu.memory_space<vmem_shared>> -> memref<10240x64xf32, #tpu.memory_space<vmem_shared>>
            tpu.wait_indirect_dma semaphore(%arg16 : memref<!tpu.dma_semaphore, #tpu.memory_space<semaphore_mem>>) src(%arg10 : memref<128x64xf32, #tpu.memory_space<vmem>>) dst(%dma_wait3A_150 : memref<10240x64xf32, #tpu.memory_space<vmem_shared>>)
          } else {
          }
          %dma_start3A_138 = arith.constant 0 : i32
          %dma_start3A_139 = tpu.memref_slice %arg7[%add3A_108, %dma_start3A_138] : memref<84x128xi32, #tpu.memory_space<vmem>> -> memref<1x128xi32, #tpu.memory_space<vmem>>
          %dma_start3A_140 = tpu.memref_squeeze %dma_start3A_139 : memref<1x128xi32, #tpu.memory_space<vmem>> -> memref<128xi32, #tpu.memory_space<vmem>>
          %dma_start3A_141 = arith.constant 0 : i32
          %dma_start3A_142 = arith.constant 0 : i32
          %dma_start3A_143 = tpu.memref_slice %arg11[%dma_start3A_141, %dma_start3A_142] : memref<10240x64xf32, #tpu.memory_space<vmem_shared>> -> memref<10240x64xf32, #tpu.memory_space<vmem_shared>>
          tpu.enqueue_indirect_dma source(%dma_start3A_143 : memref<10240x64xf32, #tpu.memory_space<vmem_shared>>) target(%arg10 : memref<128x64xf32, #tpu.memory_space<vmem>>) offsets(%dma_start3A_140 : memref<128xi32, #tpu.memory_space<vmem>>) semaphore(%arg14 : memref<!tpu.dma_semaphore, #tpu.memory_space<semaphore_mem>>)
        } else {
        }
        %add3A_113 = arith.constant 1 : i32
        %add3A_114 = arith.addi %mul3A_93, %add3A_113 : i32
        %dma_wait3A_115 = arith.constant 0 : i32
        %dma_wait3A_116 = tpu.memref_slice %arg7[%add3A_114, %dma_wait3A_115] : memref<84x128xi32, #tpu.memory_space<vmem>> -> memref<1x128xi32, #tpu.memory_space<vmem>>
        %dma_wait3A_117 = tpu.memref_squeeze %dma_wait3A_116 : memref<1x128xi32, #tpu.memory_space<vmem>> -> memref<128xi32, #tpu.memory_space<vmem>>
        %dma_wait3A_118 = arith.constant 0 : i32
        %dma_wait3A_119 = arith.constant 0 : i32
        %dma_wait3A_120 = tpu.memref_slice %arg11[%dma_wait3A_118, %dma_wait3A_119] : memref<10240x64xf32, #tpu.memory_space<vmem_shared>> -> memref<10240x64xf32, #tpu.memory_space<vmem_shared>>
        tpu.wait_indirect_dma semaphore(%arg14 : memref<!tpu.dma_semaphore, #tpu.memory_space<semaphore_mem>>) src(%dma_wait3A_120 : memref<10240x64xf32, #tpu.memory_space<vmem_shared>>) dst(%arg10 : memref<128x64xf32, #tpu.memory_space<vmem>>)
        %dma_start3A_121 = arith.constant 0 : i32
        %dma_start3A_122 = tpu.memref_slice %arg8[%add3A_114, %dma_start3A_121] : memref<84x128xi32, #tpu.memory_space<vmem>> -> memref<1x128xi32, #tpu.memory_space<vmem>>
        %dma_start3A_123 = tpu.memref_squeeze %dma_start3A_122 : memref<1x128xi32, #tpu.memory_space<vmem>> -> memref<128xi32, #tpu.memory_space<vmem>>
        %dma_start3A_124 = arith.constant 0 : i32
        %dma_start3A_125 = arith.constant 0 : i32
        %dma_start3A_126 = tpu.memref_slice %arg12[%dma_start3A_124, %dma_start3A_125] : memref<10240x64xf32, #tpu.memory_space<vmem_shared>> -> memref<10240x64xf32, #tpu.memory_space<vmem_shared>>
        tpu.enqueue_indirect_dma source(%arg10 : memref<128x64xf32, #tpu.memory_space<vmem>>) target(%dma_start3A_126 : memref<10240x64xf32, #tpu.memory_space<vmem_shared>>) offsets(%dma_start3A_123 : memref<128xi32, #tpu.memory_space<vmem>>) semaphore(%arg16 : memref<!tpu.dma_semaphore, #tpu.memory_space<semaphore_mem>>) {add = true}
        %add3A_127 = arith.constant 1 : i32
        %add3A_128 = arith.addi %add3A_114, %add3A_127 : i32
        %lt3A_129 = arith.constant 84 : i32
        %lt3A_130 = arith.cmpi slt, %add3A_128, %lt3A_129 : i32
        %convert_element_type3A_131 = arith.extui %lt3A_130 : i1 to i32
        %cond3A_132 = arith.constant 0 : i32
        %cond3A_133 = arith.cmpi ne, %convert_element_type3A_131, %cond3A_132 : i32
        scf.if %cond3A_133 {
          %ge3A = arith.constant 2 : i32
          %ge3A_134 = arith.cmpi sge, %add3A_128, %ge3A : i32
          %convert_element_type3A_135 = arith.extui %ge3A_134 : i1 to i32
          %cond3A_136 = arith.constant 0 : i32
          %cond3A_137 = arith.cmpi ne, %convert_element_type3A_135, %cond3A_136 : i32
          scf.if %cond3A_137 {
            %sub3A = arith.constant 2 : i32
            %sub3A_144 = arith.subi %add3A_128, %sub3A : i32
            %dma_wait3A_145 = arith.constant 0 : i32
            %dma_wait3A_146 = tpu.memref_slice %arg8[%sub3A_144, %dma_wait3A_145] : memref<84x128xi32, #tpu.memory_space<vmem>> -> memref<1x128xi32, #tpu.memory_space<vmem>>
            %dma_wait3A_147 = tpu.memref_squeeze %dma_wait3A_146 : memref<1x128xi32, #tpu.memory_space<vmem>> -> memref<128xi32, #tpu.memory_space<vmem>>
            %dma_wait3A_148 = arith.constant 0 : i32
            %dma_wait3A_149 = arith.constant 0 : i32
            %dma_wait3A_150 = tpu.memref_slice %arg12[%dma_wait3A_148, %dma_wait3A_149] : memref<10240x64xf32, #tpu.memory_space<vmem_shared>> -> memref<10240x64xf32, #tpu.memory_space<vmem_shared>>
            tpu.wait_indirect_dma semaphore(%arg15 : memref<!tpu.dma_semaphore, #tpu.memory_space<semaphore_mem>>) src(%arg9 : memref<128x64xf32, #tpu.memory_space<vmem>>) dst(%dma_wait3A_150 : memref<10240x64xf32, #tpu.memory_space<vmem_shared>>)
          } else {
          }
          %dma_start3A_138 = arith.constant 0 : i32
          %dma_start3A_139 = tpu.memref_slice %arg7[%add3A_128, %dma_start3A_138] : memref<84x128xi32, #tpu.memory_space<vmem>> -> memref<1x128xi32, #tpu.memory_space<vmem>>
          %dma_start3A_140 = tpu.memref_squeeze %dma_start3A_139 : memref<1x128xi32, #tpu.memory_space<vmem>> -> memref<128xi32, #tpu.memory_space<vmem>>
          %dma_start3A_141 = arith.constant 0 : i32
          %dma_start3A_142 = arith.constant 0 : i32
          %dma_start3A_143 = tpu.memref_slice %arg11[%dma_start3A_141, %dma_start3A_142] : memref<10240x64xf32, #tpu.memory_space<vmem_shared>> -> memref<10240x64xf32, #tpu.memory_space<vmem_shared>>
          tpu.enqueue_indirect_dma source(%dma_start3A_143 : memref<10240x64xf32, #tpu.memory_space<vmem_shared>>) target(%arg9 : memref<128x64xf32, #tpu.memory_space<vmem>>) offsets(%dma_start3A_140 : memref<128xi32, #tpu.memory_space<vmem>>) semaphore(%arg13 : memref<!tpu.dma_semaphore, #tpu.memory_space<semaphore_mem>>)
        } else {
        }
      }
      %scan3A_76 = arith.constant 42 : i32
      %dma_wait3A_77 = arith.constant 82 : i32
      %dma_wait3A_78 = arith.constant 0 : i32
      %dma_wait3A_79 = tpu.memref_slice %arg8[%dma_wait3A_77, %dma_wait3A_78] : memref<84x128xi32, #tpu.memory_space<vmem>> -> memref<1x128xi32, #tpu.memory_space<vmem>>
      %dma_wait3A_80 = tpu.memref_squeeze %dma_wait3A_79 : memref<1x128xi32, #tpu.memory_space<vmem>> -> memref<128xi32, #tpu.memory_space<vmem>>
      %dma_wait3A_81 = arith.constant 0 : i32
      %dma_wait3A_82 = arith.constant 0 : i32
      %dma_wait3A_83 = tpu.memref_slice %arg12[%dma_wait3A_81, %dma_wait3A_82] : memref<10240x64xf32, #tpu.memory_space<vmem_shared>> -> memref<10240x64xf32, #tpu.memory_space<vmem_shared>>
      tpu.wait_indirect_dma semaphore(%arg15 : memref<!tpu.dma_semaphore, #tpu.memory_space<semaphore_mem>>) src(%arg9 : memref<128x64xf32, #tpu.memory_space<vmem>>) dst(%dma_wait3A_83 : memref<10240x64xf32, #tpu.memory_space<vmem_shared>>)
      %dma_wait3A_84 = arith.constant 83 : i32
      %dma_wait3A_85 = arith.constant 0 : i32
      %dma_wait3A_86 = tpu.memref_slice %arg8[%dma_wait3A_84, %dma_wait3A_85] : memref<84x128xi32, #tpu.memory_space<vmem>> -> memref<1x128xi32, #tpu.memory_space<vmem>>
      %dma_wait3A_87 = tpu.memref_squeeze %dma_wait3A_86 : memref<1x128xi32, #tpu.memory_space<vmem>> -> memref<128xi32, #tpu.memory_space<vmem>>
      %dma_wait3A_88 = arith.constant 0 : i32
      %dma_wait3A_89 = arith.constant 0 : i32
      %dma_wait3A_90 = tpu.memref_slice %arg12[%dma_wait3A_88, %dma_wait3A_89] : memref<10240x64xf32, #tpu.memory_space<vmem_shared>> -> memref<10240x64xf32, #tpu.memory_space<vmem_shared>>
      tpu.wait_indirect_dma semaphore(%arg16 : memref<!tpu.dma_semaphore, #tpu.memory_space<semaphore_mem>>) src(%arg10 : memref<128x64xf32, #tpu.memory_space<vmem>>) dst(%dma_wait3A_90 : memref<10240x64xf32, #tpu.memory_space<vmem_shared>>)
    } else {
    }
    %eq3A_10 = arith.constant 1 : i32
    %eq3A_11 = arith.cmpi eq, %arg0, %eq3A_10 : i32
    %convert_element_type3A_12 = arith.extui %eq3A_11 : i1 to i32
    %cond3A_13 = arith.constant 0 : i32
    %cond3A_14 = arith.cmpi ne, %convert_element_type3A_12, %cond3A_13 : i32
    scf.if %cond3A_14 {
      %mul3A_15 = arith.constant 76 : i32
      %mul3A_16 = arith.muli %arg1, %mul3A_15 : i32
      %add3A = arith.constant 1344 : i32
      %add3A_17 = arith.addi %add3A, %mul3A_16 : i32
      %dma_start3A_18 = arith.constant 0 : i32
      %dma_start3A_19 = arith.constant 0 : i32
      %dma_start3A_20 = tpu.memref_slice %arg7[%dma_start3A_18, %dma_start3A_19] : memref<84x128xi32, #tpu.memory_space<vmem>> -> memref<76x128xi32, #tpu.memory_space<vmem>>
      %dma_start3A_21 = arith.constant 0 : i32
      %dma_start3A_22 = tpu.memref_slice %arg3[%add3A_17, %dma_start3A_21] : memref<2560x128xi32, #tpu.memory_space<hbm>> -> memref<76x128xi32, #tpu.memory_space<hbm>>
      %dma_start3A_23 = arith.constant 0 : i32
      %dma_start3A_24 = arith.constant 0 : i32
      %dma_start3A_25 = tpu.memref_slice %arg7[%dma_start3A_23, %dma_start3A_24] : memref<84x128xi32, #tpu.memory_space<vmem>> -> memref<76x128xi32, #tpu.memory_space<vmem>>
      %dma_start3A_26 = arith.constant 0 : i32
      %dma_start3A_27 = tpu.memref_slice %arg3[%add3A_17, %dma_start3A_26] : memref<2560x128xi32, #tpu.memory_space<hbm>> -> memref<76x128xi32, #tpu.memory_space<hbm>>
      tpu.enqueue_dma source(%dma_start3A_27 : memref<76x128xi32, #tpu.memory_space<hbm>>) target(%dma_start3A_25 : memref<76x128xi32, #tpu.memory_space<vmem>>) target_semaphore(%arg17 : memref<!tpu.dma_semaphore, #tpu.memory_space<semaphore_mem>>)
      %dma_start3A_28 = arith.constant 0 : i32
      %dma_start3A_29 = arith.constant 0 : i32
      %dma_start3A_30 = tpu.memref_slice %arg8[%dma_start3A_28, %dma_start3A_29] : memref<84x128xi32, #tpu.memory_space<vmem>> -> memref<76x128xi32, #tpu.memory_space<vmem>>
      %dma_start3A_31 = arith.constant 0 : i32
      %dma_start3A_32 = tpu.memref_slice %arg4[%add3A_17, %dma_start3A_31] : memref<2560x128xi32, #tpu.memory_space<hbm>> -> memref<76x128xi32, #tpu.memory_space<hbm>>
      %dma_start3A_33 = arith.constant 0 : i32
      %dma_start3A_34 = arith.constant 0 : i32
      %dma_start3A_35 = tpu.memref_slice %arg8[%dma_start3A_33, %dma_start3A_34] : memref<84x128xi32, #tpu.memory_space<vmem>> -> memref<76x128xi32, #tpu.memory_space<vmem>>
      %dma_start3A_36 = arith.constant 0 : i32
      %dma_start3A_37 = tpu.memref_slice %arg4[%add3A_17, %dma_start3A_36] : memref<2560x128xi32, #tpu.memory_space<hbm>> -> memref<76x128xi32, #tpu.memory_space<hbm>>
      tpu.enqueue_dma source(%dma_start3A_37 : memref<76x128xi32, #tpu.memory_space<hbm>>) target(%dma_start3A_35 : memref<76x128xi32, #tpu.memory_space<vmem>>) target_semaphore(%arg17 : memref<!tpu.dma_semaphore, #tpu.memory_space<semaphore_mem>>)
      %dma_wait3A = arith.constant 0 : i32
      %dma_wait3A_38 = tpu.memref_slice %arg11[%mul3A_0, %dma_wait3A] : memref<10240x64xf32, #tpu.memory_space<vmem_shared>> -> memref<640x64xf32, #tpu.memory_space<vmem_shared>>
      %dma_wait3A_39 = arith.constant 0 : i32
      %dma_wait3A_40 = tpu.memref_slice %arg2[%mul3A_0, %dma_wait3A_39] : memref<10240x64xf32, #tpu.memory_space<hbm>> -> memref<640x64xf32, #tpu.memory_space<hbm>>
      tpu.wait_dma2 semaphore(%arg17 : memref<!tpu.dma_semaphore, #tpu.memory_space<semaphore_mem>>) src(%dma_wait3A_40 : memref<640x64xf32, #tpu.memory_space<hbm>>) dst(%dma_wait3A_38 : memref<640x64xf32, #tpu.memory_space<vmem_shared>>)
      %dma_wait3A_41 = arith.constant 0 : i32
      %dma_wait3A_42 = tpu.memref_slice %arg12[%mul3A_0, %dma_wait3A_41] : memref<10240x64xf32, #tpu.memory_space<vmem_shared>> -> memref<640x64xf32, #tpu.memory_space<vmem_shared>>
      %dma_wait3A_43 = arith.constant 0 : i32
      %dma_wait3A_44 = tpu.memref_slice %arg5[%mul3A_0, %dma_wait3A_43] : memref<10240x64xf32, #tpu.memory_space<hbm>> -> memref<640x64xf32, #tpu.memory_space<hbm>>
      tpu.wait_dma2 semaphore(%arg17 : memref<!tpu.dma_semaphore, #tpu.memory_space<semaphore_mem>>) src(%dma_wait3A_44 : memref<640x64xf32, #tpu.memory_space<hbm>>) dst(%dma_wait3A_42 : memref<640x64xf32, #tpu.memory_space<vmem_shared>>)
      %dma_wait3A_45 = arith.constant 0 : i32
      %dma_wait3A_46 = arith.constant 0 : i32
      %dma_wait3A_47 = tpu.memref_slice %arg7[%dma_wait3A_45, %dma_wait3A_46] : memref<84x128xi32, #tpu.memory_space<vmem>> -> memref<76x128xi32, #tpu.memory_space<vmem>>
      %dma_wait3A_48 = arith.constant 0 : i32
      %dma_wait3A_49 = tpu.memref_slice %arg3[%add3A_17, %dma_wait3A_48] : memref<2560x128xi32, #tpu.memory_space<hbm>> -> memref<76x128xi32, #tpu.memory_space<hbm>>
      %dma_wait3A_50 = arith.constant 0 : i32
      %dma_wait3A_51 = arith.constant 0 : i32
      %dma_wait3A_52 = tpu.memref_slice %arg7[%dma_wait3A_50, %dma_wait3A_51] : memref<84x128xi32, #tpu.memory_space<vmem>> -> memref<76x128xi32, #tpu.memory_space<vmem>>
      %dma_wait3A_53 = arith.constant 0 : i32
      %dma_wait3A_54 = tpu.memref_slice %arg3[%add3A_17, %dma_wait3A_53] : memref<2560x128xi32, #tpu.memory_space<hbm>> -> memref<76x128xi32, #tpu.memory_space<hbm>>
      tpu.wait_dma2 semaphore(%arg17 : memref<!tpu.dma_semaphore, #tpu.memory_space<semaphore_mem>>) src(%dma_wait3A_54 : memref<76x128xi32, #tpu.memory_space<hbm>>) dst(%dma_wait3A_52 : memref<76x128xi32, #tpu.memory_space<vmem>>)
      %dma_wait3A_55 = arith.constant 0 : i32
      %dma_wait3A_56 = arith.constant 0 : i32
      %dma_wait3A_57 = tpu.memref_slice %arg8[%dma_wait3A_55, %dma_wait3A_56] : memref<84x128xi32, #tpu.memory_space<vmem>> -> memref<76x128xi32, #tpu.memory_space<vmem>>
      %dma_wait3A_58 = arith.constant 0 : i32
      %dma_wait3A_59 = tpu.memref_slice %arg4[%add3A_17, %dma_wait3A_58] : memref<2560x128xi32, #tpu.memory_space<hbm>> -> memref<76x128xi32, #tpu.memory_space<hbm>>
      %dma_wait3A_60 = arith.constant 0 : i32
      %dma_wait3A_61 = arith.constant 0 : i32
      %dma_wait3A_62 = tpu.memref_slice %arg8[%dma_wait3A_60, %dma_wait3A_61] : memref<84x128xi32, #tpu.memory_space<vmem>> -> memref<76x128xi32, #tpu.memory_space<vmem>>
      %dma_wait3A_63 = arith.constant 0 : i32
      %dma_wait3A_64 = tpu.memref_slice %arg4[%add3A_17, %dma_wait3A_63] : memref<2560x128xi32, #tpu.memory_space<hbm>> -> memref<76x128xi32, #tpu.memory_space<hbm>>
      tpu.wait_dma2 semaphore(%arg17 : memref<!tpu.dma_semaphore, #tpu.memory_space<semaphore_mem>>) src(%dma_wait3A_64 : memref<76x128xi32, #tpu.memory_space<hbm>>) dst(%dma_wait3A_62 : memref<76x128xi32, #tpu.memory_space<vmem>>)
      %barrier3A_65 = arith.constant 0 : index
      tpu.barrier barrier_id(%barrier3A_65)
      %dma_start3A_66 = arith.constant 0 : i32
      %dma_start3A_67 = arith.constant 0 : i32
      %dma_start3A_68 = tpu.memref_slice %arg7[%dma_start3A_66, %dma_start3A_67] : memref<84x128xi32, #tpu.memory_space<vmem>> -> memref<1x128xi32, #tpu.memory_space<vmem>>
      %dma_start3A_69 = tpu.memref_squeeze %dma_start3A_68 : memref<1x128xi32, #tpu.memory_space<vmem>> -> memref<128xi32, #tpu.memory_space<vmem>>
      %dma_start3A_70 = arith.constant 0 : i32
      %dma_start3A_71 = arith.constant 0 : i32
      %dma_start3A_72 = tpu.memref_slice %arg11[%dma_start3A_70, %dma_start3A_71] : memref<10240x64xf32, #tpu.memory_space<vmem_shared>> -> memref<10240x64xf32, #tpu.memory_space<vmem_shared>>
      tpu.enqueue_indirect_dma source(%dma_start3A_72 : memref<10240x64xf32, #tpu.memory_space<vmem_shared>>) target(%arg9 : memref<128x64xf32, #tpu.memory_space<vmem>>) offsets(%dma_start3A_69 : memref<128xi32, #tpu.memory_space<vmem>>) semaphore(%arg13 : memref<!tpu.dma_semaphore, #tpu.memory_space<semaphore_mem>>)
      %scan3A = arith.constant 0 : i32
      %scan3A_73 = arith.constant 0 : i32
      %scan3A_74 = arith.constant 38 : i32
      %scan3A_75 = arith.addi %scan3A_73, %scan3A_74 : i32
      %scan3A_76 = arith.constant 1 : i32
      scf.for %scan3A_92 = %scan3A_73 to %scan3A_75 step %scan3A_76  : i32 {
        %mul3A_93 = arith.constant 2 : i32
        %mul3A_94 = arith.muli %mul3A_93, %scan3A_92 : i32
        %add3A_95 = arith.constant 0 : i32
        %add3A_96 = arith.addi %mul3A_94, %add3A_95 : i32
        %dma_wait3A_97 = arith.constant 0 : i32
        %dma_wait3A_98 = tpu.memref_slice %arg7[%add3A_96, %dma_wait3A_97] : memref<84x128xi32, #tpu.memory_space<vmem>> -> memref<1x128xi32, #tpu.memory_space<vmem>>
        %dma_wait3A_99 = tpu.memref_squeeze %dma_wait3A_98 : memref<1x128xi32, #tpu.memory_space<vmem>> -> memref<128xi32, #tpu.memory_space<vmem>>
        %dma_wait3A_100 = arith.constant 0 : i32
        %dma_wait3A_101 = arith.constant 0 : i32
        %dma_wait3A_102 = tpu.memref_slice %arg11[%dma_wait3A_100, %dma_wait3A_101] : memref<10240x64xf32, #tpu.memory_space<vmem_shared>> -> memref<10240x64xf32, #tpu.memory_space<vmem_shared>>
        tpu.wait_indirect_dma semaphore(%arg13 : memref<!tpu.dma_semaphore, #tpu.memory_space<semaphore_mem>>) src(%dma_wait3A_102 : memref<10240x64xf32, #tpu.memory_space<vmem_shared>>) dst(%arg9 : memref<128x64xf32, #tpu.memory_space<vmem>>)
        %dma_start3A_103 = arith.constant 0 : i32
        %dma_start3A_104 = tpu.memref_slice %arg8[%add3A_96, %dma_start3A_103] : memref<84x128xi32, #tpu.memory_space<vmem>> -> memref<1x128xi32, #tpu.memory_space<vmem>>
        %dma_start3A_105 = tpu.memref_squeeze %dma_start3A_104 : memref<1x128xi32, #tpu.memory_space<vmem>> -> memref<128xi32, #tpu.memory_space<vmem>>
        %dma_start3A_106 = arith.constant 0 : i32
        %dma_start3A_107 = arith.constant 0 : i32
        %dma_start3A_108 = tpu.memref_slice %arg12[%dma_start3A_106, %dma_start3A_107] : memref<10240x64xf32, #tpu.memory_space<vmem_shared>> -> memref<10240x64xf32, #tpu.memory_space<vmem_shared>>
        tpu.enqueue_indirect_dma source(%arg9 : memref<128x64xf32, #tpu.memory_space<vmem>>) target(%dma_start3A_108 : memref<10240x64xf32, #tpu.memory_space<vmem_shared>>) offsets(%dma_start3A_105 : memref<128xi32, #tpu.memory_space<vmem>>) semaphore(%arg15 : memref<!tpu.dma_semaphore, #tpu.memory_space<semaphore_mem>>) {add = true}
        %add3A_109 = arith.constant 1 : i32
        %add3A_110 = arith.addi %add3A_96, %add3A_109 : i32
        %lt3A = arith.constant 76 : i32
        %lt3A_111 = arith.cmpi slt, %add3A_110, %lt3A : i32
        %convert_element_type3A_112 = arith.extui %lt3A_111 : i1 to i32
        %cond3A_113 = arith.constant 0 : i32
        %cond3A_114 = arith.cmpi ne, %convert_element_type3A_112, %cond3A_113 : i32
        scf.if %cond3A_114 {
          %ge3A = arith.constant 2 : i32
          %ge3A_136 = arith.cmpi sge, %add3A_110, %ge3A : i32
          %convert_element_type3A_137 = arith.extui %ge3A_136 : i1 to i32
          %cond3A_138 = arith.constant 0 : i32
          %cond3A_139 = arith.cmpi ne, %convert_element_type3A_137, %cond3A_138 : i32
          scf.if %cond3A_139 {
            %sub3A = arith.constant 2 : i32
            %sub3A_146 = arith.subi %add3A_110, %sub3A : i32
            %dma_wait3A_147 = arith.constant 0 : i32
            %dma_wait3A_148 = tpu.memref_slice %arg8[%sub3A_146, %dma_wait3A_147] : memref<84x128xi32, #tpu.memory_space<vmem>> -> memref<1x128xi32, #tpu.memory_space<vmem>>
            %dma_wait3A_149 = tpu.memref_squeeze %dma_wait3A_148 : memref<1x128xi32, #tpu.memory_space<vmem>> -> memref<128xi32, #tpu.memory_space<vmem>>
            %dma_wait3A_150 = arith.constant 0 : i32
            %dma_wait3A_151 = arith.constant 0 : i32
            %dma_wait3A_152 = tpu.memref_slice %arg12[%dma_wait3A_150, %dma_wait3A_151] : memref<10240x64xf32, #tpu.memory_space<vmem_shared>> -> memref<10240x64xf32, #tpu.memory_space<vmem_shared>>
            tpu.wait_indirect_dma semaphore(%arg16 : memref<!tpu.dma_semaphore, #tpu.memory_space<semaphore_mem>>) src(%arg10 : memref<128x64xf32, #tpu.memory_space<vmem>>) dst(%dma_wait3A_152 : memref<10240x64xf32, #tpu.memory_space<vmem_shared>>)
          } else {
          }
          %dma_start3A_140 = arith.constant 0 : i32
          %dma_start3A_141 = tpu.memref_slice %arg7[%add3A_110, %dma_start3A_140] : memref<84x128xi32, #tpu.memory_space<vmem>> -> memref<1x128xi32, #tpu.memory_space<vmem>>
          %dma_start3A_142 = tpu.memref_squeeze %dma_start3A_141 : memref<1x128xi32, #tpu.memory_space<vmem>> -> memref<128xi32, #tpu.memory_space<vmem>>
          %dma_start3A_143 = arith.constant 0 : i32
          %dma_start3A_144 = arith.constant 0 : i32
          %dma_start3A_145 = tpu.memref_slice %arg11[%dma_start3A_143, %dma_start3A_144] : memref<10240x64xf32, #tpu.memory_space<vmem_shared>> -> memref<10240x64xf32, #tpu.memory_space<vmem_shared>>
          tpu.enqueue_indirect_dma source(%dma_start3A_145 : memref<10240x64xf32, #tpu.memory_space<vmem_shared>>) target(%arg10 : memref<128x64xf32, #tpu.memory_space<vmem>>) offsets(%dma_start3A_142 : memref<128xi32, #tpu.memory_space<vmem>>) semaphore(%arg14 : memref<!tpu.dma_semaphore, #tpu.memory_space<semaphore_mem>>)
        } else {
        }
        %add3A_115 = arith.constant 1 : i32
        %add3A_116 = arith.addi %mul3A_94, %add3A_115 : i32
        %dma_wait3A_117 = arith.constant 0 : i32
        %dma_wait3A_118 = tpu.memref_slice %arg7[%add3A_116, %dma_wait3A_117] : memref<84x128xi32, #tpu.memory_space<vmem>> -> memref<1x128xi32, #tpu.memory_space<vmem>>
        %dma_wait3A_119 = tpu.memref_squeeze %dma_wait3A_118 : memref<1x128xi32, #tpu.memory_space<vmem>> -> memref<128xi32, #tpu.memory_space<vmem>>
        %dma_wait3A_120 = arith.constant 0 : i32
        %dma_wait3A_121 = arith.constant 0 : i32
        %dma_wait3A_122 = tpu.memref_slice %arg11[%dma_wait3A_120, %dma_wait3A_121] : memref<10240x64xf32, #tpu.memory_space<vmem_shared>> -> memref<10240x64xf32, #tpu.memory_space<vmem_shared>>
        tpu.wait_indirect_dma semaphore(%arg14 : memref<!tpu.dma_semaphore, #tpu.memory_space<semaphore_mem>>) src(%dma_wait3A_122 : memref<10240x64xf32, #tpu.memory_space<vmem_shared>>) dst(%arg10 : memref<128x64xf32, #tpu.memory_space<vmem>>)
        %dma_start3A_123 = arith.constant 0 : i32
        %dma_start3A_124 = tpu.memref_slice %arg8[%add3A_116, %dma_start3A_123] : memref<84x128xi32, #tpu.memory_space<vmem>> -> memref<1x128xi32, #tpu.memory_space<vmem>>
        %dma_start3A_125 = tpu.memref_squeeze %dma_start3A_124 : memref<1x128xi32, #tpu.memory_space<vmem>> -> memref<128xi32, #tpu.memory_space<vmem>>
        %dma_start3A_126 = arith.constant 0 : i32
        %dma_start3A_127 = arith.constant 0 : i32
        %dma_start3A_128 = tpu.memref_slice %arg12[%dma_start3A_126, %dma_start3A_127] : memref<10240x64xf32, #tpu.memory_space<vmem_shared>> -> memref<10240x64xf32, #tpu.memory_space<vmem_shared>>
        tpu.enqueue_indirect_dma source(%arg10 : memref<128x64xf32, #tpu.memory_space<vmem>>) target(%dma_start3A_128 : memref<10240x64xf32, #tpu.memory_space<vmem_shared>>) offsets(%dma_start3A_125 : memref<128xi32, #tpu.memory_space<vmem>>) semaphore(%arg16 : memref<!tpu.dma_semaphore, #tpu.memory_space<semaphore_mem>>) {add = true}
        %add3A_129 = arith.constant 1 : i32
        %add3A_130 = arith.addi %add3A_116, %add3A_129 : i32
        %lt3A_131 = arith.constant 76 : i32
        %lt3A_132 = arith.cmpi slt, %add3A_130, %lt3A_131 : i32
        %convert_element_type3A_133 = arith.extui %lt3A_132 : i1 to i32
        %cond3A_134 = arith.constant 0 : i32
        %cond3A_135 = arith.cmpi ne, %convert_element_type3A_133, %cond3A_134 : i32
        scf.if %cond3A_135 {
          %ge3A = arith.constant 2 : i32
          %ge3A_136 = arith.cmpi sge, %add3A_130, %ge3A : i32
          %convert_element_type3A_137 = arith.extui %ge3A_136 : i1 to i32
          %cond3A_138 = arith.constant 0 : i32
          %cond3A_139 = arith.cmpi ne, %convert_element_type3A_137, %cond3A_138 : i32
          scf.if %cond3A_139 {
            %sub3A = arith.constant 2 : i32
            %sub3A_146 = arith.subi %add3A_130, %sub3A : i32
            %dma_wait3A_147 = arith.constant 0 : i32
            %dma_wait3A_148 = tpu.memref_slice %arg8[%sub3A_146, %dma_wait3A_147] : memref<84x128xi32, #tpu.memory_space<vmem>> -> memref<1x128xi32, #tpu.memory_space<vmem>>
            %dma_wait3A_149 = tpu.memref_squeeze %dma_wait3A_148 : memref<1x128xi32, #tpu.memory_space<vmem>> -> memref<128xi32, #tpu.memory_space<vmem>>
            %dma_wait3A_150 = arith.constant 0 : i32
            %dma_wait3A_151 = arith.constant 0 : i32
            %dma_wait3A_152 = tpu.memref_slice %arg12[%dma_wait3A_150, %dma_wait3A_151] : memref<10240x64xf32, #tpu.memory_space<vmem_shared>> -> memref<10240x64xf32, #tpu.memory_space<vmem_shared>>
            tpu.wait_indirect_dma semaphore(%arg15 : memref<!tpu.dma_semaphore, #tpu.memory_space<semaphore_mem>>) src(%arg9 : memref<128x64xf32, #tpu.memory_space<vmem>>) dst(%dma_wait3A_152 : memref<10240x64xf32, #tpu.memory_space<vmem_shared>>)
          } else {
          }
          %dma_start3A_140 = arith.constant 0 : i32
          %dma_start3A_141 = tpu.memref_slice %arg7[%add3A_130, %dma_start3A_140] : memref<84x128xi32, #tpu.memory_space<vmem>> -> memref<1x128xi32, #tpu.memory_space<vmem>>
          %dma_start3A_142 = tpu.memref_squeeze %dma_start3A_141 : memref<1x128xi32, #tpu.memory_space<vmem>> -> memref<128xi32, #tpu.memory_space<vmem>>
          %dma_start3A_143 = arith.constant 0 : i32
          %dma_start3A_144 = arith.constant 0 : i32
          %dma_start3A_145 = tpu.memref_slice %arg11[%dma_start3A_143, %dma_start3A_144] : memref<10240x64xf32, #tpu.memory_space<vmem_shared>> -> memref<10240x64xf32, #tpu.memory_space<vmem_shared>>
          tpu.enqueue_indirect_dma source(%dma_start3A_145 : memref<10240x64xf32, #tpu.memory_space<vmem_shared>>) target(%arg9 : memref<128x64xf32, #tpu.memory_space<vmem>>) offsets(%dma_start3A_142 : memref<128xi32, #tpu.memory_space<vmem>>) semaphore(%arg13 : memref<!tpu.dma_semaphore, #tpu.memory_space<semaphore_mem>>)
        } else {
        }
      }
      %scan3A_77 = arith.constant 38 : i32
      %dma_wait3A_78 = arith.constant 74 : i32
      %dma_wait3A_79 = arith.constant 0 : i32
      %dma_wait3A_80 = tpu.memref_slice %arg8[%dma_wait3A_78, %dma_wait3A_79] : memref<84x128xi32, #tpu.memory_space<vmem>> -> memref<1x128xi32, #tpu.memory_space<vmem>>
      %dma_wait3A_81 = tpu.memref_squeeze %dma_wait3A_80 : memref<1x128xi32, #tpu.memory_space<vmem>> -> memref<128xi32, #tpu.memory_space<vmem>>
      %dma_wait3A_82 = arith.constant 0 : i32
      %dma_wait3A_83 = arith.constant 0 : i32
      %dma_wait3A_84 = tpu.memref_slice %arg12[%dma_wait3A_82, %dma_wait3A_83] : memref<10240x64xf32, #tpu.memory_space<vmem_shared>> -> memref<10240x64xf32, #tpu.memory_space<vmem_shared>>
      tpu.wait_indirect_dma semaphore(%arg15 : memref<!tpu.dma_semaphore, #tpu.memory_space<semaphore_mem>>) src(%arg9 : memref<128x64xf32, #tpu.memory_space<vmem>>) dst(%dma_wait3A_84 : memref<10240x64xf32, #tpu.memory_space<vmem_shared>>)
      %dma_wait3A_85 = arith.constant 75 : i32
      %dma_wait3A_86 = arith.constant 0 : i32
      %dma_wait3A_87 = tpu.memref_slice %arg8[%dma_wait3A_85, %dma_wait3A_86] : memref<84x128xi32, #tpu.memory_space<vmem>> -> memref<1x128xi32, #tpu.memory_space<vmem>>
      %dma_wait3A_88 = tpu.memref_squeeze %dma_wait3A_87 : memref<1x128xi32, #tpu.memory_space<vmem>> -> memref<128xi32, #tpu.memory_space<vmem>>
      %dma_wait3A_89 = arith.constant 0 : i32
      %dma_wait3A_90 = arith.constant 0 : i32
      %dma_wait3A_91 = tpu.memref_slice %arg12[%dma_wait3A_89, %dma_wait3A_90] : memref<10240x64xf32, #tpu.memory_space<vmem_shared>> -> memref<10240x64xf32, #tpu.memory_space<vmem_shared>>
      tpu.wait_indirect_dma semaphore(%arg16 : memref<!tpu.dma_semaphore, #tpu.memory_space<semaphore_mem>>) src(%arg10 : memref<128x64xf32, #tpu.memory_space<vmem>>) dst(%dma_wait3A_91 : memref<10240x64xf32, #tpu.memory_space<vmem_shared>>)
    } else {
    }
    %barrier3A = arith.constant 0 : index
    tpu.barrier barrier_id(%barrier3A)
    "tpu.region"() ({
      %run_scoped3A = tpu.sem_alloc : memref<!tpu.dma_semaphore, #tpu.memory_space<semaphore_mem>>
      %dma_start3A_15 = arith.constant 0 : i32
      %dma_start3A_16 = tpu.memref_slice %arg6[%arg0, %mul3A_0, %dma_start3A_15] : memref<2x10240x64xf32, #tpu.memory_space<hbm>> -> memref<1x640x64xf32, #tpu.memory_space<hbm>>
      %dma_start3A_17 = tpu.memref_squeeze %dma_start3A_16 : memref<1x640x64xf32, #tpu.memory_space<hbm>> -> memref<640x64xf32, #tpu.memory_space<hbm>>
      %dma_start3A_18 = arith.constant 0 : i32
      %dma_start3A_19 = tpu.memref_slice %arg12[%mul3A_0, %dma_start3A_18] : memref<10240x64xf32, #tpu.memory_space<vmem_shared>> -> memref<640x64xf32, #tpu.memory_space<vmem_shared>>
      tpu.enqueue_dma source(%dma_start3A_19 : memref<640x64xf32, #tpu.memory_space<vmem_shared>>) target(%dma_start3A_17 : memref<640x64xf32, #tpu.memory_space<hbm>>) target_semaphore(%run_scoped3A : memref<!tpu.dma_semaphore, #tpu.memory_space<semaphore_mem>>)
      %dma_wait3A = arith.constant 0 : i32
      %dma_wait3A_20 = tpu.memref_slice %arg6[%arg0, %mul3A_0, %dma_wait3A] : memref<2x10240x64xf32, #tpu.memory_space<hbm>> -> memref<1x640x64xf32, #tpu.memory_space<hbm>>
      %dma_wait3A_21 = tpu.memref_squeeze %dma_wait3A_20 : memref<1x640x64xf32, #tpu.memory_space<hbm>> -> memref<640x64xf32, #tpu.memory_space<hbm>>
      %dma_wait3A_22 = arith.constant 0 : i32
      %dma_wait3A_23 = tpu.memref_slice %arg12[%mul3A_0, %dma_wait3A_22] : memref<10240x64xf32, #tpu.memory_space<vmem_shared>> -> memref<640x64xf32, #tpu.memory_space<vmem_shared>>
      tpu.wait_dma2 semaphore(%run_scoped3A : memref<!tpu.dma_semaphore, #tpu.memory_space<semaphore_mem>>) src(%dma_wait3A_23 : memref<640x64xf32, #tpu.memory_space<vmem_shared>>) dst(%dma_wait3A_21 : memref<640x64xf32, #tpu.memory_space<hbm>>)
      tpu.yield
    }) : () -> ()
    return
  }
}

module attributes {stable_mosaic.version = 14 : i64} {
  func.func @_stage_a_body(%arg0: i32, %arg1: memref<2x1024x16xf32, #tpu.memory_space<vmem>>, %arg2: memref<1024x128xf32, #tpu.memory_space<vmem>>, %arg3: memref<128x64xf32, #tpu.memory_space<vmem>>, %arg4: memref<1024x64xf32, #tpu.memory_space<vmem>>, %arg5: memref<1024x128xf32, #tpu.memory_space<vmem>>) attributes {dimension_semantics = [#tpu.dimension_semantics<arbitrary>], iteration_bounds = array<i64: 10>, scalar_prefetch = 0 : i64, scratch_operands = 0 : i64, tpu.core_type = #tpu.core_type<tc>, window_params = [{transform_indices = @transform_0, window_bounds = array<i64: 2, 1024, 16>}, {transform_indices = @transform_1, window_bounds = array<i64: 1024, 128>}, {pipeline_mode = #tpu.pipeline_mode<synchronous>, transform_indices = @transform_2, window_bounds = array<i64: 128, 64>}, {transform_indices = @transform_3, window_bounds = array<i64: 1024, 64>}, {transform_indices = @transform_4, window_bounds = array<i64: 1024, 128>}]} {
    %get3A = arith.constant 0 : index
    %get3A_0 = arith.constant 0 : index
    %get3A_1 = arith.constant 0 : index
    %get3A_2 = vector.load %arg1[%get3A, %get3A_0, %get3A_1] : memref<2x1024x16xf32, #tpu.memory_space<vmem>>, vector<1x1024x1xf32>
    %get3A_3 = vector.shape_cast %get3A_2 : vector<1x1024x1xf32> to vector<1024x1xf32>
    %get3A_4 = arith.constant 1 : index
    %get3A_5 = arith.constant 0 : index
    %get3A_6 = arith.constant 0 : index
    %get3A_7 = vector.load %arg1[%get3A_4, %get3A_5, %get3A_6] : memref<2x1024x16xf32, #tpu.memory_space<vmem>>, vector<1x1024x1xf32>
    %get3A_8 = vector.shape_cast %get3A_7 : vector<1x1024x1xf32> to vector<1024x1xf32>
    %add3A = arith.addf %get3A_3, %get3A_8 : vector<1024x1xf32>
    %add3A_9 = arith.constant 1.000000e+00 : f32
    %add3A_10 = vector.broadcast %add3A_9 : f32 to vector<1024x1xf32>
    %add3A_11 = arith.addf %add3A, %add3A_10 : vector<1024x1xf32>
    %rsqrt3A = math.rsqrt %add3A_11 : vector<1024x1xf32>
    %get3A_12 = arith.constant 0 : index
    %get3A_13 = arith.constant 0 : index
    %get3A_14 = vector.load %arg2[%get3A_12, %get3A_13] : memref<1024x128xf32, #tpu.memory_space<vmem>>, vector<1024x128xf32>
    %get3A_15 = arith.constant 0 : index
    %get3A_16 = arith.constant 0 : index
    %get3A_17 = vector.load %arg3[%get3A_15, %get3A_16] : memref<128x64xf32, #tpu.memory_space<vmem>>, vector<128x64xf32>
    %dot_general3A = arith.constant dense<0.000000e+00> : vector<1024x64xf32>
    %dot_general3A_18 = tpu.matmul %get3A_14, %get3A_17, %dot_general3A {dimension_numbers = #tpu.dot_dimension_numbers<[1], [0], [0], [1], [0, 0, 1, 1], [], []>, transpose_lhs_hint = false} : vector<1024x128xf32>, vector<128x64xf32>, vector<1024x64xf32> -> vector<1024x64xf32>
    %mul3A = vector.broadcast %rsqrt3A : vector<1024x1xf32> to vector<1024x64xf32>
    %mul3A_19 = arith.mulf %dot_general3A_18, %mul3A : vector<1024x64xf32>
    %swap3A = arith.constant 0 : index
    %swap3A_20 = arith.constant 0 : index
    %swap3A_21 = vector.load %arg4[%swap3A, %swap3A_20] : memref<1024x64xf32, #tpu.memory_space<vmem>>, vector<1024x64xf32>
    tpu.vector_store %arg4[%swap3A, %swap3A_20], %mul3A_19 {strides = array<i32>} : memref<1024x64xf32, #tpu.memory_space<vmem>>, vector<1024x64xf32>,
    %broadcast_in_dim3A = vector.shape_cast %rsqrt3A : vector<1024x1xf32> to vector<1024x1xf32>
    %broadcast_in_dim3A_22 = vector.broadcast %broadcast_in_dim3A : vector<1024x1xf32> to vector<1024x128xf32>
    %swap3A_23 = arith.constant 0 : index
    %swap3A_24 = arith.constant 0 : index
    %swap3A_25 = vector.load %arg5[%swap3A_23, %swap3A_24] : memref<1024x128xf32, #tpu.memory_space<vmem>>, vector<1024x128xf32>
    tpu.vector_store %arg5[%swap3A_23, %swap3A_24], %broadcast_in_dim3A_22 {strides = array<i32>} : memref<1024x128xf32, #tpu.memory_space<vmem>>, vector<1024x128xf32>,
    return
  }
  func.func @transform_0(%arg0: i32) -> (i32, i32, i32) {
    %c0_i32 = arith.constant 0 : i32
    %c0_i32_0 = arith.constant 0 : i32
    %c0_i32_1 = arith.constant 0 : i32
    return %c0_i32, %arg0, %c0_i32_0 : i32, i32, i32
  }
  func.func @transform_1(%arg0: i32) -> (i32, i32) {
    %c0_i32 = arith.constant 0 : i32
    %c0_i32_0 = arith.constant 0 : i32
    return %arg0, %c0_i32 : i32, i32
  }
  func.func @transform_2(%arg0: i32) -> (i32, i32) {
    %c0_i32 = arith.constant 0 : i32
    %c0_i32_0 = arith.constant 0 : i32
    %c0_i32_1 = arith.constant 0 : i32
    return %c0_i32, %c0_i32_0 : i32, i32
  }
  func.func @transform_3(%arg0: i32) -> (i32, i32) {
    %c0_i32 = arith.constant 0 : i32
    %c0_i32_0 = arith.constant 0 : i32
    return %arg0, %c0_i32 : i32, i32
  }
  func.func @transform_4(%arg0: i32) -> (i32, i32) {
    %c0_i32 = arith.constant 0 : i32
    %c0_i32_0 = arith.constant 0 : i32
    return %arg0, %c0_i32 : i32, i32
  }
}

module attributes {stable_mosaic.version = 14 : i64} {
  func.func @_stage_mid_body(%arg0: i32, %arg1: memref<2x1024x64xf32, #tpu.memory_space<vmem>>, %arg2: memref<1024x64xf32, #tpu.memory_space<vmem>>, %arg3: memref<1024x128xf32, #tpu.memory_space<vmem>>, %arg4: memref<64x64xf32, #tpu.memory_space<vmem>>, %arg5: memref<1x64xf32, #tpu.memory_space<vmem>>, %arg6: memref<1024x64xf32, #tpu.memory_space<vmem>>) attributes {dimension_semantics = [#tpu.dimension_semantics<arbitrary>], iteration_bounds = array<i64: 10>, scalar_prefetch = 0 : i64, scratch_operands = 0 : i64, tpu.core_type = #tpu.core_type<tc>, window_params = [{transform_indices = @transform_0, window_bounds = array<i64: 2, 1024, 64>}, {transform_indices = @transform_1, window_bounds = array<i64: 1024, 64>}, {transform_indices = @transform_2, window_bounds = array<i64: 1024, 128>}, {pipeline_mode = #tpu.pipeline_mode<synchronous>, transform_indices = @transform_3, window_bounds = array<i64: 64, 64>}, {pipeline_mode = #tpu.pipeline_mode<synchronous>, transform_indices = @transform_4, window_bounds = array<i64: 1, 64>}, {transform_indices = @transform_5, window_bounds = array<i64: 1024, 64>}]} {
    %get3A = arith.constant 0 : index
    %get3A_0 = arith.constant 0 : index
    %get3A_1 = vector.load %arg3[%get3A, %get3A_0] : memref<1024x128xf32, #tpu.memory_space<vmem>>, vector<1024x1xf32>
    %get3A_2 = arith.constant 0 : index
    %get3A_3 = arith.constant 0 : index
    %get3A_4 = arith.constant 0 : index
    %get3A_5 = vector.load %arg1[%get3A_2, %get3A_3, %get3A_4] : memref<2x1024x64xf32, #tpu.memory_space<vmem>>, vector<1x1024x64xf32>
    %get3A_6 = vector.shape_cast %get3A_5 : vector<1x1024x64xf32> to vector<1024x64xf32>
    %get3A_7 = arith.constant 1 : index
    %get3A_8 = arith.constant 0 : index
    %get3A_9 = arith.constant 0 : index
    %get3A_10 = vector.load %arg1[%get3A_7, %get3A_8, %get3A_9] : memref<2x1024x64xf32, #tpu.memory_space<vmem>>, vector<1x1024x64xf32>
    %get3A_11 = vector.shape_cast %get3A_10 : vector<1x1024x64xf32> to vector<1024x64xf32>
    %add3A = arith.addf %get3A_6, %get3A_11 : vector<1024x64xf32>
    %get3A_12 = arith.constant 0 : index
    %get3A_13 = arith.constant 0 : index
    %get3A_14 = vector.load %arg2[%get3A_12, %get3A_13] : memref<1024x64xf32, #tpu.memory_space<vmem>>, vector<1024x64xf32>
    %add3A_15 = arith.addf %add3A, %get3A_14 : vector<1024x64xf32>
    %mul3A = vector.broadcast %get3A_1 : vector<1024x1xf32> to vector<1024x64xf32>
    %mul3A_16 = arith.mulf %add3A_15, %mul3A : vector<1024x64xf32>
    %get3A_17 = arith.constant 0 : index
    %get3A_18 = arith.constant 0 : index
    %get3A_19 = vector.load %arg5[%get3A_17, %get3A_18] : memref<1x64xf32, #tpu.memory_space<vmem>>, vector<1x64xf32>
    %add3A_20 = vector.broadcast %get3A_19 : vector<1x64xf32> to vector<1024x64xf32>
    %add3A_21 = arith.addf %mul3A_16, %add3A_20 : vector<1024x64xf32>
    %max3A = arith.constant 0.000000e+00 : f32
    %max3A_22 = vector.broadcast %max3A : f32 to vector<1024x64xf32>
    %max3A_23 = arith.maximumf %add3A_21, %max3A_22 : vector<1024x64xf32>
    %get3A_24 = arith.constant 0 : index
    %get3A_25 = arith.constant 0 : index
    %get3A_26 = vector.load %arg4[%get3A_24, %get3A_25] : memref<64x64xf32, #tpu.memory_space<vmem>>, vector<64x64xf32>
    %dot_general3A = arith.constant dense<0.000000e+00> : vector<1024x64xf32>
    %dot_general3A_27 = tpu.matmul %max3A_23, %get3A_26, %dot_general3A {dimension_numbers = #tpu.dot_dimension_numbers<[1], [0], [0], [1], [0, 0, 1, 1], [], []>, transpose_lhs_hint = false} : vector<1024x64xf32>, vector<64x64xf32>, vector<1024x64xf32> -> vector<1024x64xf32>
    %mul3A_28 = vector.broadcast %get3A_1 : vector<1024x1xf32> to vector<1024x64xf32>
    %mul3A_29 = arith.mulf %dot_general3A_27, %mul3A_28 : vector<1024x64xf32>
    %swap3A = arith.constant 0 : index
    %swap3A_30 = arith.constant 0 : index
    %swap3A_31 = vector.load %arg6[%swap3A, %swap3A_30] : memref<1024x64xf32, #tpu.memory_space<vmem>>, vector<1024x64xf32>
    tpu.vector_store %arg6[%swap3A, %swap3A_30], %mul3A_29 {strides = array<i32>} : memref<1024x64xf32, #tpu.memory_space<vmem>>, vector<1024x64xf32>,
    return
  }
  func.func @transform_0(%arg0: i32) -> (i32, i32, i32) {
    %c0_i32 = arith.constant 0 : i32
    %c0_i32_0 = arith.constant 0 : i32
    %c0_i32_1 = arith.constant 0 : i32
    return %c0_i32, %arg0, %c0_i32_0 : i32, i32, i32
  }
  func.func @transform_1(%arg0: i32) -> (i32, i32) {
    %c0_i32 = arith.constant 0 : i32
    %c0_i32_0 = arith.constant 0 : i32
    return %arg0, %c0_i32 : i32, i32
  }
  func.func @transform_2(%arg0: i32) -> (i32, i32) {
    %c0_i32 = arith.constant 0 : i32
    %c0_i32_0 = arith.constant 0 : i32
    return %arg0, %c0_i32 : i32, i32
  }
  func.func @transform_3(%arg0: i32) -> (i32, i32) {
    %c0_i32 = arith.constant 0 : i32
    %c0_i32_0 = arith.constant 0 : i32
    %c0_i32_1 = arith.constant 0 : i32
    return %c0_i32, %c0_i32_0 : i32, i32
  }
  func.func @transform_4(%arg0: i32) -> (i32, i32) {
    %c0_i32 = arith.constant 0 : i32
    %c0_i32_0 = arith.constant 0 : i32
    %c0_i32_1 = arith.constant 0 : i32
    return %c0_i32, %c0_i32_0 : i32, i32
  }
  func.func @transform_5(%arg0: i32) -> (i32, i32) {
    %c0_i32 = arith.constant 0 : i32
    %c0_i32_0 = arith.constant 0 : i32
    return %arg0, %c0_i32 : i32, i32
  }
}

module attributes {stable_mosaic.version = 14 : i64} {
  func.func @_stage_mid_body(%arg0: i32, %arg1: memref<2x1024x64xf32, #tpu.memory_space<vmem>>, %arg2: memref<1024x64xf32, #tpu.memory_space<vmem>>, %arg3: memref<1024x128xf32, #tpu.memory_space<vmem>>, %arg4: memref<64x128xf32, #tpu.memory_space<vmem>>, %arg5: memref<1x64xf32, #tpu.memory_space<vmem>>, %arg6: memref<1024x128xf32, #tpu.memory_space<vmem>>) attributes {dimension_semantics = [#tpu.dimension_semantics<arbitrary>], iteration_bounds = array<i64: 10>, scalar_prefetch = 0 : i64, scratch_operands = 0 : i64, tpu.core_type = #tpu.core_type<tc>, window_params = [{transform_indices = @transform_0, window_bounds = array<i64: 2, 1024, 64>}, {transform_indices = @transform_1, window_bounds = array<i64: 1024, 64>}, {transform_indices = @transform_2, window_bounds = array<i64: 1024, 128>}, {pipeline_mode = #tpu.pipeline_mode<synchronous>, transform_indices = @transform_3, window_bounds = array<i64: 64, 128>}, {pipeline_mode = #tpu.pipeline_mode<synchronous>, transform_indices = @transform_4, window_bounds = array<i64: 1, 64>}, {transform_indices = @transform_5, window_bounds = array<i64: 1024, 128>}]} {
    %get3A = arith.constant 0 : index
    %get3A_0 = arith.constant 0 : index
    %get3A_1 = vector.load %arg3[%get3A, %get3A_0] : memref<1024x128xf32, #tpu.memory_space<vmem>>, vector<1024x1xf32>
    %get3A_2 = arith.constant 0 : index
    %get3A_3 = arith.constant 0 : index
    %get3A_4 = arith.constant 0 : index
    %get3A_5 = vector.load %arg1[%get3A_2, %get3A_3, %get3A_4] : memref<2x1024x64xf32, #tpu.memory_space<vmem>>, vector<1x1024x64xf32>
    %get3A_6 = vector.shape_cast %get3A_5 : vector<1x1024x64xf32> to vector<1024x64xf32>
    %get3A_7 = arith.constant 1 : index
    %get3A_8 = arith.constant 0 : index
    %get3A_9 = arith.constant 0 : index
    %get3A_10 = vector.load %arg1[%get3A_7, %get3A_8, %get3A_9] : memref<2x1024x64xf32, #tpu.memory_space<vmem>>, vector<1x1024x64xf32>
    %get3A_11 = vector.shape_cast %get3A_10 : vector<1x1024x64xf32> to vector<1024x64xf32>
    %add3A = arith.addf %get3A_6, %get3A_11 : vector<1024x64xf32>
    %get3A_12 = arith.constant 0 : index
    %get3A_13 = arith.constant 0 : index
    %get3A_14 = vector.load %arg2[%get3A_12, %get3A_13] : memref<1024x64xf32, #tpu.memory_space<vmem>>, vector<1024x64xf32>
    %add3A_15 = arith.addf %add3A, %get3A_14 : vector<1024x64xf32>
    %mul3A = vector.broadcast %get3A_1 : vector<1024x1xf32> to vector<1024x64xf32>
    %mul3A_16 = arith.mulf %add3A_15, %mul3A : vector<1024x64xf32>
    %get3A_17 = arith.constant 0 : index
    %get3A_18 = arith.constant 0 : index
    %get3A_19 = vector.load %arg5[%get3A_17, %get3A_18] : memref<1x64xf32, #tpu.memory_space<vmem>>, vector<1x64xf32>
    %add3A_20 = vector.broadcast %get3A_19 : vector<1x64xf32> to vector<1024x64xf32>
    %add3A_21 = arith.addf %mul3A_16, %add3A_20 : vector<1024x64xf32>
    %max3A = arith.constant 0.000000e+00 : f32
    %max3A_22 = vector.broadcast %max3A : f32 to vector<1024x64xf32>
    %max3A_23 = arith.maximumf %add3A_21, %max3A_22 : vector<1024x64xf32>
    %get3A_24 = arith.constant 0 : index
    %get3A_25 = arith.constant 0 : index
    %get3A_26 = vector.load %arg4[%get3A_24, %get3A_25] : memref<64x128xf32, #tpu.memory_space<vmem>>, vector<64x128xf32>
    %dot_general3A = arith.constant dense<0.000000e+00> : vector<1024x128xf32>
    %dot_general3A_27 = tpu.matmul %max3A_23, %get3A_26, %dot_general3A {dimension_numbers = #tpu.dot_dimension_numbers<[1], [0], [0], [1], [0, 0, 1, 1], [], []>, transpose_lhs_hint = false} : vector<1024x64xf32>, vector<64x128xf32>, vector<1024x128xf32> -> vector<1024x128xf32>
    %mul3A_28 = vector.broadcast %get3A_1 : vector<1024x1xf32> to vector<1024x128xf32>
    %mul3A_29 = arith.mulf %dot_general3A_27, %mul3A_28 : vector<1024x128xf32>
    %swap3A = arith.constant 0 : index
    %swap3A_30 = arith.constant 0 : index
    %swap3A_31 = vector.load %arg6[%swap3A, %swap3A_30] : memref<1024x128xf32, #tpu.memory_space<vmem>>, vector<1024x128xf32>
    tpu.vector_store %arg6[%swap3A, %swap3A_30], %mul3A_29 {strides = array<i32>} : memref<1024x128xf32, #tpu.memory_space<vmem>>, vector<1024x128xf32>,
    return
  }
  func.func @transform_0(%arg0: i32) -> (i32, i32, i32) {
    %c0_i32 = arith.constant 0 : i32
    %c0_i32_0 = arith.constant 0 : i32
    %c0_i32_1 = arith.constant 0 : i32
    return %c0_i32, %arg0, %c0_i32_0 : i32, i32, i32
  }
  func.func @transform_1(%arg0: i32) -> (i32, i32) {
    %c0_i32 = arith.constant 0 : i32
    %c0_i32_0 = arith.constant 0 : i32
    return %arg0, %c0_i32 : i32, i32
  }
  func.func @transform_2(%arg0: i32) -> (i32, i32) {
    %c0_i32 = arith.constant 0 : i32
    %c0_i32_0 = arith.constant 0 : i32
    return %arg0, %c0_i32 : i32, i32
  }
  func.func @transform_3(%arg0: i32) -> (i32, i32) {
    %c0_i32 = arith.constant 0 : i32
    %c0_i32_0 = arith.constant 0 : i32
    %c0_i32_1 = arith.constant 0 : i32
    return %c0_i32, %c0_i32_0 : i32, i32
  }
  func.func @transform_4(%arg0: i32) -> (i32, i32) {
    %c0_i32 = arith.constant 0 : i32
    %c0_i32_0 = arith.constant 0 : i32
    %c0_i32_1 = arith.constant 0 : i32
    return %c0_i32, %c0_i32_0 : i32, i32
  }
  func.func @transform_5(%arg0: i32) -> (i32, i32) {
    %c0_i32 = arith.constant 0 : i32
    %c0_i32_0 = arith.constant 0 : i32
    return %arg0, %c0_i32 : i32, i32
  }
}

module attributes {stable_mosaic.version = 14 : i64} {
  func.func @_stage_final_body(%arg0: i32, %arg1: memref<2x1024x64xf32, #tpu.memory_space<vmem>>, %arg2: memref<2x1024x64xf32, #tpu.memory_space<vmem>>, %arg3: memref<1024x128xf32, #tpu.memory_space<vmem>>, %arg4: memref<1024x128xf32, #tpu.memory_space<vmem>>, %arg5: memref<1x128xf32, #tpu.memory_space<vmem>>, %arg6: memref<1024x128xf32, #tpu.memory_space<vmem>>) attributes {dimension_semantics = [#tpu.dimension_semantics<arbitrary>], iteration_bounds = array<i64: 10>, scalar_prefetch = 0 : i64, scratch_operands = 0 : i64, tpu.core_type = #tpu.core_type<tc>, window_params = [{transform_indices = @transform_0, window_bounds = array<i64: 2, 1024, 64>}, {transform_indices = @transform_1, window_bounds = array<i64: 2, 1024, 64>}, {transform_indices = @transform_2, window_bounds = array<i64: 1024, 128>}, {transform_indices = @transform_3, window_bounds = array<i64: 1024, 128>}, {pipeline_mode = #tpu.pipeline_mode<synchronous>, transform_indices = @transform_4, window_bounds = array<i64: 1, 128>}, {transform_indices = @transform_5, window_bounds = array<i64: 1024, 128>}]} {
    %get3A = arith.constant 0 : index
    %get3A_0 = arith.constant 0 : index
    %get3A_1 = vector.load %arg4[%get3A, %get3A_0] : memref<1024x128xf32, #tpu.memory_space<vmem>>, vector<1024x1xf32>
    %get3A_2 = arith.constant 0 : index
    %get3A_3 = arith.constant 0 : index
    %get3A_4 = arith.constant 0 : index
    %get3A_5 = vector.load %arg1[%get3A_2, %get3A_3, %get3A_4] : memref<2x1024x64xf32, #tpu.memory_space<vmem>>, vector<1x1024x64xf32>
    %get3A_6 = vector.shape_cast %get3A_5 : vector<1x1024x64xf32> to vector<1024x64xf32>
    %get3A_7 = arith.constant 1 : index
    %get3A_8 = arith.constant 0 : index
    %get3A_9 = arith.constant 0 : index
    %get3A_10 = vector.load %arg1[%get3A_7, %get3A_8, %get3A_9] : memref<2x1024x64xf32, #tpu.memory_space<vmem>>, vector<1x1024x64xf32>
    %get3A_11 = vector.shape_cast %get3A_10 : vector<1x1024x64xf32> to vector<1024x64xf32>
    %add3A = arith.addf %get3A_6, %get3A_11 : vector<1024x64xf32>
    %get3A_12 = arith.constant 0 : index
    %get3A_13 = arith.constant 0 : index
    %get3A_14 = vector.load %arg3[%get3A_12, %get3A_13] : memref<1024x128xf32, #tpu.memory_space<vmem>>, vector<1024x64xf32>
    %add3A_15 = arith.addf %add3A, %get3A_14 : vector<1024x64xf32>
    %get3A_16 = arith.constant 0 : index
    %get3A_17 = arith.constant 0 : index
    %get3A_18 = arith.constant 0 : index
    %get3A_19 = vector.load %arg2[%get3A_16, %get3A_17, %get3A_18] : memref<2x1024x64xf32, #tpu.memory_space<vmem>>, vector<1x1024x64xf32>
    %get3A_20 = vector.shape_cast %get3A_19 : vector<1x1024x64xf32> to vector<1024x64xf32>
    %get3A_21 = arith.constant 1 : index
    %get3A_22 = arith.constant 0 : index
    %get3A_23 = arith.constant 0 : index
    %get3A_24 = vector.load %arg2[%get3A_21, %get3A_22, %get3A_23] : memref<2x1024x64xf32, #tpu.memory_space<vmem>>, vector<1x1024x64xf32>
    %get3A_25 = vector.shape_cast %get3A_24 : vector<1x1024x64xf32> to vector<1024x64xf32>
    %add3A_26 = arith.addf %get3A_20, %get3A_25 : vector<1024x64xf32>
    %get3A_27 = arith.constant 0 : index
    %get3A_28 = arith.constant 64 : index
    %get3A_29 = vector.load %arg3[%get3A_27, %get3A_28] : memref<1024x128xf32, #tpu.memory_space<vmem>>, vector<1024x64xf32>
    %add3A_30 = arith.addf %add3A_26, %get3A_29 : vector<1024x64xf32>
    %concatenate3A = tpu.concatenate %add3A_15, %add3A_30 in 1 : vector<1024x64xf32>, vector<1024x64xf32> -> vector<1024x128xf32>
    %mul3A = vector.broadcast %get3A_1 : vector<1024x1xf32> to vector<1024x128xf32>
    %mul3A_31 = arith.mulf %concatenate3A, %mul3A : vector<1024x128xf32>
    %get3A_32 = arith.constant 0 : index
    %get3A_33 = arith.constant 0 : index
    %get3A_34 = vector.load %arg5[%get3A_32, %get3A_33] : memref<1x128xf32, #tpu.memory_space<vmem>>, vector<1x128xf32>
    %add3A_35 = vector.broadcast %get3A_34 : vector<1x128xf32> to vector<1024x128xf32>
    %add3A_36 = arith.addf %mul3A_31, %add3A_35 : vector<1024x128xf32>
    %swap3A = arith.constant 0 : index
    %swap3A_37 = arith.constant 0 : index
    %swap3A_38 = vector.load %arg6[%swap3A, %swap3A_37] : memref<1024x128xf32, #tpu.memory_space<vmem>>, vector<1024x128xf32>
    tpu.vector_store %arg6[%swap3A, %swap3A_37], %add3A_36 {strides = array<i32>} : memref<1024x128xf32, #tpu.memory_space<vmem>>, vector<1024x128xf32>,
    return
  }
  func.func @transform_0(%arg0: i32) -> (i32, i32, i32) {
    %c0_i32 = arith.constant 0 : i32
    %c0_i32_0 = arith.constant 0 : i32
    %c0_i32_1 = arith.constant 0 : i32
    return %c0_i32, %arg0, %c0_i32_0 : i32, i32, i32
  }
  func.func @transform_1(%arg0: i32) -> (i32, i32, i32) {
    %c0_i32 = arith.constant 0 : i32
    %c0_i32_0 = arith.constant 0 : i32
    %c0_i32_1 = arith.constant 0 : i32
    return %c0_i32, %arg0, %c0_i32_0 : i32, i32, i32
  }
  func.func @transform_2(%arg0: i32) -> (i32, i32) {
    %c0_i32 = arith.constant 0 : i32
    %c0_i32_0 = arith.constant 0 : i32
    return %arg0, %c0_i32 : i32, i32
  }
  func.func @transform_3(%arg0: i32) -> (i32, i32) {
    %c0_i32 = arith.constant 0 : i32
    %c0_i32_0 = arith.constant 0 : i32
    return %arg0, %c0_i32 : i32, i32
  }
  func.func @transform_4(%arg0: i32) -> (i32, i32) {
    %c0_i32 = arith.constant 0 : i32
    %c0_i32_0 = arith.constant 0 : i32
    %c0_i32_1 = arith.constant 0 : i32
    return %c0_i32, %c0_i32_0 : i32, i32
  }
  func.func @transform_5(%arg0: i32) -> (i32, i32) {
    %c0_i32 = arith.constant 0 : i32
    %c0_i32_0 = arith.constant 0 : i32
    return %arg0, %c0_i32 : i32, i32
  }
}

</mosaic_0001>

<sc_bundles>
// kernel: kernel.11.cloned.1.call-start
scs
__scs_entry_jumppad:
0x0: {  	(pc) =	sbr.rel $0x88, $3  }
0x1: {  	(tag) =	ssettag $0x0;
	lr =	simm.s32 $0x1  }
0x2: {  	[smem:$0x3F99] =	sst lr;
	_ =	strace $0xD0000000  }
0x3: {  	_ = 	snop  }
0x4: {  	_ = 	snop  }
0x5: {  	_ = 	snop  }
0x6: {  	_ = 	snop  }
0x7: {  	_ = 	snop  }
__scs_overlays_trampoline_lowered:
0x8: {  	[smem:$0x3FA8] =	sst s0  }
0x9: {  	[smem:$0x3FA9] =	sst s1  }
0xa: {  	[smem:$0x3FAA] =	sst s2  }
0xb: {  	[smem:$0x3FAB] =	sst s3  }
0xc: {  	[smem:$0x3FAC] =	sst s4  }
0xd: {  	[smem:$0x3FAD] =	sst s5  }
0xe: {  	[smem:$0x3FAE] =	sst s6  }
0xf: {  	[smem:$0x3FAF] =	sst s7  }
0x10: {  	[smem:$0x3FB0] =	sst s8  }
0x11: {  	[smem:$0x3FB1] =	sst s9;
	s0 =	simm.s32 @!p0 $0x0  }
0x12: {  	s1 =	sld [smem:$0x3F97];
	s0 =	simm.s32 @p0 $0x1  }
0x13: {  	[smem:$0x3FB2] =	sst s0;
	s0 =	simm.s32 @!p1 $0x0  }
0x14: {  	s2 =	sld [smem:$0x3F96];
	s0 =	simm.s32 @p1 $0x1  }
0x15: {  	[smem:$0x3FB3] =	sst s0;
	s0 =	simm.s32 @!p2 $0x0  }
0x16: {  	s3 =	sld [smem:$0x3FDB];
	s0 =	simm.s32 @p2 $0x1  }
0x17: {  	s4 =	simm.s32 $0x1BF5;
	[smem:$0x3FB5] =	sst s0  }
0x18: {  	s0 =	sld [smem:$0x3F98];
	_ =	swait.ge [sflag:s4], $0x0  }
0x19: {  	s7 =	sld [smem:$0x3F99]  }
0x1a: {  	s8 =	sadd.s32 $0xFFFFE003, lr  }
0x1b: {  	s9 =	sadd.s32 $0xFFFFFEF7, lr;
	s5 =	simm.s32 $0xFFFFFFFF;
	p2 =	slt.u32 s8, $0xFFFFF086  }
0x1c: {  	p1 =	slt.u32 s9, $0xF7A;
	s5 =	simm.s32 @!p2 $0x0  }
0x1d: {  	s5 =	simm.s32 @p1 $0x1;
	p0 =	seq.s32 s7, s2  }
0x1e: {  	s7 =	smul.u32 @!p0 $0xF7A, s2;
	p2 =	seq.s32 @!p0 s5, $0x0  }
0x1f: {  	s9 =	smul.u32 $0xF7A, s1;
	s8 =	simm.s32 @!p0 $0x1BF5;
	p2 =	por !p2, p0  }
0x20: {  	[sflag:s8] =	ssyncset.s32 @!p0 $0xFFFFF086;
	s6 =	sadd.s32 @!p0 s3, s7;
	s7 =	simm.s32 @!p0 $0x108  }
0x21: {  	s3 =	sadd.s32 s3, s9;
	s6 =	sadd.s32 @!p0 $0x88, s6;
	s7 =	simm.s32 @p2 $0x1082  }
0x22: {  	[simem:s7], [sflag:s8] =	dma.local @!p0 [hbm:s6], $0xF7A  }
0x23: {  	s9 =	sor.u32 $0xD0000000, s2;
	s6 =	simm.s32 $0x108;
	_ =	swait.ge @!p0 [sflag:s8], $0x0  }
0x24: {  	s3 =	sadd.s32 $0x88, s3;
	s6 =	simm.s32 @!p1 $0x1082;
	[sflag:s4] =	ssyncset.s32 $0xFFFFF086  }
0x25: {  	[simem:s6], [sflag:s4] =	dma.local [hbm:s3], $0xF7A  }
0x26: {  	[smem:$0x3F99] =	sst s1;
	(tag) =	ssettag s2;
	_ =	strace s9  }
0x27: {  	s1 =	sld [smem:$0x3FA9]  }
0x28: {  	s2 =	sld [smem:$0x3FAA]  }
0x29: {  	s4 =	sld [smem:$0x3FAC]  }
0x2a: {  	p0 =	seq.s32 s5, $0x0;
	s5 =	sld [smem:$0x3FAD]  }
0x2b: {  	s6 =	sld [smem:$0x3FAE]  }
0x2c: {  	s7 =	sld [smem:$0x3FAF]  }
0x2d: {  	s3 =	simm.s32 $0x108;
	s8 =	sld [smem:$0x3FB0]  }
0x2e: {  	s3 =	simm.s32 @!p0 $0x1082;
	s9 =	sld [smem:$0x3FB1]  }
0x2f: {  	lr =	sadd.s32 s0, s3;
	s0 =	sld [smem:$0x3FA8]  }
0x30: {  	s3 =	sld [smem:$0x3FAB]  }
0x31: {  	[smem:$0x3FB4] =	sst s10  }
0x32: {  	s10 =	sld [smem:$0x3FB2];
	_ =	sdelay $0x3  }
0x33: {  	p0 =	seq.s32 s10, $0x1;
	s10 =	sld [smem:$0x3FB4];
	_ =	sdelay $0x3  }
0x34: {  	[smem:$0x3FB4] =	sst s10  }
0x35: {  	s10 =	sld [smem:$0x3FB3];
	_ =	sdelay $0x3  }
0x36: {  	p1 =	seq.s32 s10, $0x1;
	s10 =	sld [smem:$0x3FB4];
	_ =	sdelay $0x3  }
0x37: {  	[smem:$0x3FB4] =	sst s10  }
0x38: {  	s10 =	sld [smem:$0x3FB5]  }
0x39: {  	_ = 	snop;
	(pc) =	sbr.ind lr, $3  }
0x3a: {  	_ = 	snop  }
0x3b: {  	_ = 	snop  }
0x3c: {  	p2 =	seq.s32 s10, $0x1;
	s10 =	sld [smem:$0x3FB4]  }
0x3d: {  	_ =	shalt  }
0x3e: {  	_ =	shalt  }
0x3f: {  	_ =	shalt  }
0x40: {  	_ =	shalt  }
0x41: {  	_ =	shalt  }
0x42: {  	_ =	shalt  }
0x43: {  	_ =	shalt  }
0x44: {  	_ =	shalt  }
0x45: {  	_ =	shalt  }
0x46: {  	_ =	shalt  }
0x47: {  	_ =	shalt  }
0x48: {  	_ =	shalt  }
0x49: {  	_ =	shalt  }
0x4a: {  	_ =	shalt  }
0x4b: {  	_ =	shalt  }
0x4c: {  	_ =	shalt  }
0x4d: {  	_ =	shalt  }
0x4e: {  	_ =	shalt  }
0x4f: {  	_ =	shalt  }
0x50: {  	_ =	shalt  }
0x51: {  	_ =	shalt  }
0x52: {  	_ =	shalt  }
0x53: {  	_ =	shalt  }
0x54: {  	_ =	shalt  }
0x55: {  	_ =	shalt  }
0x56: {  	_ =	shalt  }
0x57: {  	_ =	shalt  }
0x58: {  	_ =	shalt  }
0x59: {  	_ =	shalt  }
0x5a: {  	_ =	shalt  }
0x5b: {  	_ =	shalt  }
0x5c: {  	_ =	shalt  }
0x5d: {  	_ =	shalt  }
0x5e: {  	_ =	shalt  }
0x5f: {  	_ =	shalt  }
0x60: {  	_ =	shalt  }
0x61: {  	_ =	shalt  }
0x62: {  	_ =	shalt  }
0x63: {  	_ =	shalt  }
0x64: {  	_ =	shalt  }
0x65: {  	_ =	shalt  }
0x66: {  	_ =	shalt  }
0x67: {  	_ =	shalt  }
0x68: {  	_ =	shalt  }
0x69: {  	_ =	shalt  }
0x6a: {  	_ =	shalt  }
0x6b: {  	_ =	shalt  }
0x6c: {  	_ =	shalt  }
0x6d: {  	_ =	shalt  }
0x6e: {  	_ =	shalt  }
0x6f: {  	_ =	shalt  }
0x70: {  	_ =	shalt  }
0x71: {  	_ =	shalt  }
0x72: {  	_ =	shalt  }
0x73: {  	_ =	shalt  }
0x74: {  	_ =	shalt  }
0x75: {  	_ =	shalt  }
0x76: {  	_ =	shalt  }
0x77: {  	_ =	shalt  }
0x78: {  	_ =	shalt  }
0x79: {  	_ =	shalt  }
0x7a: {  	_ =	shalt  }
0x7b: {  	_ =	shalt  }
0x7c: {  	_ =	shalt  }
0x7d: {  	_ =	shalt  }
0x7e: {  	_ =	shalt  }
0x7f: {  	_ =	shalt  }
0x80: {  	_ =	shalt  }
0x81: {  	_ =	shalt  }
0x82: {  	_ =	shalt  }
0x83: {  	_ =	shalt  }
0x84: {  	_ =	shalt  }
0x85: {  	_ =	shalt  }
0x86: {  	_ =	shalt  }
0x87: {  	_ =	shalt  }
.Lfunc_end0:
.L_simem_size_0:
called_computation_lowered:
.L_overlay_start_0:
0x88: {  	s2 =	sld [smem:$0x3FD9]  }
0x89: {  	s3 =	sld [smem:$0x3FFE];
	_ =	sdelay $0x1  }
0x8a: {  	s1 =	srdreg.scid  }
0x8b: {  	s0 =	sand.u32 $0x1, s1  }
0x8c: {  	s17 =	sshll.u32 s0, $0xA;
	s2 =	sadd.s32 s3, s2  }
0x8d: {  	s2 =	sadd.s32 s2, s17  }
0x8e: {  	[smem:$0x3FC0] =	sst s2  }
0x8f: {  	_ = 	snop  }
0x90: {  	s2 =	sld [smem:$0x3FD0];
	(tm) =	ssettm $0x1  }
0x91: {  	s18 =	sld [smem:$0x3FFB];
	_ =	sdelay $0x3  }
0x92: {  	_ =	strace s18  }
0x93: {  	s3 =	sld [smem:$0x3FFC];
	_ =	sdelay $0x3  }
0x94: {  	_ =	strace s3  }
0x95: {  	s3 =	sld [smem:$0x3FFD];
	_ =	sdelay $0x3  }
0x96: {  	_ =	strace s3  }
0x97: {  	_ =	strace $0x8FFFFFFF  }
0x98: {  	s19 =	sld [smem:$0x3FDB];
	_ =	sdelay $0x1  }
0x99: {  	s4 =	simm.s32 $_scs_section_size  }
0x9a: {  	s5 =	simm.s32 $_size__tile_overlayer_lowered;
	s6 =	simm.s32 $_tile_overlayer_lowered  }
0x9b: {  	s22 =	simm.s32 $0x1BFF;
	s21 =	sshll.u32 s6, $0x1;
	s3 =	sadd.s32 s4, s19  }
0x9c: {  	s7 =	simm.s32 $0x0;
	s20 =	sshll.u32 s5, $0x1;
	s5 =	sadd.s32 s21, s3  }
0x9d: {  	[timem:s7], [sflag:s22] =	dma.local [hbm:s5], s20  }
0x9e: {  	_ =	swait.ge [sflag:s22], s20  }
0x9f: {  	s4 =	ssub.s32 $0x0, s20;
	[sflag:s22] =	ssyncset.done $0x0  }
0xa0: {  	[sflag:s22] =	ssyncadd.s32 s4;
	_ =	sdelay $0x1  }
0xa1: {  	s23 =	simm.s32 $0x1B8B  }
0xa2: {  	_ =	swait.ge [sflag:s23], $0x1  }
0xa3: {  	[sflag:s23] =	ssyncset.done $0x0  }
0xa4: {  	s25 =	simm.s32 $0x1B8E;
	s24 =	sld [smem:$0x3FFE];
	[sflag:s23] =	ssyncadd.s32 $0xFFFFFFFF  }
0xa5: {  	s26 =	simm.s32 $execute0_lowered;
	[smem:$0x3FD2] =	sst s25  }
0xa6: {  	s5 =	sshll.u32 s26, $0x1;
	_ =	strace $0x80000046;
	[dreg:$0x1] =	wrdreg $0xFFFFFFFF  }
0xa7: {  	s28 =	simm.s32 $_size_execute0_lowered;
	s3 =	sadd.s32 s3, s5;
	[dreg:$0x0] =	wrdreg $0x0  }
0xa8: {  	s5 =	sshll.u32 s28, $0x1;
	[dreg:$0x2] =	wrdreg s3  }
0xa9: {  	[dreg:$0x3] =	wrdreg s5  }
0xaa: {  	[dreg:$0x4] =	wrdreg $0xC0  }
0xab: {  	_ =	task [dreg:s7], $0x5FFFF  }
0xac: {  	[dreg:$0x1] =	wrdreg $0xFFFFFFFF  }
0xad: {  	[dreg:$0x0] =	wrdreg $0x60  }
0xae: {  	[dreg:$0x2] =	wrdreg s24  }
0xaf: {  	[dreg:$0x3] =	wrdreg s2  }
0xb0: {  	[dreg:$0x4] =	wrdreg $0x30000  }
0xb1: {  	[dreg:$0x5] =	wrdreg $0x9  }
0xb2: {  	_ =	task.clear_ibuf [dreg:s7], $0x6FFFF;
	_ =	strace $0x90000046  }
0xb3: {  	s29 =	simm.s32 $0x9;
	_ =	strace $0x80000048  }
0xb4: {  	_ =	swait.ge [sflag:s29], $0x1  }
0xb5: {  	[sflag:s29] =	ssyncadd.s32 $0xFFFFFFFF  }
0xb6: {  	_ =	strace $0x90000048  }
0xb7: {  	_ =	sfence  }
0xb8: {  	s30 =	sld [smem:$0x0];
	_ =	sdelay $0x2  }
0xb9: {  	s31 =	sshll.u32 s1, $0xD;
	s1 =	sshrl.u32 s1, $0x2  }
0xba: {  	s3 =	sand.u32 $0x4000, s31;
	s1 =	sadd.s32 s1, s30  }
0xbb: {  	s0 =	sor.u32 s3, s0;
	s1 =	sshll.u32 s1, $0x11  }
0xbc: {  	s0 =	sor.u32 s1, s0  }
0xbd: {  	s0 =	sadd.s32 $0x8F2B, s0  }
0xbe: {  	[sflag:s0] =	ssyncadd.remote.s32 $0x1  }
0xbf: {  	_ =	sfence.sel $0xFFFF  }
0xc0: {  	[dreg:$0x0] =	wrdreg $0xFFFFFFFF;
	(pc) =	sbr.abs _section_cstart, $3  }
0xc1: {  	[dreg:$0x1] =	wrdreg $0xFFFFFFFF  }
0xc2: {  	_ =	task.clear_ibuf [dreg:s7], $0x2FFFF;
	_ =	strace $0x9FFFFFFF  }
0xc3: {  	(tm) =	ssettm $0x7FFFFFFF  }
tec
execute0_lowered:
.L_overlay_start_1:
0x0: {  	(tag) =	ssettag $0x1  }
0x1: {  	s5 =	rddreg [dreg:$0x0]  }
0x2: {  	s1 =	srdreg.scid;
	s8 =	rddreg [dreg:$0x1]  }
0x3: {  	s0 =	stileid.u32;
	s2 =	rddreg [dreg:$0x2];
	s3 =	simm.s32 $0x0  }
0x4: {  	s13 =	simm.s32 $0x80;
	s4 =	sand.u32 $0x1, s1;
	s1 =	rddreg [dreg:$0x3]  }
0x5: {  	s14 =	simm.s32 $0x0;
	s26 =	sshll.u32 s0, $0x1;
	[smem:$0x7FF] =	sst s3  }
0x6: {  	s7 =	smul.u32 $0x2800, s0;
	s31 =	sshll.u32 s0, $0x6;
	s6 =	sor.u32 s4, s26  }
0x7: {  	_ =	strace $0x80000047;
	s10 =	ssub.s32 $0x2, s4;
	s11 =	smul.u32 $0x28000, s4  }
0x8: {  	s4 =	sadd.s32 $0xC400, s5;
	s6 =	smul.u32 $0x500, s6;
	s29 =	sshrl.u32 s10, $0x1  }
0x9: {  	s28 =	sshrl.u32 s7, $0x3;
	s12 =	sadd.s32 s7, s2;
	s10 =	ssub.s32 s10, s29  }
0xa: {  	s30 =	sadd.s32 s7, s11;
	s9 =	sadd.s32 s6, s5;
	s5 =	sadd.s32 s28, s5  }
0xb: {  	s11 =	sshrl.u32 s30, $0x3;
	s6 =	sor.u32 $0x1C01, s31;
	s5 =	sadd.s32 $0xC600, s5  }
0xc: {  	s7 =	sadd.s32 $0x2400, s9;
	s8 =	sadd.s32 s8, s11;
	s9 =	smax.u32 s10, $0x1  }
0xd: {  	s10 =	sshrl.u32 s12, $0x3;
	s11 =	simm.s32 $0x1;
	s12 =	simm.s32 $0x2800  }
.LBB2_1:
0xe: {  	[spmem:s10], [sflag:s6] =	dma.local [hbm:s5], $0x500  }
0xf: {  	_ =	swait.ge [sflag:s11], $0x500  }
0x10: {  	[sflag:s11] =	ssyncset.done $0x0  }
0x11: {  	[sflag:s11] =	ssyncadd.s32 $0xFFFFFB00  }
0x12: {  	[tilespmem:s3], [sflag:$0x1] =	stream.linear.gather [hbm4b:s7+s3], $0x2800, $0x38;
	[tilespmem:$0x5800] =	vst v63  }
0x13: {  	_ =	swait.ge [sflag:s11], $0x2800  }
0x14: {  	[sflag:s11] =	ssyncset.done $0x0  }
0x15: {  	[sflag:s11] =	ssyncadd.s32 $0xFFFFD800  }
0x16: {  	[tilespmem:s12], [sflag:$0x1] =	stream.linear.gather [hbm4b:s4+s3], $0x800, $0x38;
	[tilespmem:$0x5800] =	vst v63  }
0x17: {  	_ =	swait.ge [sflag:s11], $0x800  }
0x18: {  	[sflag:s11] =	ssyncset.done $0x0  }
0x19: {  	[sflag:s11] =	ssyncadd.s32 $0xFFFFF800  }
0x1a: {  	s15 =	simm.s32 $0x0;
	[bflag:$0x0] =	sbarrier.arrive $0xFFFF  }
0x1b: {  	[spmem:s2] =	stream.indirect.scatter.add.f32 [tilespmem:s12], [sflag:$0x1], $0x10, s15, s13, $0xb8;
	[tilespmem:$0x5800] =	vst v63  }
0x1c: {  	_ =	swait.ge [sflag:s11], $0x800  }
0x1d: {  	s15 =	simm.s32 $0x200;
	[sflag:s11] =	ssyncset.done $0x0  }
.LBB2_2:
0x1e: {  	s16 =	sshra.s32 s15, $0x2;
	[sflag:s11] =	ssyncadd.s32 $0xFFFFF800;
	p0 =	sne.s32 s15, $0x9E00  }
0x1f: {  	[spmem:s2] =	stream.indirect.scatter.add.f32 [tilespmem:s12], [sflag:$0x1], $0x10, s16, s13, $0xb8;
	[tilespmem:$0x5800] =	vst v63  }
.Ltmp0:
0x20: {  	_ = 	snop;
	(pc) =	sbr.rel @p0 .LBB2_2-.Ltmp0, $4  }
0x21: {  	_ = 	snop  }
0x22: {  	s15 =	sadd.s32 $0x200, s15  }
0x23: {  	_ =	swait.ge [sflag:s11], $0x800  }
0x24: {  	[sflag:s11] =	ssyncset.done $0x0  }
0x25: {  	s14 =	sadd.s32 $0x1, s14  }
0x26: {  	[sflag:s11] =	ssyncadd.s32 $0xFFFFF800;
	p0 =	sne.s32 s14, s9  }
.Ltmp1:
0x27: {  	[bflag:$0x0] =	sbarrier.arrive $0xFFFF;
	(pc) =	sbr.rel @p0 .LBB2_1-.Ltmp1, $4  }
0x28: {  	[hbm:s8], [sflag:s6] =	dma.local [spmem:s10], $0x500  }
0x29: {  	_ =	swait.ge [sflag:s11], $0x500  }
0x2a: {  	[sflag:s11] =	ssyncset.done $0x0  }
0x2b: {  	[sflag:s11] =	ssyncadd.s32 $0xFFFFFB00  }
0x2c: {  	_ =	sfence.sel $0x180000  }
0x2d: {  	[bflag:$0x0] =	sbarrier.arrive $0xFFFF  }
0x2e: {  	p0 =	sne.s32 s0, $0x0;
	_ =	strace $0x90000047  }
0x2f: {  	s0 =	sadd.s32 @!p0 $0x100000, s1;
	[bflag:$0x2] =	sbarrier.arrive $0xFFFF  }
0x30: {  	[sflag:s0] =	ssyncadd.tile.s32 @!p0 $0x1;
	_ =	shalt  }
.Lfunc_end2:
_tile_overlayer_lowered:
.L_overlay_start_2:
0x31: {  	(tag) =	ssettag $0x2  }
0x32: {  	s0 =	rddreg [dreg:$0x0];
	s2 =	stileid.u32  }
0x33: {  	s1 =	rddreg [dreg:$0x1];
	p0 =	sne.s32 s2, $0x0  }
0x34: {  	s3 =	rddreg [dreg:$0x2];
	[bflag:$0x3] =	sbarrier.arrive $0xFFFF;
	s2 =	simm.s32 @!p0 $0x1C01  }
0x35: {  	[timem:s3], [sflag:s2] =	dma.local @!p0 [hbm:s0], s1  }
0x36: {  	s0 =	simm.s32 @!p0 $0x1  }
0x37: {  	_ =	swait.ge @!p0 [sflag:s0], s1  }
0x38: {  	s1 =	ssub.s32 @!p0 $0x0, s1;
	[sflag:s0] =	ssyncset.done @!p0 $0x0  }
0x39: {  	[sflag:s0] =	ssyncadd.s32 @!p0 s1  }
0x3a: {  	[bflag:$0x3] =	sbarrier.arrive $0xFFFF  }
0x3b: {  	_ =	shalt  }

// kernel: kernel.14.cloned.1.call-start
scs
__scs_entry_jumppad:
0x0: {  	(pc) =	sbr.rel $0x88, $3  }
0x1: {  	(tag) =	ssettag $0x0;
	lr =	simm.s32 $0x1  }
0x2: {  	[smem:$0x3F99] =	sst lr;
	_ =	strace $0xD0000000  }
0x3: {  	_ = 	snop  }
0x4: {  	_ = 	snop  }
0x5: {  	_ = 	snop  }
0x6: {  	_ = 	snop  }
0x7: {  	_ = 	snop  }
__scs_overlays_trampoline_lowered:
0x8: {  	[smem:$0x3FA8] =	sst s0  }
0x9: {  	[smem:$0x3FA9] =	sst s1  }
0xa: {  	[smem:$0x3FAA] =	sst s2  }
0xb: {  	[smem:$0x3FAB] =	sst s3  }
0xc: {  	[smem:$0x3FAC] =	sst s4  }
0xd: {  	[smem:$0x3FAD] =	sst s5  }
0xe: {  	[smem:$0x3FAE] =	sst s6  }
0xf: {  	[smem:$0x3FAF] =	sst s7  }
0x10: {  	[smem:$0x3FB0] =	sst s8  }
0x11: {  	[smem:$0x3FB1] =	sst s9;
	s0 =	simm.s32 @!p0 $0x0  }
0x12: {  	s1 =	sld [smem:$0x3F97];
	s0 =	simm.s32 @p0 $0x1  }
0x13: {  	[smem:$0x3FB2] =	sst s0;
	s0 =	simm.s32 @!p1 $0x0  }
0x14: {  	s2 =	sld [smem:$0x3F96];
	s0 =	simm.s32 @p1 $0x1  }
0x15: {  	[smem:$0x3FB3] =	sst s0;
	s0 =	simm.s32 @!p2 $0x0  }
0x16: {  	s3 =	sld [smem:$0x3FDB];
	s0 =	simm.s32 @p2 $0x1  }
0x17: {  	s4 =	simm.s32 $0x1BF5;
	[smem:$0x3FB5] =	sst s0  }
0x18: {  	s0 =	sld [smem:$0x3F98];
	_ =	swait.ge [sflag:s4], $0x0  }
0x19: {  	s7 =	sld [smem:$0x3F99]  }
0x1a: {  	s8 =	sadd.s32 $0xFFFFE003, lr  }
0x1b: {  	s9 =	sadd.s32 $0xFFFFFEF7, lr;
	s5 =	simm.s32 $0xFFFFFFFF;
	p2 =	slt.u32 s8, $0xFFFFF086  }
0x1c: {  	p1 =	slt.u32 s9, $0xF7A;
	s5 =	simm.s32 @!p2 $0x0  }
0x1d: {  	s5 =	simm.s32 @p1 $0x1;
	p0 =	seq.s32 s7, s2  }
0x1e: {  	s7 =	smul.u32 @!p0 $0xF7A, s2;
	p2 =	seq.s32 @!p0 s5, $0x0  }
0x1f: {  	s9 =	smul.u32 $0xF7A, s1;
	s8 =	simm.s32 @!p0 $0x1BF5;
	p2 =	por !p2, p0  }
0x20: {  	[sflag:s8] =	ssyncset.s32 @!p0 $0xFFFFF086;
	s6 =	sadd.s32 @!p0 s3, s7;
	s7 =	simm.s32 @!p0 $0x108  }
0x21: {  	s3 =	sadd.s32 s3, s9;
	s6 =	sadd.s32 @!p0 $0x88, s6;
	s7 =	simm.s32 @p2 $0x1082  }
0x22: {  	[simem:s7], [sflag:s8] =	dma.local @!p0 [hbm:s6], $0xF7A  }
0x23: {  	s9 =	sor.u32 $0xD0000000, s2;
	s6 =	simm.s32 $0x108;
	_ =	swait.ge @!p0 [sflag:s8], $0x0  }
0x24: {  	s3 =	sadd.s32 $0x88, s3;
	s6 =	simm.s32 @!p1 $0x1082;
	[sflag:s4] =	ssyncset.s32 $0xFFFFF086  }
0x25: {  	[simem:s6], [sflag:s4] =	dma.local [hbm:s3], $0xF7A  }
0x26: {  	[smem:$0x3F99] =	sst s1;
	(tag) =	ssettag s2;
	_ =	strace s9  }
0x27: {  	s1 =	sld [smem:$0x3FA9]  }
0x28: {  	s2 =	sld [smem:$0x3FAA]  }
0x29: {  	s4 =	sld [smem:$0x3FAC]  }
0x2a: {  	p0 =	seq.s32 s5, $0x0;
	s5 =	sld [smem:$0x3FAD]  }
0x2b: {  	s6 =	sld [smem:$0x3FAE]  }
0x2c: {  	s7 =	sld [smem:$0x3FAF]  }
0x2d: {  	s3 =	simm.s32 $0x108;
	s8 =	sld [smem:$0x3FB0]  }
0x2e: {  	s3 =	simm.s32 @!p0 $0x1082;
	s9 =	sld [smem:$0x3FB1]  }
0x2f: {  	lr =	sadd.s32 s0, s3;
	s0 =	sld [smem:$0x3FA8]  }
0x30: {  	s3 =	sld [smem:$0x3FAB]  }
0x31: {  	[smem:$0x3FB4] =	sst s10  }
0x32: {  	s10 =	sld [smem:$0x3FB2];
	_ =	sdelay $0x3  }
0x33: {  	p0 =	seq.s32 s10, $0x1;
	s10 =	sld [smem:$0x3FB4];
	_ =	sdelay $0x3  }
0x34: {  	[smem:$0x3FB4] =	sst s10  }
0x35: {  	s10 =	sld [smem:$0x3FB3];
	_ =	sdelay $0x3  }
0x36: {  	p1 =	seq.s32 s10, $0x1;
	s10 =	sld [smem:$0x3FB4];
	_ =	sdelay $0x3  }
0x37: {  	[smem:$0x3FB4] =	sst s10  }
0x38: {  	s10 =	sld [smem:$0x3FB5]  }
0x39: {  	_ = 	snop;
	(pc) =	sbr.ind lr, $3  }
0x3a: {  	_ = 	snop  }
0x3b: {  	_ = 	snop  }
0x3c: {  	p2 =	seq.s32 s10, $0x1;
	s10 =	sld [smem:$0x3FB4]  }
0x3d: {  	_ =	shalt  }
0x3e: {  	_ =	shalt  }
0x3f: {  	_ =	shalt  }
0x40: {  	_ =	shalt  }
0x41: {  	_ =	shalt  }
0x42: {  	_ =	shalt  }
0x43: {  	_ =	shalt  }
0x44: {  	_ =	shalt  }
0x45: {  	_ =	shalt  }
0x46: {  	_ =	shalt  }
0x47: {  	_ =	shalt  }
0x48: {  	_ =	shalt  }
0x49: {  	_ =	shalt  }
0x4a: {  	_ =	shalt  }
0x4b: {  	_ =	shalt  }
0x4c: {  	_ =	shalt  }
0x4d: {  	_ =	shalt  }
0x4e: {  	_ =	shalt  }
0x4f: {  	_ =	shalt  }
0x50: {  	_ =	shalt  }
0x51: {  	_ =	shalt  }
0x52: {  	_ =	shalt  }
0x53: {  	_ =	shalt  }
0x54: {  	_ =	shalt  }
0x55: {  	_ =	shalt  }
0x56: {  	_ =	shalt  }
0x57: {  	_ =	shalt  }
0x58: {  	_ =	shalt  }
0x59: {  	_ =	shalt  }
0x5a: {  	_ =	shalt  }
0x5b: {  	_ =	shalt  }
0x5c: {  	_ =	shalt  }
0x5d: {  	_ =	shalt  }
0x5e: {  	_ =	shalt  }
0x5f: {  	_ =	shalt  }
0x60: {  	_ =	shalt  }
0x61: {  	_ =	shalt  }
0x62: {  	_ =	shalt  }
0x63: {  	_ =	shalt  }
0x64: {  	_ =	shalt  }
0x65: {  	_ =	shalt  }
0x66: {  	_ =	shalt  }
0x67: {  	_ =	shalt  }
0x68: {  	_ =	shalt  }
0x69: {  	_ =	shalt  }
0x6a: {  	_ =	shalt  }
0x6b: {  	_ =	shalt  }
0x6c: {  	_ =	shalt  }
0x6d: {  	_ =	shalt  }
0x6e: {  	_ =	shalt  }
0x6f: {  	_ =	shalt  }
0x70: {  	_ =	shalt  }
0x71: {  	_ =	shalt  }
0x72: {  	_ =	shalt  }
0x73: {  	_ =	shalt  }
0x74: {  	_ =	shalt  }
0x75: {  	_ =	shalt  }
0x76: {  	_ =	shalt  }
0x77: {  	_ =	shalt  }
0x78: {  	_ =	shalt  }
0x79: {  	_ =	shalt  }
0x7a: {  	_ =	shalt  }
0x7b: {  	_ =	shalt  }
0x7c: {  	_ =	shalt  }
0x7d: {  	_ =	shalt  }
0x7e: {  	_ =	shalt  }
0x7f: {  	_ =	shalt  }
0x80: {  	_ =	shalt  }
0x81: {  	_ =	shalt  }
0x82: {  	_ =	shalt  }
0x83: {  	_ =	shalt  }
0x84: {  	_ =	shalt  }
0x85: {  	_ =	shalt  }
0x86: {  	_ =	shalt  }
0x87: {  	_ =	shalt  }
.Lfunc_end0:
.L_simem_size_0:
called_computation.1_lowered:
.L_overlay_start_0:
0x88: {  	s2 =	sld [smem:$0x3FD9]  }
0x89: {  	s3 =	sld [smem:$0x3FFE];
	_ =	sdelay $0x1  }
0x8a: {  	s1 =	srdreg.scid  }
0x8b: {  	s0 =	sand.u32 $0x1, s1  }
0x8c: {  	s17 =	sshll.u32 s0, $0xA;
	s2 =	sadd.s32 s3, s2  }
0x8d: {  	s2 =	sadd.s32 s2, s17  }
0x8e: {  	[smem:$0x3FC0] =	sst s2  }
0x8f: {  	_ = 	snop  }
0x90: {  	s2 =	sld [smem:$0x3FD0];
	(tm) =	ssettm $0x1  }
0x91: {  	s18 =	sld [smem:$0x3FFB];
	_ =	sdelay $0x3  }
0x92: {  	_ =	strace s18  }
0x93: {  	s3 =	sld [smem:$0x3FFC];
	_ =	sdelay $0x3  }
0x94: {  	_ =	strace s3  }
0x95: {  	s3 =	sld [smem:$0x3FFD];
	_ =	sdelay $0x3  }
0x96: {  	_ =	strace s3  }
0x97: {  	_ =	strace $0x8FFFFFFF  }
0x98: {  	s19 =	sld [smem:$0x3FDB];
	_ =	sdelay $0x1  }
0x99: {  	s4 =	simm.s32 $_scs_section_size  }
0x9a: {  	s5 =	simm.s32 $_size__tile_overlayer_lowered;
	s6 =	simm.s32 $_tile_overlayer_lowered  }
0x9b: {  	s22 =	simm.s32 $0x1BFF;
	s21 =	sshll.u32 s6, $0x1;
	s3 =	sadd.s32 s4, s19  }
0x9c: {  	s7 =	simm.s32 $0x0;
	s20 =	sshll.u32 s5, $0x1;
	s5 =	sadd.s32 s21, s3  }
0x9d: {  	[timem:s7], [sflag:s22] =	dma.local [hbm:s5], s20  }
0x9e: {  	_ =	swait.ge [sflag:s22], s20  }
0x9f: {  	s4 =	ssub.s32 $0x0, s20;
	[sflag:s22] =	ssyncset.done $0x0  }
0xa0: {  	[sflag:s22] =	ssyncadd.s32 s4;
	_ =	sdelay $0x1  }
0xa1: {  	s23 =	simm.s32 $0x1B8B  }
0xa2: {  	_ =	swait.ge [sflag:s23], $0x1  }
0xa3: {  	[sflag:s23] =	ssyncset.done $0x0  }
0xa4: {  	s25 =	simm.s32 $0x1B8E;
	s24 =	sld [smem:$0x3FFE];
	[sflag:s23] =	ssyncadd.s32 $0xFFFFFFFF  }
0xa5: {  	s26 =	simm.s32 $execute0_lowered;
	[smem:$0x3FD2] =	sst s25  }
0xa6: {  	s5 =	sshll.u32 s26, $0x1;
	_ =	strace $0x80000049;
	[dreg:$0x1] =	wrdreg $0xFFFFFFFF  }
0xa7: {  	s28 =	simm.s32 $_size_execute0_lowered;
	s3 =	sadd.s32 s3, s5;
	[dreg:$0x0] =	wrdreg $0x0  }
0xa8: {  	s5 =	sshll.u32 s28, $0x1;
	[dreg:$0x2] =	wrdreg s3  }
0xa9: {  	[dreg:$0x3] =	wrdreg s5  }
0xaa: {  	[dreg:$0x4] =	wrdreg $0xC0  }
0xab: {  	_ =	task [dreg:s7], $0x5FFFF  }
0xac: {  	[dreg:$0x1] =	wrdreg $0xFFFFFFFF  }
0xad: {  	[dreg:$0x0] =	wrdreg $0x60  }
0xae: {  	[dreg:$0x2] =	wrdreg s2  }
0xaf: {  	[dreg:$0x3] =	wrdreg s24  }
0xb0: {  	[dreg:$0x4] =	wrdreg $0x94000  }
0xb1: {  	[dreg:$0x5] =	wrdreg $0x134000  }
0xb2: {  	[dreg:$0x6] =	wrdreg $0x9  }
0xb3: {  	_ =	task.clear_ibuf [dreg:s7], $0x7FFFF;
	_ =	strace $0x90000049  }
0xb4: {  	s29 =	simm.s32 $0x9;
	_ =	strace $0x8000004B  }
0xb5: {  	_ =	swait.ge [sflag:s29], $0x1  }
0xb6: {  	[sflag:s29] =	ssyncadd.s32 $0xFFFFFFFF  }
0xb7: {  	_ =	strace $0x9000004B  }
0xb8: {  	_ =	sfence  }
0xb9: {  	s30 =	sld [smem:$0x0];
	_ =	sdelay $0x2  }
0xba: {  	s31 =	sshll.u32 s1, $0xD;
	s1 =	sshrl.u32 s1, $0x2  }
0xbb: {  	s3 =	sand.u32 $0x4000, s31;
	s1 =	sadd.s32 s1, s30  }
0xbc: {  	s0 =	sor.u32 s3, s0;
	s1 =	sshll.u32 s1, $0x11  }
0xbd: {  	s0 =	sor.u32 s1, s0  }
0xbe: {  	s0 =	sadd.s32 $0x8F2B, s0  }
0xbf: {  	[sflag:s0] =	ssyncadd.remote.s32 $0x1  }
0xc0: {  	_ =	sfence.sel $0xFFFF  }
0xc1: {  	[dreg:$0x0] =	wrdreg $0xFFFFFFFF;
	(pc) =	sbr.abs _section_cstart, $3  }
0xc2: {  	[dreg:$0x1] =	wrdreg $0xFFFFFFFF  }
0xc3: {  	_ =	task.clear_ibuf [dreg:s7], $0x2FFFF;
	_ =	strace $0x9FFFFFFF  }
0xc4: {  	(tm) =	ssettm $0x7FFFFFFF  }
0xc5: {  	_ =	shalt  }
tec
execute0_lowered:
.L_overlay_start_1:
0x0: {  	(tag) =	ssettag $0x1  }
0x1: {  	s0 =	rddreg [dreg:$0x0]  }
0x2: {  	s5 =	rddreg [dreg:$0x1]  }
0x3: {  	s2 =	rddreg [dreg:$0x2]  }
0x4: {  	s3 =	rddreg [dreg:$0x3]  }
0x5: {  	s1 =	stileid.u32;
	s6 =	srdreg.scid;
	s4 =	simm.s32 $0x0  }
0x6: {  	s18 =	simm.s32 $0x5;
	s19 =	simm.s32 $0x80;
	s20 =	simm.s32 $0x5400  }
0x7: {  	s21 =	simm.s32 $0x1;
	s22 =	simm.s32 $0x7400;
	s23 =	simm.s32 $0x2  }
0x8: {  	s28 =	simm.s32 $0x4;
	s29 =	simm.s32 $0x6;
	s8 =	smul.u32 $0xA000, s1  }
0x9: {  	s30 =	simm.s32 $0x0;
	s9 =	sand.u32 $0x1, s6;
	s25 =	smul.u32 $0x2600, s1  }
0xa: {  	[smem:$0x7FF] =	sst s4;
	s11 =	sadd.s32 $0x11600, s5;
	s17 =	smul.u32 $0x540, s1  }
0xb: {  	s12 =	sadd.s32 $0x2400, s5;
	s6 =	smul.u32 $0xA0000, s9;
	_ =	strace $0x8000004A  }
0xc: {  	s10 =	ssub.s32 $0x2, s9;
	p0 =	seq.s32 s9, $0x1;
	s7 =	sshrl.u32 s8, $0x3  }
0xd: {  	s24 =	sshrl.u32 s10, $0x1;
	s16 =	sadd.s32 s8, s2;
	s26 =	sadd.s32 s8, s3  }
0xe: {  	s9 =	sadd.s32 s11, s17;
	s6 =	sadd.s32 s8, s6;
	s13 =	sadd.s32 s7, s5  }
0xf: {  	s15 =	ssub.s32 s10, s24;
	s10 =	sshrl.u32 s25, $0x3;
	s24 =	simm.s32 $0x2A80  }
0x10: {  	s25 =	simm.s32 $0x3;
	s6 =	sshrl.u32 s6, $0x3;
	s8 =	sadd.s32 $0x1B600, s13  }
.Ltmp0:
0x11: {  	s31 =	sadd.s32 $0x5400, s10;
	s10 =	sadd.s32 s12, s17;
	(pc) =	sbr.rel .LBB2_1-.Ltmp0, $4  }
0x12: {  	s17 =	simm.s32 $0x2A00;
	s14 =	sadd.s32 s6, s5;
	s5 =	sshll.u32 s1, $0x6  }
0x13: {  	s6 =	sadd.s32 s0, s7;
	s11 =	sadd.s32 s11, s31;
	s12 =	sadd.s32 s12, s31  }
0x14: {  	s7 =	sor.u32 $0x1C05, s5;
	s13 =	sadd.s32 $0x2F600, s14;
	s14 =	smax.u32 s15, $0x1  }
0x15: {  	s15 =	sshrl.u32 s16, $0x3;
	s16 =	sshrl.u32 s26, $0x3;
	s26 =	simm.s32 $0x100  }
.LBB2_8:
0x16: {  	_ =	swait.ge [sflag:s28], $0x2000  }
0x17: {  	s30 =	sadd.s32 $0x1, s30;
	[sflag:s28] =	ssyncset.done $0x0  }
0x18: {  	p1 =	sne.s32 s30, s14;
	[sflag:s28] =	ssyncadd.s32 $0xFFFFE000  }
.Ltmp1:
0x19: {  	s0 =	sor.u32 $0x1C06, s5;
	[bflag:$0x0] =	sbarrier.arrive $0xFFFF;
	(pc) =	sbr.rel @!p1 .LBB2_9-.Ltmp1, $4  }
0x1a: {  	[hbm:s13], [sflag:s0] =	dma.local [spmem:s16], $0x1400  }
0x1b: {  	_ =	swait.ge [sflag:s29], $0x1400  }
0x1c: {  	[sflag:s29] =	ssyncset.done $0x0  }
0x1d: {  	[sflag:s29] =	ssyncadd.s32 $0xFFFFEC00  }
.LBB2_1:
.Ltmp2:
0x1e: {  	(pc) =	sbr.rel @!p0 .LBB2_2-.Ltmp2, $3  }
0x1f: {  	_ =	sdelay $0x1  }
0x20: {  	[spmem:s15], [sflag:s7] =	dma.local [hbm:s6], $0x1400  }
0x21: {  	[spmem:s16], [sflag:s7] =	dma.local [hbm:s8], $0x1400  }
0x22: {  	[tilespmem:s4], [sflag:$0x5] =	stream.linear.gather [hbm4b:s11+s4], $0x2600, $0x38;
	[tilespmem:$0x1D400] =	vst v63  }
0x23: {  	_ = 	snop  }
0x24: {  	[tilespmem:s17], [sflag:$0x5] =	stream.linear.gather [hbm4b:s12+s4], $0x2600, $0x38;
	[tilespmem:$0x1D400] =	vst v63  }
0x25: {  	_ =	swait.ge [sflag:s18], $0x1400  }
0x26: {  	[sflag:s18] =	ssyncset.done $0x0  }
0x27: {  	[sflag:s18] =	ssyncadd.s32 $0xFFFFEC00  }
0x28: {  	_ =	swait.ge [sflag:s18], $0x1400  }
0x29: {  	[sflag:s18] =	ssyncset.done $0x0  }
0x2a: {  	[sflag:s18] =	ssyncadd.s32 $0xFFFFEC00  }
0x2b: {  	_ =	swait.ge [sflag:s18], $0x2600  }
0x2c: {  	[sflag:s18] =	ssyncset.done $0x0  }
0x2d: {  	[sflag:s18] =	ssyncadd.s32 $0xFFFFDA00  }
0x2e: {  	_ =	swait.ge [sflag:s18], $0x2600  }
0x2f: {  	[sflag:s18] =	ssyncset.done $0x0  }
0x30: {  	[sflag:s18] =	ssyncadd.s32 $0xFFFFDA00  }
0x31: {  	[bflag:$0x0] =	sbarrier.arrive $0xFFFF  }
0x32: {  	[tilespmem:s20], [sflag:$0x1] =	stream.indirect.gather [spmem:s2], $0x40, s4, s19, $0xb8;
	[tilespmem:$0x1D400] =	vst v63  }
0x33: {  	_ =	swait.ge [sflag:s21], $0x2000  }
0x34: {  	[sflag:s21] =	ssyncset.done $0x0  }
0x35: {  	[sflag:s21] =	ssyncadd.s32 $0xFFFFE000  }
0x36: {  	[spmem:s3] =	stream.indirect.scatter.add.f32 [tilespmem:s20], [sflag:$0x3], $0x40, s17, s19, $0xb8;
	[tilespmem:$0x1D400] =	vst v63  }
0x37: {  	_ = 	snop  }
0x38: {  	[tilespmem:s22], [sflag:$0x2] =	stream.indirect.gather [spmem:s2], $0x40, s19, s19, $0xb8;
	[tilespmem:$0x1D400] =	vst v63  }
0x39: {  	_ =	swait.ge [sflag:s23], $0x2000  }
0x3a: {  	[sflag:s23] =	ssyncset.done $0x0  }
0x3b: {  	[sflag:s23] =	ssyncadd.s32 $0xFFFFE000  }
0x3c: {  	[spmem:s3] =	stream.indirect.scatter.add.f32 [tilespmem:s22], [sflag:$0x4], $0x40, s24, s19, $0xb8;
	[tilespmem:$0x1D400] =	vst v63  }
0x3d: {  	_ =	swait.ge [sflag:s25], $0x2000  }
0x3e: {  	[sflag:s25] =	ssyncset.done $0x0  }
0x3f: {  	s31 =	simm.s32 $0xFFFF7000;
	[sflag:s25] =	ssyncadd.s32 $0xFFFFE000  }
0x40: {  	[tilespmem:s20], [sflag:$0x1] =	stream.indirect.gather [spmem:s2], $0x40, s26, s19, $0xb8;
	[tilespmem:$0x1D400] =	vst v63  }
.LBB2_6:
0x41: {  	_ =	swait.ge [sflag:s21], $0x2000  }
0x42: {  	s0 =	sshra.s32 s31, $0x2;
	[sflag:s21] =	ssyncset.done $0x0  }
0x43: {  	s1 =	sadd.s32 $0x4F00, s0;
	[sflag:s21] =	ssyncadd.s32 $0xFFFFE000  }
0x44: {  	[spmem:s3] =	stream.indirect.scatter.add.f32 [tilespmem:s20], [sflag:$0x3], $0x40, s1, s19, $0xb8;
	[tilespmem:$0x1D400] =	vst v63  }
0x45: {  	_ =	swait.ge [sflag:s28], $0x2000  }
0x46: {  	[sflag:s28] =	ssyncset.done $0x0  }
0x47: {  	s1 =	sadd.s32 $0x2580, s0;
	[sflag:s28] =	ssyncadd.s32 $0xFFFFE000  }
0x48: {  	[tilespmem:s22], [sflag:$0x2] =	stream.indirect.gather [spmem:s2], $0x40, s1, s19, $0xb8;
	[tilespmem:$0x1D400] =	vst v63  }
0x49: {  	_ =	swait.ge [sflag:s23], $0x2000  }
0x4a: {  	p1 =	seq.s32 s31, $0x0;
	[sflag:s23] =	ssyncset.done $0x0  }
.Ltmp3:
0x4b: {  	s1 =	sadd.s32 $0x4F80, s0;
	[sflag:s23] =	ssyncadd.s32 $0xFFFFE000;
	(pc) =	sbr.rel @p1 .LBB2_8-.Ltmp3, $4  }
0x4c: {  	[spmem:s3] =	stream.indirect.scatter.add.f32 [tilespmem:s22], [sflag:$0x4], $0x40, s1, s19, $0xb8;
	[tilespmem:$0x1D400] =	vst v63  }
0x4d: {  	_ =	swait.ge [sflag:s25], $0x2000  }
0x4e: {  	[sflag:s25] =	ssyncset.done $0x0  }
0x4f: {  	[sflag:s25] =	ssyncadd.s32 $0xFFFFE000  }
.Ltmp4:
0x50: {  	(pc) =	sbr.rel .LBB2_6-.Ltmp4, $3  }
0x51: {  	_ =	sdelay $0x1  }
0x52: {  	s0 =	sadd.s32 $0x2600, s0;
	s31 =	sadd.s32 $0x400, s31  }
0x53: {  	[tilespmem:s20], [sflag:$0x1] =	stream.indirect.gather [spmem:s2], $0x40, s0, s19, $0xb8;
	[tilespmem:$0x1D400] =	vst v63  }
.LBB2_2:
0x54: {  	[tilespmem:s4], [sflag:$0x5] =	stream.linear.gather [hbm4b:s9+s4], $0x2A00, $0x38;
	[tilespmem:$0x1D400] =	vst v63  }
0x55: {  	_ = 	snop  }
0x56: {  	[tilespmem:s17], [sflag:$0x5] =	stream.linear.gather [hbm4b:s10+s4], $0x2A00, $0x38;
	[tilespmem:$0x1D400] =	vst v63  }
0x57: {  	_ =	swait.ge [sflag:s18], $0x1400  }
0x58: {  	[sflag:s18] =	ssyncset.done $0x0  }
0x59: {  	[sflag:s18] =	ssyncadd.s32 $0xFFFFEC00  }
0x5a: {  	_ =	swait.ge [sflag:s18], $0x1400  }
0x5b: {  	[sflag:s18] =	ssyncset.done $0x0  }
0x5c: {  	[sflag:s18] =	ssyncadd.s32 $0xFFFFEC00  }
0x5d: {  	_ =	swait.ge [sflag:s18], $0x2A00  }
0x5e: {  	[sflag:s18] =	ssyncset.done $0x0  }
0x5f: {  	[sflag:s18] =	ssyncadd.s32 $0xFFFFD600  }
0x60: {  	_ =	swait.ge [sflag:s18], $0x2A00  }
0x61: {  	[sflag:s18] =	ssyncset.done $0x0  }
0x62: {  	[sflag:s18] =	ssyncadd.s32 $0xFFFFD600  }
0x63: {  	[bflag:$0x0] =	sbarrier.arrive $0xFFFF  }
0x64: {  	[tilespmem:s20], [sflag:$0x1] =	stream.indirect.gather [spmem:s2], $0x40, s4, s19, $0xb8;
	[tilespmem:$0x1D400] =	vst v63  }
0x65: {  	_ =	swait.ge [sflag:s21], $0x2000  }
0x66: {  	[sflag:s21] =	ssyncset.done $0x0  }
0x67: {  	[sflag:s21] =	ssyncadd.s32 $0xFFFFE000  }
0x68: {  	[spmem:s3] =	stream.indirect.scatter.add.f32 [tilespmem:s20], [sflag:$0x3], $0x40, s17, s19, $0xb8;
	[tilespmem:$0x1D400] =	vst v63  }
0x69: {  	_ = 	snop  }
0x6a: {  	[tilespmem:s22], [sflag:$0x2] =	stream.indirect.gather [spmem:s2], $0x40, s19, s19, $0xb8;
	[tilespmem:$0x1D400] =	vst v63  }
0x6b: {  	_ =	swait.ge [sflag:s23], $0x2000  }
0x6c: {  	[sflag:s23] =	ssyncset.done $0x0  }
0x6d: {  	[sflag:s23] =	ssyncadd.s32 $0xFFFFE000  }
0x6e: {  	[spmem:s3] =	stream.indirect.scatter.add.f32 [tilespmem:s22], [sflag:$0x4], $0x40, s24, s19, $0xb8;
	[tilespmem:$0x1D400] =	vst v63  }
0x6f: {  	_ =	swait.ge [sflag:s25], $0x2000  }
0x70: {  	[sflag:s25] =	ssyncset.done $0x0  }
0x71: {  	s31 =	simm.s32 $0xFFFF6000;
	[sflag:s25] =	ssyncadd.s32 $0xFFFFE000  }
0x72: {  	[tilespmem:s20], [sflag:$0x1] =	stream.indirect.gather [spmem:s2], $0x40, s26, s19, $0xb8;
	[tilespmem:$0x1D400] =	vst v63  }
.LBB2_3:
0x73: {  	_ =	swait.ge [sflag:s21], $0x2000  }
0x74: {  	s0 =	sshra.s32 s31, $0x2;
	[sflag:s21] =	ssyncset.done $0x0  }
0x75: {  	s1 =	sadd.s32 $0x5300, s0;
	[sflag:s21] =	ssyncadd.s32 $0xFFFFE000  }
0x76: {  	[spmem:s3] =	stream.indirect.scatter.add.f32 [tilespmem:s20], [sflag:$0x3], $0x40, s1, s19, $0xb8;
	[tilespmem:$0x1D400] =	vst v63  }
0x77: {  	_ =	swait.ge [sflag:s28], $0x2000  }
0x78: {  	[sflag:s28] =	ssyncset.done $0x0  }
0x79: {  	s1 =	sadd.s32 $0x2980, s0;
	[sflag:s28] =	ssyncadd.s32 $0xFFFFE000  }
0x7a: {  	[tilespmem:s22], [sflag:$0x2] =	stream.indirect.gather [spmem:s2], $0x40, s1, s19, $0xb8;
	[tilespmem:$0x1D400] =	vst v63  }
0x7b: {  	_ =	swait.ge [sflag:s23], $0x2000  }
0x7c: {  	p1 =	seq.s32 s31, $0x0;
	[sflag:s23] =	ssyncset.done $0x0  }
.Ltmp5:
0x7d: {  	s1 =	sadd.s32 $0x5380, s0;
	[sflag:s23] =	ssyncadd.s32 $0xFFFFE000;
	(pc) =	sbr.rel @p1 .LBB2_8-.Ltmp5, $4  }
0x7e: {  	[spmem:s3] =	stream.indirect.scatter.add.f32 [tilespmem:s22], [sflag:$0x4], $0x40, s1, s19, $0xb8;
	[tilespmem:$0x1D400] =	vst v63  }
0x7f: {  	_ =	swait.ge [sflag:s25], $0x2000  }
0x80: {  	[sflag:s25] =	ssyncset.done $0x0  }
0x81: {  	[sflag:s25] =	ssyncadd.s32 $0xFFFFE000  }
.Ltmp6:
0x82: {  	(pc) =	sbr.rel .LBB2_3-.Ltmp6, $3  }
0x83: {  	_ =	sdelay $0x1  }
0x84: {  	s0 =	sadd.s32 $0x2A00, s0;
	s31 =	sadd.s32 $0x400, s31  }
0x85: {  	[tilespmem:s20], [sflag:$0x1] =	stream.indirect.gather [spmem:s2], $0x40, s0, s19, $0xb8;
	[tilespmem:$0x1D400] =	vst v63  }
.LBB2_9:
0x86: {  	_ =	sfence.sel $0x180000  }
0x87: {  	[bflag:$0x0] =	sbarrier.arrive $0xFFFF  }
0x88: {  	_ =	strace $0x9000004A  }
0x89: {  	s0 =	stileid.u32;
	[bflag:$0x2] =	sbarrier.arrive $0xFFFF  }
0x8a: {  	p0 =	sne.s32 s0, $0x0;
	s0 =	rddreg [dreg:$0x4]  }
0x8b: {  	s0 =	sadd.s32 @!p0 $0x100000, s0  }
0x8c: {  	[sflag:s0] =	ssyncadd.tile.s32 @!p0 $0x1;
	_ =	shalt  }
.Lfunc_end2:
_tile_overlayer_lowered:
.L_overlay_start_2:
0x8d: {  	(tag) =	ssettag $0x2  }
0x8e: {  	s0 =	rddreg [dreg:$0x0];
	s2 =	stileid.u32  }
0x8f: {  	s1 =	rddreg [dreg:$0x1];
	p0 =	sne.s32 s2, $0x0  }
0x90: {  	s3 =	rddreg [dreg:$0x2];
	[bflag:$0x3] =	sbarrier.arrive $0xFFFF;
	s2 =	simm.s32 @!p0 $0x1C06  }
0x91: {  	[timem:s3], [sflag:s2] =	dma.local @!p0 [hbm:s0], s1  }
0x92: {  	s0 =	simm.s32 @!p0 $0x6  }
0x93: {  	_ =	swait.ge @!p0 [sflag:s0], s1  }
0x94: {  	s1 =	ssub.s32 @!p0 $0x0, s1;
	[sflag:s0] =	ssyncset.done @!p0 $0x0  }
0x95: {  	[sflag:s0] =	ssyncadd.s32 @!p0 s1  }
0x96: {  	[bflag:$0x3] =	sbarrier.arrive $0xFFFF  }
0x97: {  	_ =	shalt  }

// kernel: kernel.17.cloned.1.call-start
scs
__scs_entry_jumppad:
0x0: {  	(pc) =	sbr.rel $0x88, $3  }
0x1: {  	(tag) =	ssettag $0x0;
	lr =	simm.s32 $0x1  }
0x2: {  	[smem:$0x3F99] =	sst lr;
	_ =	strace $0xD0000000  }
0x3: {  	_ = 	snop  }
0x4: {  	_ = 	snop  }
0x5: {  	_ = 	snop  }
0x6: {  	_ = 	snop  }
0x7: {  	_ = 	snop  }
__scs_overlays_trampoline_lowered:
0x8: {  	[smem:$0x3FA8] =	sst s0  }
0x9: {  	[smem:$0x3FA9] =	sst s1  }
0xa: {  	[smem:$0x3FAA] =	sst s2  }
0xb: {  	[smem:$0x3FAB] =	sst s3  }
0xc: {  	[smem:$0x3FAC] =	sst s4  }
0xd: {  	[smem:$0x3FAD] =	sst s5  }
0xe: {  	[smem:$0x3FAE] =	sst s6  }
0xf: {  	[smem:$0x3FAF] =	sst s7  }
0x10: {  	[smem:$0x3FB0] =	sst s8  }
0x11: {  	[smem:$0x3FB1] =	sst s9;
	s0 =	simm.s32 @!p0 $0x0  }
0x12: {  	s1 =	sld [smem:$0x3F97];
	s0 =	simm.s32 @p0 $0x1  }
0x13: {  	[smem:$0x3FB2] =	sst s0;
	s0 =	simm.s32 @!p1 $0x0  }
0x14: {  	s2 =	sld [smem:$0x3F96];
	s0 =	simm.s32 @p1 $0x1  }
0x15: {  	[smem:$0x3FB3] =	sst s0;
	s0 =	simm.s32 @!p2 $0x0  }
0x16: {  	s3 =	sld [smem:$0x3FDB];
	s0 =	simm.s32 @p2 $0x1  }
0x17: {  	s4 =	simm.s32 $0x1BF5;
	[smem:$0x3FB5] =	sst s0  }
0x18: {  	s0 =	sld [smem:$0x3F98];
	_ =	swait.ge [sflag:s4], $0x0  }
0x19: {  	s7 =	sld [smem:$0x3F99]  }
0x1a: {  	s8 =	sadd.s32 $0xFFFFE003, lr  }
0x1b: {  	s9 =	sadd.s32 $0xFFFFFEF7, lr;
	s5 =	simm.s32 $0xFFFFFFFF;
	p2 =	slt.u32 s8, $0xFFFFF086  }
0x1c: {  	p1 =	slt.u32 s9, $0xF7A;
	s5 =	simm.s32 @!p2 $0x0  }
0x1d: {  	s5 =	simm.s32 @p1 $0x1;
	p0 =	seq.s32 s7, s2  }
0x1e: {  	s7 =	smul.u32 @!p0 $0xF7A, s2;
	p2 =	seq.s32 @!p0 s5, $0x0  }
0x1f: {  	s9 =	smul.u32 $0xF7A, s1;
	s8 =	simm.s32 @!p0 $0x1BF5;
	p2 =	por !p2, p0  }
0x20: {  	[sflag:s8] =	ssyncset.s32 @!p0 $0xFFFFF086;
	s6 =	sadd.s32 @!p0 s3, s7;
	s7 =	simm.s32 @!p0 $0x108  }
0x21: {  	s3 =	sadd.s32 s3, s9;
	s6 =	sadd.s32 @!p0 $0x88, s6;
	s7 =	simm.s32 @p2 $0x1082  }
0x22: {  	[simem:s7], [sflag:s8] =	dma.local @!p0 [hbm:s6], $0xF7A  }
0x23: {  	s9 =	sor.u32 $0xD0000000, s2;
	s6 =	simm.s32 $0x108;
	_ =	swait.ge @!p0 [sflag:s8], $0x0  }
0x24: {  	s3 =	sadd.s32 $0x88, s3;
	s6 =	simm.s32 @!p1 $0x1082;
	[sflag:s4] =	ssyncset.s32 $0xFFFFF086  }
0x25: {  	[simem:s6], [sflag:s4] =	dma.local [hbm:s3], $0xF7A  }
0x26: {  	[smem:$0x3F99] =	sst s1;
	(tag) =	ssettag s2;
	_ =	strace s9  }
0x27: {  	s1 =	sld [smem:$0x3FA9]  }
0x28: {  	s2 =	sld [smem:$0x3FAA]  }
0x29: {  	s4 =	sld [smem:$0x3FAC]  }
0x2a: {  	p0 =	seq.s32 s5, $0x0;
	s5 =	sld [smem:$0x3FAD]  }
0x2b: {  	s6 =	sld [smem:$0x3FAE]  }
0x2c: {  	s7 =	sld [smem:$0x3FAF]  }
0x2d: {  	s3 =	simm.s32 $0x108;
	s8 =	sld [smem:$0x3FB0]  }
0x2e: {  	s3 =	simm.s32 @!p0 $0x1082;
	s9 =	sld [smem:$0x3FB1]  }
0x2f: {  	lr =	sadd.s32 s0, s3;
	s0 =	sld [smem:$0x3FA8]  }
0x30: {  	s3 =	sld [smem:$0x3FAB]  }
0x31: {  	[smem:$0x3FB4] =	sst s10  }
0x32: {  	s10 =	sld [smem:$0x3FB2];
	_ =	sdelay $0x3  }
0x33: {  	p0 =	seq.s32 s10, $0x1;
	s10 =	sld [smem:$0x3FB4];
	_ =	sdelay $0x3  }
0x34: {  	[smem:$0x3FB4] =	sst s10  }
0x35: {  	s10 =	sld [smem:$0x3FB3];
	_ =	sdelay $0x3  }
0x36: {  	p1 =	seq.s32 s10, $0x1;
	s10 =	sld [smem:$0x3FB4];
	_ =	sdelay $0x3  }
0x37: {  	[smem:$0x3FB4] =	sst s10  }
0x38: {  	s10 =	sld [smem:$0x3FB5]  }
0x39: {  	_ = 	snop;
	(pc) =	sbr.ind lr, $3  }
0x3a: {  	_ = 	snop  }
0x3b: {  	_ = 	snop  }
0x3c: {  	p2 =	seq.s32 s10, $0x1;
	s10 =	sld [smem:$0x3FB4]  }
0x3d: {  	_ =	shalt  }
0x3e: {  	_ =	shalt  }
0x3f: {  	_ =	shalt  }
0x40: {  	_ =	shalt  }
0x41: {  	_ =	shalt  }
0x42: {  	_ =	shalt  }
0x43: {  	_ =	shalt  }
0x44: {  	_ =	shalt  }
0x45: {  	_ =	shalt  }
0x46: {  	_ =	shalt  }
0x47: {  	_ =	shalt  }
0x48: {  	_ =	shalt  }
0x49: {  	_ =	shalt  }
0x4a: {  	_ =	shalt  }
0x4b: {  	_ =	shalt  }
0x4c: {  	_ =	shalt  }
0x4d: {  	_ =	shalt  }
0x4e: {  	_ =	shalt  }
0x4f: {  	_ =	shalt  }
0x50: {  	_ =	shalt  }
0x51: {  	_ =	shalt  }
0x52: {  	_ =	shalt  }
0x53: {  	_ =	shalt  }
0x54: {  	_ =	shalt  }
0x55: {  	_ =	shalt  }
0x56: {  	_ =	shalt  }
0x57: {  	_ =	shalt  }
0x58: {  	_ =	shalt  }
0x59: {  	_ =	shalt  }
0x5a: {  	_ =	shalt  }
0x5b: {  	_ =	shalt  }
0x5c: {  	_ =	shalt  }
0x5d: {  	_ =	shalt  }
0x5e: {  	_ =	shalt  }
0x5f: {  	_ =	shalt  }
0x60: {  	_ =	shalt  }
0x61: {  	_ =	shalt  }
0x62: {  	_ =	shalt  }
0x63: {  	_ =	shalt  }
0x64: {  	_ =	shalt  }
0x65: {  	_ =	shalt  }
0x66: {  	_ =	shalt  }
0x67: {  	_ =	shalt  }
0x68: {  	_ =	shalt  }
0x69: {  	_ =	shalt  }
0x6a: {  	_ =	shalt  }
0x6b: {  	_ =	shalt  }
0x6c: {  	_ =	shalt  }
0x6d: {  	_ =	shalt  }
0x6e: {  	_ =	shalt  }
0x6f: {  	_ =	shalt  }
0x70: {  	_ =	shalt  }
0x71: {  	_ =	shalt  }
0x72: {  	_ =	shalt  }
0x73: {  	_ =	shalt  }
0x74: {  	_ =	shalt  }
0x75: {  	_ =	shalt  }
0x76: {  	_ =	shalt  }
0x77: {  	_ =	shalt  }
0x78: {  	_ =	shalt  }
0x79: {  	_ =	shalt  }
0x7a: {  	_ =	shalt  }
0x7b: {  	_ =	shalt  }
0x7c: {  	_ =	shalt  }
0x7d: {  	_ =	shalt  }
0x7e: {  	_ =	shalt  }
0x7f: {  	_ =	shalt  }
0x80: {  	_ =	shalt  }
0x81: {  	_ =	shalt  }
0x82: {  	_ =	shalt  }
0x83: {  	_ =	shalt  }
0x84: {  	_ =	shalt  }
0x85: {  	_ =	shalt  }
0x86: {  	_ =	shalt  }
0x87: {  	_ =	shalt  }
.Lfunc_end0:
.L_simem_size_0:
called_computation.2_lowered:
.L_overlay_start_0:
0x88: {  	s2 =	sld [smem:$0x3FD9]  }
0x89: {  	s3 =	sld [smem:$0x3FFE];
	_ =	sdelay $0x1  }
0x8a: {  	s1 =	srdreg.scid  }
0x8b: {  	s0 =	sand.u32 $0x1, s1  }
0x8c: {  	s17 =	sshll.u32 s0, $0xA;
	s2 =	sadd.s32 s3, s2  }
0x8d: {  	s2 =	sadd.s32 s2, s17  }
0x8e: {  	[smem:$0x3FC0] =	sst s2  }
0x8f: {  	_ = 	snop  }
0x90: {  	s2 =	sld [smem:$0x3FD0];
	(tm) =	ssettm $0x1  }
0x91: {  	s18 =	sld [smem:$0x3FFB];
	_ =	sdelay $0x3  }
0x92: {  	_ =	strace s18  }
0x93: {  	s3 =	sld [smem:$0x3FFC];
	_ =	sdelay $0x3  }
0x94: {  	_ =	strace s3  }
0x95: {  	s3 =	sld [smem:$0x3FFD];
	_ =	sdelay $0x3  }
0x96: {  	_ =	strace s3  }
0x97: {  	_ =	strace $0x8FFFFFFF  }
0x98: {  	s19 =	sld [smem:$0x3FDB];
	_ =	sdelay $0x1  }
0x99: {  	s4 =	simm.s32 $_scs_section_size  }
0x9a: {  	s5 =	simm.s32 $_size__tile_overlayer_lowered;
	s6 =	simm.s32 $_tile_overlayer_lowered  }
0x9b: {  	s22 =	simm.s32 $0x1BFF;
	s21 =	sshll.u32 s6, $0x1;
	s3 =	sadd.s32 s4, s19  }
0x9c: {  	s7 =	simm.s32 $0x0;
	s20 =	sshll.u32 s5, $0x1;
	s5 =	sadd.s32 s21, s3  }
0x9d: {  	[timem:s7], [sflag:s22] =	dma.local [hbm:s5], s20  }
0x9e: {  	_ =	swait.ge [sflag:s22], s20  }
0x9f: {  	s4 =	ssub.s32 $0x0, s20;
	[sflag:s22] =	ssyncset.done $0x0  }
0xa0: {  	[sflag:s22] =	ssyncadd.s32 s4;
	_ =	sdelay $0x1  }
0xa1: {  	s23 =	simm.s32 $0x1B8B  }
0xa2: {  	_ =	swait.ge [sflag:s23], $0x1  }
0xa3: {  	[sflag:s23] =	ssyncset.done $0x0  }
0xa4: {  	s25 =	simm.s32 $0x1B8E;
	s24 =	sld [smem:$0x3FFE];
	[sflag:s23] =	ssyncadd.s32 $0xFFFFFFFF  }
0xa5: {  	s26 =	simm.s32 $execute0_lowered;
	[smem:$0x3FD2] =	sst s25  }
0xa6: {  	s5 =	sshll.u32 s26, $0x1;
	_ =	strace $0x8000004C;
	[dreg:$0x1] =	wrdreg $0xFFFFFFFF  }
0xa7: {  	s28 =	simm.s32 $_size_execute0_lowered;
	s3 =	sadd.s32 s3, s5;
	[dreg:$0x0] =	wrdreg $0x0  }
0xa8: {  	s5 =	sshll.u32 s28, $0x1;
	[dreg:$0x2] =	wrdreg s3  }
0xa9: {  	[dreg:$0x3] =	wrdreg s5  }
0xaa: {  	[dreg:$0x4] =	wrdreg $0xC0  }
0xab: {  	_ =	task [dreg:s7], $0x5FFFF  }
0xac: {  	[dreg:$0x1] =	wrdreg $0xFFFFFFFF  }
0xad: {  	[dreg:$0x0] =	wrdreg $0x60  }
0xae: {  	[dreg:$0x2] =	wrdreg s2  }
0xaf: {  	[dreg:$0x3] =	wrdreg s24  }
0xb0: {  	[dreg:$0x4] =	wrdreg $0x94000  }
0xb1: {  	[dreg:$0x5] =	wrdreg $0x134000  }
0xb2: {  	[dreg:$0x6] =	wrdreg $0x9  }
0xb3: {  	_ =	task.clear_ibuf [dreg:s7], $0x7FFFF;
	_ =	strace $0x9000004C  }
0xb4: {  	s29 =	simm.s32 $0x9;
	_ =	strace $0x8000004E  }
0xb5: {  	_ =	swait.ge [sflag:s29], $0x1  }
0xb6: {  	[sflag:s29] =	ssyncadd.s32 $0xFFFFFFFF  }
0xb7: {  	_ =	strace $0x9000004E  }
0xb8: {  	_ =	sfence  }
0xb9: {  	s30 =	sld [smem:$0x0];
	_ =	sdelay $0x2  }
0xba: {  	s31 =	sshll.u32 s1, $0xD;
	s1 =	sshrl.u32 s1, $0x2  }
0xbb: {  	s3 =	sand.u32 $0x4000, s31;
	s1 =	sadd.s32 s1, s30  }
0xbc: {  	s0 =	sor.u32 s3, s0;
	s1 =	sshll.u32 s1, $0x11  }
0xbd: {  	s0 =	sor.u32 s1, s0  }
0xbe: {  	s0 =	sadd.s32 $0x8F2B, s0  }
0xbf: {  	[sflag:s0] =	ssyncadd.remote.s32 $0x1  }
0xc0: {  	_ =	sfence.sel $0xFFFF  }
0xc1: {  	[dreg:$0x0] =	wrdreg $0xFFFFFFFF;
	(pc) =	sbr.abs _section_cstart, $3  }
0xc2: {  	[dreg:$0x1] =	wrdreg $0xFFFFFFFF  }
0xc3: {  	_ =	task.clear_ibuf [dreg:s7], $0x2FFFF;
	_ =	strace $0x9FFFFFFF  }
0xc4: {  	(tm) =	ssettm $0x7FFFFFFF  }
0xc5: {  	_ =	shalt  }
tec
execute0_lowered:
.L_overlay_start_1:
0x0: {  	(tag) =	ssettag $0x1  }
0x1: {  	s0 =	rddreg [dreg:$0x0]  }
0x2: {  	s5 =	rddreg [dreg:$0x1]  }
0x3: {  	s2 =	rddreg [dreg:$0x2]  }
0x4: {  	s3 =	rddreg [dreg:$0x3]  }
0x5: {  	s1 =	stileid.u32;
	s6 =	srdreg.scid;
	s4 =	simm.s32 $0x0  }
0x6: {  	s18 =	simm.s32 $0x5;
	s19 =	simm.s32 $0x80;
	s20 =	simm.s32 $0x5400  }
0x7: {  	s21 =	simm.s32 $0x1;
	s22 =	simm.s32 $0x7400;
	s23 =	simm.s32 $0x2  }
0x8: {  	s28 =	simm.s32 $0x4;
	s29 =	simm.s32 $0x6;
	s8 =	smul.u32 $0xA000, s1  }
0x9: {  	s30 =	simm.s32 $0x0;
	s9 =	sand.u32 $0x1, s6;
	s25 =	smul.u32 $0x2600, s1  }
0xa: {  	[smem:$0x7FF] =	sst s4;
	s11 =	sadd.s32 $0x11600, s5;
	s17 =	smul.u32 $0x540, s1  }
0xb: {  	s12 =	sadd.s32 $0x2400, s5;
	s6 =	smul.u32 $0xA0000, s9;
	_ =	strace $0x8000004D  }
0xc: {  	s10 =	ssub.s32 $0x2, s9;
	p0 =	seq.s32 s9, $0x1;
	s7 =	sshrl.u32 s8, $0x3  }
0xd: {  	s24 =	sshrl.u32 s10, $0x1;
	s16 =	sadd.s32 s8, s2;
	s26 =	sadd.s32 s8, s3  }
0xe: {  	s9 =	sadd.s32 s11, s17;
	s6 =	sadd.s32 s8, s6;
	s13 =	sadd.s32 s7, s5  }
0xf: {  	s15 =	ssub.s32 s10, s24;
	s10 =	sshrl.u32 s25, $0x3;
	s24 =	simm.s32 $0x2A80  }
0x10: {  	s25 =	simm.s32 $0x3;
	s6 =	sshrl.u32 s6, $0x3;
	s8 =	sadd.s32 $0x1B600, s13  }
.Ltmp0:
0x11: {  	s31 =	sadd.s32 $0x5400, s10;
	s10 =	sadd.s32 s12, s17;
	(pc) =	sbr.rel .LBB2_1-.Ltmp0, $4  }
0x12: {  	s17 =	simm.s32 $0x2A00;
	s14 =	sadd.s32 s6, s5;
	s5 =	sshll.u32 s1, $0x6  }
0x13: {  	s6 =	sadd.s32 s0, s7;
	s11 =	sadd.s32 s11, s31;
	s12 =	sadd.s32 s12, s31  }
0x14: {  	s7 =	sor.u32 $0x1C05, s5;
	s13 =	sadd.s32 $0x2F600, s14;
	s14 =	smax.u32 s15, $0x1  }
0x15: {  	s15 =	sshrl.u32 s16, $0x3;
	s16 =	sshrl.u32 s26, $0x3;
	s26 =	simm.s32 $0x100  }
.LBB2_8:
0x16: {  	_ =	swait.ge [sflag:s28], $0x2000  }
0x17: {  	s30 =	sadd.s32 $0x1, s30;
	[sflag:s28] =	ssyncset.done $0x0  }
0x18: {  	p1 =	sne.s32 s30, s14;
	[sflag:s28] =	ssyncadd.s32 $0xFFFFE000  }
.Ltmp1:
0x19: {  	s0 =	sor.u32 $0x1C06, s5;
	[bflag:$0x0] =	sbarrier.arrive $0xFFFF;
	(pc) =	sbr.rel @!p1 .LBB2_9-.Ltmp1, $4  }
0x1a: {  	[hbm:s13], [sflag:s0] =	dma.local [spmem:s16], $0x1400  }
0x1b: {  	_ =	swait.ge [sflag:s29], $0x1400  }
0x1c: {  	[sflag:s29] =	ssyncset.done $0x0  }
0x1d: {  	[sflag:s29] =	ssyncadd.s32 $0xFFFFEC00  }
.LBB2_1:
.Ltmp2:
0x1e: {  	(pc) =	sbr.rel @!p0 .LBB2_2-.Ltmp2, $3  }
0x1f: {  	_ =	sdelay $0x1  }
0x20: {  	[spmem:s15], [sflag:s7] =	dma.local [hbm:s6], $0x1400  }
0x21: {  	[spmem:s16], [sflag:s7] =	dma.local [hbm:s8], $0x1400  }
0x22: {  	[tilespmem:s4], [sflag:$0x5] =	stream.linear.gather [hbm4b:s11+s4], $0x2600, $0x38;
	[tilespmem:$0x1D400] =	vst v63  }
0x23: {  	_ = 	snop  }
0x24: {  	[tilespmem:s17], [sflag:$0x5] =	stream.linear.gather [hbm4b:s12+s4], $0x2600, $0x38;
	[tilespmem:$0x1D400] =	vst v63  }
0x25: {  	_ =	swait.ge [sflag:s18], $0x1400  }
0x26: {  	[sflag:s18] =	ssyncset.done $0x0  }
0x27: {  	[sflag:s18] =	ssyncadd.s32 $0xFFFFEC00  }
0x28: {  	_ =	swait.ge [sflag:s18], $0x1400  }
0x29: {  	[sflag:s18] =	ssyncset.done $0x0  }
0x2a: {  	[sflag:s18] =	ssyncadd.s32 $0xFFFFEC00  }
0x2b: {  	_ =	swait.ge [sflag:s18], $0x2600  }
0x2c: {  	[sflag:s18] =	ssyncset.done $0x0  }
0x2d: {  	[sflag:s18] =	ssyncadd.s32 $0xFFFFDA00  }
0x2e: {  	_ =	swait.ge [sflag:s18], $0x2600  }
0x2f: {  	[sflag:s18] =	ssyncset.done $0x0  }
0x30: {  	[sflag:s18] =	ssyncadd.s32 $0xFFFFDA00  }
0x31: {  	[bflag:$0x0] =	sbarrier.arrive $0xFFFF  }
0x32: {  	[tilespmem:s20], [sflag:$0x1] =	stream.indirect.gather [spmem:s2], $0x40, s4, s19, $0xb8;
	[tilespmem:$0x1D400] =	vst v63  }
0x33: {  	_ =	swait.ge [sflag:s21], $0x2000  }
0x34: {  	[sflag:s21] =	ssyncset.done $0x0  }
0x35: {  	[sflag:s21] =	ssyncadd.s32 $0xFFFFE000  }
0x36: {  	[spmem:s3] =	stream.indirect.scatter.add.f32 [tilespmem:s20], [sflag:$0x3], $0x40, s17, s19, $0xb8;
	[tilespmem:$0x1D400] =	vst v63  }
0x37: {  	_ = 	snop  }
0x38: {  	[tilespmem:s22], [sflag:$0x2] =	stream.indirect.gather [spmem:s2], $0x40, s19, s19, $0xb8;
	[tilespmem:$0x1D400] =	vst v63  }
0x39: {  	_ =	swait.ge [sflag:s23], $0x2000  }
0x3a: {  	[sflag:s23] =	ssyncset.done $0x0  }
0x3b: {  	[sflag:s23] =	ssyncadd.s32 $0xFFFFE000  }
0x3c: {  	[spmem:s3] =	stream.indirect.scatter.add.f32 [tilespmem:s22], [sflag:$0x4], $0x40, s24, s19, $0xb8;
	[tilespmem:$0x1D400] =	vst v63  }
0x3d: {  	_ =	swait.ge [sflag:s25], $0x2000  }
0x3e: {  	[sflag:s25] =	ssyncset.done $0x0  }
0x3f: {  	s31 =	simm.s32 $0xFFFF7000;
	[sflag:s25] =	ssyncadd.s32 $0xFFFFE000  }
0x40: {  	[tilespmem:s20], [sflag:$0x1] =	stream.indirect.gather [spmem:s2], $0x40, s26, s19, $0xb8;
	[tilespmem:$0x1D400] =	vst v63  }
.LBB2_6:
0x41: {  	_ =	swait.ge [sflag:s21], $0x2000  }
0x42: {  	s0 =	sshra.s32 s31, $0x2;
	[sflag:s21] =	ssyncset.done $0x0  }
0x43: {  	s1 =	sadd.s32 $0x4F00, s0;
	[sflag:s21] =	ssyncadd.s32 $0xFFFFE000  }
0x44: {  	[spmem:s3] =	stream.indirect.scatter.add.f32 [tilespmem:s20], [sflag:$0x3], $0x40, s1, s19, $0xb8;
	[tilespmem:$0x1D400] =	vst v63  }
0x45: {  	_ =	swait.ge [sflag:s28], $0x2000  }
0x46: {  	[sflag:s28] =	ssyncset.done $0x0  }
0x47: {  	s1 =	sadd.s32 $0x2580, s0;
	[sflag:s28] =	ssyncadd.s32 $0xFFFFE000  }
0x48: {  	[tilespmem:s22], [sflag:$0x2] =	stream.indirect.gather [spmem:s2], $0x40, s1, s19, $0xb8;
	[tilespmem:$0x1D400] =	vst v63  }
0x49: {  	_ =	swait.ge [sflag:s23], $0x2000  }
0x4a: {  	p1 =	seq.s32 s31, $0x0;
	[sflag:s23] =	ssyncset.done $0x0  }
.Ltmp3:
0x4b: {  	s1 =	sadd.s32 $0x4F80, s0;
	[sflag:s23] =	ssyncadd.s32 $0xFFFFE000;
	(pc) =	sbr.rel @p1 .LBB2_8-.Ltmp3, $4  }
0x4c: {  	[spmem:s3] =	stream.indirect.scatter.add.f32 [tilespmem:s22], [sflag:$0x4], $0x40, s1, s19, $0xb8;
	[tilespmem:$0x1D400] =	vst v63  }
0x4d: {  	_ =	swait.ge [sflag:s25], $0x2000  }
0x4e: {  	[sflag:s25] =	ssyncset.done $0x0  }
0x4f: {  	[sflag:s25] =	ssyncadd.s32 $0xFFFFE000  }
.Ltmp4:
0x50: {  	(pc) =	sbr.rel .LBB2_6-.Ltmp4, $3  }
0x51: {  	_ =	sdelay $0x1  }
0x52: {  	s0 =	sadd.s32 $0x2600, s0;
	s31 =	sadd.s32 $0x400, s31  }
0x53: {  	[tilespmem:s20], [sflag:$0x1] =	stream.indirect.gather [spmem:s2], $0x40, s0, s19, $0xb8;
	[tilespmem:$0x1D400] =	vst v63  }
.LBB2_2:
0x54: {  	[tilespmem:s4], [sflag:$0x5] =	stream.linear.gather [hbm4b:s9+s4], $0x2A00, $0x38;
	[tilespmem:$0x1D400] =	vst v63  }
0x55: {  	_ = 	snop  }
0x56: {  	[tilespmem:s17], [sflag:$0x5] =	stream.linear.gather [hbm4b:s10+s4], $0x2A00, $0x38;
	[tilespmem:$0x1D400] =	vst v63  }
0x57: {  	_ =	swait.ge [sflag:s18], $0x1400  }
0x58: {  	[sflag:s18] =	ssyncset.done $0x0  }
0x59: {  	[sflag:s18] =	ssyncadd.s32 $0xFFFFEC00  }
0x5a: {  	_ =	swait.ge [sflag:s18], $0x1400  }
0x5b: {  	[sflag:s18] =	ssyncset.done $0x0  }
0x5c: {  	[sflag:s18] =	ssyncadd.s32 $0xFFFFEC00  }
0x5d: {  	_ =	swait.ge [sflag:s18], $0x2A00  }
0x5e: {  	[sflag:s18] =	ssyncset.done $0x0  }
0x5f: {  	[sflag:s18] =	ssyncadd.s32 $0xFFFFD600  }
0x60: {  	_ =	swait.ge [sflag:s18], $0x2A00  }
0x61: {  	[sflag:s18] =	ssyncset.done $0x0  }
0x62: {  	[sflag:s18] =	ssyncadd.s32 $0xFFFFD600  }
0x63: {  	[bflag:$0x0] =	sbarrier.arrive $0xFFFF  }
0x64: {  	[tilespmem:s20], [sflag:$0x1] =	stream.indirect.gather [spmem:s2], $0x40, s4, s19, $0xb8;
	[tilespmem:$0x1D400] =	vst v63  }
0x65: {  	_ =	swait.ge [sflag:s21], $0x2000  }
0x66: {  	[sflag:s21] =	ssyncset.done $0x0  }
0x67: {  	[sflag:s21] =	ssyncadd.s32 $0xFFFFE000  }
0x68: {  	[spmem:s3] =	stream.indirect.scatter.add.f32 [tilespmem:s20], [sflag:$0x3], $0x40, s17, s19, $0xb8;
	[tilespmem:$0x1D400] =	vst v63  }
0x69: {  	_ = 	snop  }
0x6a: {  	[tilespmem:s22], [sflag:$0x2] =	stream.indirect.gather [spmem:s2], $0x40, s19, s19, $0xb8;
	[tilespmem:$0x1D400] =	vst v63  }
0x6b: {  	_ =	swait.ge [sflag:s23], $0x2000  }
0x6c: {  	[sflag:s23] =	ssyncset.done $0x0  }
0x6d: {  	[sflag:s23] =	ssyncadd.s32 $0xFFFFE000  }
0x6e: {  	[spmem:s3] =	stream.indirect.scatter.add.f32 [tilespmem:s22], [sflag:$0x4], $0x40, s24, s19, $0xb8;
	[tilespmem:$0x1D400] =	vst v63  }
0x6f: {  	_ =	swait.ge [sflag:s25], $0x2000  }
0x70: {  	[sflag:s25] =	ssyncset.done $0x0  }
0x71: {  	s31 =	simm.s32 $0xFFFF6000;
	[sflag:s25] =	ssyncadd.s32 $0xFFFFE000  }
0x72: {  	[tilespmem:s20], [sflag:$0x1] =	stream.indirect.gather [spmem:s2], $0x40, s26, s19, $0xb8;
	[tilespmem:$0x1D400] =	vst v63  }
.LBB2_3:
0x73: {  	_ =	swait.ge [sflag:s21], $0x2000  }
0x74: {  	s0 =	sshra.s32 s31, $0x2;
	[sflag:s21] =	ssyncset.done $0x0  }
0x75: {  	s1 =	sadd.s32 $0x5300, s0;
	[sflag:s21] =	ssyncadd.s32 $0xFFFFE000  }
0x76: {  	[spmem:s3] =	stream.indirect.scatter.add.f32 [tilespmem:s20], [sflag:$0x3], $0x40, s1, s19, $0xb8;
	[tilespmem:$0x1D400] =	vst v63  }
0x77: {  	_ =	swait.ge [sflag:s28], $0x2000  }
0x78: {  	[sflag:s28] =	ssyncset.done $0x0  }
0x79: {  	s1 =	sadd.s32 $0x2980, s0;
	[sflag:s28] =	ssyncadd.s32 $0xFFFFE000  }
0x7a: {  	[tilespmem:s22], [sflag:$0x2] =	stream.indirect.gather [spmem:s2], $0x40, s1, s19, $0xb8;
	[tilespmem:$0x1D400] =	vst v63  }
0x7b: {  	_ =	swait.ge [sflag:s23], $0x2000  }
0x7c: {  	p1 =	seq.s32 s31, $0x0;
	[sflag:s23] =	ssyncset.done $0x0  }
.Ltmp5:
0x7d: {  	s1 =	sadd.s32 $0x5380, s0;
	[sflag:s23] =	ssyncadd.s32 $0xFFFFE000;
	(pc) =	sbr.rel @p1 .LBB2_8-.Ltmp5, $4  }
0x7e: {  	[spmem:s3] =	stream.indirect.scatter.add.f32 [tilespmem:s22], [sflag:$0x4], $0x40, s1, s19, $0xb8;
	[tilespmem:$0x1D400] =	vst v63  }
0x7f: {  	_ =	swait.ge [sflag:s25], $0x2000  }
0x80: {  	[sflag:s25] =	ssyncset.done $0x0  }
0x81: {  	[sflag:s25] =	ssyncadd.s32 $0xFFFFE000  }
.Ltmp6:
0x82: {  	(pc) =	sbr.rel .LBB2_3-.Ltmp6, $3  }
0x83: {  	_ =	sdelay $0x1  }
0x84: {  	s0 =	sadd.s32 $0x2A00, s0;
	s31 =	sadd.s32 $0x400, s31  }
0x85: {  	[tilespmem:s20], [sflag:$0x1] =	stream.indirect.gather [spmem:s2], $0x40, s0, s19, $0xb8;
	[tilespmem:$0x1D400] =	vst v63  }
.LBB2_9:
0x86: {  	_ =	sfence.sel $0x180000  }
0x87: {  	[bflag:$0x0] =	sbarrier.arrive $0xFFFF  }
0x88: {  	_ =	strace $0x9000004D  }
0x89: {  	s0 =	stileid.u32;
	[bflag:$0x2] =	sbarrier.arrive $0xFFFF  }
0x8a: {  	p0 =	sne.s32 s0, $0x0;
	s0 =	rddreg [dreg:$0x4]  }
0x8b: {  	s0 =	sadd.s32 @!p0 $0x100000, s0  }
0x8c: {  	[sflag:s0] =	ssyncadd.tile.s32 @!p0 $0x1;
	_ =	shalt  }
.Lfunc_end2:
_tile_overlayer_lowered:
.L_overlay_start_2:
0x8d: {  	(tag) =	ssettag $0x2  }
0x8e: {  	s0 =	rddreg [dreg:$0x0];
	s2 =	stileid.u32  }
0x8f: {  	s1 =	rddreg [dreg:$0x1];
	p0 =	sne.s32 s2, $0x0  }
0x90: {  	s3 =	rddreg [dreg:$0x2];
	[bflag:$0x3] =	sbarrier.arrive $0xFFFF;
	s2 =	simm.s32 @!p0 $0x1C06  }
0x91: {  	[timem:s3], [sflag:s2] =	dma.local @!p0 [hbm:s0], s1  }
0x92: {  	s0 =	simm.s32 @!p0 $0x6  }
0x93: {  	_ =	swait.ge @!p0 [sflag:s0], s1  }
0x94: {  	s1 =	ssub.s32 @!p0 $0x0, s1;
	[sflag:s0] =	ssyncset.done @!p0 $0x0  }
0x95: {  	[sflag:s0] =	ssyncadd.s32 @!p0 s1  }
0x96: {  	[bflag:$0x3] =	sbarrier.arrive $0xFFFF  }
0x97: {  	_ =	shalt  }

// kernel: kernel.20.cloned.1.call-start
scs
__scs_entry_jumppad:
0x0: {  	(pc) =	sbr.rel $0x88, $3  }
0x1: {  	(tag) =	ssettag $0x0;
	lr =	simm.s32 $0x1  }
0x2: {  	[smem:$0x3F99] =	sst lr;
	_ =	strace $0xD0000000  }
0x3: {  	_ = 	snop  }
0x4: {  	_ = 	snop  }
0x5: {  	_ = 	snop  }
0x6: {  	_ = 	snop  }
0x7: {  	_ = 	snop  }
__scs_overlays_trampoline_lowered:
0x8: {  	[smem:$0x3FA8] =	sst s0  }
0x9: {  	[smem:$0x3FA9] =	sst s1  }
0xa: {  	[smem:$0x3FAA] =	sst s2  }
0xb: {  	[smem:$0x3FAB] =	sst s3  }
0xc: {  	[smem:$0x3FAC] =	sst s4  }
0xd: {  	[smem:$0x3FAD] =	sst s5  }
0xe: {  	[smem:$0x3FAE] =	sst s6  }
0xf: {  	[smem:$0x3FAF] =	sst s7  }
0x10: {  	[smem:$0x3FB0] =	sst s8  }
0x11: {  	[smem:$0x3FB1] =	sst s9;
	s0 =	simm.s32 @!p0 $0x0  }
0x12: {  	s1 =	sld [smem:$0x3F97];
	s0 =	simm.s32 @p0 $0x1  }
0x13: {  	[smem:$0x3FB2] =	sst s0;
	s0 =	simm.s32 @!p1 $0x0  }
0x14: {  	s2 =	sld [smem:$0x3F96];
	s0 =	simm.s32 @p1 $0x1  }
0x15: {  	[smem:$0x3FB3] =	sst s0;
	s0 =	simm.s32 @!p2 $0x0  }
0x16: {  	s3 =	sld [smem:$0x3FDB];
	s0 =	simm.s32 @p2 $0x1  }
0x17: {  	s4 =	simm.s32 $0x1BF5;
	[smem:$0x3FB5] =	sst s0  }
0x18: {  	s0 =	sld [smem:$0x3F98];
	_ =	swait.ge [sflag:s4], $0x0  }
0x19: {  	s7 =	sld [smem:$0x3F99]  }
0x1a: {  	s8 =	sadd.s32 $0xFFFFE003, lr  }
0x1b: {  	s9 =	sadd.s32 $0xFFFFFEF7, lr;
	s5 =	simm.s32 $0xFFFFFFFF;
	p2 =	slt.u32 s8, $0xFFFFF086  }
0x1c: {  	p1 =	slt.u32 s9, $0xF7A;
	s5 =	simm.s32 @!p2 $0x0  }
0x1d: {  	s5 =	simm.s32 @p1 $0x1;
	p0 =	seq.s32 s7, s2  }
0x1e: {  	s7 =	smul.u32 @!p0 $0xF7A, s2;
	p2 =	seq.s32 @!p0 s5, $0x0  }
0x1f: {  	s9 =	smul.u32 $0xF7A, s1;
	s8 =	simm.s32 @!p0 $0x1BF5;
	p2 =	por !p2, p0  }
0x20: {  	[sflag:s8] =	ssyncset.s32 @!p0 $0xFFFFF086;
	s6 =	sadd.s32 @!p0 s3, s7;
	s7 =	simm.s32 @!p0 $0x108  }
0x21: {  	s3 =	sadd.s32 s3, s9;
	s6 =	sadd.s32 @!p0 $0x88, s6;
	s7 =	simm.s32 @p2 $0x1082  }
0x22: {  	[simem:s7], [sflag:s8] =	dma.local @!p0 [hbm:s6], $0xF7A  }
0x23: {  	s9 =	sor.u32 $0xD0000000, s2;
	s6 =	simm.s32 $0x108;
	_ =	swait.ge @!p0 [sflag:s8], $0x0  }
0x24: {  	s3 =	sadd.s32 $0x88, s3;
	s6 =	simm.s32 @!p1 $0x1082;
	[sflag:s4] =	ssyncset.s32 $0xFFFFF086  }
0x25: {  	[simem:s6], [sflag:s4] =	dma.local [hbm:s3], $0xF7A  }
0x26: {  	[smem:$0x3F99] =	sst s1;
	(tag) =	ssettag s2;
	_ =	strace s9  }
0x27: {  	s1 =	sld [smem:$0x3FA9]  }
0x28: {  	s2 =	sld [smem:$0x3FAA]  }
0x29: {  	s4 =	sld [smem:$0x3FAC]  }
0x2a: {  	p0 =	seq.s32 s5, $0x0;
	s5 =	sld [smem:$0x3FAD]  }
0x2b: {  	s6 =	sld [smem:$0x3FAE]  }
0x2c: {  	s7 =	sld [smem:$0x3FAF]  }
0x2d: {  	s3 =	simm.s32 $0x108;
	s8 =	sld [smem:$0x3FB0]  }
0x2e: {  	s3 =	simm.s32 @!p0 $0x1082;
	s9 =	sld [smem:$0x3FB1]  }
0x2f: {  	lr =	sadd.s32 s0, s3;
	s0 =	sld [smem:$0x3FA8]  }
0x30: {  	s3 =	sld [smem:$0x3FAB]  }
0x31: {  	[smem:$0x3FB4] =	sst s10  }
0x32: {  	s10 =	sld [smem:$0x3FB2];
	_ =	sdelay $0x3  }
0x33: {  	p0 =	seq.s32 s10, $0x1;
	s10 =	sld [smem:$0x3FB4];
	_ =	sdelay $0x3  }
0x34: {  	[smem:$0x3FB4] =	sst s10  }
0x35: {  	s10 =	sld [smem:$0x3FB3];
	_ =	sdelay $0x3  }
0x36: {  	p1 =	seq.s32 s10, $0x1;
	s10 =	sld [smem:$0x3FB4];
	_ =	sdelay $0x3  }
0x37: {  	[smem:$0x3FB4] =	sst s10  }
0x38: {  	s10 =	sld [smem:$0x3FB5]  }
0x39: {  	_ = 	snop;
	(pc) =	sbr.ind lr, $3  }
0x3a: {  	_ = 	snop  }
0x3b: {  	_ = 	snop  }
0x3c: {  	p2 =	seq.s32 s10, $0x1;
	s10 =	sld [smem:$0x3FB4]  }
0x3d: {  	_ =	shalt  }
0x3e: {  	_ =	shalt  }
0x3f: {  	_ =	shalt  }
0x40: {  	_ =	shalt  }
0x41: {  	_ =	shalt  }
0x42: {  	_ =	shalt  }
0x43: {  	_ =	shalt  }
0x44: {  	_ =	shalt  }
0x45: {  	_ =	shalt  }
0x46: {  	_ =	shalt  }
0x47: {  	_ =	shalt  }
0x48: {  	_ =	shalt  }
0x49: {  	_ =	shalt  }
0x4a: {  	_ =	shalt  }
0x4b: {  	_ =	shalt  }
0x4c: {  	_ =	shalt  }
0x4d: {  	_ =	shalt  }
0x4e: {  	_ =	shalt  }
0x4f: {  	_ =	shalt  }
0x50: {  	_ =	shalt  }
0x51: {  	_ =	shalt  }
0x52: {  	_ =	shalt  }
0x53: {  	_ =	shalt  }
0x54: {  	_ =	shalt  }
0x55: {  	_ =	shalt  }
0x56: {  	_ =	shalt  }
0x57: {  	_ =	shalt  }
0x58: {  	_ =	shalt  }
0x59: {  	_ =	shalt  }
0x5a: {  	_ =	shalt  }
0x5b: {  	_ =	shalt  }
0x5c: {  	_ =	shalt  }
0x5d: {  	_ =	shalt  }
0x5e: {  	_ =	shalt  }
0x5f: {  	_ =	shalt  }
0x60: {  	_ =	shalt  }
0x61: {  	_ =	shalt  }
0x62: {  	_ =	shalt  }
0x63: {  	_ =	shalt  }
0x64: {  	_ =	shalt  }
0x65: {  	_ =	shalt  }
0x66: {  	_ =	shalt  }
0x67: {  	_ =	shalt  }
0x68: {  	_ =	shalt  }
0x69: {  	_ =	shalt  }
0x6a: {  	_ =	shalt  }
0x6b: {  	_ =	shalt  }
0x6c: {  	_ =	shalt  }
0x6d: {  	_ =	shalt  }
0x6e: {  	_ =	shalt  }
0x6f: {  	_ =	shalt  }
0x70: {  	_ =	shalt  }
0x71: {  	_ =	shalt  }
0x72: {  	_ =	shalt  }
0x73: {  	_ =	shalt  }
0x74: {  	_ =	shalt  }
0x75: {  	_ =	shalt  }
0x76: {  	_ =	shalt  }
0x77: {  	_ =	shalt  }
0x78: {  	_ =	shalt  }
0x79: {  	_ =	shalt  }
0x7a: {  	_ =	shalt  }
0x7b: {  	_ =	shalt  }
0x7c: {  	_ =	shalt  }
0x7d: {  	_ =	shalt  }
0x7e: {  	_ =	shalt  }
0x7f: {  	_ =	shalt  }
0x80: {  	_ =	shalt  }
0x81: {  	_ =	shalt  }
0x82: {  	_ =	shalt  }
0x83: {  	_ =	shalt  }
0x84: {  	_ =	shalt  }
0x85: {  	_ =	shalt  }
0x86: {  	_ =	shalt  }
0x87: {  	_ =	shalt  }
.Lfunc_end0:
.L_simem_size_0:
called_computation.3_lowered:
.L_overlay_start_0:
0x88: {  	s2 =	sld [smem:$0x3FD9]  }
0x89: {  	s3 =	sld [smem:$0x3FFE];
	_ =	sdelay $0x1  }
0x8a: {  	s1 =	srdreg.scid  }
0x8b: {  	s0 =	sand.u32 $0x1, s1  }
0x8c: {  	s17 =	sshll.u32 s0, $0xA;
	s2 =	sadd.s32 s3, s2  }
0x8d: {  	s2 =	sadd.s32 s2, s17  }
0x8e: {  	[smem:$0x3FC0] =	sst s2  }
0x8f: {  	_ = 	snop  }
0x90: {  	s2 =	sld [smem:$0x3FD0];
	(tm) =	ssettm $0x1  }
0x91: {  	s18 =	sld [smem:$0x3FFB];
	_ =	sdelay $0x3  }
0x92: {  	_ =	strace s18  }
0x93: {  	s3 =	sld [smem:$0x3FFC];
	_ =	sdelay $0x3  }
0x94: {  	_ =	strace s3  }
0x95: {  	s3 =	sld [smem:$0x3FFD];
	_ =	sdelay $0x3  }
0x96: {  	_ =	strace s3  }
0x97: {  	_ =	strace $0x8FFFFFFF  }
0x98: {  	s19 =	sld [smem:$0x3FDB];
	_ =	sdelay $0x1  }
0x99: {  	s4 =	simm.s32 $_scs_section_size  }
0x9a: {  	s5 =	simm.s32 $_size__tile_overlayer_lowered;
	s6 =	simm.s32 $_tile_overlayer_lowered  }
0x9b: {  	s22 =	simm.s32 $0x1BFF;
	s21 =	sshll.u32 s6, $0x1;
	s3 =	sadd.s32 s4, s19  }
0x9c: {  	s7 =	simm.s32 $0x0;
	s20 =	sshll.u32 s5, $0x1;
	s5 =	sadd.s32 s21, s3  }
0x9d: {  	[timem:s7], [sflag:s22] =	dma.local [hbm:s5], s20  }
0x9e: {  	_ =	swait.ge [sflag:s22], s20  }
0x9f: {  	s4 =	ssub.s32 $0x0, s20;
	[sflag:s22] =	ssyncset.done $0x0  }
0xa0: {  	[sflag:s22] =	ssyncadd.s32 s4;
	_ =	sdelay $0x1  }
0xa1: {  	s23 =	simm.s32 $0x1B8B  }
0xa2: {  	_ =	swait.ge [sflag:s23], $0x1  }
0xa3: {  	[sflag:s23] =	ssyncset.done $0x0  }
0xa4: {  	s25 =	simm.s32 $0x1B8E;
	s24 =	sld [smem:$0x3FFE];
	[sflag:s23] =	ssyncadd.s32 $0xFFFFFFFF  }
0xa5: {  	s26 =	simm.s32 $execute0_lowered;
	[smem:$0x3FD2] =	sst s25  }
0xa6: {  	s5 =	sshll.u32 s26, $0x1;
	_ =	strace $0x8000004F;
	[dreg:$0x1] =	wrdreg $0xFFFFFFFF  }
0xa7: {  	s28 =	simm.s32 $_size_execute0_lowered;
	s3 =	sadd.s32 s3, s5;
	[dreg:$0x0] =	wrdreg $0x0  }
0xa8: {  	s5 =	sshll.u32 s28, $0x1;
	[dreg:$0x2] =	wrdreg s3  }
0xa9: {  	[dreg:$0x3] =	wrdreg s5  }
0xaa: {  	[dreg:$0x4] =	wrdreg $0xC0  }
0xab: {  	_ =	task [dreg:s7], $0x5FFFF  }
0xac: {  	[dreg:$0x1] =	wrdreg $0xFFFFFFFF  }
0xad: {  	[dreg:$0x0] =	wrdreg $0x60  }
0xae: {  	[dreg:$0x2] =	wrdreg s2  }
0xaf: {  	[dreg:$0x3] =	wrdreg s24  }
0xb0: {  	[dreg:$0x4] =	wrdreg $0x94000  }
0xb1: {  	[dreg:$0x5] =	wrdreg $0x134000  }
0xb2: {  	[dreg:$0x6] =	wrdreg $0x9  }
0xb3: {  	_ =	task.clear_ibuf [dreg:s7], $0x7FFFF;
	_ =	strace $0x9000004F  }
0xb4: {  	s29 =	simm.s32 $0x9;
	_ =	strace $0x80000051  }
0xb5: {  	_ =	swait.ge [sflag:s29], $0x1  }
0xb6: {  	[sflag:s29] =	ssyncadd.s32 $0xFFFFFFFF  }
0xb7: {  	_ =	strace $0x90000051  }
0xb8: {  	_ =	sfence  }
0xb9: {  	s30 =	sld [smem:$0x0];
	_ =	sdelay $0x2  }
0xba: {  	s31 =	sshll.u32 s1, $0xD;
	s1 =	sshrl.u32 s1, $0x2  }
0xbb: {  	s3 =	sand.u32 $0x4000, s31;
	s1 =	sadd.s32 s1, s30  }
0xbc: {  	s0 =	sor.u32 s3, s0;
	s1 =	sshll.u32 s1, $0x11  }
0xbd: {  	s0 =	sor.u32 s1, s0  }
0xbe: {  	s0 =	sadd.s32 $0x8F2B, s0  }
0xbf: {  	[sflag:s0] =	ssyncadd.remote.s32 $0x1  }
0xc0: {  	_ =	sfence.sel $0xFFFF  }
0xc1: {  	[dreg:$0x0] =	wrdreg $0xFFFFFFFF;
	(pc) =	sbr.abs _section_cstart, $3  }
0xc2: {  	[dreg:$0x1] =	wrdreg $0xFFFFFFFF  }
0xc3: {  	_ =	task.clear_ibuf [dreg:s7], $0x2FFFF;
	_ =	strace $0x9FFFFFFF  }
0xc4: {  	(tm) =	ssettm $0x7FFFFFFF  }
0xc5: {  	_ =	shalt  }
tec
execute0_lowered:
.L_overlay_start_1:
0x0: {  	(tag) =	ssettag $0x1  }
0x1: {  	s0 =	rddreg [dreg:$0x0]  }
0x2: {  	s5 =	rddreg [dreg:$0x1]  }
0x3: {  	s2 =	rddreg [dreg:$0x2]  }
0x4: {  	s3 =	rddreg [dreg:$0x3]  }
0x5: {  	s1 =	stileid.u32;
	s6 =	srdreg.scid;
	s4 =	simm.s32 $0x0  }
0x6: {  	s18 =	simm.s32 $0x5;
	s19 =	simm.s32 $0x80;
	s20 =	simm.s32 $0x5400  }
0x7: {  	s21 =	simm.s32 $0x1;
	s22 =	simm.s32 $0x7400;
	s23 =	simm.s32 $0x2  }
0x8: {  	s28 =	simm.s32 $0x4;
	s29 =	simm.s32 $0x6;
	s8 =	smul.u32 $0xA000, s1  }
0x9: {  	s30 =	simm.s32 $0x0;
	s9 =	sand.u32 $0x1, s6;
	s25 =	smul.u32 $0x2600, s1  }
0xa: {  	[smem:$0x7FF] =	sst s4;
	s11 =	sadd.s32 $0x11600, s5;
	s17 =	smul.u32 $0x540, s1  }
0xb: {  	s12 =	sadd.s32 $0x2400, s5;
	s6 =	smul.u32 $0xA0000, s9;
	_ =	strace $0x80000050  }
0xc: {  	s10 =	ssub.s32 $0x2, s9;
	p0 =	seq.s32 s9, $0x1;
	s7 =	sshrl.u32 s8, $0x3  }
0xd: {  	s24 =	sshrl.u32 s10, $0x1;
	s16 =	sadd.s32 s8, s2;
	s26 =	sadd.s32 s8, s3  }
0xe: {  	s9 =	sadd.s32 s11, s17;
	s6 =	sadd.s32 s8, s6;
	s13 =	sadd.s32 s7, s5  }
0xf: {  	s15 =	ssub.s32 s10, s24;
	s10 =	sshrl.u32 s25, $0x3;
	s24 =	simm.s32 $0x2A80  }
0x10: {  	s25 =	simm.s32 $0x3;
	s6 =	sshrl.u32 s6, $0x3;
	s8 =	sadd.s32 $0x1B600, s13  }
.Ltmp0:
0x11: {  	s31 =	sadd.s32 $0x5400, s10;
	s10 =	sadd.s32 s12, s17;
	(pc) =	sbr.rel .LBB2_1-.Ltmp0, $4  }
0x12: {  	s17 =	simm.s32 $0x2A00;
	s14 =	sadd.s32 s6, s5;
	s5 =	sshll.u32 s1, $0x6  }
0x13: {  	s6 =	sadd.s32 s0, s7;
	s11 =	sadd.s32 s11, s31;
	s12 =	sadd.s32 s12, s31  }
0x14: {  	s7 =	sor.u32 $0x1C05, s5;
	s13 =	sadd.s32 $0x2F600, s14;
	s14 =	smax.u32 s15, $0x1  }
0x15: {  	s15 =	sshrl.u32 s16, $0x3;
	s16 =	sshrl.u32 s26, $0x3;
	s26 =	simm.s32 $0x100  }
.LBB2_8:
0x16: {  	_ =	swait.ge [sflag:s28], $0x2000  }
0x17: {  	s30 =	sadd.s32 $0x1, s30;
	[sflag:s28] =	ssyncset.done $0x0  }
0x18: {  	p1 =	sne.s32 s30, s14;
	[sflag:s28] =	ssyncadd.s32 $0xFFFFE000  }
.Ltmp1:
0x19: {  	s0 =	sor.u32 $0x1C06, s5;
	[bflag:$0x0] =	sbarrier.arrive $0xFFFF;
	(pc) =	sbr.rel @!p1 .LBB2_9-.Ltmp1, $4  }
0x1a: {  	[hbm:s13], [sflag:s0] =	dma.local [spmem:s16], $0x1400  }
0x1b: {  	_ =	swait.ge [sflag:s29], $0x1400  }
0x1c: {  	[sflag:s29] =	ssyncset.done $0x0  }
0x1d: {  	[sflag:s29] =	ssyncadd.s32 $0xFFFFEC00  }
.LBB2_1:
.Ltmp2:
0x1e: {  	(pc) =	sbr.rel @!p0 .LBB2_2-.Ltmp2, $3  }
0x1f: {  	_ =	sdelay $0x1  }
0x20: {  	[spmem:s15], [sflag:s7] =	dma.local [hbm:s6], $0x1400  }
0x21: {  	[spmem:s16], [sflag:s7] =	dma.local [hbm:s8], $0x1400  }
0x22: {  	[tilespmem:s4], [sflag:$0x5] =	stream.linear.gather [hbm4b:s11+s4], $0x2600, $0x38;
	[tilespmem:$0x1D400] =	vst v63  }
0x23: {  	_ = 	snop  }
0x24: {  	[tilespmem:s17], [sflag:$0x5] =	stream.linear.gather [hbm4b:s12+s4], $0x2600, $0x38;
	[tilespmem:$0x1D400] =	vst v63  }
0x25: {  	_ =	swait.ge [sflag:s18], $0x1400  }
0x26: {  	[sflag:s18] =	ssyncset.done $0x0  }
0x27: {  	[sflag:s18] =	ssyncadd.s32 $0xFFFFEC00  }
0x28: {  	_ =	swait.ge [sflag:s18], $0x1400  }
0x29: {  	[sflag:s18] =	ssyncset.done $0x0  }
0x2a: {  	[sflag:s18] =	ssyncadd.s32 $0xFFFFEC00  }
0x2b: {  	_ =	swait.ge [sflag:s18], $0x2600  }
0x2c: {  	[sflag:s18] =	ssyncset.done $0x0  }
0x2d: {  	[sflag:s18] =	ssyncadd.s32 $0xFFFFDA00  }
0x2e: {  	_ =	swait.ge [sflag:s18], $0x2600  }
0x2f: {  	[sflag:s18] =	ssyncset.done $0x0  }
0x30: {  	[sflag:s18] =	ssyncadd.s32 $0xFFFFDA00  }
0x31: {  	[bflag:$0x0] =	sbarrier.arrive $0xFFFF  }
0x32: {  	[tilespmem:s20], [sflag:$0x1] =	stream.indirect.gather [spmem:s2], $0x40, s4, s19, $0xb8;
	[tilespmem:$0x1D400] =	vst v63  }
0x33: {  	_ =	swait.ge [sflag:s21], $0x2000  }
0x34: {  	[sflag:s21] =	ssyncset.done $0x0  }
0x35: {  	[sflag:s21] =	ssyncadd.s32 $0xFFFFE000  }
0x36: {  	[spmem:s3] =	stream.indirect.scatter.add.f32 [tilespmem:s20], [sflag:$0x3], $0x40, s17, s19, $0xb8;
	[tilespmem:$0x1D400] =	vst v63  }
0x37: {  	_ = 	snop  }
0x38: {  	[tilespmem:s22], [sflag:$0x2] =	stream.indirect.gather [spmem:s2], $0x40, s19, s19, $0xb8;
	[tilespmem:$0x1D400] =	vst v63  }
0x39: {  	_ =	swait.ge [sflag:s23], $0x2000  }
0x3a: {  	[sflag:s23] =	ssyncset.done $0x0  }
0x3b: {  	[sflag:s23] =	ssyncadd.s32 $0xFFFFE000  }
0x3c: {  	[spmem:s3] =	stream.indirect.scatter.add.f32 [tilespmem:s22], [sflag:$0x4], $0x40, s24, s19, $0xb8;
	[tilespmem:$0x1D400] =	vst v63  }
0x3d: {  	_ =	swait.ge [sflag:s25], $0x2000  }
0x3e: {  	[sflag:s25] =	ssyncset.done $0x0  }
0x3f: {  	s31 =	simm.s32 $0xFFFF7000;
	[sflag:s25] =	ssyncadd.s32 $0xFFFFE000  }
0x40: {  	[tilespmem:s20], [sflag:$0x1] =	stream.indirect.gather [spmem:s2], $0x40, s26, s19, $0xb8;
	[tilespmem:$0x1D400] =	vst v63  }
.LBB2_6:
0x41: {  	_ =	swait.ge [sflag:s21], $0x2000  }
0x42: {  	s0 =	sshra.s32 s31, $0x2;
	[sflag:s21] =	ssyncset.done $0x0  }
0x43: {  	s1 =	sadd.s32 $0x4F00, s0;
	[sflag:s21] =	ssyncadd.s32 $0xFFFFE000  }
0x44: {  	[spmem:s3] =	stream.indirect.scatter.add.f32 [tilespmem:s20], [sflag:$0x3], $0x40, s1, s19, $0xb8;
	[tilespmem:$0x1D400] =	vst v63  }
0x45: {  	_ =	swait.ge [sflag:s28], $0x2000  }
0x46: {  	[sflag:s28] =	ssyncset.done $0x0  }
0x47: {  	s1 =	sadd.s32 $0x2580, s0;
	[sflag:s28] =	ssyncadd.s32 $0xFFFFE000  }
0x48: {  	[tilespmem:s22], [sflag:$0x2] =	stream.indirect.gather [spmem:s2], $0x40, s1, s19, $0xb8;
	[tilespmem:$0x1D400] =	vst v63  }
0x49: {  	_ =	swait.ge [sflag:s23], $0x2000  }
0x4a: {  	p1 =	seq.s32 s31, $0x0;
	[sflag:s23] =	ssyncset.done $0x0  }
.Ltmp3:
0x4b: {  	s1 =	sadd.s32 $0x4F80, s0;
	[sflag:s23] =	ssyncadd.s32 $0xFFFFE000;
	(pc) =	sbr.rel @p1 .LBB2_8-.Ltmp3, $4  }
0x4c: {  	[spmem:s3] =	stream.indirect.scatter.add.f32 [tilespmem:s22], [sflag:$0x4], $0x40, s1, s19, $0xb8;
	[tilespmem:$0x1D400] =	vst v63  }
0x4d: {  	_ =	swait.ge [sflag:s25], $0x2000  }
0x4e: {  	[sflag:s25] =	ssyncset.done $0x0  }
0x4f: {  	[sflag:s25] =	ssyncadd.s32 $0xFFFFE000  }
.Ltmp4:
0x50: {  	(pc) =	sbr.rel .LBB2_6-.Ltmp4, $3  }
0x51: {  	_ =	sdelay $0x1  }
0x52: {  	s0 =	sadd.s32 $0x2600, s0;
	s31 =	sadd.s32 $0x400, s31  }
0x53: {  	[tilespmem:s20], [sflag:$0x1] =	stream.indirect.gather [spmem:s2], $0x40, s0, s19, $0xb8;
	[tilespmem:$0x1D400] =	vst v63  }
.LBB2_2:
0x54: {  	[tilespmem:s4], [sflag:$0x5] =	stream.linear.gather [hbm4b:s9+s4], $0x2A00, $0x38;
	[tilespmem:$0x1D400] =	vst v63  }
0x55: {  	_ = 	snop  }
0x56: {  	[tilespmem:s17], [sflag:$0x5] =	stream.linear.gather [hbm4b:s10+s4], $0x2A00, $0x38;
	[tilespmem:$0x1D400] =	vst v63  }
0x57: {  	_ =	swait.ge [sflag:s18], $0x1400  }
0x58: {  	[sflag:s18] =	ssyncset.done $0x0  }
0x59: {  	[sflag:s18] =	ssyncadd.s32 $0xFFFFEC00  }
0x5a: {  	_ =	swait.ge [sflag:s18], $0x1400  }
0x5b: {  	[sflag:s18] =	ssyncset.done $0x0  }
0x5c: {  	[sflag:s18] =	ssyncadd.s32 $0xFFFFEC00  }
0x5d: {  	_ =	swait.ge [sflag:s18], $0x2A00  }
0x5e: {  	[sflag:s18] =	ssyncset.done $0x0  }
0x5f: {  	[sflag:s18] =	ssyncadd.s32 $0xFFFFD600  }
0x60: {  	_ =	swait.ge [sflag:s18], $0x2A00  }
0x61: {  	[sflag:s18] =	ssyncset.done $0x0  }
0x62: {  	[sflag:s18] =	ssyncadd.s32 $0xFFFFD600  }
0x63: {  	[bflag:$0x0] =	sbarrier.arrive $0xFFFF  }
0x64: {  	[tilespmem:s20], [sflag:$0x1] =	stream.indirect.gather [spmem:s2], $0x40, s4, s19, $0xb8;
	[tilespmem:$0x1D400] =	vst v63  }
0x65: {  	_ =	swait.ge [sflag:s21], $0x2000  }
0x66: {  	[sflag:s21] =	ssyncset.done $0x0  }
0x67: {  	[sflag:s21] =	ssyncadd.s32 $0xFFFFE000  }
0x68: {  	[spmem:s3] =	stream.indirect.scatter.add.f32 [tilespmem:s20], [sflag:$0x3], $0x40, s17, s19, $0xb8;
	[tilespmem:$0x1D400] =	vst v63  }
0x69: {  	_ = 	snop  }
0x6a: {  	[tilespmem:s22], [sflag:$0x2] =	stream.indirect.gather [spmem:s2], $0x40, s19, s19, $0xb8;
	[tilespmem:$0x1D400] =	vst v63  }
0x6b: {  	_ =	swait.ge [sflag:s23], $0x2000  }
0x6c: {  	[sflag:s23] =	ssyncset.done $0x0  }
0x6d: {  	[sflag:s23] =	ssyncadd.s32 $0xFFFFE000  }
0x6e: {  	[spmem:s3] =	stream.indirect.scatter.add.f32 [tilespmem:s22], [sflag:$0x4], $0x40, s24, s19, $0xb8;
	[tilespmem:$0x1D400] =	vst v63  }
0x6f: {  	_ =	swait.ge [sflag:s25], $0x2000  }
0x70: {  	[sflag:s25] =	ssyncset.done $0x0  }
0x71: {  	s31 =	simm.s32 $0xFFFF6000;
	[sflag:s25] =	ssyncadd.s32 $0xFFFFE000  }
0x72: {  	[tilespmem:s20], [sflag:$0x1] =	stream.indirect.gather [spmem:s2], $0x40, s26, s19, $0xb8;
	[tilespmem:$0x1D400] =	vst v63  }
.LBB2_3:
0x73: {  	_ =	swait.ge [sflag:s21], $0x2000  }
0x74: {  	s0 =	sshra.s32 s31, $0x2;
	[sflag:s21] =	ssyncset.done $0x0  }
0x75: {  	s1 =	sadd.s32 $0x5300, s0;
	[sflag:s21] =	ssyncadd.s32 $0xFFFFE000  }
0x76: {  	[spmem:s3] =	stream.indirect.scatter.add.f32 [tilespmem:s20], [sflag:$0x3], $0x40, s1, s19, $0xb8;
	[tilespmem:$0x1D400] =	vst v63  }
0x77: {  	_ =	swait.ge [sflag:s28], $0x2000  }
0x78: {  	[sflag:s28] =	ssyncset.done $0x0  }
0x79: {  	s1 =	sadd.s32 $0x2980, s0;
	[sflag:s28] =	ssyncadd.s32 $0xFFFFE000  }
0x7a: {  	[tilespmem:s22], [sflag:$0x2] =	stream.indirect.gather [spmem:s2], $0x40, s1, s19, $0xb8;
	[tilespmem:$0x1D400] =	vst v63  }
0x7b: {  	_ =	swait.ge [sflag:s23], $0x2000  }
0x7c: {  	p1 =	seq.s32 s31, $0x0;
	[sflag:s23] =	ssyncset.done $0x0  }
.Ltmp5:
0x7d: {  	s1 =	sadd.s32 $0x5380, s0;
	[sflag:s23] =	ssyncadd.s32 $0xFFFFE000;
	(pc) =	sbr.rel @p1 .LBB2_8-.Ltmp5, $4  }
0x7e: {  	[spmem:s3] =	stream.indirect.scatter.add.f32 [tilespmem:s22], [sflag:$0x4], $0x40, s1, s19, $0xb8;
	[tilespmem:$0x1D400] =	vst v63  }
0x7f: {  	_ =	swait.ge [sflag:s25], $0x2000  }
0x80: {  	[sflag:s25] =	ssyncset.done $0x0  }
0x81: {  	[sflag:s25] =	ssyncadd.s32 $0xFFFFE000  }
.Ltmp6:
0x82: {  	(pc) =	sbr.rel .LBB2_3-.Ltmp6, $3  }
0x83: {  	_ =	sdelay $0x1  }
0x84: {  	s0 =	sadd.s32 $0x2A00, s0;
	s31 =	sadd.s32 $0x400, s31  }
0x85: {  	[tilespmem:s20], [sflag:$0x1] =	stream.indirect.gather [spmem:s2], $0x40, s0, s19, $0xb8;
	[tilespmem:$0x1D400] =	vst v63  }
.LBB2_9:
0x86: {  	_ =	sfence.sel $0x180000  }
0x87: {  	[bflag:$0x0] =	sbarrier.arrive $0xFFFF  }
0x88: {  	_ =	strace $0x90000050  }
0x89: {  	s0 =	stileid.u32;
	[bflag:$0x2] =	sbarrier.arrive $0xFFFF  }
0x8a: {  	p0 =	sne.s32 s0, $0x0;
	s0 =	rddreg [dreg:$0x4]  }
0x8b: {  	s0 =	sadd.s32 @!p0 $0x100000, s0  }
0x8c: {  	[sflag:s0] =	ssyncadd.tile.s32 @!p0 $0x1;
	_ =	shalt  }
.Lfunc_end2:
_tile_overlayer_lowered:
.L_overlay_start_2:
0x8d: {  	(tag) =	ssettag $0x2  }
0x8e: {  	s0 =	rddreg [dreg:$0x0];
	s2 =	stileid.u32  }
0x8f: {  	s1 =	rddreg [dreg:$0x1];
	p0 =	sne.s32 s2, $0x0  }
0x90: {  	s3 =	rddreg [dreg:$0x2];
	[bflag:$0x3] =	sbarrier.arrive $0xFFFF;
	s2 =	simm.s32 @!p0 $0x1C06  }
0x91: {  	[timem:s3], [sflag:s2] =	dma.local @!p0 [hbm:s0], s1  }
0x92: {  	s0 =	simm.s32 @!p0 $0x6  }
0x93: {  	_ =	swait.ge @!p0 [sflag:s0], s1  }
0x94: {  	s1 =	ssub.s32 @!p0 $0x0, s1;
	[sflag:s0] =	ssyncset.done @!p0 $0x0  }
0x95: {  	[sflag:s0] =	ssyncadd.s32 @!p0 s1  }
0x96: {  	[bflag:$0x3] =	sbarrier.arrive $0xFFFF  }
0x97: {  	_ =	shalt  }

// kernel: kernel.23.cloned.1.call-start
scs
__scs_entry_jumppad:
0x0: {  	(pc) =	sbr.rel $0x88, $3  }
0x1: {  	(tag) =	ssettag $0x0;
	lr =	simm.s32 $0x1  }
0x2: {  	[smem:$0x3F99] =	sst lr;
	_ =	strace $0xD0000000  }
0x3: {  	_ = 	snop  }
0x4: {  	_ = 	snop  }
0x5: {  	_ = 	snop  }
0x6: {  	_ = 	snop  }
0x7: {  	_ = 	snop  }
__scs_overlays_trampoline_lowered:
0x8: {  	[smem:$0x3FA8] =	sst s0  }
0x9: {  	[smem:$0x3FA9] =	sst s1  }
0xa: {  	[smem:$0x3FAA] =	sst s2  }
0xb: {  	[smem:$0x3FAB] =	sst s3  }
0xc: {  	[smem:$0x3FAC] =	sst s4  }
0xd: {  	[smem:$0x3FAD] =	sst s5  }
0xe: {  	[smem:$0x3FAE] =	sst s6  }
0xf: {  	[smem:$0x3FAF] =	sst s7  }
0x10: {  	[smem:$0x3FB0] =	sst s8  }
0x11: {  	[smem:$0x3FB1] =	sst s9;
	s0 =	simm.s32 @!p0 $0x0  }
0x12: {  	s1 =	sld [smem:$0x3F97];
	s0 =	simm.s32 @p0 $0x1  }
0x13: {  	[smem:$0x3FB2] =	sst s0;
	s0 =	simm.s32 @!p1 $0x0  }
0x14: {  	s2 =	sld [smem:$0x3F96];
	s0 =	simm.s32 @p1 $0x1  }
0x15: {  	[smem:$0x3FB3] =	sst s0;
	s0 =	simm.s32 @!p2 $0x0  }
0x16: {  	s3 =	sld [smem:$0x3FDB];
	s0 =	simm.s32 @p2 $0x1  }
0x17: {  	s4 =	simm.s32 $0x1BF5;
	[smem:$0x3FB5] =	sst s0  }
0x18: {  	s0 =	sld [smem:$0x3F98];
	_ =	swait.ge [sflag:s4], $0x0  }
0x19: {  	s7 =	sld [smem:$0x3F99]  }
0x1a: {  	s8 =	sadd.s32 $0xFFFFE003, lr  }
0x1b: {  	s9 =	sadd.s32 $0xFFFFFEF7, lr;
	s5 =	simm.s32 $0xFFFFFFFF;
	p2 =	slt.u32 s8, $0xFFFFF086  }
0x1c: {  	p1 =	slt.u32 s9, $0xF7A;
	s5 =	simm.s32 @!p2 $0x0  }
0x1d: {  	s5 =	simm.s32 @p1 $0x1;
	p0 =	seq.s32 s7, s2  }
0x1e: {  	s7 =	smul.u32 @!p0 $0xF7A, s2;
	p2 =	seq.s32 @!p0 s5, $0x0  }
0x1f: {  	s9 =	smul.u32 $0xF7A, s1;
	s8 =	simm.s32 @!p0 $0x1BF5;
	p2 =	por !p2, p0  }
0x20: {  	[sflag:s8] =	ssyncset.s32 @!p0 $0xFFFFF086;
	s6 =	sadd.s32 @!p0 s3, s7;
	s7 =	simm.s32 @!p0 $0x108  }
0x21: {  	s3 =	sadd.s32 s3, s9;
	s6 =	sadd.s32 @!p0 $0x88, s6;
	s7 =	simm.s32 @p2 $0x1082  }
0x22: {  	[simem:s7], [sflag:s8] =	dma.local @!p0 [hbm:s6], $0xF7A  }
0x23: {  	s9 =	sor.u32 $0xD0000000, s2;
	s6 =	simm.s32 $0x108;
	_ =	swait.ge @!p0 [sflag:s8], $0x0  }
0x24: {  	s3 =	sadd.s32 $0x88, s3;
	s6 =	simm.s32 @!p1 $0x1082;
	[sflag:s4] =	ssyncset.s32 $0xFFFFF086  }
0x25: {  	[simem:s6], [sflag:s4] =	dma.local [hbm:s3], $0xF7A  }
0x26: {  	[smem:$0x3F99] =	sst s1;
	(tag) =	ssettag s2;
	_ =	strace s9  }
0x27: {  	s1 =	sld [smem:$0x3FA9]  }
0x28: {  	s2 =	sld [smem:$0x3FAA]  }
0x29: {  	s4 =	sld [smem:$0x3FAC]  }
0x2a: {  	p0 =	seq.s32 s5, $0x0;
	s5 =	sld [smem:$0x3FAD]  }
0x2b: {  	s6 =	sld [smem:$0x3FAE]  }
0x2c: {  	s7 =	sld [smem:$0x3FAF]  }
0x2d: {  	s3 =	simm.s32 $0x108;
	s8 =	sld [smem:$0x3FB0]  }
0x2e: {  	s3 =	simm.s32 @!p0 $0x1082;
	s9 =	sld [smem:$0x3FB1]  }
0x2f: {  	lr =	sadd.s32 s0, s3;
	s0 =	sld [smem:$0x3FA8]  }
0x30: {  	s3 =	sld [smem:$0x3FAB]  }
0x31: {  	[smem:$0x3FB4] =	sst s10  }
0x32: {  	s10 =	sld [smem:$0x3FB2];
	_ =	sdelay $0x3  }
0x33: {  	p0 =	seq.s32 s10, $0x1;
	s10 =	sld [smem:$0x3FB4];
	_ =	sdelay $0x3  }
0x34: {  	[smem:$0x3FB4] =	sst s10  }
0x35: {  	s10 =	sld [smem:$0x3FB3];
	_ =	sdelay $0x3  }
0x36: {  	p1 =	seq.s32 s10, $0x1;
	s10 =	sld [smem:$0x3FB4];
	_ =	sdelay $0x3  }
0x37: {  	[smem:$0x3FB4] =	sst s10  }
0x38: {  	s10 =	sld [smem:$0x3FB5]  }
0x39: {  	_ = 	snop;
	(pc) =	sbr.ind lr, $3  }
0x3a: {  	_ = 	snop  }
0x3b: {  	_ = 	snop  }
0x3c: {  	p2 =	seq.s32 s10, $0x1;
	s10 =	sld [smem:$0x3FB4]  }
0x3d: {  	_ =	shalt  }
0x3e: {  	_ =	shalt  }
0x3f: {  	_ =	shalt  }
0x40: {  	_ =	shalt  }
0x41: {  	_ =	shalt  }
0x42: {  	_ =	shalt  }
0x43: {  	_ =	shalt  }
0x44: {  	_ =	shalt  }
0x45: {  	_ =	shalt  }
0x46: {  	_ =	shalt  }
0x47: {  	_ =	shalt  }
0x48: {  	_ =	shalt  }
0x49: {  	_ =	shalt  }
0x4a: {  	_ =	shalt  }
0x4b: {  	_ =	shalt  }
0x4c: {  	_ =	shalt  }
0x4d: {  	_ =	shalt  }
0x4e: {  	_ =	shalt  }
0x4f: {  	_ =	shalt  }
0x50: {  	_ =	shalt  }
0x51: {  	_ =	shalt  }
0x52: {  	_ =	shalt  }
0x53: {  	_ =	shalt  }
0x54: {  	_ =	shalt  }
0x55: {  	_ =	shalt  }
0x56: {  	_ =	shalt  }
0x57: {  	_ =	shalt  }
0x58: {  	_ =	shalt  }
0x59: {  	_ =	shalt  }
0x5a: {  	_ =	shalt  }
0x5b: {  	_ =	shalt  }
0x5c: {  	_ =	shalt  }
0x5d: {  	_ =	shalt  }
0x5e: {  	_ =	shalt  }
0x5f: {  	_ =	shalt  }
0x60: {  	_ =	shalt  }
0x61: {  	_ =	shalt  }
0x62: {  	_ =	shalt  }
0x63: {  	_ =	shalt  }
0x64: {  	_ =	shalt  }
0x65: {  	_ =	shalt  }
0x66: {  	_ =	shalt  }
0x67: {  	_ =	shalt  }
0x68: {  	_ =	shalt  }
0x69: {  	_ =	shalt  }
0x6a: {  	_ =	shalt  }
0x6b: {  	_ =	shalt  }
0x6c: {  	_ =	shalt  }
0x6d: {  	_ =	shalt  }
0x6e: {  	_ =	shalt  }
0x6f: {  	_ =	shalt  }
0x70: {  	_ =	shalt  }
0x71: {  	_ =	shalt  }
0x72: {  	_ =	shalt  }
0x73: {  	_ =	shalt  }
0x74: {  	_ =	shalt  }
0x75: {  	_ =	shalt  }
0x76: {  	_ =	shalt  }
0x77: {  	_ =	shalt  }
0x78: {  	_ =	shalt  }
0x79: {  	_ =	shalt  }
0x7a: {  	_ =	shalt  }
0x7b: {  	_ =	shalt  }
0x7c: {  	_ =	shalt  }
0x7d: {  	_ =	shalt  }
0x7e: {  	_ =	shalt  }
0x7f: {  	_ =	shalt  }
0x80: {  	_ =	shalt  }
0x81: {  	_ =	shalt  }
0x82: {  	_ =	shalt  }
0x83: {  	_ =	shalt  }
0x84: {  	_ =	shalt  }
0x85: {  	_ =	shalt  }
0x86: {  	_ =	shalt  }
0x87: {  	_ =	shalt  }
.Lfunc_end0:
.L_simem_size_0:
called_computation.4_lowered:
.L_overlay_start_0:
0x88: {  	s2 =	sld [smem:$0x3FD9]  }
0x89: {  	s3 =	sld [smem:$0x3FFE];
	_ =	sdelay $0x1  }
0x8a: {  	s1 =	srdreg.scid  }
0x8b: {  	s0 =	sand.u32 $0x1, s1  }
0x8c: {  	s17 =	sshll.u32 s0, $0xA;
	s2 =	sadd.s32 s3, s2  }
0x8d: {  	s2 =	sadd.s32 s2, s17  }
0x8e: {  	[smem:$0x3FC0] =	sst s2  }
0x8f: {  	_ = 	snop  }
0x90: {  	(tm) =	ssettm $0x1  }
0x91: {  	s18 =	sld [smem:$0x3FFB];
	_ =	sdelay $0x3  }
0x92: {  	_ =	strace s18  }
0x93: {  	s2 =	sld [smem:$0x3FFC];
	_ =	sdelay $0x3  }
0x94: {  	_ =	strace s2  }
0x95: {  	s2 =	sld [smem:$0x3FFD];
	_ =	sdelay $0x3  }
0x96: {  	_ =	strace s2  }
0x97: {  	_ =	strace $0x8FFFFFFF  }
0x98: {  	s19 =	sld [smem:$0x3FDB];
	_ =	sdelay $0x1  }
0x99: {  	s20 =	simm.s32 $_scs_section_size  }
0x9a: {  	s4 =	simm.s32 $_size__tile_overlayer_lowered;
	s5 =	simm.s32 $_tile_overlayer_lowered  }
0x9b: {  	s6 =	simm.s32 $0x1BFF;
	s21 =	sshll.u32 s5, $0x1;
	s3 =	sadd.s32 s20, s19  }
0x9c: {  	s22 =	simm.s32 $0x0;
	s4 =	sshll.u32 s4, $0x1;
	s5 =	sadd.s32 s21, s3  }
0x9d: {  	[timem:s22], [sflag:s6] =	dma.local [hbm:s5], s4  }
0x9e: {  	_ =	swait.ge [sflag:s6], s4  }
0x9f: {  	s4 =	ssub.s32 $0x0, s4;
	[sflag:s6] =	ssyncset.done $0x0  }
0xa0: {  	[sflag:s6] =	ssyncadd.s32 s4;
	_ =	sdelay $0x1  }
0xa1: {  	s23 =	simm.s32 $0x1B8B  }
0xa2: {  	_ =	swait.ge [sflag:s23], $0x1  }
0xa3: {  	[sflag:s23] =	ssyncset.done $0x0  }
0xa4: {  	[sflag:s23] =	ssyncadd.s32 $0xFFFFFFFF  }
0xa5: {  	s4 =	sld [smem:$0x0]  }
0xa6: {  	s5 =	sand.u32 $0xFFFFFFFE, s1  }
0xa7: {  	p0 =	sne.s32 s1, s5  }
0xa8: {  	s5 =	sshll.u32 @p0 s5, $0xE  }
0xa9: {  	s5 =	sadd.s32 @p0 $0x11B8D, s5;
	s6 =	sshll.u32 @p0 s4, $0x11  }
0xaa: {  	s5 =	sor.u32 @p0 s6, s5  }
0xab: {  	[sflag:s5] =	ssyncadd.remote.s32 @p0 $0x1;
	_ =	sdelay $0x1  }
0xac: {  	s5 =	simm.s32 @p0 $0x1B8D  }
0xad: {  	_ =	swait.eq @p0 [sflag:s5], $0x1  }
0xae: {  	[sflag:s5] =	ssyncadd.s32 @p0 $0xFFFFFFFF  }
0xaf: {  	s6 =	sshll.u32 @!p0 s1, $0xE  }
0xb0: {  	s6 =	sor.u32 @!p0 $0x4000, s6;
	s5 =	simm.s32 @!p0 $0x1B8D  }
0xb1: {  	s4 =	sshll.u32 @!p0 s4, $0x11;
	s6 =	sadd.s32 @!p0 $0x11B8D, s6;
	_ =	swait.eq @!p0 [sflag:s5], $0x1  }
0xb2: {  	s4 =	sor.u32 @!p0 s4, s6;
	[sflag:s5] =	ssyncadd.s32 @!p0 $0xFFFFFFFF  }
0xb3: {  	s25 =	simm.s32 $0x1B8E;
	s24 =	sld [smem:$0x3FFE];
	[sflag:s4] =	ssyncadd.remote.s32 @!p0 $0x1  }
0xb4: {  	s26 =	simm.s32 $execute0_lowered;
	[smem:$0x3FD2] =	sst s25  }
0xb5: {  	s5 =	sshll.u32 s26, $0x1;
	_ =	strace $0x80000052;
	[dreg:$0x1] =	wrdreg $0xFFFFFFFF  }
0xb6: {  	s28 =	simm.s32 $_size_execute0_lowered;
	s3 =	sadd.s32 s3, s5;
	[dreg:$0x0] =	wrdreg $0x0  }
0xb7: {  	s5 =	sshll.u32 s28, $0x1;
	[dreg:$0x2] =	wrdreg s3  }
0xb8: {  	[dreg:$0x3] =	wrdreg s5  }
0xb9: {  	[dreg:$0x4] =	wrdreg $0xC0  }
0xba: {  	_ =	task [dreg:s22], $0x5FFFF  }
0xbb: {  	[dreg:$0x1] =	wrdreg $0xFFFFFFFF  }
0xbc: {  	[dreg:$0x0] =	wrdreg $0x60  }
0xbd: {  	[dreg:$0x2] =	wrdreg s24  }
0xbe: {  	[dreg:$0x3] =	wrdreg $0x94000  }
0xbf: {  	[dreg:$0x4] =	wrdreg $0x134000  }
0xc0: {  	[dreg:$0x5] =	wrdreg $0xA  }
0xc1: {  	_ =	task.clear_ibuf [dreg:s22], $0x6FFFF;
	_ =	strace $0x90000052  }
0xc2: {  	s29 =	simm.s32 $0xA;
	_ =	strace $0x80000054  }
0xc3: {  	_ =	swait.ge [sflag:s29], $0x1  }
0xc4: {  	[sflag:s29] =	ssyncadd.s32 $0xFFFFFFFF  }
0xc5: {  	_ =	strace $0x90000054  }
0xc6: {  	_ =	sfence  }
0xc7: {  	s30 =	sld [smem:$0x0];
	_ =	sdelay $0x2  }
0xc8: {  	s31 =	sshll.u32 s1, $0xD;
	s1 =	sshrl.u32 s1, $0x2  }
0xc9: {  	s4 =	sand.u32 $0x4000, s31;
	s1 =	sadd.s32 s1, s30  }
0xca: {  	s0 =	sor.u32 s4, s0;
	s1 =	sshll.u32 s1, $0x11  }
0xcb: {  	s0 =	sor.u32 s1, s0  }
0xcc: {  	s0 =	sadd.s32 $0x8F2B, s0  }
0xcd: {  	[sflag:s0] =	ssyncadd.remote.s32 $0x1  }
0xce: {  	_ =	sfence.sel $0xFFFF  }
0xcf: {  	[dreg:$0x0] =	wrdreg $0xFFFFFFFF;
	(pc) =	sbr.abs _section_cstart, $3  }
0xd0: {  	[dreg:$0x1] =	wrdreg $0xFFFFFFFF  }
0xd1: {  	_ =	task.clear_ibuf [dreg:s22], $0x2FFFF;
	_ =	strace $0x9FFFFFFF  }
0xd2: {  	(tm) =	ssettm $0x7FFFFFFF  }
0xd3: {  	_ =	shalt  }
tec
execute0_lowered:
.L_overlay_start_1:
0x0: {  	(tag) =	ssettag $0x1  }
0x1: {  	s0 =	rddreg [dreg:$0x0]  }
0x2: {  	s2 =	rddreg [dreg:$0x1]  }
0x3: {  	s3 =	rddreg [dreg:$0x2]  }
0x4: {  	s1 =	stileid.u32;
	s5 =	srdreg.scid;
	s4 =	simm.s32 $0x0  }
0x5: {  	s18 =	simm.s32 $0x5;
	s19 =	simm.s32 $0x80;
	s20 =	simm.s32 $0x5400  }
0x6: {  	s21 =	simm.s32 $0x1;
	s22 =	simm.s32 $0x7400;
	s23 =	simm.s32 $0x2  }
0x7: {  	s24 =	simm.s32 $0x2A80;
	s25 =	simm.s32 $0x3;
	s26 =	simm.s32 $0x100  }
0x8: {  	s28 =	simm.s32 $0x4;
	s29 =	simm.s32 $0x6;
	s8 =	smul.u32 $0xA000, s1  }
0x9: {  	s30 =	simm.s32 $0x0;
	s9 =	sand.u32 $0x1, s5;
	s13 =	smul.u32 $0x2600, s1  }
0xa: {  	[smem:$0x7FF] =	sst s4;
	s11 =	sadd.s32 $0x11600, s0;
	s17 =	smul.u32 $0x540, s1  }
0xb: {  	s12 =	sadd.s32 $0x2400, s0;
	s5 =	smul.u32 $0xA0000, s9;
	_ =	strace $0x80000053  }
0xc: {  	s7 =	ssub.s32 $0x2, s9;
	p0 =	seq.s32 s9, $0x1;
	s6 =	sshrl.u32 s8, $0x3  }
0xd: {  	s31 =	sshrl.u32 s7, $0x1;
	s15 =	sadd.s32 s8, s2;
	s16 =	sadd.s32 s8, s3  }
0xe: {  	s13 =	sshrl.u32 s13, $0x3;
	s9 =	sadd.s32 s11, s17;
	s5 =	sadd.s32 s8, s5  }
0xf: {  	s10 =	sadd.s32 s6, s0;
	s14 =	ssub.s32 s7, s31;
	s13 =	sadd.s32 $0x5400, s13  }
.Ltmp0:
0x10: {  	s15 =	sshrl.u32 s15, $0x3;
	s16 =	sshrl.u32 s16, $0x3;
	(pc) =	sbr.rel .LBB2_1-.Ltmp0, $4  }
0x11: {  	s5 =	sshrl.u32 s5, $0x3;
	s6 =	sadd.s32 $0x57600, s10;
	s8 =	sadd.s32 $0x1B600, s10  }
0x12: {  	s10 =	sadd.s32 s12, s17;
	s11 =	sadd.s32 s11, s13;
	s12 =	sadd.s32 s12, s13  }
0x13: {  	s14 =	smax.u32 s14, $0x1;
	s0 =	sadd.s32 s5, s0;
	s5 =	sshll.u32 s1, $0x6  }
0x14: {  	s17 =	simm.s32 $0x2A00;
	s7 =	sor.u32 $0x1C05, s5;
	s13 =	sadd.s32 $0x6B600, s0  }
.LBB2_8:
0x15: {  	_ =	swait.ge [sflag:s28], $0x2000  }
0x16: {  	s30 =	sadd.s32 $0x1, s30;
	[sflag:s28] =	ssyncset.done $0x0  }
0x17: {  	p1 =	sne.s32 s30, s14;
	[sflag:s28] =	ssyncadd.s32 $0xFFFFE000  }
.Ltmp1:
0x18: {  	s0 =	sor.u32 $0x1C06, s5;
	[bflag:$0x0] =	sbarrier.arrive $0xFFFF;
	(pc) =	sbr.rel @!p1 .LBB2_9-.Ltmp1, $4  }
0x19: {  	[hbm:s13], [sflag:s0] =	dma.local [spmem:s16], $0x1400  }
0x1a: {  	_ =	swait.ge [sflag:s29], $0x1400  }
0x1b: {  	[sflag:s29] =	ssyncset.done $0x0  }
0x1c: {  	[sflag:s29] =	ssyncadd.s32 $0xFFFFEC00  }
.LBB2_1:
.Ltmp2:
0x1d: {  	(pc) =	sbr.rel @!p0 .LBB2_2-.Ltmp2, $3  }
0x1e: {  	_ =	sdelay $0x1  }
0x1f: {  	[spmem:s15], [sflag:s7] =	dma.local [hbm:s6], $0x1400  }
0x20: {  	[spmem:s16], [sflag:s7] =	dma.local [hbm:s8], $0x1400  }
0x21: {  	[tilespmem:s4], [sflag:$0x5] =	stream.linear.gather [hbm4b:s11+s4], $0x2600, $0x38;
	[tilespmem:$0x1D400] =	vst v63  }
0x22: {  	_ = 	snop  }
0x23: {  	[tilespmem:s17], [sflag:$0x5] =	stream.linear.gather [hbm4b:s12+s4], $0x2600, $0x38;
	[tilespmem:$0x1D400] =	vst v63  }
0x24: {  	_ =	swait.ge [sflag:s18], $0x1400  }
0x25: {  	[sflag:s18] =	ssyncset.done $0x0  }
0x26: {  	[sflag:s18] =	ssyncadd.s32 $0xFFFFEC00  }
0x27: {  	_ =	swait.ge [sflag:s18], $0x1400  }
0x28: {  	[sflag:s18] =	ssyncset.done $0x0  }
0x29: {  	[sflag:s18] =	ssyncadd.s32 $0xFFFFEC00  }
0x2a: {  	_ =	swait.ge [sflag:s18], $0x2600  }
0x2b: {  	[sflag:s18] =	ssyncset.done $0x0  }
0x2c: {  	[sflag:s18] =	ssyncadd.s32 $0xFFFFDA00  }
0x2d: {  	_ =	swait.ge [sflag:s18], $0x2600  }
0x2e: {  	[sflag:s18] =	ssyncset.done $0x0  }
0x2f: {  	[sflag:s18] =	ssyncadd.s32 $0xFFFFDA00  }
0x30: {  	[bflag:$0x0] =	sbarrier.arrive $0xFFFF  }
0x31: {  	[tilespmem:s20], [sflag:$0x1] =	stream.indirect.gather [spmem:s2], $0x40, s4, s19, $0xb8;
	[tilespmem:$0x1D400] =	vst v63  }
0x32: {  	_ =	swait.ge [sflag:s21], $0x2000  }
0x33: {  	[sflag:s21] =	ssyncset.done $0x0  }
0x34: {  	[sflag:s21] =	ssyncadd.s32 $0xFFFFE000  }
0x35: {  	[spmem:s3] =	stream.indirect.scatter.add.f32 [tilespmem:s20], [sflag:$0x3], $0x40, s17, s19, $0xb8;
	[tilespmem:$0x1D400] =	vst v63  }
0x36: {  	_ = 	snop  }
0x37: {  	[tilespmem:s22], [sflag:$0x2] =	stream.indirect.gather [spmem:s2], $0x40, s19, s19, $0xb8;
	[tilespmem:$0x1D400] =	vst v63  }
0x38: {  	_ =	swait.ge [sflag:s23], $0x2000  }
0x39: {  	[sflag:s23] =	ssyncset.done $0x0  }
0x3a: {  	[sflag:s23] =	ssyncadd.s32 $0xFFFFE000  }
0x3b: {  	[spmem:s3] =	stream.indirect.scatter.add.f32 [tilespmem:s22], [sflag:$0x4], $0x40, s24, s19, $0xb8;
	[tilespmem:$0x1D400] =	vst v63  }
0x3c: {  	_ =	swait.ge [sflag:s25], $0x2000  }
0x3d: {  	[sflag:s25] =	ssyncset.done $0x0  }
0x3e: {  	s31 =	simm.s32 $0xFFFF7000;
	[sflag:s25] =	ssyncadd.s32 $0xFFFFE000  }
0x3f: {  	[tilespmem:s20], [sflag:$0x1] =	stream.indirect.gather [spmem:s2], $0x40, s26, s19, $0xb8;
	[tilespmem:$0x1D400] =	vst v63  }
.LBB2_6:
0x40: {  	_ =	swait.ge [sflag:s21], $0x2000  }
0x41: {  	s0 =	sshra.s32 s31, $0x2;
	[sflag:s21] =	ssyncset.done $0x0  }
0x42: {  	s1 =	sadd.s32 $0x4F00, s0;
	[sflag:s21] =	ssyncadd.s32 $0xFFFFE000  }
0x43: {  	[spmem:s3] =	stream.indirect.scatter.add.f32 [tilespmem:s20], [sflag:$0x3], $0x40, s1, s19, $0xb8;
	[tilespmem:$0x1D400] =	vst v63  }
0x44: {  	_ =	swait.ge [sflag:s28], $0x2000  }
0x45: {  	[sflag:s28] =	ssyncset.done $0x0  }
0x46: {  	s1 =	sadd.s32 $0x2580, s0;
	[sflag:s28] =	ssyncadd.s32 $0xFFFFE000  }
0x47: {  	[tilespmem:s22], [sflag:$0x2] =	stream.indirect.gather [spmem:s2], $0x40, s1, s19, $0xb8;
	[tilespmem:$0x1D400] =	vst v63  }
0x48: {  	_ =	swait.ge [sflag:s23], $0x2000  }
0x49: {  	p1 =	seq.s32 s31, $0x0;
	[sflag:s23] =	ssyncset.done $0x0  }
.Ltmp3:
0x4a: {  	s1 =	sadd.s32 $0x4F80, s0;
	[sflag:s23] =	ssyncadd.s32 $0xFFFFE000;
	(pc) =	sbr.rel @p1 .LBB2_8-.Ltmp3, $4  }
0x4b: {  	[spmem:s3] =	stream.indirect.scatter.add.f32 [tilespmem:s22], [sflag:$0x4], $0x40, s1, s19, $0xb8;
	[tilespmem:$0x1D400] =	vst v63  }
0x4c: {  	_ =	swait.ge [sflag:s25], $0x2000  }
0x4d: {  	[sflag:s25] =	ssyncset.done $0x0  }
0x4e: {  	[sflag:s25] =	ssyncadd.s32 $0xFFFFE000  }
.Ltmp4:
0x4f: {  	(pc) =	sbr.rel .LBB2_6-.Ltmp4, $3  }
0x50: {  	_ =	sdelay $0x1  }
0x51: {  	s0 =	sadd.s32 $0x2600, s0;
	s31 =	sadd.s32 $0x400, s31  }
0x52: {  	[tilespmem:s20], [sflag:$0x1] =	stream.indirect.gather [spmem:s2], $0x40, s0, s19, $0xb8;
	[tilespmem:$0x1D400] =	vst v63  }
.LBB2_2:
0x53: {  	[tilespmem:s4], [sflag:$0x5] =	stream.linear.gather [hbm4b:s9+s4], $0x2A00, $0x38;
	[tilespmem:$0x1D400] =	vst v63  }
0x54: {  	_ = 	snop  }
0x55: {  	[tilespmem:s17], [sflag:$0x5] =	stream.linear.gather [hbm4b:s10+s4], $0x2A00, $0x38;
	[tilespmem:$0x1D400] =	vst v63  }
0x56: {  	_ =	swait.ge [sflag:s18], $0x1400  }
0x57: {  	[sflag:s18] =	ssyncset.done $0x0  }
0x58: {  	[sflag:s18] =	ssyncadd.s32 $0xFFFFEC00  }
0x59: {  	_ =	swait.ge [sflag:s18], $0x1400  }
0x5a: {  	[sflag:s18] =	ssyncset.done $0x0  }
0x5b: {  	[sflag:s18] =	ssyncadd.s32 $0xFFFFEC00  }
0x5c: {  	_ =	swait.ge [sflag:s18], $0x2A00  }
0x5d: {  	[sflag:s18] =	ssyncset.done $0x0  }
0x5e: {  	[sflag:s18] =	ssyncadd.s32 $0xFFFFD600  }
0x5f: {  	_ =	swait.ge [sflag:s18], $0x2A00  }
0x60: {  	[sflag:s18] =	ssyncset.done $0x0  }
0x61: {  	[sflag:s18] =	ssyncadd.s32 $0xFFFFD600  }
0x62: {  	[bflag:$0x0] =	sbarrier.arrive $0xFFFF  }
0x63: {  	[tilespmem:s20], [sflag:$0x1] =	stream.indirect.gather [spmem:s2], $0x40, s4, s19, $0xb8;
	[tilespmem:$0x1D400] =	vst v63  }
0x64: {  	_ =	swait.ge [sflag:s21], $0x2000  }
0x65: {  	[sflag:s21] =	ssyncset.done $0x0  }
0x66: {  	[sflag:s21] =	ssyncadd.s32 $0xFFFFE000  }
0x67: {  	[spmem:s3] =	stream.indirect.scatter.add.f32 [tilespmem:s20], [sflag:$0x3], $0x40, s17, s19, $0xb8;
	[tilespmem:$0x1D400] =	vst v63  }
0x68: {  	_ = 	snop  }
0x69: {  	[tilespmem:s22], [sflag:$0x2] =	stream.indirect.gather [spmem:s2], $0x40, s19, s19, $0xb8;
	[tilespmem:$0x1D400] =	vst v63  }
0x6a: {  	_ =	swait.ge [sflag:s23], $0x2000  }
0x6b: {  	[sflag:s23] =	ssyncset.done $0x0  }
0x6c: {  	[sflag:s23] =	ssyncadd.s32 $0xFFFFE000  }
0x6d: {  	[spmem:s3] =	stream.indirect.scatter.add.f32 [tilespmem:s22], [sflag:$0x4], $0x40, s24, s19, $0xb8;
	[tilespmem:$0x1D400] =	vst v63  }
0x6e: {  	_ =	swait.ge [sflag:s25], $0x2000  }
0x6f: {  	[sflag:s25] =	ssyncset.done $0x0  }
0x70: {  	s31 =	simm.s32 $0xFFFF6000;
	[sflag:s25] =	ssyncadd.s32 $0xFFFFE000  }
0x71: {  	[tilespmem:s20], [sflag:$0x1] =	stream.indirect.gather [spmem:s2], $0x40, s26, s19, $0xb8;
	[tilespmem:$0x1D400] =	vst v63  }
.LBB2_3:
0x72: {  	_ =	swait.ge [sflag:s21], $0x2000  }
0x73: {  	s0 =	sshra.s32 s31, $0x2;
	[sflag:s21] =	ssyncset.done $0x0  }
0x74: {  	s1 =	sadd.s32 $0x5300, s0;
	[sflag:s21] =	ssyncadd.s32 $0xFFFFE000  }
0x75: {  	[spmem:s3] =	stream.indirect.scatter.add.f32 [tilespmem:s20], [sflag:$0x3], $0x40, s1, s19, $0xb8;
	[tilespmem:$0x1D400] =	vst v63  }
0x76: {  	_ =	swait.ge [sflag:s28], $0x2000  }
0x77: {  	[sflag:s28] =	ssyncset.done $0x0  }
0x78: {  	s1 =	sadd.s32 $0x2980, s0;
	[sflag:s28] =	ssyncadd.s32 $0xFFFFE000  }
0x79: {  	[tilespmem:s22], [sflag:$0x2] =	stream.indirect.gather [spmem:s2], $0x40, s1, s19, $0xb8;
	[tilespmem:$0x1D400] =	vst v63  }
0x7a: {  	_ =	swait.ge [sflag:s23], $0x2000  }
0x7b: {  	p1 =	seq.s32 s31, $0x0;
	[sflag:s23] =	ssyncset.done $0x0  }
.Ltmp5:
0x7c: {  	s1 =	sadd.s32 $0x5380, s0;
	[sflag:s23] =	ssyncadd.s32 $0xFFFFE000;
	(pc) =	sbr.rel @p1 .LBB2_8-.Ltmp5, $4  }
0x7d: {  	[spmem:s3] =	stream.indirect.scatter.add.f32 [tilespmem:s22], [sflag:$0x4], $0x40, s1, s19, $0xb8;
	[tilespmem:$0x1D400] =	vst v63  }
0x7e: {  	_ =	swait.ge [sflag:s25], $0x2000  }
0x7f: {  	[sflag:s25] =	ssyncset.done $0x0  }
0x80: {  	[sflag:s25] =	ssyncadd.s32 $0xFFFFE000  }
.Ltmp6:
0x81: {  	(pc) =	sbr.rel .LBB2_3-.Ltmp6, $3  }
0x82: {  	_ =	sdelay $0x1  }
0x83: {  	s0 =	sadd.s32 $0x2A00, s0;
	s31 =	sadd.s32 $0x400, s31  }
0x84: {  	[tilespmem:s20], [sflag:$0x1] =	stream.indirect.gather [spmem:s2], $0x40, s0, s19, $0xb8;
	[tilespmem:$0x1D400] =	vst v63  }
.LBB2_9:
0x85: {  	_ =	sfence.sel $0x180000  }
0x86: {  	[bflag:$0x0] =	sbarrier.arrive $0xFFFF  }
0x87: {  	_ =	strace $0x90000053  }
0x88: {  	s0 =	stileid.u32;
	[bflag:$0x2] =	sbarrier.arrive $0xFFFF  }
0x89: {  	p0 =	sne.s32 s0, $0x0;
	s0 =	rddreg [dreg:$0x3]  }
0x8a: {  	s0 =	sadd.s32 @!p0 $0x100000, s0  }
0x8b: {  	[sflag:s0] =	ssyncadd.tile.s32 @!p0 $0x1;
	_ =	shalt  }
.Lfunc_end2:
_tile_overlayer_lowered:
.L_overlay_start_2:
0x8c: {  	(tag) =	ssettag $0x2  }
0x8d: {  	s0 =	rddreg [dreg:$0x0];
	s2 =	stileid.u32  }
0x8e: {  	s1 =	rddreg [dreg:$0x1];
	p0 =	sne.s32 s2, $0x0  }
0x8f: {  	s3 =	rddreg [dreg:$0x2];
	[bflag:$0x3] =	sbarrier.arrive $0xFFFF;
	s2 =	simm.s32 @!p0 $0x1C06  }
0x90: {  	[timem:s3], [sflag:s2] =	dma.local @!p0 [hbm:s0], s1  }
0x91: {  	s0 =	simm.s32 @!p0 $0x6  }
0x92: {  	_ =	swait.ge @!p0 [sflag:s0], s1  }
0x93: {  	s1 =	ssub.s32 @!p0 $0x0, s1;
	[sflag:s0] =	ssyncset.done @!p0 $0x0  }
0x94: {  	[sflag:s0] =	ssyncadd.s32 @!p0 s1  }
0x95: {  	[bflag:$0x3] =	sbarrier.arrive $0xFFFF  }
0x96: {  	_ =	shalt  }

</sc_bundles>
